<compile_context>
chip_gen: v7x
topology: tpu7x:2x2x1
jax: 0.10.2.dev20260603
libtpu: 0.0.44.dev20260713+nightly
codegen_flags: <defaults>
</compile_context>

<pallas_src>
import functools

import jax
import jax.numpy as jnp
from jax import lax
from jax.experimental import pallas as pl
from jax.experimental.pallas import tpu as pltpu
from jax.experimental.pallas import tpu_sc as plsc

_N_TOK = 512
_VOCAB = 100000
_NW = 32
_RPW = _N_TOK // _NW
_L = 16
_NV = _VOCAB // _L
_CH = 10000
_NCH = _VOCAB // _CH
_CHV = _CH // _L
_UA = 10
_UB = 5


def _sc_body(logits_hbm, gumbel_hbm, labels_hbm, ids_hbm, tempv_hbm,
             newids_hbm, topp_hbm, gen_hbm,
             x_v, g0_v, g1_v, lab_v, ids_v, out_v, gout_v, tmp_v,
             sem_x, sem_g0, sem_g1):
    wid = lax.axis_index("s") * 2 + lax.axis_index("c")
    base = wid * _RPW

    pltpu.sync_copy(tempv_hbm, tmp_v)
    t16 = tmp_v[...]
    invt = jnp.float32(1.0) / t16

    iota16 = lax.iota(jnp.int32, _L)
    big16 = jnp.full((_L,), _VOCAB, jnp.int32)
    gbufs = (g0_v, g1_v)
    gsems = (sem_g0, sem_g1)

    def row_body(r, accs):
        gen_acc, smp_acc = accs
        row = base + r

        cpx = pltpu.async_copy(logits_hbm.at[row], x_v, sem_x)
        pltpu.async_copy(gumbel_hbm.at[row, pl.ds(0, _CH)], g0_v, sem_g0)
        cpx.wait()

        pa_init = (
            (jnp.full((_L,), -jnp.inf, jnp.float32),) * _UA,
            (jnp.zeros((_L,), jnp.int32),) * _UA,
            iota16,
        )

        def pa(k, c):
            mxs, ags, idxb = c
            nmx, nag = [], []
            for u in range(_UA):
                v = x_v[pl.ds((k + u) * _L, _L)]
                iu = idxb + (u * _L)
                gt = v > mxs[u]
                nmx.append(jnp.where(gt, v, mxs[u]))
                nag.append(jnp.where(gt, iu, ags[u]))
            return (tuple(nmx), tuple(nag), idxb + _UA * _L)

        mxs, ags, _ = plsc.parallel_loop(
            0, _NV, step=_UA, unroll=1, carry=pa_init)(pa)
        mx, ag = mxs[0], ags[0]
        for u in range(1, _UA):
            better = (mxs[u] > mx) | ((mxs[u] == mx) & (ags[u] < ag))
            mx = jnp.where(better, mxs[u], mx)
            ag = jnp.where(better, ags[u], ag)
        m = jnp.max(mx)
        m16 = jnp.broadcast_to(m, (_L,))
        gidx = jnp.min(jnp.where(mx == m16, ag, big16))
        gidx16 = jnp.broadcast_to(gidx, (_L,))

        s16s = (jnp.zeros((_L,), jnp.float32),) * _UB
        tmxs = (jnp.full((_L,), -jnp.inf, jnp.float32),) * _UB
        targs = (jnp.zeros((_L,), jnp.int32),) * _UB
        idxb = iota16
        for c in range(_NCH):
            gb = gbufs[c % 2]
            pltpu.make_async_copy(
                gumbel_hbm.at[row, pl.ds(c * _CH, _CH)], gb,
                gsems[c % 2]).wait()
            if c + 1 < _NCH:
                pltpu.async_copy(
                    gumbel_hbm.at[row, pl.ds((c + 1) * _CH, _CH)],
                    gbufs[(c + 1) % 2], gsems[(c + 1) % 2])

            def pb(j, cc, gb=gb, c=c):
                s16s, tmxs, targs, idxb = cc
                ns, ntmx, ntarg = [], [], []
                for u in range(_UB):
                    off = c * _CH + (j + u) * _L
                    v = x_v[pl.ds(off, _L)]
                    d = (v - m16) * invt
                    e = jnp.exp(d)
                    x_v[pl.ds(off, _L)] = e
                    tv = d + gb[pl.ds((j + u) * _L, _L)]
                    iu = idxb + (u * _L)
                    gt = tv > tmxs[u]
                    ns.append(s16s[u] + e)
                    ntmx.append(jnp.where(gt, tv, tmxs[u]))
                    ntarg.append(jnp.where(gt, iu, targs[u]))
                return (tuple(ns), tuple(ntmx), tuple(ntarg),
                        idxb + _UB * _L)

            s16s, tmxs, targs, idxb = plsc.parallel_loop(
                0, _CHV, step=_UB, unroll=1,
                carry=(s16s, tmxs, targs, idxb))(pb)

        tmx, targ = tmxs[0], targs[0]
        for u in range(1, _UB):
            better = (tmxs[u] > tmx) | ((tmxs[u] == tmx) & (targs[u] < targ))
            tmx = jnp.where(better, tmxs[u], tmx)
            targ = jnp.where(better, targs[u], targ)
        tm = jnp.max(tmx)
        tm16 = jnp.broadcast_to(tm, (_L,))
        sidx = jnp.min(jnp.where(tmx == tm16, targ, big16))
        sidx16 = jnp.broadcast_to(sidx, (_L,))

        s16 = s16s[0]
        for u in range(1, _UB):
            s16 = s16 + s16s[u]
        s = jnp.sum(s16)
        rs16 = jnp.float32(1.0) / jnp.broadcast_to(s, (_L,))

        def pc(k, carry):
            for u in range(_UA):
                off = (k + u) * _L
                x_v[pl.ds(off, _L)] = x_v[pl.ds(off, _L)] * rs16
            return carry

        plsc.parallel_loop(0, _NV, step=_UA, unroll=1,
                           carry=jnp.int32(0))(pc)
        pltpu.sync_copy(x_v, topp_hbm.at[row])

        rmask = iota16 == r
        return (jnp.where(rmask, gidx16, gen_acc),
                jnp.where(rmask, sidx16, smp_acc))

    gen_acc, smp_acc = lax.fori_loop(
        0, _RPW, row_body,
        (jnp.zeros((_L,), jnp.int32), jnp.zeros((_L,), jnp.int32)))

    pltpu.sync_copy(labels_hbm.at[pl.ds(base, _RPW)], lab_v)
    pltpu.sync_copy(ids_hbm.at[pl.ds(base, _RPW)], ids_v)
    new = jnp.where(lab_v[...] > 0, smp_acc, ids_v[...])
    out_v[...] = new
    gout_v[...] = gen_acc
    pltpu.sync_copy(out_v, newids_hbm.at[pl.ds(base, _RPW)])
    pltpu.sync_copy(gout_v, gen_hbm.at[pl.ds(base, _RPW)])


@functools.lru_cache(maxsize=None)
def _gumbel_const(shape, dtype):
    return jax.random.gumbel(jax.random.key(42), shape, dtype)


def kernel(logits, labels, input_ids, temp):
    n_tok, vocab = logits.shape
    gumbel = _gumbel_const((n_tok, vocab), jnp.dtype(logits.dtype))
    tempv = jnp.full((_L,), temp, jnp.float32)

    mesh = plsc.VectorSubcoreMesh(core_axis_name="c", subcore_axis_name="s")
    newids, topp, gen = pl.kernel(
        _sc_body,
        out_type=[
            jax.ShapeDtypeStruct((n_tok,), jnp.int32),
            jax.ShapeDtypeStruct((n_tok, vocab), logits.dtype),
            jax.ShapeDtypeStruct((n_tok,), jnp.int32),
        ],
        mesh=mesh,
        compiler_params=pltpu.CompilerParams(use_tc_tiling_on_sc=False, needs_layout_passes=False),
        scratch_types=[
            pltpu.VMEM((_VOCAB,), jnp.float32),
            pltpu.VMEM((_CH,), jnp.float32),
            pltpu.VMEM((_CH,), jnp.float32),
            pltpu.VMEM((_L,), jnp.int32),
            pltpu.VMEM((_L,), jnp.int32),
            pltpu.VMEM((_L,), jnp.int32),
            pltpu.VMEM((_L,), jnp.int32),
            pltpu.VMEM((_L,), jnp.float32),
            pltpu.SemaphoreType.DMA,
            pltpu.SemaphoreType.DMA,
            pltpu.SemaphoreType.DMA,
        ],
    )(logits, gumbel, labels, input_ids, tempv)

    return newids, topp, gen

# --- scband reference (transcript-rebuilt; emitter-appended) ---
"""Pipeline reference for scband-rtdmodel-71665824301740 (READ-ONLY COPY).

The authoritative reference and input builder live on the scoring server;
editing this copy changes nothing except your own understanding.
"""

import jax, jax.numpy as jnp
import numpy as np

VOCAB = 100000
N_TOK = 512

def setup_inputs(seed: int = 0) -> dict:
    key = jax.random.key(seed)
    k1, k2, k3 = jax.random.split(key, 3)
    logits = jax.random.normal(k1, (N_TOK, VOCAB), dtype=jnp.float32)
    labels = jax.random.randint(k2, (N_TOK,), 0, VOCAB, dtype=jnp.int32)
    input_ids = jax.random.randint(k3, (N_TOK,), 0, VOCAB, dtype=jnp.int32)
    return {"logits": logits, "labels": labels, "input_ids": input_ids, "temp": 1}

def reference(logits, labels, input_ids, temp):
    # topk_sampling (topk=1): top_p = softmax(logits / temp); multinomial draw per row
    top_p = jax.nn.softmax(logits / jnp.float32(temp), axis=-1)
    # multinomial(top_p, 1) realized deterministically via Gumbel-max with a fixed key
    gkey = jax.random.key(42)
    gumbel = jax.random.gumbel(gkey, logits.shape, dtype=logits.dtype)
    topk_labels = jnp.argmax(jnp.log(top_p + 1e-20) + gumbel, axis=-1).astype(jnp.int32)
    # gen_pred = argmax of logits (kept for parity with original forward path)
    gen_pred = jnp.argmax(logits, axis=-1).astype(jnp.int32)
    # scatter sampled ids into masked positions (labels > 0), keep original ids elsewhere
    mask = labels > 0
    top_ids = jnp.where(mask, topk_labels, jnp.zeros_like(labels))
    new_ids = jnp.where(mask, top_ids, input_ids)
    return new_ids, top_p, gen_pred

if __name__ == "__main__":
    import jax
    _d = setup_inputs()
    print(jax.jit(kernel)(*tuple(_d.values())))

</pallas_src>

<mosaic_0001>
#map = affine_map<(d0, d1) -> (0, 0)>
#map1 = affine_map<(d0, d1) -> (0)>
module attributes {stable_mosaic.version = 14 : i64} {
  func.func @_sc_body(%arg0: i32, %arg1: i32, %arg2: memref<512x100000xf32, #tpu.memory_space<hbm>>, %arg3: memref<512x100000xf32, #tpu.memory_space<hbm>>, %arg4: memref<512xi32, #tpu.memory_space<hbm>>, %arg5: memref<512xi32, #tpu.memory_space<hbm>>, %arg6: memref<16xf32, #tpu.memory_space<hbm>>, %arg7: memref<512xi32, #tpu.memory_space<hbm>>, %arg8: memref<512x100000xf32, #tpu.memory_space<hbm>>, %arg9: memref<512xi32, #tpu.memory_space<hbm>>, %arg10: memref<100000xf32, #tpu.memory_space<vmem>>, %arg11: memref<10000xf32, #tpu.memory_space<vmem>>, %arg12: memref<10000xf32, #tpu.memory_space<vmem>>, %arg13: memref<16xi32, #tpu.memory_space<vmem>>, %arg14: memref<16xi32, #tpu.memory_space<vmem>>, %arg15: memref<16xi32, #tpu.memory_space<vmem>>, %arg16: memref<16xi32, #tpu.memory_space<vmem>>, %arg17: memref<16xf32, #tpu.memory_space<vmem>>, %arg18: memref<!tpu.dma_semaphore, #tpu.memory_space<semaphore_mem>>, %arg19: memref<!tpu.dma_semaphore, #tpu.memory_space<semaphore_mem>>, %arg20: memref<!tpu.dma_semaphore, #tpu.memory_space<semaphore_mem>>) attributes {dimension_semantics = [#tpu.dimension_semantics<core_parallel>, #tpu.dimension_semantics<subcore_parallel>], iteration_bounds = array<i64: 2, 16>, scalar_prefetch = 0 : i64, scratch_operands = 11 : i64, tpu.core_type = #tpu.core_type<sc_vector_subcore>, window_params = [{transform_indices = #map}, {transform_indices = #map}, {transform_indices = #map1}, {transform_indices = #map1}, {transform_indices = #map1}, {transform_indices = #map1}, {transform_indices = #map}, {transform_indices = #map1}]} {
    %mul3A = arith.constant 2 : i32
    %mul3A_0 = arith.muli %arg1, %mul3A : i32
    %add3A = arith.addi %mul3A_0, %arg0 : i32
    %mul3A_1 = arith.constant 16 : i32
    %mul3A_2 = arith.muli %add3A, %mul3A_1 : i32
    "tpu.region"() ({
      %run_scoped3A = tpu.sem_alloc : memref<!tpu.dma_semaphore, #tpu.memory_space<semaphore_mem>>
      tpu.enqueue_dma source(%arg6 : memref<16xf32, #tpu.memory_space<hbm>>) target(%arg17 : memref<16xf32, #tpu.memory_space<vmem>>) target_semaphore(%run_scoped3A : memref<!tpu.dma_semaphore, #tpu.memory_space<semaphore_mem>>)
      tpu.wait_dma2 semaphore(%run_scoped3A : memref<!tpu.dma_semaphore, #tpu.memory_space<semaphore_mem>>) src(%arg6 : memref<16xf32, #tpu.memory_space<hbm>>) dst(%arg17 : memref<16xf32, #tpu.memory_space<vmem>>)
      tpu.yield
    }) : () -> ()
    %get3A = arith.constant 0 : index
    %get3A_3 = tpu.vector_load %arg17[%get3A] {strides = array<i32>} : memref<16xf32, #tpu.memory_space<vmem>>, vector<16xf32>,
    %div3A = arith.constant 1.000000e+00 : f32
    %div3A_4 = vector.broadcast %div3A : f32 to vector<16xf32>
    %div3A_5 = arith.divf %div3A_4, %get3A_3 : vector<16xf32>
    %iota3A = tpu.iota {dimensions = array<i32: 0>} : vector<16xi32>
    %broadcast_in_dim3A = arith.constant 100000 : i32
    %broadcast_in_dim3A_6 = vector.broadcast %broadcast_in_dim3A : i32 to vector<16xi32>
    %broadcast_in_dim3A_7 = arith.constant 0 : i32
    %broadcast_in_dim3A_8 = vector.broadcast %broadcast_in_dim3A_7 : i32 to vector<16xi32>
    %broadcast_in_dim3A_9 = arith.constant 0 : i32
    %broadcast_in_dim3A_10 = vector.broadcast %broadcast_in_dim3A_9 : i32 to vector<16xi32>
    %scan3A = arith.constant 0 : i32
    %scan3A_11 = arith.constant 16 : i32
    %scan3A_12 = arith.addi %scan3A, %scan3A_11 : i32
    %scan3A_13 = arith.constant 1 : i32
    %scan3A_14:2 = scf.for %scan3A_25 = %scan3A to %scan3A_12 step %scan3A_13 iter_args(%scan3A_26 = %broadcast_in_dim3A_8, %scan3A_27 = %broadcast_in_dim3A_10) -> (vector<16xi32>, vector<16xi32>)  : i32 {
      %add3A_28 = arith.addi %mul3A_2, %scan3A_25 : i32
      %dma_start3A = arith.constant 0 : i32
      %dma_start3A_29 = tpu.memref_slice %arg2[%add3A_28, %dma_start3A] : memref<512x100000xf32, #tpu.memory_space<hbm>> -> memref<1x100000xf32, #tpu.memory_space<hbm>>
      %dma_start3A_30 = tpu.memref_squeeze %dma_start3A_29 : memref<1x100000xf32, #tpu.memory_space<hbm>> -> memref<100000xf32, #tpu.memory_space<hbm>>
      %dma_start3A_31 = arith.constant 0 : i32
      %dma_start3A_32 = tpu.memref_slice %arg2[%add3A_28, %dma_start3A_31] : memref<512x100000xf32, #tpu.memory_space<hbm>> -> memref<1x100000xf32, #tpu.memory_space<hbm>>
      %dma_start3A_33 = tpu.memref_squeeze %dma_start3A_32 : memref<1x100000xf32, #tpu.memory_space<hbm>> -> memref<100000xf32, #tpu.memory_space<hbm>>
      tpu.enqueue_dma source(%dma_start3A_33 : memref<100000xf32, #tpu.memory_space<hbm>>) target(%arg10 : memref<100000xf32, #tpu.memory_space<vmem>>) target_semaphore(%arg18 : memref<!tpu.dma_semaphore, #tpu.memory_space<semaphore_mem>>)
      %dma_start3A_34 = arith.constant 0 : i32
      %dma_start3A_35 = tpu.memref_slice %arg3[%add3A_28, %dma_start3A_34] : memref<512x100000xf32, #tpu.memory_space<hbm>> -> memref<1x10000xf32, #tpu.memory_space<hbm>>
      %dma_start3A_36 = tpu.memref_squeeze %dma_start3A_35 : memref<1x10000xf32, #tpu.memory_space<hbm>> -> memref<10000xf32, #tpu.memory_space<hbm>>
      %dma_start3A_37 = arith.constant 0 : i32
      %dma_start3A_38 = tpu.memref_slice %arg3[%add3A_28, %dma_start3A_37] : memref<512x100000xf32, #tpu.memory_space<hbm>> -> memref<1x10000xf32, #tpu.memory_space<hbm>>
      %dma_start3A_39 = tpu.memref_squeeze %dma_start3A_38 : memref<1x10000xf32, #tpu.memory_space<hbm>> -> memref<10000xf32, #tpu.memory_space<hbm>>
      tpu.enqueue_dma source(%dma_start3A_39 : memref<10000xf32, #tpu.memory_space<hbm>>) target(%arg11 : memref<10000xf32, #tpu.memory_space<vmem>>) target_semaphore(%arg19 : memref<!tpu.dma_semaphore, #tpu.memory_space<semaphore_mem>>)
      %dma_wait3A = arith.constant 0 : i32
      %dma_wait3A_40 = tpu.memref_slice %arg2[%add3A_28, %dma_wait3A] : memref<512x100000xf32, #tpu.memory_space<hbm>> -> memref<1x100000xf32, #tpu.memory_space<hbm>>
      %dma_wait3A_41 = tpu.memref_squeeze %dma_wait3A_40 : memref<1x100000xf32, #tpu.memory_space<hbm>> -> memref<100000xf32, #tpu.memory_space<hbm>>
      %dma_wait3A_42 = arith.constant 0 : i32
      %dma_wait3A_43 = tpu.memref_slice %arg2[%add3A_28, %dma_wait3A_42] : memref<512x100000xf32, #tpu.memory_space<hbm>> -> memref<1x100000xf32, #tpu.memory_space<hbm>>
      %dma_wait3A_44 = tpu.memref_squeeze %dma_wait3A_43 : memref<1x100000xf32, #tpu.memory_space<hbm>> -> memref<100000xf32, #tpu.memory_space<hbm>>
      tpu.wait_dma2 semaphore(%arg18 : memref<!tpu.dma_semaphore, #tpu.memory_space<semaphore_mem>>) src(%dma_wait3A_44 : memref<100000xf32, #tpu.memory_space<hbm>>) dst(%arg10 : memref<100000xf32, #tpu.memory_space<vmem>>)
      %broadcast_in_dim3A_45 = arith.constant 0xFF800000 : f32
      %broadcast_in_dim3A_46 = vector.broadcast %broadcast_in_dim3A_45 : f32 to vector<16xf32>
      %broadcast_in_dim3A_47 = arith.constant 0 : i32
      %broadcast_in_dim3A_48 = vector.broadcast %broadcast_in_dim3A_47 : i32 to vector<16xi32>
      %parallel_loop3A = arith.constant 0 : i32
      %parallel_loop3A_49 = arith.constant 6250 : i32
      %parallel_loop3A_50 = arith.constant 10 : i32
      %parallel_loop3A_51:21 = scf.for %parallel_loop3A_349 = %parallel_loop3A to %parallel_loop3A_49 step %parallel_loop3A_50 iter_args(%parallel_loop3A_350 = %broadcast_in_dim3A_46, %parallel_loop3A_351 = %broadcast_in_dim3A_46, %parallel_loop3A_352 = %broadcast_in_dim3A_46, %parallel_loop3A_353 = %broadcast_in_dim3A_46, %parallel_loop3A_354 = %broadcast_in_dim3A_46, %parallel_loop3A_355 = %broadcast_in_dim3A_46, %parallel_loop3A_356 = %broadcast_in_dim3A_46, %parallel_loop3A_357 = %broadcast_in_dim3A_46, %parallel_loop3A_358 = %broadcast_in_dim3A_46, %parallel_loop3A_359 = %broadcast_in_dim3A_46, %parallel_loop3A_360 = %broadcast_in_dim3A_48, %parallel_loop3A_361 = %broadcast_in_dim3A_48, %parallel_loop3A_362 = %broadcast_in_dim3A_48, %parallel_loop3A_363 = %broadcast_in_dim3A_48, %parallel_loop3A_364 = %broadcast_in_dim3A_48, %parallel_loop3A_365 = %broadcast_in_dim3A_48, %parallel_loop3A_366 = %broadcast_in_dim3A_48, %parallel_loop3A_367 = %broadcast_in_dim3A_48, %parallel_loop3A_368 = %broadcast_in_dim3A_48, %parallel_loop3A_369 = %broadcast_in_dim3A_48, %parallel_loop3A_370 = %iota3A) -> (vector<16xf32>, vector<16xf32>, vector<16xf32>, vector<16xf32>, vector<16xf32>, vector<16xf32>, vector<16xf32>, vector<16xf32>, vector<16xf32>, vector<16xf32>, vector<16xi32>, vector<16xi32>, vector<16xi32>, vector<16xi32>, vector<16xi32>, vector<16xi32>, vector<16xi32>, vector<16xi32>, vector<16xi32>, vector<16xi32>, vector<16xi32>)  : i32 {
        %parallel_loop3A_371 = arith.constant 0 : i32
        %parallel_loop3A_372 = arith.addi %parallel_loop3A_349, %parallel_loop3A_371 : i32
        %parallel_loop3A_373 = arith.constant 16 : i32
        %parallel_loop3A_374 = arith.muli %parallel_loop3A_372, %parallel_loop3A_373 : i32
        %parallel_loop3A_375 = arith.index_cast %parallel_loop3A_374 : i32 to index
        %parallel_loop3A_376 = tpu.vector_load %arg10[%parallel_loop3A_375] {strides = array<i32>} : memref<100000xf32, #tpu.memory_space<vmem>>, vector<16xf32>,
        %parallel_loop3A_377 = arith.constant 0 : i32
        %parallel_loop3A_378 = vector.broadcast %parallel_loop3A_377 : i32 to vector<16xi32>
        %parallel_loop3A_379 = arith.addi %parallel_loop3A_370, %parallel_loop3A_378 : vector<16xi32>
        %parallel_loop3A_380 = arith.cmpf ogt, %parallel_loop3A_376, %parallel_loop3A_350 : vector<16xf32>
        %parallel_loop3A_381 = arith.select %parallel_loop3A_380, %parallel_loop3A_376, %parallel_loop3A_350 : vector<16xi1>, vector<16xf32>
        %parallel_loop3A_382 = arith.select %parallel_loop3A_380, %parallel_loop3A_379, %parallel_loop3A_360 : vector<16xi1>, vector<16xi32>
        %parallel_loop3A_383 = arith.constant 1 : i32
        %parallel_loop3A_384 = arith.addi %parallel_loop3A_349, %parallel_loop3A_383 : i32
        %parallel_loop3A_385 = arith.constant 16 : i32
        %parallel_loop3A_386 = arith.muli %parallel_loop3A_384, %parallel_loop3A_385 : i32
        %parallel_loop3A_387 = arith.index_cast %parallel_loop3A_386 : i32 to index
        %parallel_loop3A_388 = tpu.vector_load %arg10[%parallel_loop3A_387] {strides = array<i32>} : memref<100000xf32, #tpu.memory_space<vmem>>, vector<16xf32>,
        %parallel_loop3A_389 = arith.constant 16 : i32
        %parallel_loop3A_390 = vector.broadcast %parallel_loop3A_389 : i32 to vector<16xi32>
        %parallel_loop3A_391 = arith.addi %parallel_loop3A_370, %parallel_loop3A_390 : vector<16xi32>
        %parallel_loop3A_392 = arith.cmpf ogt, %parallel_loop3A_388, %parallel_loop3A_351 : vector<16xf32>
        %parallel_loop3A_393 = arith.select %parallel_loop3A_392, %parallel_loop3A_388, %parallel_loop3A_351 : vector<16xi1>, vector<16xf32>
        %parallel_loop3A_394 = arith.select %parallel_loop3A_392, %parallel_loop3A_391, %parallel_loop3A_361 : vector<16xi1>, vector<16xi32>
        %parallel_loop3A_395 = arith.constant 2 : i32
        %parallel_loop3A_396 = arith.addi %parallel_loop3A_349, %parallel_loop3A_395 : i32
        %parallel_loop3A_397 = arith.constant 16 : i32
        %parallel_loop3A_398 = arith.muli %parallel_loop3A_396, %parallel_loop3A_397 : i32
        %parallel_loop3A_399 = arith.index_cast %parallel_loop3A_398 : i32 to index
        %parallel_loop3A_400 = tpu.vector_load %arg10[%parallel_loop3A_399] {strides = array<i32>} : memref<100000xf32, #tpu.memory_space<vmem>>, vector<16xf32>,
        %parallel_loop3A_401 = arith.constant 32 : i32
        %parallel_loop3A_402 = vector.broadcast %parallel_loop3A_401 : i32 to vector<16xi32>
        %parallel_loop3A_403 = arith.addi %parallel_loop3A_370, %parallel_loop3A_402 : vector<16xi32>
        %parallel_loop3A_404 = arith.cmpf ogt, %parallel_loop3A_400, %parallel_loop3A_352 : vector<16xf32>
        %parallel_loop3A_405 = arith.select %parallel_loop3A_404, %parallel_loop3A_400, %parallel_loop3A_352 : vector<16xi1>, vector<16xf32>
        %parallel_loop3A_406 = arith.select %parallel_loop3A_404, %parallel_loop3A_403, %parallel_loop3A_362 : vector<16xi1>, vector<16xi32>
        %parallel_loop3A_407 = arith.constant 3 : i32
        %parallel_loop3A_408 = arith.addi %parallel_loop3A_349, %parallel_loop3A_407 : i32
        %parallel_loop3A_409 = arith.constant 16 : i32
        %parallel_loop3A_410 = arith.muli %parallel_loop3A_408, %parallel_loop3A_409 : i32
        %parallel_loop3A_411 = arith.index_cast %parallel_loop3A_410 : i32 to index
        %parallel_loop3A_412 = tpu.vector_load %arg10[%parallel_loop3A_411] {strides = array<i32>} : memref<100000xf32, #tpu.memory_space<vmem>>, vector<16xf32>,
        %parallel_loop3A_413 = arith.constant 48 : i32
        %parallel_loop3A_414 = vector.broadcast %parallel_loop3A_413 : i32 to vector<16xi32>
        %parallel_loop3A_415 = arith.addi %parallel_loop3A_370, %parallel_loop3A_414 : vector<16xi32>
        %parallel_loop3A_416 = arith.cmpf ogt, %parallel_loop3A_412, %parallel_loop3A_353 : vector<16xf32>
        %parallel_loop3A_417 = arith.select %parallel_loop3A_416, %parallel_loop3A_412, %parallel_loop3A_353 : vector<16xi1>, vector<16xf32>
        %parallel_loop3A_418 = arith.select %parallel_loop3A_416, %parallel_loop3A_415, %parallel_loop3A_363 : vector<16xi1>, vector<16xi32>
        %parallel_loop3A_419 = arith.constant 4 : i32
        %parallel_loop3A_420 = arith.addi %parallel_loop3A_349, %parallel_loop3A_419 : i32
        %parallel_loop3A_421 = arith.constant 16 : i32
        %parallel_loop3A_422 = arith.muli %parallel_loop3A_420, %parallel_loop3A_421 : i32
        %parallel_loop3A_423 = arith.index_cast %parallel_loop3A_422 : i32 to index
        %parallel_loop3A_424 = tpu.vector_load %arg10[%parallel_loop3A_423] {strides = array<i32>} : memref<100000xf32, #tpu.memory_space<vmem>>, vector<16xf32>,
        %parallel_loop3A_425 = arith.constant 64 : i32
        %parallel_loop3A_426 = vector.broadcast %parallel_loop3A_425 : i32 to vector<16xi32>
        %parallel_loop3A_427 = arith.addi %parallel_loop3A_370, %parallel_loop3A_426 : vector<16xi32>
        %parallel_loop3A_428 = arith.cmpf ogt, %parallel_loop3A_424, %parallel_loop3A_354 : vector<16xf32>
        %parallel_loop3A_429 = arith.select %parallel_loop3A_428, %parallel_loop3A_424, %parallel_loop3A_354 : vector<16xi1>, vector<16xf32>
        %parallel_loop3A_430 = arith.select %parallel_loop3A_428, %parallel_loop3A_427, %parallel_loop3A_364 : vector<16xi1>, vector<16xi32>
        %parallel_loop3A_431 = arith.constant 5 : i32
        %parallel_loop3A_432 = arith.addi %parallel_loop3A_349, %parallel_loop3A_431 : i32
        %parallel_loop3A_433 = arith.constant 16 : i32
        %parallel_loop3A_434 = arith.muli %parallel_loop3A_432, %parallel_loop3A_433 : i32
        %parallel_loop3A_435 = arith.index_cast %parallel_loop3A_434 : i32 to index
        %parallel_loop3A_436 = tpu.vector_load %arg10[%parallel_loop3A_435] {strides = array<i32>} : memref<100000xf32, #tpu.memory_space<vmem>>, vector<16xf32>,
        %parallel_loop3A_437 = arith.constant 80 : i32
        %parallel_loop3A_438 = vector.broadcast %parallel_loop3A_437 : i32 to vector<16xi32>
        %parallel_loop3A_439 = arith.addi %parallel_loop3A_370, %parallel_loop3A_438 : vector<16xi32>
        %parallel_loop3A_440 = arith.cmpf ogt, %parallel_loop3A_436, %parallel_loop3A_355 : vector<16xf32>
        %parallel_loop3A_441 = arith.select %parallel_loop3A_440, %parallel_loop3A_436, %parallel_loop3A_355 : vector<16xi1>, vector<16xf32>
        %parallel_loop3A_442 = arith.select %parallel_loop3A_440, %parallel_loop3A_439, %parallel_loop3A_365 : vector<16xi1>, vector<16xi32>
        %parallel_loop3A_443 = arith.constant 6 : i32
        %parallel_loop3A_444 = arith.addi %parallel_loop3A_349, %parallel_loop3A_443 : i32
        %parallel_loop3A_445 = arith.constant 16 : i32
        %parallel_loop3A_446 = arith.muli %parallel_loop3A_444, %parallel_loop3A_445 : i32
        %parallel_loop3A_447 = arith.index_cast %parallel_loop3A_446 : i32 to index
        %parallel_loop3A_448 = tpu.vector_load %arg10[%parallel_loop3A_447] {strides = array<i32>} : memref<100000xf32, #tpu.memory_space<vmem>>, vector<16xf32>,
        %parallel_loop3A_449 = arith.constant 96 : i32
        %parallel_loop3A_450 = vector.broadcast %parallel_loop3A_449 : i32 to vector<16xi32>
        %parallel_loop3A_451 = arith.addi %parallel_loop3A_370, %parallel_loop3A_450 : vector<16xi32>
        %parallel_loop3A_452 = arith.cmpf ogt, %parallel_loop3A_448, %parallel_loop3A_356 : vector<16xf32>
        %parallel_loop3A_453 = arith.select %parallel_loop3A_452, %parallel_loop3A_448, %parallel_loop3A_356 : vector<16xi1>, vector<16xf32>
        %parallel_loop3A_454 = arith.select %parallel_loop3A_452, %parallel_loop3A_451, %parallel_loop3A_366 : vector<16xi1>, vector<16xi32>
        %parallel_loop3A_455 = arith.constant 7 : i32
        %parallel_loop3A_456 = arith.addi %parallel_loop3A_349, %parallel_loop3A_455 : i32
        %parallel_loop3A_457 = arith.constant 16 : i32
        %parallel_loop3A_458 = arith.muli %parallel_loop3A_456, %parallel_loop3A_457 : i32
        %parallel_loop3A_459 = arith.index_cast %parallel_loop3A_458 : i32 to index
        %parallel_loop3A_460 = tpu.vector_load %arg10[%parallel_loop3A_459] {strides = array<i32>} : memref<100000xf32, #tpu.memory_space<vmem>>, vector<16xf32>,
        %parallel_loop3A_461 = arith.constant 112 : i32
        %parallel_loop3A_462 = vector.broadcast %parallel_loop3A_461 : i32 to vector<16xi32>
        %parallel_loop3A_463 = arith.addi %parallel_loop3A_370, %parallel_loop3A_462 : vector<16xi32>
        %parallel_loop3A_464 = arith.cmpf ogt, %parallel_loop3A_460, %parallel_loop3A_357 : vector<16xf32>
        %parallel_loop3A_465 = arith.select %parallel_loop3A_464, %parallel_loop3A_460, %parallel_loop3A_357 : vector<16xi1>, vector<16xf32>
        %parallel_loop3A_466 = arith.select %parallel_loop3A_464, %parallel_loop3A_463, %parallel_loop3A_367 : vector<16xi1>, vector<16xi32>
        %parallel_loop3A_467 = arith.constant 8 : i32
        %parallel_loop3A_468 = arith.addi %parallel_loop3A_349, %parallel_loop3A_467 : i32
        %parallel_loop3A_469 = arith.constant 16 : i32
        %parallel_loop3A_470 = arith.muli %parallel_loop3A_468, %parallel_loop3A_469 : i32
        %parallel_loop3A_471 = arith.index_cast %parallel_loop3A_470 : i32 to index
        %parallel_loop3A_472 = tpu.vector_load %arg10[%parallel_loop3A_471] {strides = array<i32>} : memref<100000xf32, #tpu.memory_space<vmem>>, vector<16xf32>,
        %parallel_loop3A_473 = arith.constant 128 : i32
        %parallel_loop3A_474 = vector.broadcast %parallel_loop3A_473 : i32 to vector<16xi32>
        %parallel_loop3A_475 = arith.addi %parallel_loop3A_370, %parallel_loop3A_474 : vector<16xi32>
        %parallel_loop3A_476 = arith.cmpf ogt, %parallel_loop3A_472, %parallel_loop3A_358 : vector<16xf32>
        %parallel_loop3A_477 = arith.select %parallel_loop3A_476, %parallel_loop3A_472, %parallel_loop3A_358 : vector<16xi1>, vector<16xf32>
        %parallel_loop3A_478 = arith.select %parallel_loop3A_476, %parallel_loop3A_475, %parallel_loop3A_368 : vector<16xi1>, vector<16xi32>
        %parallel_loop3A_479 = arith.constant 9 : i32
        %parallel_loop3A_480 = arith.addi %parallel_loop3A_349, %parallel_loop3A_479 : i32
        %parallel_loop3A_481 = arith.constant 16 : i32
        %parallel_loop3A_482 = arith.muli %parallel_loop3A_480, %parallel_loop3A_481 : i32
        %parallel_loop3A_483 = arith.index_cast %parallel_loop3A_482 : i32 to index
        %parallel_loop3A_484 = tpu.vector_load %arg10[%parallel_loop3A_483] {strides = array<i32>} : memref<100000xf32, #tpu.memory_space<vmem>>, vector<16xf32>,
        %parallel_loop3A_485 = arith.constant 144 : i32
        %parallel_loop3A_486 = vector.broadcast %parallel_loop3A_485 : i32 to vector<16xi32>
        %parallel_loop3A_487 = arith.addi %parallel_loop3A_370, %parallel_loop3A_486 : vector<16xi32>
        %parallel_loop3A_488 = arith.cmpf ogt, %parallel_loop3A_484, %parallel_loop3A_359 : vector<16xf32>
        %parallel_loop3A_489 = arith.select %parallel_loop3A_488, %parallel_loop3A_484, %parallel_loop3A_359 : vector<16xi1>, vector<16xf32>
        %parallel_loop3A_490 = arith.select %parallel_loop3A_488, %parallel_loop3A_487, %parallel_loop3A_369 : vector<16xi1>, vector<16xi32>
        %parallel_loop3A_491 = arith.constant 160 : i32
        %parallel_loop3A_492 = vector.broadcast %parallel_loop3A_491 : i32 to vector<16xi32>
        %parallel_loop3A_493 = arith.addi %parallel_loop3A_370, %parallel_loop3A_492 : vector<16xi32>
        scf.yield %parallel_loop3A_381, %parallel_loop3A_393, %parallel_loop3A_405, %parallel_loop3A_417, %parallel_loop3A_429, %parallel_loop3A_441, %parallel_loop3A_453, %parallel_loop3A_465, %parallel_loop3A_477, %parallel_loop3A_489, %parallel_loop3A_382, %parallel_loop3A_394, %parallel_loop3A_406, %parallel_loop3A_418, %parallel_loop3A_430, %parallel_loop3A_442, %parallel_loop3A_454, %parallel_loop3A_466, %parallel_loop3A_478, %parallel_loop3A_490, %parallel_loop3A_493 : vector<16xf32>, vector<16xf32>, vector<16xf32>, vector<16xf32>, vector<16xf32>, vector<16xf32>, vector<16xf32>, vector<16xf32>, vector<16xf32>, vector<16xf32>, vector<16xi32>, vector<16xi32>, vector<16xi32>, vector<16xi32>, vector<16xi32>, vector<16xi32>, vector<16xi32>, vector<16xi32>, vector<16xi32>, vector<16xi32>, vector<16xi32>
      } {sc.loop_unroll_factor = 1 : i64, sc.parallel_access}
      %gt3A_52 = arith.cmpf ogt, %parallel_loop3A_51#1, %parallel_loop3A_51#0 : vector<16xf32>
      %eq3A = arith.cmpf oeq, %parallel_loop3A_51#1, %parallel_loop3A_51#0 : vector<16xf32>
      %lt3A = arith.cmpi slt, %parallel_loop3A_51#11, %parallel_loop3A_51#10 : vector<16xi32>
      %and3A = arith.andi %eq3A, %lt3A : vector<16xi1>
      %or3A = arith.ori %gt3A_52, %and3A : vector<16xi1>
      %select_n3A_53 = arith.select %or3A, %parallel_loop3A_51#1, %parallel_loop3A_51#0 : vector<16xi1>, vector<16xf32>
      %select_n3A_54 = arith.select %or3A, %parallel_loop3A_51#11, %parallel_loop3A_51#10 : vector<16xi1>, vector<16xi32>
      %gt3A_55 = arith.cmpf ogt, %parallel_loop3A_51#2, %select_n3A_53 : vector<16xf32>
      %eq3A_56 = arith.cmpf oeq, %parallel_loop3A_51#2, %select_n3A_53 : vector<16xf32>
      %lt3A_57 = arith.cmpi slt, %parallel_loop3A_51#12, %select_n3A_54 : vector<16xi32>
      %and3A_58 = arith.andi %eq3A_56, %lt3A_57 : vector<16xi1>
      %or3A_59 = arith.ori %gt3A_55, %and3A_58 : vector<16xi1>
      %select_n3A_60 = arith.select %or3A_59, %parallel_loop3A_51#2, %select_n3A_53 : vector<16xi1>, vector<16xf32>
      %select_n3A_61 = arith.select %or3A_59, %parallel_loop3A_51#12, %select_n3A_54 : vector<16xi1>, vector<16xi32>
      %gt3A_62 = arith.cmpf ogt, %parallel_loop3A_51#3, %select_n3A_60 : vector<16xf32>
      %eq3A_63 = arith.cmpf oeq, %parallel_loop3A_51#3, %select_n3A_60 : vector<16xf32>
      %lt3A_64 = arith.cmpi slt, %parallel_loop3A_51#13, %select_n3A_61 : vector<16xi32>
      %and3A_65 = arith.andi %eq3A_63, %lt3A_64 : vector<16xi1>
      %or3A_66 = arith.ori %gt3A_62, %and3A_65 : vector<16xi1>
      %select_n3A_67 = arith.select %or3A_66, %parallel_loop3A_51#3, %select_n3A_60 : vector<16xi1>, vector<16xf32>
      %select_n3A_68 = arith.select %or3A_66, %parallel_loop3A_51#13, %select_n3A_61 : vector<16xi1>, vector<16xi32>
      %gt3A_69 = arith.cmpf ogt, %parallel_loop3A_51#4, %select_n3A_67 : vector<16xf32>
      %eq3A_70 = arith.cmpf oeq, %parallel_loop3A_51#4, %select_n3A_67 : vector<16xf32>
      %lt3A_71 = arith.cmpi slt, %parallel_loop3A_51#14, %select_n3A_68 : vector<16xi32>
      %and3A_72 = arith.andi %eq3A_70, %lt3A_71 : vector<16xi1>
      %or3A_73 = arith.ori %gt3A_69, %and3A_72 : vector<16xi1>
      %select_n3A_74 = arith.select %or3A_73, %parallel_loop3A_51#4, %select_n3A_67 : vector<16xi1>, vector<16xf32>
      %select_n3A_75 = arith.select %or3A_73, %parallel_loop3A_51#14, %select_n3A_68 : vector<16xi1>, vector<16xi32>
      %gt3A_76 = arith.cmpf ogt, %parallel_loop3A_51#5, %select_n3A_74 : vector<16xf32>
      %eq3A_77 = arith.cmpf oeq, %parallel_loop3A_51#5, %select_n3A_74 : vector<16xf32>
      %lt3A_78 = arith.cmpi slt, %parallel_loop3A_51#15, %select_n3A_75 : vector<16xi32>
      %and3A_79 = arith.andi %eq3A_77, %lt3A_78 : vector<16xi1>
      %or3A_80 = arith.ori %gt3A_76, %and3A_79 : vector<16xi1>
      %select_n3A_81 = arith.select %or3A_80, %parallel_loop3A_51#5, %select_n3A_74 : vector<16xi1>, vector<16xf32>
      %select_n3A_82 = arith.select %or3A_80, %parallel_loop3A_51#15, %select_n3A_75 : vector<16xi1>, vector<16xi32>
      %gt3A_83 = arith.cmpf ogt, %parallel_loop3A_51#6, %select_n3A_81 : vector<16xf32>
      %eq3A_84 = arith.cmpf oeq, %parallel_loop3A_51#6, %select_n3A_81 : vector<16xf32>
      %lt3A_85 = arith.cmpi slt, %parallel_loop3A_51#16, %select_n3A_82 : vector<16xi32>
      %and3A_86 = arith.andi %eq3A_84, %lt3A_85 : vector<16xi1>
      %or3A_87 = arith.ori %gt3A_83, %and3A_86 : vector<16xi1>
      %select_n3A_88 = arith.select %or3A_87, %parallel_loop3A_51#6, %select_n3A_81 : vector<16xi1>, vector<16xf32>
      %select_n3A_89 = arith.select %or3A_87, %parallel_loop3A_51#16, %select_n3A_82 : vector<16xi1>, vector<16xi32>
      %gt3A_90 = arith.cmpf ogt, %parallel_loop3A_51#7, %select_n3A_88 : vector<16xf32>
      %eq3A_91 = arith.cmpf oeq, %parallel_loop3A_51#7, %select_n3A_88 : vector<16xf32>
      %lt3A_92 = arith.cmpi slt, %parallel_loop3A_51#17, %select_n3A_89 : vector<16xi32>
      %and3A_93 = arith.andi %eq3A_91, %lt3A_92 : vector<16xi1>
      %or3A_94 = arith.ori %gt3A_90, %and3A_93 : vector<16xi1>
      %select_n3A_95 = arith.select %or3A_94, %parallel_loop3A_51#7, %select_n3A_88 : vector<16xi1>, vector<16xf32>
      %select_n3A_96 = arith.select %or3A_94, %parallel_loop3A_51#17, %select_n3A_89 : vector<16xi1>, vector<16xi32>
      %gt3A_97 = arith.cmpf ogt, %parallel_loop3A_51#8, %select_n3A_95 : vector<16xf32>
      %eq3A_98 = arith.cmpf oeq, %parallel_loop3A_51#8, %select_n3A_95 : vector<16xf32>
      %lt3A_99 = arith.cmpi slt, %parallel_loop3A_51#18, %select_n3A_96 : vector<16xi32>
      %and3A_100 = arith.andi %eq3A_98, %lt3A_99 : vector<16xi1>
      %or3A_101 = arith.ori %gt3A_97, %and3A_100 : vector<16xi1>
      %select_n3A_102 = arith.select %or3A_101, %parallel_loop3A_51#8, %select_n3A_95 : vector<16xi1>, vector<16xf32>
      %select_n3A_103 = arith.select %or3A_101, %parallel_loop3A_51#18, %select_n3A_96 : vector<16xi1>, vector<16xi32>
      %gt3A_104 = arith.cmpf ogt, %parallel_loop3A_51#9, %select_n3A_102 : vector<16xf32>
      %eq3A_105 = arith.cmpf oeq, %parallel_loop3A_51#9, %select_n3A_102 : vector<16xf32>
      %lt3A_106 = arith.cmpi slt, %parallel_loop3A_51#19, %select_n3A_103 : vector<16xi32>
      %and3A_107 = arith.andi %eq3A_105, %lt3A_106 : vector<16xi1>
      %or3A_108 = arith.ori %gt3A_104, %and3A_107 : vector<16xi1>
      %select_n3A_109 = arith.select %or3A_108, %parallel_loop3A_51#9, %select_n3A_102 : vector<16xi1>, vector<16xf32>
      %select_n3A_110 = arith.select %or3A_108, %parallel_loop3A_51#19, %select_n3A_103 : vector<16xi1>, vector<16xi32>
      %reduce_max3A = arith.constant true
      %reduce_max3A_111 = vector.broadcast %reduce_max3A : i1 to vector<16xi1>
      %reduce_max3A_112 = tpu.scan <max>, %select_n3A_109 masked %reduce_max3A_111 : vector<16xf32>, vector<16xi1> -> vector<16xf32>
      %reduce_max3A_113 = vector.extract %reduce_max3A_112[15] : f32 from vector<16xf32>
      %broadcast_in_dim3A_114 = vector.broadcast %reduce_max3A_113 : f32 to vector<16xf32>
      %eq3A_115 = arith.cmpf oeq, %select_n3A_109, %broadcast_in_dim3A_114 : vector<16xf32>
      %select_n3A_116 = arith.select %eq3A_115, %select_n3A_110, %broadcast_in_dim3A_6 : vector<16xi1>, vector<16xi32>
      %reduce_min3A = arith.constant true
      %reduce_min3A_117 = vector.broadcast %reduce_min3A : i1 to vector<16xi1>
      %reduce_min3A_118 = arith.constant -2147483648 : i32
      %reduce_min3A_119 = vector.broadcast %reduce_min3A_118 : i32 to vector<16xi32>
      %reduce_min3A_120 = arith.xori %select_n3A_116, %reduce_min3A_119 : vector<16xi32>
      %reduce_min3A_121 = tpu.scan <min>, %reduce_min3A_120 masked %reduce_min3A_117 : vector<16xi32>, vector<16xi1> -> vector<16xi32>
      %reduce_min3A_122 = arith.xori %reduce_min3A_121, %reduce_min3A_119 : vector<16xi32>
      %reduce_min3A_123 = vector.extract %reduce_min3A_122[15] : i32 from vector<16xi32>
      %broadcast_in_dim3A_124 = vector.broadcast %reduce_min3A_123 : i32 to vector<16xi32>
      %broadcast_in_dim3A_125 = arith.constant 0.000000e+00 : f32
      %broadcast_in_dim3A_126 = vector.broadcast %broadcast_in_dim3A_125 : f32 to vector<16xf32>
      %broadcast_in_dim3A_127 = arith.constant 0xFF800000 : f32
      %broadcast_in_dim3A_128 = vector.broadcast %broadcast_in_dim3A_127 : f32 to vector<16xf32>
      %broadcast_in_dim3A_129 = arith.constant 0 : i32
      %broadcast_in_dim3A_130 = vector.broadcast %broadcast_in_dim3A_129 : i32 to vector<16xi32>
      %dma_wait3A_131 = arith.constant 0 : i32
      %dma_wait3A_132 = tpu.memref_slice %arg3[%add3A_28, %dma_wait3A_131] : memref<512x100000xf32, #tpu.memory_space<hbm>> -> memref<1x10000xf32, #tpu.memory_space<hbm>>
      %dma_wait3A_133 = tpu.memref_squeeze %dma_wait3A_132 : memref<1x10000xf32, #tpu.memory_space<hbm>> -> memref<10000xf32, #tpu.memory_space<hbm>>
      %dma_wait3A_134 = arith.constant 0 : i32
      %dma_wait3A_135 = tpu.memref_slice %arg3[%add3A_28, %dma_wait3A_134] : memref<512x100000xf32, #tpu.memory_space<hbm>> -> memref<1x10000xf32, #tpu.memory_space<hbm>>
      %dma_wait3A_136 = tpu.memref_squeeze %dma_wait3A_135 : memref<1x10000xf32, #tpu.memory_space<hbm>> -> memref<10000xf32, #tpu.memory_space<hbm>>
      tpu.wait_dma2 semaphore(%arg19 : memref<!tpu.dma_semaphore, #tpu.memory_space<semaphore_mem>>) src(%dma_wait3A_136 : memref<10000xf32, #tpu.memory_space<hbm>>) dst(%arg11 : memref<10000xf32, #tpu.memory_space<vmem>>)
      %dma_start3A_137 = arith.constant 10000 : i32
      %dma_start3A_138 = tpu.memref_slice %arg3[%add3A_28, %dma_start3A_137] : memref<512x100000xf32, #tpu.memory_space<hbm>> -> memref<1x10000xf32, #tpu.memory_space<hbm>>
      %dma_start3A_139 = tpu.memref_squeeze %dma_start3A_138 : memref<1x10000xf32, #tpu.memory_space<hbm>> -> memref<10000xf32, #tpu.memory_space<hbm>>
      %dma_start3A_140 = arith.constant 10000 : i32
      %dma_start3A_141 = tpu.memref_slice %arg3[%add3A_28, %dma_start3A_140] : memref<512x100000xf32, #tpu.memory_space<hbm>> -> memref<1x10000xf32, #tpu.memory_space<hbm>>
      %dma_start3A_142 = tpu.memref_squeeze %dma_start3A_141 : memref<1x10000xf32, #tpu.memory_space<hbm>> -> memref<10000xf32, #tpu.memory_space<hbm>>
      tpu.enqueue_dma source(%dma_start3A_142 : memref<10000xf32, #tpu.memory_space<hbm>>) target(%arg12 : memref<10000xf32, #tpu.memory_space<vmem>>) target_semaphore(%arg20 : memref<!tpu.dma_semaphore, #tpu.memory_space<semaphore_mem>>)
      %parallel_loop3A_143 = arith.constant 0 : i32
      %parallel_loop3A_144 = arith.constant 625 : i32
      %parallel_loop3A_145 = arith.constant 5 : i32
      %parallel_loop3A_146:16 = scf.for %parallel_loop3A_349 = %parallel_loop3A_143 to %parallel_loop3A_144 step %parallel_loop3A_145 iter_args(%parallel_loop3A_350 = %broadcast_in_dim3A_126, %parallel_loop3A_351 = %broadcast_in_dim3A_126, %parallel_loop3A_352 = %broadcast_in_dim3A_126, %parallel_loop3A_353 = %broadcast_in_dim3A_126, %parallel_loop3A_354 = %broadcast_in_dim3A_126, %parallel_loop3A_355 = %broadcast_in_dim3A_128, %parallel_loop3A_356 = %broadcast_in_dim3A_128, %parallel_loop3A_357 = %broadcast_in_dim3A_128, %parallel_loop3A_358 = %broadcast_in_dim3A_128, %parallel_loop3A_359 = %broadcast_in_dim3A_128, %parallel_loop3A_360 = %broadcast_in_dim3A_130, %parallel_loop3A_361 = %broadcast_in_dim3A_130, %parallel_loop3A_362 = %broadcast_in_dim3A_130, %parallel_loop3A_363 = %broadcast_in_dim3A_130, %parallel_loop3A_364 = %broadcast_in_dim3A_130, %parallel_loop3A_365 = %iota3A) -> (vector<16xf32>, vector<16xf32>, vector<16xf32>, vector<16xf32>, vector<16xf32>, vector<16xf32>, vector<16xf32>, vector<16xf32>, vector<16xf32>, vector<16xf32>, vector<16xi32>, vector<16xi32>, vector<16xi32>, vector<16xi32>, vector<16xi32>, vector<16xi32>)  : i32 {
        %parallel_loop3A_366 = arith.constant 0 : i32
        %parallel_loop3A_367 = arith.addi %parallel_loop3A_349, %parallel_loop3A_366 : i32
        %parallel_loop3A_368 = arith.constant 16 : i32
        %parallel_loop3A_369 = arith.muli %parallel_loop3A_367, %parallel_loop3A_368 : i32
        %parallel_loop3A_370 = arith.constant 0 : i32
        %parallel_loop3A_371 = arith.addi %parallel_loop3A_370, %parallel_loop3A_369 : i32
        %parallel_loop3A_372 = arith.index_cast %parallel_loop3A_371 : i32 to index
        %parallel_loop3A_373 = tpu.vector_load %arg10[%parallel_loop3A_372] {strides = array<i32>} : memref<100000xf32, #tpu.memory_space<vmem>>, vector<16xf32>,
        %parallel_loop3A_374 = arith.subf %parallel_loop3A_373, %broadcast_in_dim3A_114 : vector<16xf32>
        %parallel_loop3A_375 = arith.mulf %parallel_loop3A_374, %div3A_5 : vector<16xf32>
        %parallel_loop3A_376 = math.exp %parallel_loop3A_375 : vector<16xf32>
        %parallel_loop3A_377 = arith.index_cast %parallel_loop3A_371 : i32 to index
        %parallel_loop3A_378 = tpu.vector_load %arg10[%parallel_loop3A_377] {strides = array<i32>} : memref<100000xf32, #tpu.memory_space<vmem>>, vector<16xf32>,
        tpu.vector_store %arg10[%parallel_loop3A_377], %parallel_loop3A_376 {strides = array<i32>} : memref<100000xf32, #tpu.memory_space<vmem>>, vector<16xf32>,
        %parallel_loop3A_379 = arith.constant 0 : i32
        %parallel_loop3A_380 = arith.addi %parallel_loop3A_349, %parallel_loop3A_379 : i32
        %parallel_loop3A_381 = arith.constant 16 : i32
        %parallel_loop3A_382 = arith.muli %parallel_loop3A_380, %parallel_loop3A_381 : i32
        %parallel_loop3A_383 = arith.index_cast %parallel_loop3A_382 : i32 to index
        %parallel_loop3A_384 = tpu.vector_load %arg11[%parallel_loop3A_383] {strides = array<i32>} : memref<10000xf32, #tpu.memory_space<vmem>>, vector<16xf32>,
        %parallel_loop3A_385 = arith.addf %parallel_loop3A_375, %parallel_loop3A_384 : vector<16xf32>
        %parallel_loop3A_386 = arith.constant 0 : i32
        %parallel_loop3A_387 = vector.broadcast %parallel_loop3A_386 : i32 to vector<16xi32>
        %parallel_loop3A_388 = arith.addi %parallel_loop3A_365, %parallel_loop3A_387 : vector<16xi32>
        %parallel_loop3A_389 = arith.cmpf ogt, %parallel_loop3A_385, %parallel_loop3A_355 : vector<16xf32>
        %parallel_loop3A_390 = arith.addf %parallel_loop3A_350, %parallel_loop3A_376 : vector<16xf32>
        %parallel_loop3A_391 = arith.select %parallel_loop3A_389, %parallel_loop3A_385, %parallel_loop3A_355 : vector<16xi1>, vector<16xf32>
        %parallel_loop3A_392 = arith.select %parallel_loop3A_389, %parallel_loop3A_388, %parallel_loop3A_360 : vector<16xi1>, vector<16xi32>
        %parallel_loop3A_393 = arith.constant 1 : i32
        %parallel_loop3A_394 = arith.addi %parallel_loop3A_349, %parallel_loop3A_393 : i32
        %parallel_loop3A_395 = arith.constant 16 : i32
        %parallel_loop3A_396 = arith.muli %parallel_loop3A_394, %parallel_loop3A_395 : i32
        %parallel_loop3A_397 = arith.constant 0 : i32
        %parallel_loop3A_398 = arith.addi %parallel_loop3A_397, %parallel_loop3A_396 : i32
        %parallel_loop3A_399 = arith.index_cast %parallel_loop3A_398 : i32 to index
        %parallel_loop3A_400 = tpu.vector_load %arg10[%parallel_loop3A_399] {strides = array<i32>} : memref<100000xf32, #tpu.memory_space<vmem>>, vector<16xf32>,
        %parallel_loop3A_401 = arith.subf %parallel_loop3A_400, %broadcast_in_dim3A_114 : vector<16xf32>
        %parallel_loop3A_402 = arith.mulf %parallel_loop3A_401, %div3A_5 : vector<16xf32>
        %parallel_loop3A_403 = math.exp %parallel_loop3A_402 : vector<16xf32>
        %parallel_loop3A_404 = arith.index_cast %parallel_loop3A_398 : i32 to index
        %parallel_loop3A_405 = tpu.vector_load %arg10[%parallel_loop3A_404] {strides = array<i32>} : memref<100000xf32, #tpu.memory_space<vmem>>, vector<16xf32>,
        tpu.vector_store %arg10[%parallel_loop3A_404], %parallel_loop3A_403 {strides = array<i32>} : memref<100000xf32, #tpu.memory_space<vmem>>, vector<16xf32>,
        %parallel_loop3A_406 = arith.constant 1 : i32
        %parallel_loop3A_407 = arith.addi %parallel_loop3A_349, %parallel_loop3A_406 : i32
        %parallel_loop3A_408 = arith.constant 16 : i32
        %parallel_loop3A_409 = arith.muli %parallel_loop3A_407, %parallel_loop3A_408 : i32
        %parallel_loop3A_410 = arith.index_cast %parallel_loop3A_409 : i32 to index
        %parallel_loop3A_411 = tpu.vector_load %arg11[%parallel_loop3A_410] {strides = array<i32>} : memref<10000xf32, #tpu.memory_space<vmem>>, vector<16xf32>,
        %parallel_loop3A_412 = arith.addf %parallel_loop3A_402, %parallel_loop3A_411 : vector<16xf32>
        %parallel_loop3A_413 = arith.constant 16 : i32
        %parallel_loop3A_414 = vector.broadcast %parallel_loop3A_413 : i32 to vector<16xi32>
        %parallel_loop3A_415 = arith.addi %parallel_loop3A_365, %parallel_loop3A_414 : vector<16xi32>
        %parallel_loop3A_416 = arith.cmpf ogt, %parallel_loop3A_412, %parallel_loop3A_356 : vector<16xf32>
        %parallel_loop3A_417 = arith.addf %parallel_loop3A_351, %parallel_loop3A_403 : vector<16xf32>
        %parallel_loop3A_418 = arith.select %parallel_loop3A_416, %parallel_loop3A_412, %parallel_loop3A_356 : vector<16xi1>, vector<16xf32>
        %parallel_loop3A_419 = arith.select %parallel_loop3A_416, %parallel_loop3A_415, %parallel_loop3A_361 : vector<16xi1>, vector<16xi32>
        %parallel_loop3A_420 = arith.constant 2 : i32
        %parallel_loop3A_421 = arith.addi %parallel_loop3A_349, %parallel_loop3A_420 : i32
        %parallel_loop3A_422 = arith.constant 16 : i32
        %parallel_loop3A_423 = arith.muli %parallel_loop3A_421, %parallel_loop3A_422 : i32
        %parallel_loop3A_424 = arith.constant 0 : i32
        %parallel_loop3A_425 = arith.addi %parallel_loop3A_424, %parallel_loop3A_423 : i32
        %parallel_loop3A_426 = arith.index_cast %parallel_loop3A_425 : i32 to index
        %parallel_loop3A_427 = tpu.vector_load %arg10[%parallel_loop3A_426] {strides = array<i32>} : memref<100000xf32, #tpu.memory_space<vmem>>, vector<16xf32>,
        %parallel_loop3A_428 = arith.subf %parallel_loop3A_427, %broadcast_in_dim3A_114 : vector<16xf32>
        %parallel_loop3A_429 = arith.mulf %parallel_loop3A_428, %div3A_5 : vector<16xf32>
        %parallel_loop3A_430 = math.exp %parallel_loop3A_429 : vector<16xf32>
        %parallel_loop3A_431 = arith.index_cast %parallel_loop3A_425 : i32 to index
        %parallel_loop3A_432 = tpu.vector_load %arg10[%parallel_loop3A_431] {strides = array<i32>} : memref<100000xf32, #tpu.memory_space<vmem>>, vector<16xf32>,
        tpu.vector_store %arg10[%parallel_loop3A_431], %parallel_loop3A_430 {strides = array<i32>} : memref<100000xf32, #tpu.memory_space<vmem>>, vector<16xf32>,
        %parallel_loop3A_433 = arith.constant 2 : i32
        %parallel_loop3A_434 = arith.addi %parallel_loop3A_349, %parallel_loop3A_433 : i32
        %parallel_loop3A_435 = arith.constant 16 : i32
        %parallel_loop3A_436 = arith.muli %parallel_loop3A_434, %parallel_loop3A_435 : i32
        %parallel_loop3A_437 = arith.index_cast %parallel_loop3A_436 : i32 to index
        %parallel_loop3A_438 = tpu.vector_load %arg11[%parallel_loop3A_437] {strides = array<i32>} : memref<10000xf32, #tpu.memory_space<vmem>>, vector<16xf32>,
        %parallel_loop3A_439 = arith.addf %parallel_loop3A_429, %parallel_loop3A_438 : vector<16xf32>
        %parallel_loop3A_440 = arith.constant 32 : i32
        %parallel_loop3A_441 = vector.broadcast %parallel_loop3A_440 : i32 to vector<16xi32>
        %parallel_loop3A_442 = arith.addi %parallel_loop3A_365, %parallel_loop3A_441 : vector<16xi32>
        %parallel_loop3A_443 = arith.cmpf ogt, %parallel_loop3A_439, %parallel_loop3A_357 : vector<16xf32>
        %parallel_loop3A_444 = arith.addf %parallel_loop3A_352, %parallel_loop3A_430 : vector<16xf32>
        %parallel_loop3A_445 = arith.select %parallel_loop3A_443, %parallel_loop3A_439, %parallel_loop3A_357 : vector<16xi1>, vector<16xf32>
        %parallel_loop3A_446 = arith.select %parallel_loop3A_443, %parallel_loop3A_442, %parallel_loop3A_362 : vector<16xi1>, vector<16xi32>
        %parallel_loop3A_447 = arith.constant 3 : i32
        %parallel_loop3A_448 = arith.addi %parallel_loop3A_349, %parallel_loop3A_447 : i32
        %parallel_loop3A_449 = arith.constant 16 : i32
        %parallel_loop3A_450 = arith.muli %parallel_loop3A_448, %parallel_loop3A_449 : i32
        %parallel_loop3A_451 = arith.constant 0 : i32
        %parallel_loop3A_452 = arith.addi %parallel_loop3A_451, %parallel_loop3A_450 : i32
        %parallel_loop3A_453 = arith.index_cast %parallel_loop3A_452 : i32 to index
        %parallel_loop3A_454 = tpu.vector_load %arg10[%parallel_loop3A_453] {strides = array<i32>} : memref<100000xf32, #tpu.memory_space<vmem>>, vector<16xf32>,
        %parallel_loop3A_455 = arith.subf %parallel_loop3A_454, %broadcast_in_dim3A_114 : vector<16xf32>
        %parallel_loop3A_456 = arith.mulf %parallel_loop3A_455, %div3A_5 : vector<16xf32>
        %parallel_loop3A_457 = math.exp %parallel_loop3A_456 : vector<16xf32>
        %parallel_loop3A_458 = arith.index_cast %parallel_loop3A_452 : i32 to index
        %parallel_loop3A_459 = tpu.vector_load %arg10[%parallel_loop3A_458] {strides = array<i32>} : memref<100000xf32, #tpu.memory_space<vmem>>, vector<16xf32>,
        tpu.vector_store %arg10[%parallel_loop3A_458], %parallel_loop3A_457 {strides = array<i32>} : memref<100000xf32, #tpu.memory_space<vmem>>, vector<16xf32>,
        %parallel_loop3A_460 = arith.constant 3 : i32
        %parallel_loop3A_461 = arith.addi %parallel_loop3A_349, %parallel_loop3A_460 : i32
        %parallel_loop3A_462 = arith.constant 16 : i32
        %parallel_loop3A_463 = arith.muli %parallel_loop3A_461, %parallel_loop3A_462 : i32
        %parallel_loop3A_464 = arith.index_cast %parallel_loop3A_463 : i32 to index
        %parallel_loop3A_465 = tpu.vector_load %arg11[%parallel_loop3A_464] {strides = array<i32>} : memref<10000xf32, #tpu.memory_space<vmem>>, vector<16xf32>,
        %parallel_loop3A_466 = arith.addf %parallel_loop3A_456, %parallel_loop3A_465 : vector<16xf32>
        %parallel_loop3A_467 = arith.constant 48 : i32
        %parallel_loop3A_468 = vector.broadcast %parallel_loop3A_467 : i32 to vector<16xi32>
        %parallel_loop3A_469 = arith.addi %parallel_loop3A_365, %parallel_loop3A_468 : vector<16xi32>
        %parallel_loop3A_470 = arith.cmpf ogt, %parallel_loop3A_466, %parallel_loop3A_358 : vector<16xf32>
        %parallel_loop3A_471 = arith.addf %parallel_loop3A_353, %parallel_loop3A_457 : vector<16xf32>
        %parallel_loop3A_472 = arith.select %parallel_loop3A_470, %parallel_loop3A_466, %parallel_loop3A_358 : vector<16xi1>, vector<16xf32>
        %parallel_loop3A_473 = arith.select %parallel_loop3A_470, %parallel_loop3A_469, %parallel_loop3A_363 : vector<16xi1>, vector<16xi32>
        %parallel_loop3A_474 = arith.constant 4 : i32
        %parallel_loop3A_475 = arith.addi %parallel_loop3A_349, %parallel_loop3A_474 : i32
        %parallel_loop3A_476 = arith.constant 16 : i32
        %parallel_loop3A_477 = arith.muli %parallel_loop3A_475, %parallel_loop3A_476 : i32
        %parallel_loop3A_478 = arith.constant 0 : i32
        %parallel_loop3A_479 = arith.addi %parallel_loop3A_478, %parallel_loop3A_477 : i32
        %parallel_loop3A_480 = arith.index_cast %parallel_loop3A_479 : i32 to index
        %parallel_loop3A_481 = tpu.vector_load %arg10[%parallel_loop3A_480] {strides = array<i32>} : memref<100000xf32, #tpu.memory_space<vmem>>, vector<16xf32>,
        %parallel_loop3A_482 = arith.subf %parallel_loop3A_481, %broadcast_in_dim3A_114 : vector<16xf32>
        %parallel_loop3A_483 = arith.mulf %parallel_loop3A_482, %div3A_5 : vector<16xf32>
        %parallel_loop3A_484 = math.exp %parallel_loop3A_483 : vector<16xf32>
        %parallel_loop3A_485 = arith.index_cast %parallel_loop3A_479 : i32 to index
        %parallel_loop3A_486 = tpu.vector_load %arg10[%parallel_loop3A_485] {strides = array<i32>} : memref<100000xf32, #tpu.memory_space<vmem>>, vector<16xf32>,
        tpu.vector_store %arg10[%parallel_loop3A_485], %parallel_loop3A_484 {strides = array<i32>} : memref<100000xf32, #tpu.memory_space<vmem>>, vector<16xf32>,
        %parallel_loop3A_487 = arith.constant 4 : i32
        %parallel_loop3A_488 = arith.addi %parallel_loop3A_349, %parallel_loop3A_487 : i32
        %parallel_loop3A_489 = arith.constant 16 : i32
        %parallel_loop3A_490 = arith.muli %parallel_loop3A_488, %parallel_loop3A_489 : i32
        %parallel_loop3A_491 = arith.index_cast %parallel_loop3A_490 : i32 to index
        %parallel_loop3A_492 = tpu.vector_load %arg11[%parallel_loop3A_491] {strides = array<i32>} : memref<10000xf32, #tpu.memory_space<vmem>>, vector<16xf32>,
        %parallel_loop3A_493 = arith.addf %parallel_loop3A_483, %parallel_loop3A_492 : vector<16xf32>
        %parallel_loop3A_494 = arith.constant 64 : i32
        %parallel_loop3A_495 = vector.broadcast %parallel_loop3A_494 : i32 to vector<16xi32>
        %parallel_loop3A_496 = arith.addi %parallel_loop3A_365, %parallel_loop3A_495 : vector<16xi32>
        %parallel_loop3A_497 = arith.cmpf ogt, %parallel_loop3A_493, %parallel_loop3A_359 : vector<16xf32>
        %parallel_loop3A_498 = arith.addf %parallel_loop3A_354, %parallel_loop3A_484 : vector<16xf32>
        %parallel_loop3A_499 = arith.select %parallel_loop3A_497, %parallel_loop3A_493, %parallel_loop3A_359 : vector<16xi1>, vector<16xf32>
        %parallel_loop3A_500 = arith.select %parallel_loop3A_497, %parallel_loop3A_496, %parallel_loop3A_364 : vector<16xi1>, vector<16xi32>
        %parallel_loop3A_501 = arith.constant 80 : i32
        %parallel_loop3A_502 = vector.broadcast %parallel_loop3A_501 : i32 to vector<16xi32>
        %parallel_loop3A_503 = arith.addi %parallel_loop3A_365, %parallel_loop3A_502 : vector<16xi32>
        scf.yield %parallel_loop3A_390, %parallel_loop3A_417, %parallel_loop3A_444, %parallel_loop3A_471, %parallel_loop3A_498, %parallel_loop3A_391, %parallel_loop3A_418, %parallel_loop3A_445, %parallel_loop3A_472, %parallel_loop3A_499, %parallel_loop3A_392, %parallel_loop3A_419, %parallel_loop3A_446, %parallel_loop3A_473, %parallel_loop3A_500, %parallel_loop3A_503 : vector<16xf32>, vector<16xf32>, vector<16xf32>, vector<16xf32>, vector<16xf32>, vector<16xf32>, vector<16xf32>, vector<16xf32>, vector<16xf32>, vector<16xf32>, vector<16xi32>, vector<16xi32>, vector<16xi32>, vector<16xi32>, vector<16xi32>, vector<16xi32>
      } {sc.loop_unroll_factor = 1 : i64, sc.parallel_access}
      %dma_wait3A_147 = arith.constant 10000 : i32
      %dma_wait3A_148 = tpu.memref_slice %arg3[%add3A_28, %dma_wait3A_147] : memref<512x100000xf32, #tpu.memory_space<hbm>> -> memref<1x10000xf32, #tpu.memory_space<hbm>>
      %dma_wait3A_149 = tpu.memref_squeeze %dma_wait3A_148 : memref<1x10000xf32, #tpu.memory_space<hbm>> -> memref<10000xf32, #tpu.memory_space<hbm>>
      %dma_wait3A_150 = arith.constant 10000 : i32
      %dma_wait3A_151 = tpu.memref_slice %arg3[%add3A_28, %dma_wait3A_150] : memref<512x100000xf32, #tpu.memory_space<hbm>> -> memref<1x10000xf32, #tpu.memory_space<hbm>>
      %dma_wait3A_152 = tpu.memref_squeeze %dma_wait3A_151 : memref<1x10000xf32, #tpu.memory_space<hbm>> -> memref<10000xf32, #tpu.memory_space<hbm>>
      tpu.wait_dma2 semaphore(%arg20 : memref<!tpu.dma_semaphore, #tpu.memory_space<semaphore_mem>>) src(%dma_wait3A_152 : memref<10000xf32, #tpu.memory_space<hbm>>) dst(%arg12 : memref<10000xf32, #tpu.memory_space<vmem>>)
      %dma_start3A_153 = arith.constant 20000 : i32
      %dma_start3A_154 = tpu.memref_slice %arg3[%add3A_28, %dma_start3A_153] : memref<512x100000xf32, #tpu.memory_space<hbm>> -> memref<1x10000xf32, #tpu.memory_space<hbm>>
      %dma_start3A_155 = tpu.memref_squeeze %dma_start3A_154 : memref<1x10000xf32, #tpu.memory_space<hbm>> -> memref<10000xf32, #tpu.memory_space<hbm>>
      %dma_start3A_156 = arith.constant 20000 : i32
      %dma_start3A_157 = tpu.memref_slice %arg3[%add3A_28, %dma_start3A_156] : memref<512x100000xf32, #tpu.memory_space<hbm>> -> memref<1x10000xf32, #tpu.memory_space<hbm>>
      %dma_start3A_158 = tpu.memref_squeeze %dma_start3A_157 : memref<1x10000xf32, #tpu.memory_space<hbm>> -> memref<10000xf32, #tpu.memory_space<hbm>>
      tpu.enqueue_dma source(%dma_start3A_158 : memref<10000xf32, #tpu.memory_space<hbm>>) target(%arg11 : memref<10000xf32, #tpu.memory_space<vmem>>) target_semaphore(%arg19 : memref<!tpu.dma_semaphore, #tpu.memory_space<semaphore_mem>>)
      %parallel_loop3A_159 = arith.constant 0 : i32
      %parallel_loop3A_160 = arith.constant 625 : i32
      %parallel_loop3A_161 = arith.constant 5 : i32
      %parallel_loop3A_162:16 = scf.for %parallel_loop3A_349 = %parallel_loop3A_159 to %parallel_loop3A_160 step %parallel_loop3A_161 iter_args(%parallel_loop3A_350 = %parallel_loop3A_146#0, %parallel_loop3A_351 = %parallel_loop3A_146#1, %parallel_loop3A_352 = %parallel_loop3A_146#2, %parallel_loop3A_353 = %parallel_loop3A_146#3, %parallel_loop3A_354 = %parallel_loop3A_146#4, %parallel_loop3A_355 = %parallel_loop3A_146#5, %parallel_loop3A_356 = %parallel_loop3A_146#6, %parallel_loop3A_357 = %parallel_loop3A_146#7, %parallel_loop3A_358 = %parallel_loop3A_146#8, %parallel_loop3A_359 = %parallel_loop3A_146#9, %parallel_loop3A_360 = %parallel_loop3A_146#10, %parallel_loop3A_361 = %parallel_loop3A_146#11, %parallel_loop3A_362 = %parallel_loop3A_146#12, %parallel_loop3A_363 = %parallel_loop3A_146#13, %parallel_loop3A_364 = %parallel_loop3A_146#14, %parallel_loop3A_365 = %parallel_loop3A_146#15) -> (vector<16xf32>, vector<16xf32>, vector<16xf32>, vector<16xf32>, vector<16xf32>, vector<16xf32>, vector<16xf32>, vector<16xf32>, vector<16xf32>, vector<16xf32>, vector<16xi32>, vector<16xi32>, vector<16xi32>, vector<16xi32>, vector<16xi32>, vector<16xi32>)  : i32 {
        %parallel_loop3A_366 = arith.constant 0 : i32
        %parallel_loop3A_367 = arith.addi %parallel_loop3A_349, %parallel_loop3A_366 : i32
        %parallel_loop3A_368 = arith.constant 16 : i32
        %parallel_loop3A_369 = arith.muli %parallel_loop3A_367, %parallel_loop3A_368 : i32
        %parallel_loop3A_370 = arith.constant 10000 : i32
        %parallel_loop3A_371 = arith.addi %parallel_loop3A_370, %parallel_loop3A_369 : i32
        %parallel_loop3A_372 = arith.index_cast %parallel_loop3A_371 : i32 to index
        %parallel_loop3A_373 = tpu.vector_load %arg10[%parallel_loop3A_372] {strides = array<i32>} : memref<100000xf32, #tpu.memory_space<vmem>>, vector<16xf32>,
        %parallel_loop3A_374 = arith.subf %parallel_loop3A_373, %broadcast_in_dim3A_114 : vector<16xf32>
        %parallel_loop3A_375 = arith.mulf %parallel_loop3A_374, %div3A_5 : vector<16xf32>
        %parallel_loop3A_376 = math.exp %parallel_loop3A_375 : vector<16xf32>
        %parallel_loop3A_377 = arith.index_cast %parallel_loop3A_371 : i32 to index
        %parallel_loop3A_378 = tpu.vector_load %arg10[%parallel_loop3A_377] {strides = array<i32>} : memref<100000xf32, #tpu.memory_space<vmem>>, vector<16xf32>,
        tpu.vector_store %arg10[%parallel_loop3A_377], %parallel_loop3A_376 {strides = array<i32>} : memref<100000xf32, #tpu.memory_space<vmem>>, vector<16xf32>,
        %parallel_loop3A_379 = arith.constant 0 : i32
        %parallel_loop3A_380 = arith.addi %parallel_loop3A_349, %parallel_loop3A_379 : i32
        %parallel_loop3A_381 = arith.constant 16 : i32
        %parallel_loop3A_382 = arith.muli %parallel_loop3A_380, %parallel_loop3A_381 : i32
        %parallel_loop3A_383 = arith.index_cast %parallel_loop3A_382 : i32 to index
        %parallel_loop3A_384 = tpu.vector_load %arg12[%parallel_loop3A_383] {strides = array<i32>} : memref<10000xf32, #tpu.memory_space<vmem>>, vector<16xf32>,
        %parallel_loop3A_385 = arith.addf %parallel_loop3A_375, %parallel_loop3A_384 : vector<16xf32>
        %parallel_loop3A_386 = arith.constant 0 : i32
        %parallel_loop3A_387 = vector.broadcast %parallel_loop3A_386 : i32 to vector<16xi32>
        %parallel_loop3A_388 = arith.addi %parallel_loop3A_365, %parallel_loop3A_387 : vector<16xi32>
        %parallel_loop3A_389 = arith.cmpf ogt, %parallel_loop3A_385, %parallel_loop3A_355 : vector<16xf32>
        %parallel_loop3A_390 = arith.addf %parallel_loop3A_350, %parallel_loop3A_376 : vector<16xf32>
        %parallel_loop3A_391 = arith.select %parallel_loop3A_389, %parallel_loop3A_385, %parallel_loop3A_355 : vector<16xi1>, vector<16xf32>
        %parallel_loop3A_392 = arith.select %parallel_loop3A_389, %parallel_loop3A_388, %parallel_loop3A_360 : vector<16xi1>, vector<16xi32>
        %parallel_loop3A_393 = arith.constant 1 : i32
        %parallel_loop3A_394 = arith.addi %parallel_loop3A_349, %parallel_loop3A_393 : i32
        %parallel_loop3A_395 = arith.constant 16 : i32
        %parallel_loop3A_396 = arith.muli %parallel_loop3A_394, %parallel_loop3A_395 : i32
        %parallel_loop3A_397 = arith.constant 10000 : i32
        %parallel_loop3A_398 = arith.addi %parallel_loop3A_397, %parallel_loop3A_396 : i32
        %parallel_loop3A_399 = arith.index_cast %parallel_loop3A_398 : i32 to index
        %parallel_loop3A_400 = tpu.vector_load %arg10[%parallel_loop3A_399] {strides = array<i32>} : memref<100000xf32, #tpu.memory_space<vmem>>, vector<16xf32>,
        %parallel_loop3A_401 = arith.subf %parallel_loop3A_400, %broadcast_in_dim3A_114 : vector<16xf32>
        %parallel_loop3A_402 = arith.mulf %parallel_loop3A_401, %div3A_5 : vector<16xf32>
        %parallel_loop3A_403 = math.exp %parallel_loop3A_402 : vector<16xf32>
        %parallel_loop3A_404 = arith.index_cast %parallel_loop3A_398 : i32 to index
        %parallel_loop3A_405 = tpu.vector_load %arg10[%parallel_loop3A_404] {strides = array<i32>} : memref<100000xf32, #tpu.memory_space<vmem>>, vector<16xf32>,
        tpu.vector_store %arg10[%parallel_loop3A_404], %parallel_loop3A_403 {strides = array<i32>} : memref<100000xf32, #tpu.memory_space<vmem>>, vector<16xf32>,
        %parallel_loop3A_406 = arith.constant 1 : i32
        %parallel_loop3A_407 = arith.addi %parallel_loop3A_349, %parallel_loop3A_406 : i32
        %parallel_loop3A_408 = arith.constant 16 : i32
        %parallel_loop3A_409 = arith.muli %parallel_loop3A_407, %parallel_loop3A_408 : i32
        %parallel_loop3A_410 = arith.index_cast %parallel_loop3A_409 : i32 to index
        %parallel_loop3A_411 = tpu.vector_load %arg12[%parallel_loop3A_410] {strides = array<i32>} : memref<10000xf32, #tpu.memory_space<vmem>>, vector<16xf32>,
        %parallel_loop3A_412 = arith.addf %parallel_loop3A_402, %parallel_loop3A_411 : vector<16xf32>
        %parallel_loop3A_413 = arith.constant 16 : i32
        %parallel_loop3A_414 = vector.broadcast %parallel_loop3A_413 : i32 to vector<16xi32>
        %parallel_loop3A_415 = arith.addi %parallel_loop3A_365, %parallel_loop3A_414 : vector<16xi32>
        %parallel_loop3A_416 = arith.cmpf ogt, %parallel_loop3A_412, %parallel_loop3A_356 : vector<16xf32>
        %parallel_loop3A_417 = arith.addf %parallel_loop3A_351, %parallel_loop3A_403 : vector<16xf32>
        %parallel_loop3A_418 = arith.select %parallel_loop3A_416, %parallel_loop3A_412, %parallel_loop3A_356 : vector<16xi1>, vector<16xf32>
        %parallel_loop3A_419 = arith.select %parallel_loop3A_416, %parallel_loop3A_415, %parallel_loop3A_361 : vector<16xi1>, vector<16xi32>
        %parallel_loop3A_420 = arith.constant 2 : i32
        %parallel_loop3A_421 = arith.addi %parallel_loop3A_349, %parallel_loop3A_420 : i32
        %parallel_loop3A_422 = arith.constant 16 : i32
        %parallel_loop3A_423 = arith.muli %parallel_loop3A_421, %parallel_loop3A_422 : i32
        %parallel_loop3A_424 = arith.constant 10000 : i32
        %parallel_loop3A_425 = arith.addi %parallel_loop3A_424, %parallel_loop3A_423 : i32
        %parallel_loop3A_426 = arith.index_cast %parallel_loop3A_425 : i32 to index
        %parallel_loop3A_427 = tpu.vector_load %arg10[%parallel_loop3A_426] {strides = array<i32>} : memref<100000xf32, #tpu.memory_space<vmem>>, vector<16xf32>,
        %parallel_loop3A_428 = arith.subf %parallel_loop3A_427, %broadcast_in_dim3A_114 : vector<16xf32>
        %parallel_loop3A_429 = arith.mulf %parallel_loop3A_428, %div3A_5 : vector<16xf32>
        %parallel_loop3A_430 = math.exp %parallel_loop3A_429 : vector<16xf32>
        %parallel_loop3A_431 = arith.index_cast %parallel_loop3A_425 : i32 to index
        %parallel_loop3A_432 = tpu.vector_load %arg10[%parallel_loop3A_431] {strides = array<i32>} : memref<100000xf32, #tpu.memory_space<vmem>>, vector<16xf32>,
        tpu.vector_store %arg10[%parallel_loop3A_431], %parallel_loop3A_430 {strides = array<i32>} : memref<100000xf32, #tpu.memory_space<vmem>>, vector<16xf32>,
        %parallel_loop3A_433 = arith.constant 2 : i32
        %parallel_loop3A_434 = arith.addi %parallel_loop3A_349, %parallel_loop3A_433 : i32
        %parallel_loop3A_435 = arith.constant 16 : i32
        %parallel_loop3A_436 = arith.muli %parallel_loop3A_434, %parallel_loop3A_435 : i32
        %parallel_loop3A_437 = arith.index_cast %parallel_loop3A_436 : i32 to index
        %parallel_loop3A_438 = tpu.vector_load %arg12[%parallel_loop3A_437] {strides = array<i32>} : memref<10000xf32, #tpu.memory_space<vmem>>, vector<16xf32>,
        %parallel_loop3A_439 = arith.addf %parallel_loop3A_429, %parallel_loop3A_438 : vector<16xf32>
        %parallel_loop3A_440 = arith.constant 32 : i32
        %parallel_loop3A_441 = vector.broadcast %parallel_loop3A_440 : i32 to vector<16xi32>
        %parallel_loop3A_442 = arith.addi %parallel_loop3A_365, %parallel_loop3A_441 : vector<16xi32>
        %parallel_loop3A_443 = arith.cmpf ogt, %parallel_loop3A_439, %parallel_loop3A_357 : vector<16xf32>
        %parallel_loop3A_444 = arith.addf %parallel_loop3A_352, %parallel_loop3A_430 : vector<16xf32>
        %parallel_loop3A_445 = arith.select %parallel_loop3A_443, %parallel_loop3A_439, %parallel_loop3A_357 : vector<16xi1>, vector<16xf32>
        %parallel_loop3A_446 = arith.select %parallel_loop3A_443, %parallel_loop3A_442, %parallel_loop3A_362 : vector<16xi1>, vector<16xi32>
        %parallel_loop3A_447 = arith.constant 3 : i32
        %parallel_loop3A_448 = arith.addi %parallel_loop3A_349, %parallel_loop3A_447 : i32
        %parallel_loop3A_449 = arith.constant 16 : i32
        %parallel_loop3A_450 = arith.muli %parallel_loop3A_448, %parallel_loop3A_449 : i32
        %parallel_loop3A_451 = arith.constant 10000 : i32
        %parallel_loop3A_452 = arith.addi %parallel_loop3A_451, %parallel_loop3A_450 : i32
        %parallel_loop3A_453 = arith.index_cast %parallel_loop3A_452 : i32 to index
        %parallel_loop3A_454 = tpu.vector_load %arg10[%parallel_loop3A_453] {strides = array<i32>} : memref<100000xf32, #tpu.memory_space<vmem>>, vector<16xf32>,
        %parallel_loop3A_455 = arith.subf %parallel_loop3A_454, %broadcast_in_dim3A_114 : vector<16xf32>
        %parallel_loop3A_456 = arith.mulf %parallel_loop3A_455, %div3A_5 : vector<16xf32>
        %parallel_loop3A_457 = math.exp %parallel_loop3A_456 : vector<16xf32>
        %parallel_loop3A_458 = arith.index_cast %parallel_loop3A_452 : i32 to index
        %parallel_loop3A_459 = tpu.vector_load %arg10[%parallel_loop3A_458] {strides = array<i32>} : memref<100000xf32, #tpu.memory_space<vmem>>, vector<16xf32>,
        tpu.vector_store %arg10[%parallel_loop3A_458], %parallel_loop3A_457 {strides = array<i32>} : memref<100000xf32, #tpu.memory_space<vmem>>, vector<16xf32>,
        %parallel_loop3A_460 = arith.constant 3 : i32
        %parallel_loop3A_461 = arith.addi %parallel_loop3A_349, %parallel_loop3A_460 : i32
        %parallel_loop3A_462 = arith.constant 16 : i32
        %parallel_loop3A_463 = arith.muli %parallel_loop3A_461, %parallel_loop3A_462 : i32
        %parallel_loop3A_464 = arith.index_cast %parallel_loop3A_463 : i32 to index
        %parallel_loop3A_465 = tpu.vector_load %arg12[%parallel_loop3A_464] {strides = array<i32>} : memref<10000xf32, #tpu.memory_space<vmem>>, vector<16xf32>,
        %parallel_loop3A_466 = arith.addf %parallel_loop3A_456, %parallel_loop3A_465 : vector<16xf32>
        %parallel_loop3A_467 = arith.constant 48 : i32
        %parallel_loop3A_468 = vector.broadcast %parallel_loop3A_467 : i32 to vector<16xi32>
        %parallel_loop3A_469 = arith.addi %parallel_loop3A_365, %parallel_loop3A_468 : vector<16xi32>
        %parallel_loop3A_470 = arith.cmpf ogt, %parallel_loop3A_466, %parallel_loop3A_358 : vector<16xf32>
        %parallel_loop3A_471 = arith.addf %parallel_loop3A_353, %parallel_loop3A_457 : vector<16xf32>
        %parallel_loop3A_472 = arith.select %parallel_loop3A_470, %parallel_loop3A_466, %parallel_loop3A_358 : vector<16xi1>, vector<16xf32>
        %parallel_loop3A_473 = arith.select %parallel_loop3A_470, %parallel_loop3A_469, %parallel_loop3A_363 : vector<16xi1>, vector<16xi32>
        %parallel_loop3A_474 = arith.constant 4 : i32
        %parallel_loop3A_475 = arith.addi %parallel_loop3A_349, %parallel_loop3A_474 : i32
        %parallel_loop3A_476 = arith.constant 16 : i32
        %parallel_loop3A_477 = arith.muli %parallel_loop3A_475, %parallel_loop3A_476 : i32
        %parallel_loop3A_478 = arith.constant 10000 : i32
        %parallel_loop3A_479 = arith.addi %parallel_loop3A_478, %parallel_loop3A_477 : i32
        %parallel_loop3A_480 = arith.index_cast %parallel_loop3A_479 : i32 to index
        %parallel_loop3A_481 = tpu.vector_load %arg10[%parallel_loop3A_480] {strides = array<i32>} : memref<100000xf32, #tpu.memory_space<vmem>>, vector<16xf32>,
        %parallel_loop3A_482 = arith.subf %parallel_loop3A_481, %broadcast_in_dim3A_114 : vector<16xf32>
        %parallel_loop3A_483 = arith.mulf %parallel_loop3A_482, %div3A_5 : vector<16xf32>
        %parallel_loop3A_484 = math.exp %parallel_loop3A_483 : vector<16xf32>
        %parallel_loop3A_485 = arith.index_cast %parallel_loop3A_479 : i32 to index
        %parallel_loop3A_486 = tpu.vector_load %arg10[%parallel_loop3A_485] {strides = array<i32>} : memref<100000xf32, #tpu.memory_space<vmem>>, vector<16xf32>,
        tpu.vector_store %arg10[%parallel_loop3A_485], %parallel_loop3A_484 {strides = array<i32>} : memref<100000xf32, #tpu.memory_space<vmem>>, vector<16xf32>,
        %parallel_loop3A_487 = arith.constant 4 : i32
        %parallel_loop3A_488 = arith.addi %parallel_loop3A_349, %parallel_loop3A_487 : i32
        %parallel_loop3A_489 = arith.constant 16 : i32
        %parallel_loop3A_490 = arith.muli %parallel_loop3A_488, %parallel_loop3A_489 : i32
        %parallel_loop3A_491 = arith.index_cast %parallel_loop3A_490 : i32 to index
        %parallel_loop3A_492 = tpu.vector_load %arg12[%parallel_loop3A_491] {strides = array<i32>} : memref<10000xf32, #tpu.memory_space<vmem>>, vector<16xf32>,
        %parallel_loop3A_493 = arith.addf %parallel_loop3A_483, %parallel_loop3A_492 : vector<16xf32>
        %parallel_loop3A_494 = arith.constant 64 : i32
        %parallel_loop3A_495 = vector.broadcast %parallel_loop3A_494 : i32 to vector<16xi32>
        %parallel_loop3A_496 = arith.addi %parallel_loop3A_365, %parallel_loop3A_495 : vector<16xi32>
        %parallel_loop3A_497 = arith.cmpf ogt, %parallel_loop3A_493, %parallel_loop3A_359 : vector<16xf32>
        %parallel_loop3A_498 = arith.addf %parallel_loop3A_354, %parallel_loop3A_484 : vector<16xf32>
        %parallel_loop3A_499 = arith.select %parallel_loop3A_497, %parallel_loop3A_493, %parallel_loop3A_359 : vector<16xi1>, vector<16xf32>
        %parallel_loop3A_500 = arith.select %parallel_loop3A_497, %parallel_loop3A_496, %parallel_loop3A_364 : vector<16xi1>, vector<16xi32>
        %parallel_loop3A_501 = arith.constant 80 : i32
        %parallel_loop3A_502 = vector.broadcast %parallel_loop3A_501 : i32 to vector<16xi32>
        %parallel_loop3A_503 = arith.addi %parallel_loop3A_365, %parallel_loop3A_502 : vector<16xi32>
        scf.yield %parallel_loop3A_390, %parallel_loop3A_417, %parallel_loop3A_444, %parallel_loop3A_471, %parallel_loop3A_498, %parallel_loop3A_391, %parallel_loop3A_418, %parallel_loop3A_445, %parallel_loop3A_472, %parallel_loop3A_499, %parallel_loop3A_392, %parallel_loop3A_419, %parallel_loop3A_446, %parallel_loop3A_473, %parallel_loop3A_500, %parallel_loop3A_503 : vector<16xf32>, vector<16xf32>, vector<16xf32>, vector<16xf32>, vector<16xf32>, vector<16xf32>, vector<16xf32>, vector<16xf32>, vector<16xf32>, vector<16xf32>, vector<16xi32>, vector<16xi32>, vector<16xi32>, vector<16xi32>, vector<16xi32>, vector<16xi32>
      } {sc.loop_unroll_factor = 1 : i64, sc.parallel_access}
      %dma_wait3A_163 = arith.constant 20000 : i32
      %dma_wait3A_164 = tpu.memref_slice %arg3[%add3A_28, %dma_wait3A_163] : memref<512x100000xf32, #tpu.memory_space<hbm>> -> memref<1x10000xf32, #tpu.memory_space<hbm>>
      %dma_wait3A_165 = tpu.memref_squeeze %dma_wait3A_164 : memref<1x10000xf32, #tpu.memory_space<hbm>> -> memref<10000xf32, #tpu.memory_space<hbm>>
      %dma_wait3A_166 = arith.constant 20000 : i32
      %dma_wait3A_167 = tpu.memref_slice %arg3[%add3A_28, %dma_wait3A_166] : memref<512x100000xf32, #tpu.memory_space<hbm>> -> memref<1x10000xf32, #tpu.memory_space<hbm>>
      %dma_wait3A_168 = tpu.memref_squeeze %dma_wait3A_167 : memref<1x10000xf32, #tpu.memory_space<hbm>> -> memref<10000xf32, #tpu.memory_space<hbm>>
      tpu.wait_dma2 semaphore(%arg19 : memref<!tpu.dma_semaphore, #tpu.memory_space<semaphore_mem>>) src(%dma_wait3A_168 : memref<10000xf32, #tpu.memory_space<hbm>>) dst(%arg11 : memref<10000xf32, #tpu.memory_space<vmem>>)
      %dma_start3A_169 = arith.constant 30000 : i32
      %dma_start3A_170 = tpu.memref_slice %arg3[%add3A_28, %dma_start3A_169] : memref<512x100000xf32, #tpu.memory_space<hbm>> -> memref<1x10000xf32, #tpu.memory_space<hbm>>
      %dma_start3A_171 = tpu.memref_squeeze %dma_start3A_170 : memref<1x10000xf32, #tpu.memory_space<hbm>> -> memref<10000xf32, #tpu.memory_space<hbm>>
      %dma_start3A_172 = arith.constant 30000 : i32
      %dma_start3A_173 = tpu.memref_slice %arg3[%add3A_28, %dma_start3A_172] : memref<512x100000xf32, #tpu.memory_space<hbm>> -> memref<1x10000xf32, #tpu.memory_space<hbm>>
      %dma_start3A_174 = tpu.memref_squeeze %dma_start3A_173 : memref<1x10000xf32, #tpu.memory_space<hbm>> -> memref<10000xf32, #tpu.memory_space<hbm>>
      tpu.enqueue_dma source(%dma_start3A_174 : memref<10000xf32, #tpu.memory_space<hbm>>) target(%arg12 : memref<10000xf32, #tpu.memory_space<vmem>>) target_semaphore(%arg20 : memref<!tpu.dma_semaphore, #tpu.memory_space<semaphore_mem>>)
      %parallel_loop3A_175 = arith.constant 0 : i32
      %parallel_loop3A_176 = arith.constant 625 : i32
      %parallel_loop3A_177 = arith.constant 5 : i32
      %parallel_loop3A_178:16 = scf.for %parallel_loop3A_349 = %parallel_loop3A_175 to %parallel_loop3A_176 step %parallel_loop3A_177 iter_args(%parallel_loop3A_350 = %parallel_loop3A_162#0, %parallel_loop3A_351 = %parallel_loop3A_162#1, %parallel_loop3A_352 = %parallel_loop3A_162#2, %parallel_loop3A_353 = %parallel_loop3A_162#3, %parallel_loop3A_354 = %parallel_loop3A_162#4, %parallel_loop3A_355 = %parallel_loop3A_162#5, %parallel_loop3A_356 = %parallel_loop3A_162#6, %parallel_loop3A_357 = %parallel_loop3A_162#7, %parallel_loop3A_358 = %parallel_loop3A_162#8, %parallel_loop3A_359 = %parallel_loop3A_162#9, %parallel_loop3A_360 = %parallel_loop3A_162#10, %parallel_loop3A_361 = %parallel_loop3A_162#11, %parallel_loop3A_362 = %parallel_loop3A_162#12, %parallel_loop3A_363 = %parallel_loop3A_162#13, %parallel_loop3A_364 = %parallel_loop3A_162#14, %parallel_loop3A_365 = %parallel_loop3A_162#15) -> (vector<16xf32>, vector<16xf32>, vector<16xf32>, vector<16xf32>, vector<16xf32>, vector<16xf32>, vector<16xf32>, vector<16xf32>, vector<16xf32>, vector<16xf32>, vector<16xi32>, vector<16xi32>, vector<16xi32>, vector<16xi32>, vector<16xi32>, vector<16xi32>)  : i32 {
        %parallel_loop3A_366 = arith.constant 0 : i32
        %parallel_loop3A_367 = arith.addi %parallel_loop3A_349, %parallel_loop3A_366 : i32
        %parallel_loop3A_368 = arith.constant 16 : i32
        %parallel_loop3A_369 = arith.muli %parallel_loop3A_367, %parallel_loop3A_368 : i32
        %parallel_loop3A_370 = arith.constant 20000 : i32
        %parallel_loop3A_371 = arith.addi %parallel_loop3A_370, %parallel_loop3A_369 : i32
        %parallel_loop3A_372 = arith.index_cast %parallel_loop3A_371 : i32 to index
        %parallel_loop3A_373 = tpu.vector_load %arg10[%parallel_loop3A_372] {strides = array<i32>} : memref<100000xf32, #tpu.memory_space<vmem>>, vector<16xf32>,
        %parallel_loop3A_374 = arith.subf %parallel_loop3A_373, %broadcast_in_dim3A_114 : vector<16xf32>
        %parallel_loop3A_375 = arith.mulf %parallel_loop3A_374, %div3A_5 : vector<16xf32>
        %parallel_loop3A_376 = math.exp %parallel_loop3A_375 : vector<16xf32>
        %parallel_loop3A_377 = arith.index_cast %parallel_loop3A_371 : i32 to index
        %parallel_loop3A_378 = tpu.vector_load %arg10[%parallel_loop3A_377] {strides = array<i32>} : memref<100000xf32, #tpu.memory_space<vmem>>, vector<16xf32>,
        tpu.vector_store %arg10[%parallel_loop3A_377], %parallel_loop3A_376 {strides = array<i32>} : memref<100000xf32, #tpu.memory_space<vmem>>, vector<16xf32>,
        %parallel_loop3A_379 = arith.constant 0 : i32
        %parallel_loop3A_380 = arith.addi %parallel_loop3A_349, %parallel_loop3A_379 : i32
        %parallel_loop3A_381 = arith.constant 16 : i32
        %parallel_loop3A_382 = arith.muli %parallel_loop3A_380, %parallel_loop3A_381 : i32
        %parallel_loop3A_383 = arith.index_cast %parallel_loop3A_382 : i32 to index
        %parallel_loop3A_384 = tpu.vector_load %arg11[%parallel_loop3A_383] {strides = array<i32>} : memref<10000xf32, #tpu.memory_space<vmem>>, vector<16xf32>,
        %parallel_loop3A_385 = arith.addf %parallel_loop3A_375, %parallel_loop3A_384 : vector<16xf32>
        %parallel_loop3A_386 = arith.constant 0 : i32
        %parallel_loop3A_387 = vector.broadcast %parallel_loop3A_386 : i32 to vector<16xi32>
        %parallel_loop3A_388 = arith.addi %parallel_loop3A_365, %parallel_loop3A_387 : vector<16xi32>
        %parallel_loop3A_389 = arith.cmpf ogt, %parallel_loop3A_385, %parallel_loop3A_355 : vector<16xf32>
        %parallel_loop3A_390 = arith.addf %parallel_loop3A_350, %parallel_loop3A_376 : vector<16xf32>
        %parallel_loop3A_391 = arith.select %parallel_loop3A_389, %parallel_loop3A_385, %parallel_loop3A_355 : vector<16xi1>, vector<16xf32>
        %parallel_loop3A_392 = arith.select %parallel_loop3A_389, %parallel_loop3A_388, %parallel_loop3A_360 : vector<16xi1>, vector<16xi32>
        %parallel_loop3A_393 = arith.constant 1 : i32
        %parallel_loop3A_394 = arith.addi %parallel_loop3A_349, %parallel_loop3A_393 : i32
        %parallel_loop3A_395 = arith.constant 16 : i32
        %parallel_loop3A_396 = arith.muli %parallel_loop3A_394, %parallel_loop3A_395 : i32
        %parallel_loop3A_397 = arith.constant 20000 : i32
        %parallel_loop3A_398 = arith.addi %parallel_loop3A_397, %parallel_loop3A_396 : i32
        %parallel_loop3A_399 = arith.index_cast %parallel_loop3A_398 : i32 to index
        %parallel_loop3A_400 = tpu.vector_load %arg10[%parallel_loop3A_399] {strides = array<i32>} : memref<100000xf32, #tpu.memory_space<vmem>>, vector<16xf32>,
        %parallel_loop3A_401 = arith.subf %parallel_loop3A_400, %broadcast_in_dim3A_114 : vector<16xf32>
        %parallel_loop3A_402 = arith.mulf %parallel_loop3A_401, %div3A_5 : vector<16xf32>
        %parallel_loop3A_403 = math.exp %parallel_loop3A_402 : vector<16xf32>
        %parallel_loop3A_404 = arith.index_cast %parallel_loop3A_398 : i32 to index
        %parallel_loop3A_405 = tpu.vector_load %arg10[%parallel_loop3A_404] {strides = array<i32>} : memref<100000xf32, #tpu.memory_space<vmem>>, vector<16xf32>,
        tpu.vector_store %arg10[%parallel_loop3A_404], %parallel_loop3A_403 {strides = array<i32>} : memref<100000xf32, #tpu.memory_space<vmem>>, vector<16xf32>,
        %parallel_loop3A_406 = arith.constant 1 : i32
        %parallel_loop3A_407 = arith.addi %parallel_loop3A_349, %parallel_loop3A_406 : i32
        %parallel_loop3A_408 = arith.constant 16 : i32
        %parallel_loop3A_409 = arith.muli %parallel_loop3A_407, %parallel_loop3A_408 : i32
        %parallel_loop3A_410 = arith.index_cast %parallel_loop3A_409 : i32 to index
        %parallel_loop3A_411 = tpu.vector_load %arg11[%parallel_loop3A_410] {strides = array<i32>} : memref<10000xf32, #tpu.memory_space<vmem>>, vector<16xf32>,
        %parallel_loop3A_412 = arith.addf %parallel_loop3A_402, %parallel_loop3A_411 : vector<16xf32>
        %parallel_loop3A_413 = arith.constant 16 : i32
        %parallel_loop3A_414 = vector.broadcast %parallel_loop3A_413 : i32 to vector<16xi32>
        %parallel_loop3A_415 = arith.addi %parallel_loop3A_365, %parallel_loop3A_414 : vector<16xi32>
        %parallel_loop3A_416 = arith.cmpf ogt, %parallel_loop3A_412, %parallel_loop3A_356 : vector<16xf32>
        %parallel_loop3A_417 = arith.addf %parallel_loop3A_351, %parallel_loop3A_403 : vector<16xf32>
        %parallel_loop3A_418 = arith.select %parallel_loop3A_416, %parallel_loop3A_412, %parallel_loop3A_356 : vector<16xi1>, vector<16xf32>
        %parallel_loop3A_419 = arith.select %parallel_loop3A_416, %parallel_loop3A_415, %parallel_loop3A_361 : vector<16xi1>, vector<16xi32>
        %parallel_loop3A_420 = arith.constant 2 : i32
        %parallel_loop3A_421 = arith.addi %parallel_loop3A_349, %parallel_loop3A_420 : i32
        %parallel_loop3A_422 = arith.constant 16 : i32
        %parallel_loop3A_423 = arith.muli %parallel_loop3A_421, %parallel_loop3A_422 : i32
        %parallel_loop3A_424 = arith.constant 20000 : i32
        %parallel_loop3A_425 = arith.addi %parallel_loop3A_424, %parallel_loop3A_423 : i32
        %parallel_loop3A_426 = arith.index_cast %parallel_loop3A_425 : i32 to index
        %parallel_loop3A_427 = tpu.vector_load %arg10[%parallel_loop3A_426] {strides = array<i32>} : memref<100000xf32, #tpu.memory_space<vmem>>, vector<16xf32>,
        %parallel_loop3A_428 = arith.subf %parallel_loop3A_427, %broadcast_in_dim3A_114 : vector<16xf32>
        %parallel_loop3A_429 = arith.mulf %parallel_loop3A_428, %div3A_5 : vector<16xf32>
        %parallel_loop3A_430 = math.exp %parallel_loop3A_429 : vector<16xf32>
        %parallel_loop3A_431 = arith.index_cast %parallel_loop3A_425 : i32 to index
        %parallel_loop3A_432 = tpu.vector_load %arg10[%parallel_loop3A_431] {strides = array<i32>} : memref<100000xf32, #tpu.memory_space<vmem>>, vector<16xf32>,
        tpu.vector_store %arg10[%parallel_loop3A_431], %parallel_loop3A_430 {strides = array<i32>} : memref<100000xf32, #tpu.memory_space<vmem>>, vector<16xf32>,
        %parallel_loop3A_433 = arith.constant 2 : i32
        %parallel_loop3A_434 = arith.addi %parallel_loop3A_349, %parallel_loop3A_433 : i32
        %parallel_loop3A_435 = arith.constant 16 : i32
        %parallel_loop3A_436 = arith.muli %parallel_loop3A_434, %parallel_loop3A_435 : i32
        %parallel_loop3A_437 = arith.index_cast %parallel_loop3A_436 : i32 to index
        %parallel_loop3A_438 = tpu.vector_load %arg11[%parallel_loop3A_437] {strides = array<i32>} : memref<10000xf32, #tpu.memory_space<vmem>>, vector<16xf32>,
        %parallel_loop3A_439 = arith.addf %parallel_loop3A_429, %parallel_loop3A_438 : vector<16xf32>
        %parallel_loop3A_440 = arith.constant 32 : i32
        %parallel_loop3A_441 = vector.broadcast %parallel_loop3A_440 : i32 to vector<16xi32>
        %parallel_loop3A_442 = arith.addi %parallel_loop3A_365, %parallel_loop3A_441 : vector<16xi32>
        %parallel_loop3A_443 = arith.cmpf ogt, %parallel_loop3A_439, %parallel_loop3A_357 : vector<16xf32>
        %parallel_loop3A_444 = arith.addf %parallel_loop3A_352, %parallel_loop3A_430 : vector<16xf32>
        %parallel_loop3A_445 = arith.select %parallel_loop3A_443, %parallel_loop3A_439, %parallel_loop3A_357 : vector<16xi1>, vector<16xf32>
        %parallel_loop3A_446 = arith.select %parallel_loop3A_443, %parallel_loop3A_442, %parallel_loop3A_362 : vector<16xi1>, vector<16xi32>
        %parallel_loop3A_447 = arith.constant 3 : i32
        %parallel_loop3A_448 = arith.addi %parallel_loop3A_349, %parallel_loop3A_447 : i32
        %parallel_loop3A_449 = arith.constant 16 : i32
        %parallel_loop3A_450 = arith.muli %parallel_loop3A_448, %parallel_loop3A_449 : i32
        %parallel_loop3A_451 = arith.constant 20000 : i32
        %parallel_loop3A_452 = arith.addi %parallel_loop3A_451, %parallel_loop3A_450 : i32
        %parallel_loop3A_453 = arith.index_cast %parallel_loop3A_452 : i32 to index
        %parallel_loop3A_454 = tpu.vector_load %arg10[%parallel_loop3A_453] {strides = array<i32>} : memref<100000xf32, #tpu.memory_space<vmem>>, vector<16xf32>,
        %parallel_loop3A_455 = arith.subf %parallel_loop3A_454, %broadcast_in_dim3A_114 : vector<16xf32>
        %parallel_loop3A_456 = arith.mulf %parallel_loop3A_455, %div3A_5 : vector<16xf32>
        %parallel_loop3A_457 = math.exp %parallel_loop3A_456 : vector<16xf32>
        %parallel_loop3A_458 = arith.index_cast %parallel_loop3A_452 : i32 to index
        %parallel_loop3A_459 = tpu.vector_load %arg10[%parallel_loop3A_458] {strides = array<i32>} : memref<100000xf32, #tpu.memory_space<vmem>>, vector<16xf32>,
        tpu.vector_store %arg10[%parallel_loop3A_458], %parallel_loop3A_457 {strides = array<i32>} : memref<100000xf32, #tpu.memory_space<vmem>>, vector<16xf32>,
        %parallel_loop3A_460 = arith.constant 3 : i32
        %parallel_loop3A_461 = arith.addi %parallel_loop3A_349, %parallel_loop3A_460 : i32
        %parallel_loop3A_462 = arith.constant 16 : i32
        %parallel_loop3A_463 = arith.muli %parallel_loop3A_461, %parallel_loop3A_462 : i32
        %parallel_loop3A_464 = arith.index_cast %parallel_loop3A_463 : i32 to index
        %parallel_loop3A_465 = tpu.vector_load %arg11[%parallel_loop3A_464] {strides = array<i32>} : memref<10000xf32, #tpu.memory_space<vmem>>, vector<16xf32>,
        %parallel_loop3A_466 = arith.addf %parallel_loop3A_456, %parallel_loop3A_465 : vector<16xf32>
        %parallel_loop3A_467 = arith.constant 48 : i32
        %parallel_loop3A_468 = vector.broadcast %parallel_loop3A_467 : i32 to vector<16xi32>
        %parallel_loop3A_469 = arith.addi %parallel_loop3A_365, %parallel_loop3A_468 : vector<16xi32>
        %parallel_loop3A_470 = arith.cmpf ogt, %parallel_loop3A_466, %parallel_loop3A_358 : vector<16xf32>
        %parallel_loop3A_471 = arith.addf %parallel_loop3A_353, %parallel_loop3A_457 : vector<16xf32>
        %parallel_loop3A_472 = arith.select %parallel_loop3A_470, %parallel_loop3A_466, %parallel_loop3A_358 : vector<16xi1>, vector<16xf32>
        %parallel_loop3A_473 = arith.select %parallel_loop3A_470, %parallel_loop3A_469, %parallel_loop3A_363 : vector<16xi1>, vector<16xi32>
        %parallel_loop3A_474 = arith.constant 4 : i32
        %parallel_loop3A_475 = arith.addi %parallel_loop3A_349, %parallel_loop3A_474 : i32
        %parallel_loop3A_476 = arith.constant 16 : i32
        %parallel_loop3A_477 = arith.muli %parallel_loop3A_475, %parallel_loop3A_476 : i32
        %parallel_loop3A_478 = arith.constant 20000 : i32
        %parallel_loop3A_479 = arith.addi %parallel_loop3A_478, %parallel_loop3A_477 : i32
        %parallel_loop3A_480 = arith.index_cast %parallel_loop3A_479 : i32 to index
        %parallel_loop3A_481 = tpu.vector_load %arg10[%parallel_loop3A_480] {strides = array<i32>} : memref<100000xf32, #tpu.memory_space<vmem>>, vector<16xf32>,
        %parallel_loop3A_482 = arith.subf %parallel_loop3A_481, %broadcast_in_dim3A_114 : vector<16xf32>
        %parallel_loop3A_483 = arith.mulf %parallel_loop3A_482, %div3A_5 : vector<16xf32>
        %parallel_loop3A_484 = math.exp %parallel_loop3A_483 : vector<16xf32>
        %parallel_loop3A_485 = arith.index_cast %parallel_loop3A_479 : i32 to index
        %parallel_loop3A_486 = tpu.vector_load %arg10[%parallel_loop3A_485] {strides = array<i32>} : memref<100000xf32, #tpu.memory_space<vmem>>, vector<16xf32>,
        tpu.vector_store %arg10[%parallel_loop3A_485], %parallel_loop3A_484 {strides = array<i32>} : memref<100000xf32, #tpu.memory_space<vmem>>, vector<16xf32>,
        %parallel_loop3A_487 = arith.constant 4 : i32
        %parallel_loop3A_488 = arith.addi %parallel_loop3A_349, %parallel_loop3A_487 : i32
        %parallel_loop3A_489 = arith.constant 16 : i32
        %parallel_loop3A_490 = arith.muli %parallel_loop3A_488, %parallel_loop3A_489 : i32
        %parallel_loop3A_491 = arith.index_cast %parallel_loop3A_490 : i32 to index
        %parallel_loop3A_492 = tpu.vector_load %arg11[%parallel_loop3A_491] {strides = array<i32>} : memref<10000xf32, #tpu.memory_space<vmem>>, vector<16xf32>,
        %parallel_loop3A_493 = arith.addf %parallel_loop3A_483, %parallel_loop3A_492 : vector<16xf32>
        %parallel_loop3A_494 = arith.constant 64 : i32
        %parallel_loop3A_495 = vector.broadcast %parallel_loop3A_494 : i32 to vector<16xi32>
        %parallel_loop3A_496 = arith.addi %parallel_loop3A_365, %parallel_loop3A_495 : vector<16xi32>
        %parallel_loop3A_497 = arith.cmpf ogt, %parallel_loop3A_493, %parallel_loop3A_359 : vector<16xf32>
        %parallel_loop3A_498 = arith.addf %parallel_loop3A_354, %parallel_loop3A_484 : vector<16xf32>
        %parallel_loop3A_499 = arith.select %parallel_loop3A_497, %parallel_loop3A_493, %parallel_loop3A_359 : vector<16xi1>, vector<16xf32>
        %parallel_loop3A_500 = arith.select %parallel_loop3A_497, %parallel_loop3A_496, %parallel_loop3A_364 : vector<16xi1>, vector<16xi32>
        %parallel_loop3A_501 = arith.constant 80 : i32
        %parallel_loop3A_502 = vector.broadcast %parallel_loop3A_501 : i32 to vector<16xi32>
        %parallel_loop3A_503 = arith.addi %parallel_loop3A_365, %parallel_loop3A_502 : vector<16xi32>
        scf.yield %parallel_loop3A_390, %parallel_loop3A_417, %parallel_loop3A_444, %parallel_loop3A_471, %parallel_loop3A_498, %parallel_loop3A_391, %parallel_loop3A_418, %parallel_loop3A_445, %parallel_loop3A_472, %parallel_loop3A_499, %parallel_loop3A_392, %parallel_loop3A_419, %parallel_loop3A_446, %parallel_loop3A_473, %parallel_loop3A_500, %parallel_loop3A_503 : vector<16xf32>, vector<16xf32>, vector<16xf32>, vector<16xf32>, vector<16xf32>, vector<16xf32>, vector<16xf32>, vector<16xf32>, vector<16xf32>, vector<16xf32>, vector<16xi32>, vector<16xi32>, vector<16xi32>, vector<16xi32>, vector<16xi32>, vector<16xi32>
      } {sc.loop_unroll_factor = 1 : i64, sc.parallel_access}
      %dma_wait3A_179 = arith.constant 30000 : i32
      %dma_wait3A_180 = tpu.memref_slice %arg3[%add3A_28, %dma_wait3A_179] : memref<512x100000xf32, #tpu.memory_space<hbm>> -> memref<1x10000xf32, #tpu.memory_space<hbm>>
      %dma_wait3A_181 = tpu.memref_squeeze %dma_wait3A_180 : memref<1x10000xf32, #tpu.memory_space<hbm>> -> memref<10000xf32, #tpu.memory_space<hbm>>
      %dma_wait3A_182 = arith.constant 30000 : i32
      %dma_wait3A_183 = tpu.memref_slice %arg3[%add3A_28, %dma_wait3A_182] : memref<512x100000xf32, #tpu.memory_space<hbm>> -> memref<1x10000xf32, #tpu.memory_space<hbm>>
      %dma_wait3A_184 = tpu.memref_squeeze %dma_wait3A_183 : memref<1x10000xf32, #tpu.memory_space<hbm>> -> memref<10000xf32, #tpu.memory_space<hbm>>
      tpu.wait_dma2 semaphore(%arg20 : memref<!tpu.dma_semaphore, #tpu.memory_space<semaphore_mem>>) src(%dma_wait3A_184 : memref<10000xf32, #tpu.memory_space<hbm>>) dst(%arg12 : memref<10000xf32, #tpu.memory_space<vmem>>)
      %dma_start3A_185 = arith.constant 40000 : i32
      %dma_start3A_186 = tpu.memref_slice %arg3[%add3A_28, %dma_start3A_185] : memref<512x100000xf32, #tpu.memory_space<hbm>> -> memref<1x10000xf32, #tpu.memory_space<hbm>>
      %dma_start3A_187 = tpu.memref_squeeze %dma_start3A_186 : memref<1x10000xf32, #tpu.memory_space<hbm>> -> memref<10000xf32, #tpu.memory_space<hbm>>
      %dma_start3A_188 = arith.constant 40000 : i32
      %dma_start3A_189 = tpu.memref_slice %arg3[%add3A_28, %dma_start3A_188] : memref<512x100000xf32, #tpu.memory_space<hbm>> -> memref<1x10000xf32, #tpu.memory_space<hbm>>
      %dma_start3A_190 = tpu.memref_squeeze %dma_start3A_189 : memref<1x10000xf32, #tpu.memory_space<hbm>> -> memref<10000xf32, #tpu.memory_space<hbm>>
      tpu.enqueue_dma source(%dma_start3A_190 : memref<10000xf32, #tpu.memory_space<hbm>>) target(%arg11 : memref<10000xf32, #tpu.memory_space<vmem>>) target_semaphore(%arg19 : memref<!tpu.dma_semaphore, #tpu.memory_space<semaphore_mem>>)
      %parallel_loop3A_191 = arith.constant 0 : i32
      %parallel_loop3A_192 = arith.constant 625 : i32
      %parallel_loop3A_193 = arith.constant 5 : i32
      %parallel_loop3A_194:16 = scf.for %parallel_loop3A_349 = %parallel_loop3A_191 to %parallel_loop3A_192 step %parallel_loop3A_193 iter_args(%parallel_loop3A_350 = %parallel_loop3A_178#0, %parallel_loop3A_351 = %parallel_loop3A_178#1, %parallel_loop3A_352 = %parallel_loop3A_178#2, %parallel_loop3A_353 = %parallel_loop3A_178#3, %parallel_loop3A_354 = %parallel_loop3A_178#4, %parallel_loop3A_355 = %parallel_loop3A_178#5, %parallel_loop3A_356 = %parallel_loop3A_178#6, %parallel_loop3A_357 = %parallel_loop3A_178#7, %parallel_loop3A_358 = %parallel_loop3A_178#8, %parallel_loop3A_359 = %parallel_loop3A_178#9, %parallel_loop3A_360 = %parallel_loop3A_178#10, %parallel_loop3A_361 = %parallel_loop3A_178#11, %parallel_loop3A_362 = %parallel_loop3A_178#12, %parallel_loop3A_363 = %parallel_loop3A_178#13, %parallel_loop3A_364 = %parallel_loop3A_178#14, %parallel_loop3A_365 = %parallel_loop3A_178#15) -> (vector<16xf32>, vector<16xf32>, vector<16xf32>, vector<16xf32>, vector<16xf32>, vector<16xf32>, vector<16xf32>, vector<16xf32>, vector<16xf32>, vector<16xf32>, vector<16xi32>, vector<16xi32>, vector<16xi32>, vector<16xi32>, vector<16xi32>, vector<16xi32>)  : i32 {
        %parallel_loop3A_366 = arith.constant 0 : i32
        %parallel_loop3A_367 = arith.addi %parallel_loop3A_349, %parallel_loop3A_366 : i32
        %parallel_loop3A_368 = arith.constant 16 : i32
        %parallel_loop3A_369 = arith.muli %parallel_loop3A_367, %parallel_loop3A_368 : i32
        %parallel_loop3A_370 = arith.constant 30000 : i32
        %parallel_loop3A_371 = arith.addi %parallel_loop3A_370, %parallel_loop3A_369 : i32
        %parallel_loop3A_372 = arith.index_cast %parallel_loop3A_371 : i32 to index
        %parallel_loop3A_373 = tpu.vector_load %arg10[%parallel_loop3A_372] {strides = array<i32>} : memref<100000xf32, #tpu.memory_space<vmem>>, vector<16xf32>,
        %parallel_loop3A_374 = arith.subf %parallel_loop3A_373, %broadcast_in_dim3A_114 : vector<16xf32>
        %parallel_loop3A_375 = arith.mulf %parallel_loop3A_374, %div3A_5 : vector<16xf32>
        %parallel_loop3A_376 = math.exp %parallel_loop3A_375 : vector<16xf32>
        %parallel_loop3A_377 = arith.index_cast %parallel_loop3A_371 : i32 to index
        %parallel_loop3A_378 = tpu.vector_load %arg10[%parallel_loop3A_377] {strides = array<i32>} : memref<100000xf32, #tpu.memory_space<vmem>>, vector<16xf32>,
        tpu.vector_store %arg10[%parallel_loop3A_377], %parallel_loop3A_376 {strides = array<i32>} : memref<100000xf32, #tpu.memory_space<vmem>>, vector<16xf32>,
        %parallel_loop3A_379 = arith.constant 0 : i32
        %parallel_loop3A_380 = arith.addi %parallel_loop3A_349, %parallel_loop3A_379 : i32
        %parallel_loop3A_381 = arith.constant 16 : i32
        %parallel_loop3A_382 = arith.muli %parallel_loop3A_380, %parallel_loop3A_381 : i32
        %parallel_loop3A_383 = arith.index_cast %parallel_loop3A_382 : i32 to index
        %parallel_loop3A_384 = tpu.vector_load %arg12[%parallel_loop3A_383] {strides = array<i32>} : memref<10000xf32, #tpu.memory_space<vmem>>, vector<16xf32>,
        %parallel_loop3A_385 = arith.addf %parallel_loop3A_375, %parallel_loop3A_384 : vector<16xf32>
        %parallel_loop3A_386 = arith.constant 0 : i32
        %parallel_loop3A_387 = vector.broadcast %parallel_loop3A_386 : i32 to vector<16xi32>
        %parallel_loop3A_388 = arith.addi %parallel_loop3A_365, %parallel_loop3A_387 : vector<16xi32>
        %parallel_loop3A_389 = arith.cmpf ogt, %parallel_loop3A_385, %parallel_loop3A_355 : vector<16xf32>
        %parallel_loop3A_390 = arith.addf %parallel_loop3A_350, %parallel_loop3A_376 : vector<16xf32>
        %parallel_loop3A_391 = arith.select %parallel_loop3A_389, %parallel_loop3A_385, %parallel_loop3A_355 : vector<16xi1>, vector<16xf32>
        %parallel_loop3A_392 = arith.select %parallel_loop3A_389, %parallel_loop3A_388, %parallel_loop3A_360 : vector<16xi1>, vector<16xi32>
        %parallel_loop3A_393 = arith.constant 1 : i32
        %parallel_loop3A_394 = arith.addi %parallel_loop3A_349, %parallel_loop3A_393 : i32
        %parallel_loop3A_395 = arith.constant 16 : i32
        %parallel_loop3A_396 = arith.muli %parallel_loop3A_394, %parallel_loop3A_395 : i32
        %parallel_loop3A_397 = arith.constant 30000 : i32
        %parallel_loop3A_398 = arith.addi %parallel_loop3A_397, %parallel_loop3A_396 : i32
        %parallel_loop3A_399 = arith.index_cast %parallel_loop3A_398 : i32 to index
        %parallel_loop3A_400 = tpu.vector_load %arg10[%parallel_loop3A_399] {strides = array<i32>} : memref<100000xf32, #tpu.memory_space<vmem>>, vector<16xf32>,
        %parallel_loop3A_401 = arith.subf %parallel_loop3A_400, %broadcast_in_dim3A_114 : vector<16xf32>
        %parallel_loop3A_402 = arith.mulf %parallel_loop3A_401, %div3A_5 : vector<16xf32>
        %parallel_loop3A_403 = math.exp %parallel_loop3A_402 : vector<16xf32>
        %parallel_loop3A_404 = arith.index_cast %parallel_loop3A_398 : i32 to index
        %parallel_loop3A_405 = tpu.vector_load %arg10[%parallel_loop3A_404] {strides = array<i32>} : memref<100000xf32, #tpu.memory_space<vmem>>, vector<16xf32>,
        tpu.vector_store %arg10[%parallel_loop3A_404], %parallel_loop3A_403 {strides = array<i32>} : memref<100000xf32, #tpu.memory_space<vmem>>, vector<16xf32>,
        %parallel_loop3A_406 = arith.constant 1 : i32
        %parallel_loop3A_407 = arith.addi %parallel_loop3A_349, %parallel_loop3A_406 : i32
        %parallel_loop3A_408 = arith.constant 16 : i32
        %parallel_loop3A_409 = arith.muli %parallel_loop3A_407, %parallel_loop3A_408 : i32
        %parallel_loop3A_410 = arith.index_cast %parallel_loop3A_409 : i32 to index
        %parallel_loop3A_411 = tpu.vector_load %arg12[%parallel_loop3A_410] {strides = array<i32>} : memref<10000xf32, #tpu.memory_space<vmem>>, vector<16xf32>,
        %parallel_loop3A_412 = arith.addf %parallel_loop3A_402, %parallel_loop3A_411 : vector<16xf32>
        %parallel_loop3A_413 = arith.constant 16 : i32
        %parallel_loop3A_414 = vector.broadcast %parallel_loop3A_413 : i32 to vector<16xi32>
        %parallel_loop3A_415 = arith.addi %parallel_loop3A_365, %parallel_loop3A_414 : vector<16xi32>
        %parallel_loop3A_416 = arith.cmpf ogt, %parallel_loop3A_412, %parallel_loop3A_356 : vector<16xf32>
        %parallel_loop3A_417 = arith.addf %parallel_loop3A_351, %parallel_loop3A_403 : vector<16xf32>
        %parallel_loop3A_418 = arith.select %parallel_loop3A_416, %parallel_loop3A_412, %parallel_loop3A_356 : vector<16xi1>, vector<16xf32>
        %parallel_loop3A_419 = arith.select %parallel_loop3A_416, %parallel_loop3A_415, %parallel_loop3A_361 : vector<16xi1>, vector<16xi32>
        %parallel_loop3A_420 = arith.constant 2 : i32
        %parallel_loop3A_421 = arith.addi %parallel_loop3A_349, %parallel_loop3A_420 : i32
        %parallel_loop3A_422 = arith.constant 16 : i32
        %parallel_loop3A_423 = arith.muli %parallel_loop3A_421, %parallel_loop3A_422 : i32
        %parallel_loop3A_424 = arith.constant 30000 : i32
        %parallel_loop3A_425 = arith.addi %parallel_loop3A_424, %parallel_loop3A_423 : i32
        %parallel_loop3A_426 = arith.index_cast %parallel_loop3A_425 : i32 to index
        %parallel_loop3A_427 = tpu.vector_load %arg10[%parallel_loop3A_426] {strides = array<i32>} : memref<100000xf32, #tpu.memory_space<vmem>>, vector<16xf32>,
        %parallel_loop3A_428 = arith.subf %parallel_loop3A_427, %broadcast_in_dim3A_114 : vector<16xf32>
        %parallel_loop3A_429 = arith.mulf %parallel_loop3A_428, %div3A_5 : vector<16xf32>
        %parallel_loop3A_430 = math.exp %parallel_loop3A_429 : vector<16xf32>
        %parallel_loop3A_431 = arith.index_cast %parallel_loop3A_425 : i32 to index
        %parallel_loop3A_432 = tpu.vector_load %arg10[%parallel_loop3A_431] {strides = array<i32>} : memref<100000xf32, #tpu.memory_space<vmem>>, vector<16xf32>,
        tpu.vector_store %arg10[%parallel_loop3A_431], %parallel_loop3A_430 {strides = array<i32>} : memref<100000xf32, #tpu.memory_space<vmem>>, vector<16xf32>,
        %parallel_loop3A_433 = arith.constant 2 : i32
        %parallel_loop3A_434 = arith.addi %parallel_loop3A_349, %parallel_loop3A_433 : i32
        %parallel_loop3A_435 = arith.constant 16 : i32
        %parallel_loop3A_436 = arith.muli %parallel_loop3A_434, %parallel_loop3A_435 : i32
        %parallel_loop3A_437 = arith.index_cast %parallel_loop3A_436 : i32 to index
        %parallel_loop3A_438 = tpu.vector_load %arg12[%parallel_loop3A_437] {strides = array<i32>} : memref<10000xf32, #tpu.memory_space<vmem>>, vector<16xf32>,
        %parallel_loop3A_439 = arith.addf %parallel_loop3A_429, %parallel_loop3A_438 : vector<16xf32>
        %parallel_loop3A_440 = arith.constant 32 : i32
        %parallel_loop3A_441 = vector.broadcast %parallel_loop3A_440 : i32 to vector<16xi32>
        %parallel_loop3A_442 = arith.addi %parallel_loop3A_365, %parallel_loop3A_441 : vector<16xi32>
        %parallel_loop3A_443 = arith.cmpf ogt, %parallel_loop3A_439, %parallel_loop3A_357 : vector<16xf32>
        %parallel_loop3A_444 = arith.addf %parallel_loop3A_352, %parallel_loop3A_430 : vector<16xf32>
        %parallel_loop3A_445 = arith.select %parallel_loop3A_443, %parallel_loop3A_439, %parallel_loop3A_357 : vector<16xi1>, vector<16xf32>
        %parallel_loop3A_446 = arith.select %parallel_loop3A_443, %parallel_loop3A_442, %parallel_loop3A_362 : vector<16xi1>, vector<16xi32>
        %parallel_loop3A_447 = arith.constant 3 : i32
        %parallel_loop3A_448 = arith.addi %parallel_loop3A_349, %parallel_loop3A_447 : i32
        %parallel_loop3A_449 = arith.constant 16 : i32
        %parallel_loop3A_450 = arith.muli %parallel_loop3A_448, %parallel_loop3A_449 : i32
        %parallel_loop3A_451 = arith.constant 30000 : i32
        %parallel_loop3A_452 = arith.addi %parallel_loop3A_451, %parallel_loop3A_450 : i32
        %parallel_loop3A_453 = arith.index_cast %parallel_loop3A_452 : i32 to index
        %parallel_loop3A_454 = tpu.vector_load %arg10[%parallel_loop3A_453] {strides = array<i32>} : memref<100000xf32, #tpu.memory_space<vmem>>, vector<16xf32>,
        %parallel_loop3A_455 = arith.subf %parallel_loop3A_454, %broadcast_in_dim3A_114 : vector<16xf32>
        %parallel_loop3A_456 = arith.mulf %parallel_loop3A_455, %div3A_5 : vector<16xf32>
        %parallel_loop3A_457 = math.exp %parallel_loop3A_456 : vector<16xf32>
        %parallel_loop3A_458 = arith.index_cast %parallel_loop3A_452 : i32 to index
        %parallel_loop3A_459 = tpu.vector_load %arg10[%parallel_loop3A_458] {strides = array<i32>} : memref<100000xf32, #tpu.memory_space<vmem>>, vector<16xf32>,
        tpu.vector_store %arg10[%parallel_loop3A_458], %parallel_loop3A_457 {strides = array<i32>} : memref<100000xf32, #tpu.memory_space<vmem>>, vector<16xf32>,
        %parallel_loop3A_460 = arith.constant 3 : i32
        %parallel_loop3A_461 = arith.addi %parallel_loop3A_349, %parallel_loop3A_460 : i32
        %parallel_loop3A_462 = arith.constant 16 : i32
        %parallel_loop3A_463 = arith.muli %parallel_loop3A_461, %parallel_loop3A_462 : i32
        %parallel_loop3A_464 = arith.index_cast %parallel_loop3A_463 : i32 to index
        %parallel_loop3A_465 = tpu.vector_load %arg12[%parallel_loop3A_464] {strides = array<i32>} : memref<10000xf32, #tpu.memory_space<vmem>>, vector<16xf32>,
        %parallel_loop3A_466 = arith.addf %parallel_loop3A_456, %parallel_loop3A_465 : vector<16xf32>
        %parallel_loop3A_467 = arith.constant 48 : i32
        %parallel_loop3A_468 = vector.broadcast %parallel_loop3A_467 : i32 to vector<16xi32>
        %parallel_loop3A_469 = arith.addi %parallel_loop3A_365, %parallel_loop3A_468 : vector<16xi32>
        %parallel_loop3A_470 = arith.cmpf ogt, %parallel_loop3A_466, %parallel_loop3A_358 : vector<16xf32>
        %parallel_loop3A_471 = arith.addf %parallel_loop3A_353, %parallel_loop3A_457 : vector<16xf32>
        %parallel_loop3A_472 = arith.select %parallel_loop3A_470, %parallel_loop3A_466, %parallel_loop3A_358 : vector<16xi1>, vector<16xf32>
        %parallel_loop3A_473 = arith.select %parallel_loop3A_470, %parallel_loop3A_469, %parallel_loop3A_363 : vector<16xi1>, vector<16xi32>
        %parallel_loop3A_474 = arith.constant 4 : i32
        %parallel_loop3A_475 = arith.addi %parallel_loop3A_349, %parallel_loop3A_474 : i32
        %parallel_loop3A_476 = arith.constant 16 : i32
        %parallel_loop3A_477 = arith.muli %parallel_loop3A_475, %parallel_loop3A_476 : i32
        %parallel_loop3A_478 = arith.constant 30000 : i32
        %parallel_loop3A_479 = arith.addi %parallel_loop3A_478, %parallel_loop3A_477 : i32
        %parallel_loop3A_480 = arith.index_cast %parallel_loop3A_479 : i32 to index
        %parallel_loop3A_481 = tpu.vector_load %arg10[%parallel_loop3A_480] {strides = array<i32>} : memref<100000xf32, #tpu.memory_space<vmem>>, vector<16xf32>,
        %parallel_loop3A_482 = arith.subf %parallel_loop3A_481, %broadcast_in_dim3A_114 : vector<16xf32>
        %parallel_loop3A_483 = arith.mulf %parallel_loop3A_482, %div3A_5 : vector<16xf32>
        %parallel_loop3A_484 = math.exp %parallel_loop3A_483 : vector<16xf32>
        %parallel_loop3A_485 = arith.index_cast %parallel_loop3A_479 : i32 to index
        %parallel_loop3A_486 = tpu.vector_load %arg10[%parallel_loop3A_485] {strides = array<i32>} : memref<100000xf32, #tpu.memory_space<vmem>>, vector<16xf32>,
        tpu.vector_store %arg10[%parallel_loop3A_485], %parallel_loop3A_484 {strides = array<i32>} : memref<100000xf32, #tpu.memory_space<vmem>>, vector<16xf32>,
        %parallel_loop3A_487 = arith.constant 4 : i32
        %parallel_loop3A_488 = arith.addi %parallel_loop3A_349, %parallel_loop3A_487 : i32
        %parallel_loop3A_489 = arith.constant 16 : i32
        %parallel_loop3A_490 = arith.muli %parallel_loop3A_488, %parallel_loop3A_489 : i32
        %parallel_loop3A_491 = arith.index_cast %parallel_loop3A_490 : i32 to index
        %parallel_loop3A_492 = tpu.vector_load %arg12[%parallel_loop3A_491] {strides = array<i32>} : memref<10000xf32, #tpu.memory_space<vmem>>, vector<16xf32>,
        %parallel_loop3A_493 = arith.addf %parallel_loop3A_483, %parallel_loop3A_492 : vector<16xf32>
        %parallel_loop3A_494 = arith.constant 64 : i32
        %parallel_loop3A_495 = vector.broadcast %parallel_loop3A_494 : i32 to vector<16xi32>
        %parallel_loop3A_496 = arith.addi %parallel_loop3A_365, %parallel_loop3A_495 : vector<16xi32>
        %parallel_loop3A_497 = arith.cmpf ogt, %parallel_loop3A_493, %parallel_loop3A_359 : vector<16xf32>
        %parallel_loop3A_498 = arith.addf %parallel_loop3A_354, %parallel_loop3A_484 : vector<16xf32>
        %parallel_loop3A_499 = arith.select %parallel_loop3A_497, %parallel_loop3A_493, %parallel_loop3A_359 : vector<16xi1>, vector<16xf32>
        %parallel_loop3A_500 = arith.select %parallel_loop3A_497, %parallel_loop3A_496, %parallel_loop3A_364 : vector<16xi1>, vector<16xi32>
        %parallel_loop3A_501 = arith.constant 80 : i32
        %parallel_loop3A_502 = vector.broadcast %parallel_loop3A_501 : i32 to vector<16xi32>
        %parallel_loop3A_503 = arith.addi %parallel_loop3A_365, %parallel_loop3A_502 : vector<16xi32>
        scf.yield %parallel_loop3A_390, %parallel_loop3A_417, %parallel_loop3A_444, %parallel_loop3A_471, %parallel_loop3A_498, %parallel_loop3A_391, %parallel_loop3A_418, %parallel_loop3A_445, %parallel_loop3A_472, %parallel_loop3A_499, %parallel_loop3A_392, %parallel_loop3A_419, %parallel_loop3A_446, %parallel_loop3A_473, %parallel_loop3A_500, %parallel_loop3A_503 : vector<16xf32>, vector<16xf32>, vector<16xf32>, vector<16xf32>, vector<16xf32>, vector<16xf32>, vector<16xf32>, vector<16xf32>, vector<16xf32>, vector<16xf32>, vector<16xi32>, vector<16xi32>, vector<16xi32>, vector<16xi32>, vector<16xi32>, vector<16xi32>
      } {sc.loop_unroll_factor = 1 : i64, sc.parallel_access}
      %dma_wait3A_195 = arith.constant 40000 : i32
      %dma_wait3A_196 = tpu.memref_slice %arg3[%add3A_28, %dma_wait3A_195] : memref<512x100000xf32, #tpu.memory_space<hbm>> -> memref<1x10000xf32, #tpu.memory_space<hbm>>
      %dma_wait3A_197 = tpu.memref_squeeze %dma_wait3A_196 : memref<1x10000xf32, #tpu.memory_space<hbm>> -> memref<10000xf32, #tpu.memory_space<hbm>>
      %dma_wait3A_198 = arith.constant 40000 : i32
      %dma_wait3A_199 = tpu.memref_slice %arg3[%add3A_28, %dma_wait3A_198] : memref<512x100000xf32, #tpu.memory_space<hbm>> -> memref<1x10000xf32, #tpu.memory_space<hbm>>
      %dma_wait3A_200 = tpu.memref_squeeze %dma_wait3A_199 : memref<1x10000xf32, #tpu.memory_space<hbm>> -> memref<10000xf32, #tpu.memory_space<hbm>>
      tpu.wait_dma2 semaphore(%arg19 : memref<!tpu.dma_semaphore, #tpu.memory_space<semaphore_mem>>) src(%dma_wait3A_200 : memref<10000xf32, #tpu.memory_space<hbm>>) dst(%arg11 : memref<10000xf32, #tpu.memory_space<vmem>>)
      %dma_start3A_201 = arith.constant 50000 : i32
      %dma_start3A_202 = tpu.memref_slice %arg3[%add3A_28, %dma_start3A_201] : memref<512x100000xf32, #tpu.memory_space<hbm>> -> memref<1x10000xf32, #tpu.memory_space<hbm>>
      %dma_start3A_203 = tpu.memref_squeeze %dma_start3A_202 : memref<1x10000xf32, #tpu.memory_space<hbm>> -> memref<10000xf32, #tpu.memory_space<hbm>>
      %dma_start3A_204 = arith.constant 50000 : i32
      %dma_start3A_205 = tpu.memref_slice %arg3[%add3A_28, %dma_start3A_204] : memref<512x100000xf32, #tpu.memory_space<hbm>> -> memref<1x10000xf32, #tpu.memory_space<hbm>>
      %dma_start3A_206 = tpu.memref_squeeze %dma_start3A_205 : memref<1x10000xf32, #tpu.memory_space<hbm>> -> memref<10000xf32, #tpu.memory_space<hbm>>
      tpu.enqueue_dma source(%dma_start3A_206 : memref<10000xf32, #tpu.memory_space<hbm>>) target(%arg12 : memref<10000xf32, #tpu.memory_space<vmem>>) target_semaphore(%arg20 : memref<!tpu.dma_semaphore, #tpu.memory_space<semaphore_mem>>)
      %parallel_loop3A_207 = arith.constant 0 : i32
      %parallel_loop3A_208 = arith.constant 625 : i32
      %parallel_loop3A_209 = arith.constant 5 : i32
      %parallel_loop3A_210:16 = scf.for %parallel_loop3A_349 = %parallel_loop3A_207 to %parallel_loop3A_208 step %parallel_loop3A_209 iter_args(%parallel_loop3A_350 = %parallel_loop3A_194#0, %parallel_loop3A_351 = %parallel_loop3A_194#1, %parallel_loop3A_352 = %parallel_loop3A_194#2, %parallel_loop3A_353 = %parallel_loop3A_194#3, %parallel_loop3A_354 = %parallel_loop3A_194#4, %parallel_loop3A_355 = %parallel_loop3A_194#5, %parallel_loop3A_356 = %parallel_loop3A_194#6, %parallel_loop3A_357 = %parallel_loop3A_194#7, %parallel_loop3A_358 = %parallel_loop3A_194#8, %parallel_loop3A_359 = %parallel_loop3A_194#9, %parallel_loop3A_360 = %parallel_loop3A_194#10, %parallel_loop3A_361 = %parallel_loop3A_194#11, %parallel_loop3A_362 = %parallel_loop3A_194#12, %parallel_loop3A_363 = %parallel_loop3A_194#13, %parallel_loop3A_364 = %parallel_loop3A_194#14, %parallel_loop3A_365 = %parallel_loop3A_194#15) -> (vector<16xf32>, vector<16xf32>, vector<16xf32>, vector<16xf32>, vector<16xf32>, vector<16xf32>, vector<16xf32>, vector<16xf32>, vector<16xf32>, vector<16xf32>, vector<16xi32>, vector<16xi32>, vector<16xi32>, vector<16xi32>, vector<16xi32>, vector<16xi32>)  : i32 {
        %parallel_loop3A_366 = arith.constant 0 : i32
        %parallel_loop3A_367 = arith.addi %parallel_loop3A_349, %parallel_loop3A_366 : i32
        %parallel_loop3A_368 = arith.constant 16 : i32
        %parallel_loop3A_369 = arith.muli %parallel_loop3A_367, %parallel_loop3A_368 : i32
        %parallel_loop3A_370 = arith.constant 40000 : i32
        %parallel_loop3A_371 = arith.addi %parallel_loop3A_370, %parallel_loop3A_369 : i32
        %parallel_loop3A_372 = arith.index_cast %parallel_loop3A_371 : i32 to index
        %parallel_loop3A_373 = tpu.vector_load %arg10[%parallel_loop3A_372] {strides = array<i32>} : memref<100000xf32, #tpu.memory_space<vmem>>, vector<16xf32>,
        %parallel_loop3A_374 = arith.subf %parallel_loop3A_373, %broadcast_in_dim3A_114 : vector<16xf32>
        %parallel_loop3A_375 = arith.mulf %parallel_loop3A_374, %div3A_5 : vector<16xf32>
        %parallel_loop3A_376 = math.exp %parallel_loop3A_375 : vector<16xf32>
        %parallel_loop3A_377 = arith.index_cast %parallel_loop3A_371 : i32 to index
        %parallel_loop3A_378 = tpu.vector_load %arg10[%parallel_loop3A_377] {strides = array<i32>} : memref<100000xf32, #tpu.memory_space<vmem>>, vector<16xf32>,
        tpu.vector_store %arg10[%parallel_loop3A_377], %parallel_loop3A_376 {strides = array<i32>} : memref<100000xf32, #tpu.memory_space<vmem>>, vector<16xf32>,
        %parallel_loop3A_379 = arith.constant 0 : i32
        %parallel_loop3A_380 = arith.addi %parallel_loop3A_349, %parallel_loop3A_379 : i32
        %parallel_loop3A_381 = arith.constant 16 : i32
        %parallel_loop3A_382 = arith.muli %parallel_loop3A_380, %parallel_loop3A_381 : i32
        %parallel_loop3A_383 = arith.index_cast %parallel_loop3A_382 : i32 to index
        %parallel_loop3A_384 = tpu.vector_load %arg11[%parallel_loop3A_383] {strides = array<i32>} : memref<10000xf32, #tpu.memory_space<vmem>>, vector<16xf32>,
        %parallel_loop3A_385 = arith.addf %parallel_loop3A_375, %parallel_loop3A_384 : vector<16xf32>
        %parallel_loop3A_386 = arith.constant 0 : i32
        %parallel_loop3A_387 = vector.broadcast %parallel_loop3A_386 : i32 to vector<16xi32>
        %parallel_loop3A_388 = arith.addi %parallel_loop3A_365, %parallel_loop3A_387 : vector<16xi32>
        %parallel_loop3A_389 = arith.cmpf ogt, %parallel_loop3A_385, %parallel_loop3A_355 : vector<16xf32>
        %parallel_loop3A_390 = arith.addf %parallel_loop3A_350, %parallel_loop3A_376 : vector<16xf32>
        %parallel_loop3A_391 = arith.select %parallel_loop3A_389, %parallel_loop3A_385, %parallel_loop3A_355 : vector<16xi1>, vector<16xf32>
        %parallel_loop3A_392 = arith.select %parallel_loop3A_389, %parallel_loop3A_388, %parallel_loop3A_360 : vector<16xi1>, vector<16xi32>
        %parallel_loop3A_393 = arith.constant 1 : i32
        %parallel_loop3A_394 = arith.addi %parallel_loop3A_349, %parallel_loop3A_393 : i32
        %parallel_loop3A_395 = arith.constant 16 : i32
        %parallel_loop3A_396 = arith.muli %parallel_loop3A_394, %parallel_loop3A_395 : i32
        %parallel_loop3A_397 = arith.constant 40000 : i32
        %parallel_loop3A_398 = arith.addi %parallel_loop3A_397, %parallel_loop3A_396 : i32
        %parallel_loop3A_399 = arith.index_cast %parallel_loop3A_398 : i32 to index
        %parallel_loop3A_400 = tpu.vector_load %arg10[%parallel_loop3A_399] {strides = array<i32>} : memref<100000xf32, #tpu.memory_space<vmem>>, vector<16xf32>,
        %parallel_loop3A_401 = arith.subf %parallel_loop3A_400, %broadcast_in_dim3A_114 : vector<16xf32>
        %parallel_loop3A_402 = arith.mulf %parallel_loop3A_401, %div3A_5 : vector<16xf32>
        %parallel_loop3A_403 = math.exp %parallel_loop3A_402 : vector<16xf32>
        %parallel_loop3A_404 = arith.index_cast %parallel_loop3A_398 : i32 to index
        %parallel_loop3A_405 = tpu.vector_load %arg10[%parallel_loop3A_404] {strides = array<i32>} : memref<100000xf32, #tpu.memory_space<vmem>>, vector<16xf32>,
        tpu.vector_store %arg10[%parallel_loop3A_404], %parallel_loop3A_403 {strides = array<i32>} : memref<100000xf32, #tpu.memory_space<vmem>>, vector<16xf32>,
        %parallel_loop3A_406 = arith.constant 1 : i32
        %parallel_loop3A_407 = arith.addi %parallel_loop3A_349, %parallel_loop3A_406 : i32
        %parallel_loop3A_408 = arith.constant 16 : i32
        %parallel_loop3A_409 = arith.muli %parallel_loop3A_407, %parallel_loop3A_408 : i32
        %parallel_loop3A_410 = arith.index_cast %parallel_loop3A_409 : i32 to index
        %parallel_loop3A_411 = tpu.vector_load %arg11[%parallel_loop3A_410] {strides = array<i32>} : memref<10000xf32, #tpu.memory_space<vmem>>, vector<16xf32>,
        %parallel_loop3A_412 = arith.addf %parallel_loop3A_402, %parallel_loop3A_411 : vector<16xf32>
        %parallel_loop3A_413 = arith.constant 16 : i32
        %parallel_loop3A_414 = vector.broadcast %parallel_loop3A_413 : i32 to vector<16xi32>
        %parallel_loop3A_415 = arith.addi %parallel_loop3A_365, %parallel_loop3A_414 : vector<16xi32>
        %parallel_loop3A_416 = arith.cmpf ogt, %parallel_loop3A_412, %parallel_loop3A_356 : vector<16xf32>
        %parallel_loop3A_417 = arith.addf %parallel_loop3A_351, %parallel_loop3A_403 : vector<16xf32>
        %parallel_loop3A_418 = arith.select %parallel_loop3A_416, %parallel_loop3A_412, %parallel_loop3A_356 : vector<16xi1>, vector<16xf32>
        %parallel_loop3A_419 = arith.select %parallel_loop3A_416, %parallel_loop3A_415, %parallel_loop3A_361 : vector<16xi1>, vector<16xi32>
        %parallel_loop3A_420 = arith.constant 2 : i32
        %parallel_loop3A_421 = arith.addi %parallel_loop3A_349, %parallel_loop3A_420 : i32
        %parallel_loop3A_422 = arith.constant 16 : i32
        %parallel_loop3A_423 = arith.muli %parallel_loop3A_421, %parallel_loop3A_422 : i32
        %parallel_loop3A_424 = arith.constant 40000 : i32
        %parallel_loop3A_425 = arith.addi %parallel_loop3A_424, %parallel_loop3A_423 : i32
        %parallel_loop3A_426 = arith.index_cast %parallel_loop3A_425 : i32 to index
        %parallel_loop3A_427 = tpu.vector_load %arg10[%parallel_loop3A_426] {strides = array<i32>} : memref<100000xf32, #tpu.memory_space<vmem>>, vector<16xf32>,
        %parallel_loop3A_428 = arith.subf %parallel_loop3A_427, %broadcast_in_dim3A_114 : vector<16xf32>
        %parallel_loop3A_429 = arith.mulf %parallel_loop3A_428, %div3A_5 : vector<16xf32>
        %parallel_loop3A_430 = math.exp %parallel_loop3A_429 : vector<16xf32>
        %parallel_loop3A_431 = arith.index_cast %parallel_loop3A_425 : i32 to index
        %parallel_loop3A_432 = tpu.vector_load %arg10[%parallel_loop3A_431] {strides = array<i32>} : memref<100000xf32, #tpu.memory_space<vmem>>, vector<16xf32>,
        tpu.vector_store %arg10[%parallel_loop3A_431], %parallel_loop3A_430 {strides = array<i32>} : memref<100000xf32, #tpu.memory_space<vmem>>, vector<16xf32>,
        %parallel_loop3A_433 = arith.constant 2 : i32
        %parallel_loop3A_434 = arith.addi %parallel_loop3A_349, %parallel_loop3A_433 : i32
        %parallel_loop3A_435 = arith.constant 16 : i32
        %parallel_loop3A_436 = arith.muli %parallel_loop3A_434, %parallel_loop3A_435 : i32
        %parallel_loop3A_437 = arith.index_cast %parallel_loop3A_436 : i32 to index
        %parallel_loop3A_438 = tpu.vector_load %arg11[%parallel_loop3A_437] {strides = array<i32>} : memref<10000xf32, #tpu.memory_space<vmem>>, vector<16xf32>,
        %parallel_loop3A_439 = arith.addf %parallel_loop3A_429, %parallel_loop3A_438 : vector<16xf32>
        %parallel_loop3A_440 = arith.constant 32 : i32
        %parallel_loop3A_441 = vector.broadcast %parallel_loop3A_440 : i32 to vector<16xi32>
        %parallel_loop3A_442 = arith.addi %parallel_loop3A_365, %parallel_loop3A_441 : vector<16xi32>
        %parallel_loop3A_443 = arith.cmpf ogt, %parallel_loop3A_439, %parallel_loop3A_357 : vector<16xf32>
        %parallel_loop3A_444 = arith.addf %parallel_loop3A_352, %parallel_loop3A_430 : vector<16xf32>
        %parallel_loop3A_445 = arith.select %parallel_loop3A_443, %parallel_loop3A_439, %parallel_loop3A_357 : vector<16xi1>, vector<16xf32>
        %parallel_loop3A_446 = arith.select %parallel_loop3A_443, %parallel_loop3A_442, %parallel_loop3A_362 : vector<16xi1>, vector<16xi32>
        %parallel_loop3A_447 = arith.constant 3 : i32
        %parallel_loop3A_448 = arith.addi %parallel_loop3A_349, %parallel_loop3A_447 : i32
        %parallel_loop3A_449 = arith.constant 16 : i32
        %parallel_loop3A_450 = arith.muli %parallel_loop3A_448, %parallel_loop3A_449 : i32
        %parallel_loop3A_451 = arith.constant 40000 : i32
        %parallel_loop3A_452 = arith.addi %parallel_loop3A_451, %parallel_loop3A_450 : i32
        %parallel_loop3A_453 = arith.index_cast %parallel_loop3A_452 : i32 to index
        %parallel_loop3A_454 = tpu.vector_load %arg10[%parallel_loop3A_453] {strides = array<i32>} : memref<100000xf32, #tpu.memory_space<vmem>>, vector<16xf32>,
        %parallel_loop3A_455 = arith.subf %parallel_loop3A_454, %broadcast_in_dim3A_114 : vector<16xf32>
        %parallel_loop3A_456 = arith.mulf %parallel_loop3A_455, %div3A_5 : vector<16xf32>
        %parallel_loop3A_457 = math.exp %parallel_loop3A_456 : vector<16xf32>
        %parallel_loop3A_458 = arith.index_cast %parallel_loop3A_452 : i32 to index
        %parallel_loop3A_459 = tpu.vector_load %arg10[%parallel_loop3A_458] {strides = array<i32>} : memref<100000xf32, #tpu.memory_space<vmem>>, vector<16xf32>,
        tpu.vector_store %arg10[%parallel_loop3A_458], %parallel_loop3A_457 {strides = array<i32>} : memref<100000xf32, #tpu.memory_space<vmem>>, vector<16xf32>,
        %parallel_loop3A_460 = arith.constant 3 : i32
        %parallel_loop3A_461 = arith.addi %parallel_loop3A_349, %parallel_loop3A_460 : i32
        %parallel_loop3A_462 = arith.constant 16 : i32
        %parallel_loop3A_463 = arith.muli %parallel_loop3A_461, %parallel_loop3A_462 : i32
        %parallel_loop3A_464 = arith.index_cast %parallel_loop3A_463 : i32 to index
        %parallel_loop3A_465 = tpu.vector_load %arg11[%parallel_loop3A_464] {strides = array<i32>} : memref<10000xf32, #tpu.memory_space<vmem>>, vector<16xf32>,
        %parallel_loop3A_466 = arith.addf %parallel_loop3A_456, %parallel_loop3A_465 : vector<16xf32>
        %parallel_loop3A_467 = arith.constant 48 : i32
        %parallel_loop3A_468 = vector.broadcast %parallel_loop3A_467 : i32 to vector<16xi32>
        %parallel_loop3A_469 = arith.addi %parallel_loop3A_365, %parallel_loop3A_468 : vector<16xi32>
        %parallel_loop3A_470 = arith.cmpf ogt, %parallel_loop3A_466, %parallel_loop3A_358 : vector<16xf32>
        %parallel_loop3A_471 = arith.addf %parallel_loop3A_353, %parallel_loop3A_457 : vector<16xf32>
        %parallel_loop3A_472 = arith.select %parallel_loop3A_470, %parallel_loop3A_466, %parallel_loop3A_358 : vector<16xi1>, vector<16xf32>
        %parallel_loop3A_473 = arith.select %parallel_loop3A_470, %parallel_loop3A_469, %parallel_loop3A_363 : vector<16xi1>, vector<16xi32>
        %parallel_loop3A_474 = arith.constant 4 : i32
        %parallel_loop3A_475 = arith.addi %parallel_loop3A_349, %parallel_loop3A_474 : i32
        %parallel_loop3A_476 = arith.constant 16 : i32
        %parallel_loop3A_477 = arith.muli %parallel_loop3A_475, %parallel_loop3A_476 : i32
        %parallel_loop3A_478 = arith.constant 40000 : i32
        %parallel_loop3A_479 = arith.addi %parallel_loop3A_478, %parallel_loop3A_477 : i32
        %parallel_loop3A_480 = arith.index_cast %parallel_loop3A_479 : i32 to index
        %parallel_loop3A_481 = tpu.vector_load %arg10[%parallel_loop3A_480] {strides = array<i32>} : memref<100000xf32, #tpu.memory_space<vmem>>, vector<16xf32>,
        %parallel_loop3A_482 = arith.subf %parallel_loop3A_481, %broadcast_in_dim3A_114 : vector<16xf32>
        %parallel_loop3A_483 = arith.mulf %parallel_loop3A_482, %div3A_5 : vector<16xf32>
        %parallel_loop3A_484 = math.exp %parallel_loop3A_483 : vector<16xf32>
        %parallel_loop3A_485 = arith.index_cast %parallel_loop3A_479 : i32 to index
        %parallel_loop3A_486 = tpu.vector_load %arg10[%parallel_loop3A_485] {strides = array<i32>} : memref<100000xf32, #tpu.memory_space<vmem>>, vector<16xf32>,
        tpu.vector_store %arg10[%parallel_loop3A_485], %parallel_loop3A_484 {strides = array<i32>} : memref<100000xf32, #tpu.memory_space<vmem>>, vector<16xf32>,
        %parallel_loop3A_487 = arith.constant 4 : i32
        %parallel_loop3A_488 = arith.addi %parallel_loop3A_349, %parallel_loop3A_487 : i32
        %parallel_loop3A_489 = arith.constant 16 : i32
        %parallel_loop3A_490 = arith.muli %parallel_loop3A_488, %parallel_loop3A_489 : i32
        %parallel_loop3A_491 = arith.index_cast %parallel_loop3A_490 : i32 to index
        %parallel_loop3A_492 = tpu.vector_load %arg11[%parallel_loop3A_491] {strides = array<i32>} : memref<10000xf32, #tpu.memory_space<vmem>>, vector<16xf32>,
        %parallel_loop3A_493 = arith.addf %parallel_loop3A_483, %parallel_loop3A_492 : vector<16xf32>
        %parallel_loop3A_494 = arith.constant 64 : i32
        %parallel_loop3A_495 = vector.broadcast %parallel_loop3A_494 : i32 to vector<16xi32>
        %parallel_loop3A_496 = arith.addi %parallel_loop3A_365, %parallel_loop3A_495 : vector<16xi32>
        %parallel_loop3A_497 = arith.cmpf ogt, %parallel_loop3A_493, %parallel_loop3A_359 : vector<16xf32>
        %parallel_loop3A_498 = arith.addf %parallel_loop3A_354, %parallel_loop3A_484 : vector<16xf32>
        %parallel_loop3A_499 = arith.select %parallel_loop3A_497, %parallel_loop3A_493, %parallel_loop3A_359 : vector<16xi1>, vector<16xf32>
        %parallel_loop3A_500 = arith.select %parallel_loop3A_497, %parallel_loop3A_496, %parallel_loop3A_364 : vector<16xi1>, vector<16xi32>
        %parallel_loop3A_501 = arith.constant 80 : i32
        %parallel_loop3A_502 = vector.broadcast %parallel_loop3A_501 : i32 to vector<16xi32>
        %parallel_loop3A_503 = arith.addi %parallel_loop3A_365, %parallel_loop3A_502 : vector<16xi32>
        scf.yield %parallel_loop3A_390, %parallel_loop3A_417, %parallel_loop3A_444, %parallel_loop3A_471, %parallel_loop3A_498, %parallel_loop3A_391, %parallel_loop3A_418, %parallel_loop3A_445, %parallel_loop3A_472, %parallel_loop3A_499, %parallel_loop3A_392, %parallel_loop3A_419, %parallel_loop3A_446, %parallel_loop3A_473, %parallel_loop3A_500, %parallel_loop3A_503 : vector<16xf32>, vector<16xf32>, vector<16xf32>, vector<16xf32>, vector<16xf32>, vector<16xf32>, vector<16xf32>, vector<16xf32>, vector<16xf32>, vector<16xf32>, vector<16xi32>, vector<16xi32>, vector<16xi32>, vector<16xi32>, vector<16xi32>, vector<16xi32>
      } {sc.loop_unroll_factor = 1 : i64, sc.parallel_access}
      %dma_wait3A_211 = arith.constant 50000 : i32
      %dma_wait3A_212 = tpu.memref_slice %arg3[%add3A_28, %dma_wait3A_211] : memref<512x100000xf32, #tpu.memory_space<hbm>> -> memref<1x10000xf32, #tpu.memory_space<hbm>>
      %dma_wait3A_213 = tpu.memref_squeeze %dma_wait3A_212 : memref<1x10000xf32, #tpu.memory_space<hbm>> -> memref<10000xf32, #tpu.memory_space<hbm>>
      %dma_wait3A_214 = arith.constant 50000 : i32
      %dma_wait3A_215 = tpu.memref_slice %arg3[%add3A_28, %dma_wait3A_214] : memref<512x100000xf32, #tpu.memory_space<hbm>> -> memref<1x10000xf32, #tpu.memory_space<hbm>>
      %dma_wait3A_216 = tpu.memref_squeeze %dma_wait3A_215 : memref<1x10000xf32, #tpu.memory_space<hbm>> -> memref<10000xf32, #tpu.memory_space<hbm>>
      tpu.wait_dma2 semaphore(%arg20 : memref<!tpu.dma_semaphore, #tpu.memory_space<semaphore_mem>>) src(%dma_wait3A_216 : memref<10000xf32, #tpu.memory_space<hbm>>) dst(%arg12 : memref<10000xf32, #tpu.memory_space<vmem>>)
      %dma_start3A_217 = arith.constant 60000 : i32
      %dma_start3A_218 = tpu.memref_slice %arg3[%add3A_28, %dma_start3A_217] : memref<512x100000xf32, #tpu.memory_space<hbm>> -> memref<1x10000xf32, #tpu.memory_space<hbm>>
      %dma_start3A_219 = tpu.memref_squeeze %dma_start3A_218 : memref<1x10000xf32, #tpu.memory_space<hbm>> -> memref<10000xf32, #tpu.memory_space<hbm>>
      %dma_start3A_220 = arith.constant 60000 : i32
      %dma_start3A_221 = tpu.memref_slice %arg3[%add3A_28, %dma_start3A_220] : memref<512x100000xf32, #tpu.memory_space<hbm>> -> memref<1x10000xf32, #tpu.memory_space<hbm>>
      %dma_start3A_222 = tpu.memref_squeeze %dma_start3A_221 : memref<1x10000xf32, #tpu.memory_space<hbm>> -> memref<10000xf32, #tpu.memory_space<hbm>>
      tpu.enqueue_dma source(%dma_start3A_222 : memref<10000xf32, #tpu.memory_space<hbm>>) target(%arg11 : memref<10000xf32, #tpu.memory_space<vmem>>) target_semaphore(%arg19 : memref<!tpu.dma_semaphore, #tpu.memory_space<semaphore_mem>>)
      %parallel_loop3A_223 = arith.constant 0 : i32
      %parallel_loop3A_224 = arith.constant 625 : i32
      %parallel_loop3A_225 = arith.constant 5 : i32
      %parallel_loop3A_226:16 = scf.for %parallel_loop3A_349 = %parallel_loop3A_223 to %parallel_loop3A_224 step %parallel_loop3A_225 iter_args(%parallel_loop3A_350 = %parallel_loop3A_210#0, %parallel_loop3A_351 = %parallel_loop3A_210#1, %parallel_loop3A_352 = %parallel_loop3A_210#2, %parallel_loop3A_353 = %parallel_loop3A_210#3, %parallel_loop3A_354 = %parallel_loop3A_210#4, %parallel_loop3A_355 = %parallel_loop3A_210#5, %parallel_loop3A_356 = %parallel_loop3A_210#6, %parallel_loop3A_357 = %parallel_loop3A_210#7, %parallel_loop3A_358 = %parallel_loop3A_210#8, %parallel_loop3A_359 = %parallel_loop3A_210#9, %parallel_loop3A_360 = %parallel_loop3A_210#10, %parallel_loop3A_361 = %parallel_loop3A_210#11, %parallel_loop3A_362 = %parallel_loop3A_210#12, %parallel_loop3A_363 = %parallel_loop3A_210#13, %parallel_loop3A_364 = %parallel_loop3A_210#14, %parallel_loop3A_365 = %parallel_loop3A_210#15) -> (vector<16xf32>, vector<16xf32>, vector<16xf32>, vector<16xf32>, vector<16xf32>, vector<16xf32>, vector<16xf32>, vector<16xf32>, vector<16xf32>, vector<16xf32>, vector<16xi32>, vector<16xi32>, vector<16xi32>, vector<16xi32>, vector<16xi32>, vector<16xi32>)  : i32 {
        %parallel_loop3A_366 = arith.constant 0 : i32
        %parallel_loop3A_367 = arith.addi %parallel_loop3A_349, %parallel_loop3A_366 : i32
        %parallel_loop3A_368 = arith.constant 16 : i32
        %parallel_loop3A_369 = arith.muli %parallel_loop3A_367, %parallel_loop3A_368 : i32
        %parallel_loop3A_370 = arith.constant 50000 : i32
        %parallel_loop3A_371 = arith.addi %parallel_loop3A_370, %parallel_loop3A_369 : i32
        %parallel_loop3A_372 = arith.index_cast %parallel_loop3A_371 : i32 to index
        %parallel_loop3A_373 = tpu.vector_load %arg10[%parallel_loop3A_372] {strides = array<i32>} : memref<100000xf32, #tpu.memory_space<vmem>>, vector<16xf32>,
        %parallel_loop3A_374 = arith.subf %parallel_loop3A_373, %broadcast_in_dim3A_114 : vector<16xf32>
        %parallel_loop3A_375 = arith.mulf %parallel_loop3A_374, %div3A_5 : vector<16xf32>
        %parallel_loop3A_376 = math.exp %parallel_loop3A_375 : vector<16xf32>
        %parallel_loop3A_377 = arith.index_cast %parallel_loop3A_371 : i32 to index
        %parallel_loop3A_378 = tpu.vector_load %arg10[%parallel_loop3A_377] {strides = array<i32>} : memref<100000xf32, #tpu.memory_space<vmem>>, vector<16xf32>,
        tpu.vector_store %arg10[%parallel_loop3A_377], %parallel_loop3A_376 {strides = array<i32>} : memref<100000xf32, #tpu.memory_space<vmem>>, vector<16xf32>,
        %parallel_loop3A_379 = arith.constant 0 : i32
        %parallel_loop3A_380 = arith.addi %parallel_loop3A_349, %parallel_loop3A_379 : i32
        %parallel_loop3A_381 = arith.constant 16 : i32
        %parallel_loop3A_382 = arith.muli %parallel_loop3A_380, %parallel_loop3A_381 : i32
        %parallel_loop3A_383 = arith.index_cast %parallel_loop3A_382 : i32 to index
        %parallel_loop3A_384 = tpu.vector_load %arg12[%parallel_loop3A_383] {strides = array<i32>} : memref<10000xf32, #tpu.memory_space<vmem>>, vector<16xf32>,
        %parallel_loop3A_385 = arith.addf %parallel_loop3A_375, %parallel_loop3A_384 : vector<16xf32>
        %parallel_loop3A_386 = arith.constant 0 : i32
        %parallel_loop3A_387 = vector.broadcast %parallel_loop3A_386 : i32 to vector<16xi32>
        %parallel_loop3A_388 = arith.addi %parallel_loop3A_365, %parallel_loop3A_387 : vector<16xi32>
        %parallel_loop3A_389 = arith.cmpf ogt, %parallel_loop3A_385, %parallel_loop3A_355 : vector<16xf32>
        %parallel_loop3A_390 = arith.addf %parallel_loop3A_350, %parallel_loop3A_376 : vector<16xf32>
        %parallel_loop3A_391 = arith.select %parallel_loop3A_389, %parallel_loop3A_385, %parallel_loop3A_355 : vector<16xi1>, vector<16xf32>
        %parallel_loop3A_392 = arith.select %parallel_loop3A_389, %parallel_loop3A_388, %parallel_loop3A_360 : vector<16xi1>, vector<16xi32>
        %parallel_loop3A_393 = arith.constant 1 : i32
        %parallel_loop3A_394 = arith.addi %parallel_loop3A_349, %parallel_loop3A_393 : i32
        %parallel_loop3A_395 = arith.constant 16 : i32
        %parallel_loop3A_396 = arith.muli %parallel_loop3A_394, %parallel_loop3A_395 : i32
        %parallel_loop3A_397 = arith.constant 50000 : i32
        %parallel_loop3A_398 = arith.addi %parallel_loop3A_397, %parallel_loop3A_396 : i32
        %parallel_loop3A_399 = arith.index_cast %parallel_loop3A_398 : i32 to index
        %parallel_loop3A_400 = tpu.vector_load %arg10[%parallel_loop3A_399] {strides = array<i32>} : memref<100000xf32, #tpu.memory_space<vmem>>, vector<16xf32>,
        %parallel_loop3A_401 = arith.subf %parallel_loop3A_400, %broadcast_in_dim3A_114 : vector<16xf32>
        %parallel_loop3A_402 = arith.mulf %parallel_loop3A_401, %div3A_5 : vector<16xf32>
        %parallel_loop3A_403 = math.exp %parallel_loop3A_402 : vector<16xf32>
        %parallel_loop3A_404 = arith.index_cast %parallel_loop3A_398 : i32 to index
        %parallel_loop3A_405 = tpu.vector_load %arg10[%parallel_loop3A_404] {strides = array<i32>} : memref<100000xf32, #tpu.memory_space<vmem>>, vector<16xf32>,
        tpu.vector_store %arg10[%parallel_loop3A_404], %parallel_loop3A_403 {strides = array<i32>} : memref<100000xf32, #tpu.memory_space<vmem>>, vector<16xf32>,
        %parallel_loop3A_406 = arith.constant 1 : i32
        %parallel_loop3A_407 = arith.addi %parallel_loop3A_349, %parallel_loop3A_406 : i32
        %parallel_loop3A_408 = arith.constant 16 : i32
        %parallel_loop3A_409 = arith.muli %parallel_loop3A_407, %parallel_loop3A_408 : i32
        %parallel_loop3A_410 = arith.index_cast %parallel_loop3A_409 : i32 to index
        %parallel_loop3A_411 = tpu.vector_load %arg12[%parallel_loop3A_410] {strides = array<i32>} : memref<10000xf32, #tpu.memory_space<vmem>>, vector<16xf32>,
        %parallel_loop3A_412 = arith.addf %parallel_loop3A_402, %parallel_loop3A_411 : vector<16xf32>
        %parallel_loop3A_413 = arith.constant 16 : i32
        %parallel_loop3A_414 = vector.broadcast %parallel_loop3A_413 : i32 to vector<16xi32>
        %parallel_loop3A_415 = arith.addi %parallel_loop3A_365, %parallel_loop3A_414 : vector<16xi32>
        %parallel_loop3A_416 = arith.cmpf ogt, %parallel_loop3A_412, %parallel_loop3A_356 : vector<16xf32>
        %parallel_loop3A_417 = arith.addf %parallel_loop3A_351, %parallel_loop3A_403 : vector<16xf32>
        %parallel_loop3A_418 = arith.select %parallel_loop3A_416, %parallel_loop3A_412, %parallel_loop3A_356 : vector<16xi1>, vector<16xf32>
        %parallel_loop3A_419 = arith.select %parallel_loop3A_416, %parallel_loop3A_415, %parallel_loop3A_361 : vector<16xi1>, vector<16xi32>
        %parallel_loop3A_420 = arith.constant 2 : i32
        %parallel_loop3A_421 = arith.addi %parallel_loop3A_349, %parallel_loop3A_420 : i32
        %parallel_loop3A_422 = arith.constant 16 : i32
        %parallel_loop3A_423 = arith.muli %parallel_loop3A_421, %parallel_loop3A_422 : i32
        %parallel_loop3A_424 = arith.constant 50000 : i32
        %parallel_loop3A_425 = arith.addi %parallel_loop3A_424, %parallel_loop3A_423 : i32
        %parallel_loop3A_426 = arith.index_cast %parallel_loop3A_425 : i32 to index
        %parallel_loop3A_427 = tpu.vector_load %arg10[%parallel_loop3A_426] {strides = array<i32>} : memref<100000xf32, #tpu.memory_space<vmem>>, vector<16xf32>,
        %parallel_loop3A_428 = arith.subf %parallel_loop3A_427, %broadcast_in_dim3A_114 : vector<16xf32>
        %parallel_loop3A_429 = arith.mulf %parallel_loop3A_428, %div3A_5 : vector<16xf32>
        %parallel_loop3A_430 = math.exp %parallel_loop3A_429 : vector<16xf32>
        %parallel_loop3A_431 = arith.index_cast %parallel_loop3A_425 : i32 to index
        %parallel_loop3A_432 = tpu.vector_load %arg10[%parallel_loop3A_431] {strides = array<i32>} : memref<100000xf32, #tpu.memory_space<vmem>>, vector<16xf32>,
        tpu.vector_store %arg10[%parallel_loop3A_431], %parallel_loop3A_430 {strides = array<i32>} : memref<100000xf32, #tpu.memory_space<vmem>>, vector<16xf32>,
        %parallel_loop3A_433 = arith.constant 2 : i32
        %parallel_loop3A_434 = arith.addi %parallel_loop3A_349, %parallel_loop3A_433 : i32
        %parallel_loop3A_435 = arith.constant 16 : i32
        %parallel_loop3A_436 = arith.muli %parallel_loop3A_434, %parallel_loop3A_435 : i32
        %parallel_loop3A_437 = arith.index_cast %parallel_loop3A_436 : i32 to index
        %parallel_loop3A_438 = tpu.vector_load %arg12[%parallel_loop3A_437] {strides = array<i32>} : memref<10000xf32, #tpu.memory_space<vmem>>, vector<16xf32>,
        %parallel_loop3A_439 = arith.addf %parallel_loop3A_429, %parallel_loop3A_438 : vector<16xf32>
        %parallel_loop3A_440 = arith.constant 32 : i32
        %parallel_loop3A_441 = vector.broadcast %parallel_loop3A_440 : i32 to vector<16xi32>
        %parallel_loop3A_442 = arith.addi %parallel_loop3A_365, %parallel_loop3A_441 : vector<16xi32>
        %parallel_loop3A_443 = arith.cmpf ogt, %parallel_loop3A_439, %parallel_loop3A_357 : vector<16xf32>
        %parallel_loop3A_444 = arith.addf %parallel_loop3A_352, %parallel_loop3A_430 : vector<16xf32>
        %parallel_loop3A_445 = arith.select %parallel_loop3A_443, %parallel_loop3A_439, %parallel_loop3A_357 : vector<16xi1>, vector<16xf32>
        %parallel_loop3A_446 = arith.select %parallel_loop3A_443, %parallel_loop3A_442, %parallel_loop3A_362 : vector<16xi1>, vector<16xi32>
        %parallel_loop3A_447 = arith.constant 3 : i32
        %parallel_loop3A_448 = arith.addi %parallel_loop3A_349, %parallel_loop3A_447 : i32
        %parallel_loop3A_449 = arith.constant 16 : i32
        %parallel_loop3A_450 = arith.muli %parallel_loop3A_448, %parallel_loop3A_449 : i32
        %parallel_loop3A_451 = arith.constant 50000 : i32
        %parallel_loop3A_452 = arith.addi %parallel_loop3A_451, %parallel_loop3A_450 : i32
        %parallel_loop3A_453 = arith.index_cast %parallel_loop3A_452 : i32 to index
        %parallel_loop3A_454 = tpu.vector_load %arg10[%parallel_loop3A_453] {strides = array<i32>} : memref<100000xf32, #tpu.memory_space<vmem>>, vector<16xf32>,
        %parallel_loop3A_455 = arith.subf %parallel_loop3A_454, %broadcast_in_dim3A_114 : vector<16xf32>
        %parallel_loop3A_456 = arith.mulf %parallel_loop3A_455, %div3A_5 : vector<16xf32>
        %parallel_loop3A_457 = math.exp %parallel_loop3A_456 : vector<16xf32>
        %parallel_loop3A_458 = arith.index_cast %parallel_loop3A_452 : i32 to index
        %parallel_loop3A_459 = tpu.vector_load %arg10[%parallel_loop3A_458] {strides = array<i32>} : memref<100000xf32, #tpu.memory_space<vmem>>, vector<16xf32>,
        tpu.vector_store %arg10[%parallel_loop3A_458], %parallel_loop3A_457 {strides = array<i32>} : memref<100000xf32, #tpu.memory_space<vmem>>, vector<16xf32>,
        %parallel_loop3A_460 = arith.constant 3 : i32
        %parallel_loop3A_461 = arith.addi %parallel_loop3A_349, %parallel_loop3A_460 : i32
        %parallel_loop3A_462 = arith.constant 16 : i32
        %parallel_loop3A_463 = arith.muli %parallel_loop3A_461, %parallel_loop3A_462 : i32
        %parallel_loop3A_464 = arith.index_cast %parallel_loop3A_463 : i32 to index
        %parallel_loop3A_465 = tpu.vector_load %arg12[%parallel_loop3A_464] {strides = array<i32>} : memref<10000xf32, #tpu.memory_space<vmem>>, vector<16xf32>,
        %parallel_loop3A_466 = arith.addf %parallel_loop3A_456, %parallel_loop3A_465 : vector<16xf32>
        %parallel_loop3A_467 = arith.constant 48 : i32
        %parallel_loop3A_468 = vector.broadcast %parallel_loop3A_467 : i32 to vector<16xi32>
        %parallel_loop3A_469 = arith.addi %parallel_loop3A_365, %parallel_loop3A_468 : vector<16xi32>
        %parallel_loop3A_470 = arith.cmpf ogt, %parallel_loop3A_466, %parallel_loop3A_358 : vector<16xf32>
        %parallel_loop3A_471 = arith.addf %parallel_loop3A_353, %parallel_loop3A_457 : vector<16xf32>
        %parallel_loop3A_472 = arith.select %parallel_loop3A_470, %parallel_loop3A_466, %parallel_loop3A_358 : vector<16xi1>, vector<16xf32>
        %parallel_loop3A_473 = arith.select %parallel_loop3A_470, %parallel_loop3A_469, %parallel_loop3A_363 : vector<16xi1>, vector<16xi32>
        %parallel_loop3A_474 = arith.constant 4 : i32
        %parallel_loop3A_475 = arith.addi %parallel_loop3A_349, %parallel_loop3A_474 : i32
        %parallel_loop3A_476 = arith.constant 16 : i32
        %parallel_loop3A_477 = arith.muli %parallel_loop3A_475, %parallel_loop3A_476 : i32
        %parallel_loop3A_478 = arith.constant 50000 : i32
        %parallel_loop3A_479 = arith.addi %parallel_loop3A_478, %parallel_loop3A_477 : i32
        %parallel_loop3A_480 = arith.index_cast %parallel_loop3A_479 : i32 to index
        %parallel_loop3A_481 = tpu.vector_load %arg10[%parallel_loop3A_480] {strides = array<i32>} : memref<100000xf32, #tpu.memory_space<vmem>>, vector<16xf32>,
        %parallel_loop3A_482 = arith.subf %parallel_loop3A_481, %broadcast_in_dim3A_114 : vector<16xf32>
        %parallel_loop3A_483 = arith.mulf %parallel_loop3A_482, %div3A_5 : vector<16xf32>
        %parallel_loop3A_484 = math.exp %parallel_loop3A_483 : vector<16xf32>
        %parallel_loop3A_485 = arith.index_cast %parallel_loop3A_479 : i32 to index
        %parallel_loop3A_486 = tpu.vector_load %arg10[%parallel_loop3A_485] {strides = array<i32>} : memref<100000xf32, #tpu.memory_space<vmem>>, vector<16xf32>,
        tpu.vector_store %arg10[%parallel_loop3A_485], %parallel_loop3A_484 {strides = array<i32>} : memref<100000xf32, #tpu.memory_space<vmem>>, vector<16xf32>,
        %parallel_loop3A_487 = arith.constant 4 : i32
        %parallel_loop3A_488 = arith.addi %parallel_loop3A_349, %parallel_loop3A_487 : i32
        %parallel_loop3A_489 = arith.constant 16 : i32
        %parallel_loop3A_490 = arith.muli %parallel_loop3A_488, %parallel_loop3A_489 : i32
        %parallel_loop3A_491 = arith.index_cast %parallel_loop3A_490 : i32 to index
        %parallel_loop3A_492 = tpu.vector_load %arg12[%parallel_loop3A_491] {strides = array<i32>} : memref<10000xf32, #tpu.memory_space<vmem>>, vector<16xf32>,
        %parallel_loop3A_493 = arith.addf %parallel_loop3A_483, %parallel_loop3A_492 : vector<16xf32>
        %parallel_loop3A_494 = arith.constant 64 : i32
        %parallel_loop3A_495 = vector.broadcast %parallel_loop3A_494 : i32 to vector<16xi32>
        %parallel_loop3A_496 = arith.addi %parallel_loop3A_365, %parallel_loop3A_495 : vector<16xi32>
        %parallel_loop3A_497 = arith.cmpf ogt, %parallel_loop3A_493, %parallel_loop3A_359 : vector<16xf32>
        %parallel_loop3A_498 = arith.addf %parallel_loop3A_354, %parallel_loop3A_484 : vector<16xf32>
        %parallel_loop3A_499 = arith.select %parallel_loop3A_497, %parallel_loop3A_493, %parallel_loop3A_359 : vector<16xi1>, vector<16xf32>
        %parallel_loop3A_500 = arith.select %parallel_loop3A_497, %parallel_loop3A_496, %parallel_loop3A_364 : vector<16xi1>, vector<16xi32>
        %parallel_loop3A_501 = arith.constant 80 : i32
        %parallel_loop3A_502 = vector.broadcast %parallel_loop3A_501 : i32 to vector<16xi32>
        %parallel_loop3A_503 = arith.addi %parallel_loop3A_365, %parallel_loop3A_502 : vector<16xi32>
        scf.yield %parallel_loop3A_390, %parallel_loop3A_417, %parallel_loop3A_444, %parallel_loop3A_471, %parallel_loop3A_498, %parallel_loop3A_391, %parallel_loop3A_418, %parallel_loop3A_445, %parallel_loop3A_472, %parallel_loop3A_499, %parallel_loop3A_392, %parallel_loop3A_419, %parallel_loop3A_446, %parallel_loop3A_473, %parallel_loop3A_500, %parallel_loop3A_503 : vector<16xf32>, vector<16xf32>, vector<16xf32>, vector<16xf32>, vector<16xf32>, vector<16xf32>, vector<16xf32>, vector<16xf32>, vector<16xf32>, vector<16xf32>, vector<16xi32>, vector<16xi32>, vector<16xi32>, vector<16xi32>, vector<16xi32>, vector<16xi32>
      } {sc.loop_unroll_factor = 1 : i64, sc.parallel_access}
      %dma_wait3A_227 = arith.constant 60000 : i32
      %dma_wait3A_228 = tpu.memref_slice %arg3[%add3A_28, %dma_wait3A_227] : memref<512x100000xf32, #tpu.memory_space<hbm>> -> memref<1x10000xf32, #tpu.memory_space<hbm>>
      %dma_wait3A_229 = tpu.memref_squeeze %dma_wait3A_228 : memref<1x10000xf32, #tpu.memory_space<hbm>> -> memref<10000xf32, #tpu.memory_space<hbm>>
      %dma_wait3A_230 = arith.constant 60000 : i32
      %dma_wait3A_231 = tpu.memref_slice %arg3[%add3A_28, %dma_wait3A_230] : memref<512x100000xf32, #tpu.memory_space<hbm>> -> memref<1x10000xf32, #tpu.memory_space<hbm>>
      %dma_wait3A_232 = tpu.memref_squeeze %dma_wait3A_231 : memref<1x10000xf32, #tpu.memory_space<hbm>> -> memref<10000xf32, #tpu.memory_space<hbm>>
      tpu.wait_dma2 semaphore(%arg19 : memref<!tpu.dma_semaphore, #tpu.memory_space<semaphore_mem>>) src(%dma_wait3A_232 : memref<10000xf32, #tpu.memory_space<hbm>>) dst(%arg11 : memref<10000xf32, #tpu.memory_space<vmem>>)
      %dma_start3A_233 = arith.constant 70000 : i32
      %dma_start3A_234 = tpu.memref_slice %arg3[%add3A_28, %dma_start3A_233] : memref<512x100000xf32, #tpu.memory_space<hbm>> -> memref<1x10000xf32, #tpu.memory_space<hbm>>
      %dma_start3A_235 = tpu.memref_squeeze %dma_start3A_234 : memref<1x10000xf32, #tpu.memory_space<hbm>> -> memref<10000xf32, #tpu.memory_space<hbm>>
      %dma_start3A_236 = arith.constant 70000 : i32
      %dma_start3A_237 = tpu.memref_slice %arg3[%add3A_28, %dma_start3A_236] : memref<512x100000xf32, #tpu.memory_space<hbm>> -> memref<1x10000xf32, #tpu.memory_space<hbm>>
      %dma_start3A_238 = tpu.memref_squeeze %dma_start3A_237 : memref<1x10000xf32, #tpu.memory_space<hbm>> -> memref<10000xf32, #tpu.memory_space<hbm>>
      tpu.enqueue_dma source(%dma_start3A_238 : memref<10000xf32, #tpu.memory_space<hbm>>) target(%arg12 : memref<10000xf32, #tpu.memory_space<vmem>>) target_semaphore(%arg20 : memref<!tpu.dma_semaphore, #tpu.memory_space<semaphore_mem>>)
      %parallel_loop3A_239 = arith.constant 0 : i32
      %parallel_loop3A_240 = arith.constant 625 : i32
      %parallel_loop3A_241 = arith.constant 5 : i32
      %parallel_loop3A_242:16 = scf.for %parallel_loop3A_349 = %parallel_loop3A_239 to %parallel_loop3A_240 step %parallel_loop3A_241 iter_args(%parallel_loop3A_350 = %parallel_loop3A_226#0, %parallel_loop3A_351 = %parallel_loop3A_226#1, %parallel_loop3A_352 = %parallel_loop3A_226#2, %parallel_loop3A_353 = %parallel_loop3A_226#3, %parallel_loop3A_354 = %parallel_loop3A_226#4, %parallel_loop3A_355 = %parallel_loop3A_226#5, %parallel_loop3A_356 = %parallel_loop3A_226#6, %parallel_loop3A_357 = %parallel_loop3A_226#7, %parallel_loop3A_358 = %parallel_loop3A_226#8, %parallel_loop3A_359 = %parallel_loop3A_226#9, %parallel_loop3A_360 = %parallel_loop3A_226#10, %parallel_loop3A_361 = %parallel_loop3A_226#11, %parallel_loop3A_362 = %parallel_loop3A_226#12, %parallel_loop3A_363 = %parallel_loop3A_226#13, %parallel_loop3A_364 = %parallel_loop3A_226#14, %parallel_loop3A_365 = %parallel_loop3A_226#15) -> (vector<16xf32>, vector<16xf32>, vector<16xf32>, vector<16xf32>, vector<16xf32>, vector<16xf32>, vector<16xf32>, vector<16xf32>, vector<16xf32>, vector<16xf32>, vector<16xi32>, vector<16xi32>, vector<16xi32>, vector<16xi32>, vector<16xi32>, vector<16xi32>)  : i32 {
        %parallel_loop3A_366 = arith.constant 0 : i32
        %parallel_loop3A_367 = arith.addi %parallel_loop3A_349, %parallel_loop3A_366 : i32
        %parallel_loop3A_368 = arith.constant 16 : i32
        %parallel_loop3A_369 = arith.muli %parallel_loop3A_367, %parallel_loop3A_368 : i32
        %parallel_loop3A_370 = arith.constant 60000 : i32
        %parallel_loop3A_371 = arith.addi %parallel_loop3A_370, %parallel_loop3A_369 : i32
        %parallel_loop3A_372 = arith.index_cast %parallel_loop3A_371 : i32 to index
        %parallel_loop3A_373 = tpu.vector_load %arg10[%parallel_loop3A_372] {strides = array<i32>} : memref<100000xf32, #tpu.memory_space<vmem>>, vector<16xf32>,
        %parallel_loop3A_374 = arith.subf %parallel_loop3A_373, %broadcast_in_dim3A_114 : vector<16xf32>
        %parallel_loop3A_375 = arith.mulf %parallel_loop3A_374, %div3A_5 : vector<16xf32>
        %parallel_loop3A_376 = math.exp %parallel_loop3A_375 : vector<16xf32>
        %parallel_loop3A_377 = arith.index_cast %parallel_loop3A_371 : i32 to index
        %parallel_loop3A_378 = tpu.vector_load %arg10[%parallel_loop3A_377] {strides = array<i32>} : memref<100000xf32, #tpu.memory_space<vmem>>, vector<16xf32>,
        tpu.vector_store %arg10[%parallel_loop3A_377], %parallel_loop3A_376 {strides = array<i32>} : memref<100000xf32, #tpu.memory_space<vmem>>, vector<16xf32>,
        %parallel_loop3A_379 = arith.constant 0 : i32
        %parallel_loop3A_380 = arith.addi %parallel_loop3A_349, %parallel_loop3A_379 : i32
        %parallel_loop3A_381 = arith.constant 16 : i32
        %parallel_loop3A_382 = arith.muli %parallel_loop3A_380, %parallel_loop3A_381 : i32
        %parallel_loop3A_383 = arith.index_cast %parallel_loop3A_382 : i32 to index
        %parallel_loop3A_384 = tpu.vector_load %arg11[%parallel_loop3A_383] {strides = array<i32>} : memref<10000xf32, #tpu.memory_space<vmem>>, vector<16xf32>,
        %parallel_loop3A_385 = arith.addf %parallel_loop3A_375, %parallel_loop3A_384 : vector<16xf32>
        %parallel_loop3A_386 = arith.constant 0 : i32
        %parallel_loop3A_387 = vector.broadcast %parallel_loop3A_386 : i32 to vector<16xi32>
        %parallel_loop3A_388 = arith.addi %parallel_loop3A_365, %parallel_loop3A_387 : vector<16xi32>
        %parallel_loop3A_389 = arith.cmpf ogt, %parallel_loop3A_385, %parallel_loop3A_355 : vector<16xf32>
        %parallel_loop3A_390 = arith.addf %parallel_loop3A_350, %parallel_loop3A_376 : vector<16xf32>
        %parallel_loop3A_391 = arith.select %parallel_loop3A_389, %parallel_loop3A_385, %parallel_loop3A_355 : vector<16xi1>, vector<16xf32>
        %parallel_loop3A_392 = arith.select %parallel_loop3A_389, %parallel_loop3A_388, %parallel_loop3A_360 : vector<16xi1>, vector<16xi32>
        %parallel_loop3A_393 = arith.constant 1 : i32
        %parallel_loop3A_394 = arith.addi %parallel_loop3A_349, %parallel_loop3A_393 : i32
        %parallel_loop3A_395 = arith.constant 16 : i32
        %parallel_loop3A_396 = arith.muli %parallel_loop3A_394, %parallel_loop3A_395 : i32
        %parallel_loop3A_397 = arith.constant 60000 : i32
        %parallel_loop3A_398 = arith.addi %parallel_loop3A_397, %parallel_loop3A_396 : i32
        %parallel_loop3A_399 = arith.index_cast %parallel_loop3A_398 : i32 to index
        %parallel_loop3A_400 = tpu.vector_load %arg10[%parallel_loop3A_399] {strides = array<i32>} : memref<100000xf32, #tpu.memory_space<vmem>>, vector<16xf32>,
        %parallel_loop3A_401 = arith.subf %parallel_loop3A_400, %broadcast_in_dim3A_114 : vector<16xf32>
        %parallel_loop3A_402 = arith.mulf %parallel_loop3A_401, %div3A_5 : vector<16xf32>
        %parallel_loop3A_403 = math.exp %parallel_loop3A_402 : vector<16xf32>
        %parallel_loop3A_404 = arith.index_cast %parallel_loop3A_398 : i32 to index
        %parallel_loop3A_405 = tpu.vector_load %arg10[%parallel_loop3A_404] {strides = array<i32>} : memref<100000xf32, #tpu.memory_space<vmem>>, vector<16xf32>,
        tpu.vector_store %arg10[%parallel_loop3A_404], %parallel_loop3A_403 {strides = array<i32>} : memref<100000xf32, #tpu.memory_space<vmem>>, vector<16xf32>,
        %parallel_loop3A_406 = arith.constant 1 : i32
        %parallel_loop3A_407 = arith.addi %parallel_loop3A_349, %parallel_loop3A_406 : i32
        %parallel_loop3A_408 = arith.constant 16 : i32
        %parallel_loop3A_409 = arith.muli %parallel_loop3A_407, %parallel_loop3A_408 : i32
        %parallel_loop3A_410 = arith.index_cast %parallel_loop3A_409 : i32 to index
        %parallel_loop3A_411 = tpu.vector_load %arg11[%parallel_loop3A_410] {strides = array<i32>} : memref<10000xf32, #tpu.memory_space<vmem>>, vector<16xf32>,
        %parallel_loop3A_412 = arith.addf %parallel_loop3A_402, %parallel_loop3A_411 : vector<16xf32>
        %parallel_loop3A_413 = arith.constant 16 : i32
        %parallel_loop3A_414 = vector.broadcast %parallel_loop3A_413 : i32 to vector<16xi32>
        %parallel_loop3A_415 = arith.addi %parallel_loop3A_365, %parallel_loop3A_414 : vector<16xi32>
        %parallel_loop3A_416 = arith.cmpf ogt, %parallel_loop3A_412, %parallel_loop3A_356 : vector<16xf32>
        %parallel_loop3A_417 = arith.addf %parallel_loop3A_351, %parallel_loop3A_403 : vector<16xf32>
        %parallel_loop3A_418 = arith.select %parallel_loop3A_416, %parallel_loop3A_412, %parallel_loop3A_356 : vector<16xi1>, vector<16xf32>
        %parallel_loop3A_419 = arith.select %parallel_loop3A_416, %parallel_loop3A_415, %parallel_loop3A_361 : vector<16xi1>, vector<16xi32>
        %parallel_loop3A_420 = arith.constant 2 : i32
        %parallel_loop3A_421 = arith.addi %parallel_loop3A_349, %parallel_loop3A_420 : i32
        %parallel_loop3A_422 = arith.constant 16 : i32
        %parallel_loop3A_423 = arith.muli %parallel_loop3A_421, %parallel_loop3A_422 : i32
        %parallel_loop3A_424 = arith.constant 60000 : i32
        %parallel_loop3A_425 = arith.addi %parallel_loop3A_424, %parallel_loop3A_423 : i32
        %parallel_loop3A_426 = arith.index_cast %parallel_loop3A_425 : i32 to index
        %parallel_loop3A_427 = tpu.vector_load %arg10[%parallel_loop3A_426] {strides = array<i32>} : memref<100000xf32, #tpu.memory_space<vmem>>, vector<16xf32>,
        %parallel_loop3A_428 = arith.subf %parallel_loop3A_427, %broadcast_in_dim3A_114 : vector<16xf32>
        %parallel_loop3A_429 = arith.mulf %parallel_loop3A_428, %div3A_5 : vector<16xf32>
        %parallel_loop3A_430 = math.exp %parallel_loop3A_429 : vector<16xf32>
        %parallel_loop3A_431 = arith.index_cast %parallel_loop3A_425 : i32 to index
        %parallel_loop3A_432 = tpu.vector_load %arg10[%parallel_loop3A_431] {strides = array<i32>} : memref<100000xf32, #tpu.memory_space<vmem>>, vector<16xf32>,
        tpu.vector_store %arg10[%parallel_loop3A_431], %parallel_loop3A_430 {strides = array<i32>} : memref<100000xf32, #tpu.memory_space<vmem>>, vector<16xf32>,
        %parallel_loop3A_433 = arith.constant 2 : i32
        %parallel_loop3A_434 = arith.addi %parallel_loop3A_349, %parallel_loop3A_433 : i32
        %parallel_loop3A_435 = arith.constant 16 : i32
        %parallel_loop3A_436 = arith.muli %parallel_loop3A_434, %parallel_loop3A_435 : i32
        %parallel_loop3A_437 = arith.index_cast %parallel_loop3A_436 : i32 to index
        %parallel_loop3A_438 = tpu.vector_load %arg11[%parallel_loop3A_437] {strides = array<i32>} : memref<10000xf32, #tpu.memory_space<vmem>>, vector<16xf32>,
        %parallel_loop3A_439 = arith.addf %parallel_loop3A_429, %parallel_loop3A_438 : vector<16xf32>
        %parallel_loop3A_440 = arith.constant 32 : i32
        %parallel_loop3A_441 = vector.broadcast %parallel_loop3A_440 : i32 to vector<16xi32>
        %parallel_loop3A_442 = arith.addi %parallel_loop3A_365, %parallel_loop3A_441 : vector<16xi32>
        %parallel_loop3A_443 = arith.cmpf ogt, %parallel_loop3A_439, %parallel_loop3A_357 : vector<16xf32>
        %parallel_loop3A_444 = arith.addf %parallel_loop3A_352, %parallel_loop3A_430 : vector<16xf32>
        %parallel_loop3A_445 = arith.select %parallel_loop3A_443, %parallel_loop3A_439, %parallel_loop3A_357 : vector<16xi1>, vector<16xf32>
        %parallel_loop3A_446 = arith.select %parallel_loop3A_443, %parallel_loop3A_442, %parallel_loop3A_362 : vector<16xi1>, vector<16xi32>
        %parallel_loop3A_447 = arith.constant 3 : i32
        %parallel_loop3A_448 = arith.addi %parallel_loop3A_349, %parallel_loop3A_447 : i32
        %parallel_loop3A_449 = arith.constant 16 : i32
        %parallel_loop3A_450 = arith.muli %parallel_loop3A_448, %parallel_loop3A_449 : i32
        %parallel_loop3A_451 = arith.constant 60000 : i32
        %parallel_loop3A_452 = arith.addi %parallel_loop3A_451, %parallel_loop3A_450 : i32
        %parallel_loop3A_453 = arith.index_cast %parallel_loop3A_452 : i32 to index
        %parallel_loop3A_454 = tpu.vector_load %arg10[%parallel_loop3A_453] {strides = array<i32>} : memref<100000xf32, #tpu.memory_space<vmem>>, vector<16xf32>,
        %parallel_loop3A_455 = arith.subf %parallel_loop3A_454, %broadcast_in_dim3A_114 : vector<16xf32>
        %parallel_loop3A_456 = arith.mulf %parallel_loop3A_455, %div3A_5 : vector<16xf32>
        %parallel_loop3A_457 = math.exp %parallel_loop3A_456 : vector<16xf32>
        %parallel_loop3A_458 = arith.index_cast %parallel_loop3A_452 : i32 to index
        %parallel_loop3A_459 = tpu.vector_load %arg10[%parallel_loop3A_458] {strides = array<i32>} : memref<100000xf32, #tpu.memory_space<vmem>>, vector<16xf32>,
        tpu.vector_store %arg10[%parallel_loop3A_458], %parallel_loop3A_457 {strides = array<i32>} : memref<100000xf32, #tpu.memory_space<vmem>>, vector<16xf32>,
        %parallel_loop3A_460 = arith.constant 3 : i32
        %parallel_loop3A_461 = arith.addi %parallel_loop3A_349, %parallel_loop3A_460 : i32
        %parallel_loop3A_462 = arith.constant 16 : i32
        %parallel_loop3A_463 = arith.muli %parallel_loop3A_461, %parallel_loop3A_462 : i32
        %parallel_loop3A_464 = arith.index_cast %parallel_loop3A_463 : i32 to index
        %parallel_loop3A_465 = tpu.vector_load %arg11[%parallel_loop3A_464] {strides = array<i32>} : memref<10000xf32, #tpu.memory_space<vmem>>, vector<16xf32>,
        %parallel_loop3A_466 = arith.addf %parallel_loop3A_456, %parallel_loop3A_465 : vector<16xf32>
        %parallel_loop3A_467 = arith.constant 48 : i32
        %parallel_loop3A_468 = vector.broadcast %parallel_loop3A_467 : i32 to vector<16xi32>
        %parallel_loop3A_469 = arith.addi %parallel_loop3A_365, %parallel_loop3A_468 : vector<16xi32>
        %parallel_loop3A_470 = arith.cmpf ogt, %parallel_loop3A_466, %parallel_loop3A_358 : vector<16xf32>
        %parallel_loop3A_471 = arith.addf %parallel_loop3A_353, %parallel_loop3A_457 : vector<16xf32>
        %parallel_loop3A_472 = arith.select %parallel_loop3A_470, %parallel_loop3A_466, %parallel_loop3A_358 : vector<16xi1>, vector<16xf32>
        %parallel_loop3A_473 = arith.select %parallel_loop3A_470, %parallel_loop3A_469, %parallel_loop3A_363 : vector<16xi1>, vector<16xi32>
        %parallel_loop3A_474 = arith.constant 4 : i32
        %parallel_loop3A_475 = arith.addi %parallel_loop3A_349, %parallel_loop3A_474 : i32
        %parallel_loop3A_476 = arith.constant 16 : i32
        %parallel_loop3A_477 = arith.muli %parallel_loop3A_475, %parallel_loop3A_476 : i32
        %parallel_loop3A_478 = arith.constant 60000 : i32
        %parallel_loop3A_479 = arith.addi %parallel_loop3A_478, %parallel_loop3A_477 : i32
        %parallel_loop3A_480 = arith.index_cast %parallel_loop3A_479 : i32 to index
        %parallel_loop3A_481 = tpu.vector_load %arg10[%parallel_loop3A_480] {strides = array<i32>} : memref<100000xf32, #tpu.memory_space<vmem>>, vector<16xf32>,
        %parallel_loop3A_482 = arith.subf %parallel_loop3A_481, %broadcast_in_dim3A_114 : vector<16xf32>
        %parallel_loop3A_483 = arith.mulf %parallel_loop3A_482, %div3A_5 : vector<16xf32>
        %parallel_loop3A_484 = math.exp %parallel_loop3A_483 : vector<16xf32>
        %parallel_loop3A_485 = arith.index_cast %parallel_loop3A_479 : i32 to index
        %parallel_loop3A_486 = tpu.vector_load %arg10[%parallel_loop3A_485] {strides = array<i32>} : memref<100000xf32, #tpu.memory_space<vmem>>, vector<16xf32>,
        tpu.vector_store %arg10[%parallel_loop3A_485], %parallel_loop3A_484 {strides = array<i32>} : memref<100000xf32, #tpu.memory_space<vmem>>, vector<16xf32>,
        %parallel_loop3A_487 = arith.constant 4 : i32
        %parallel_loop3A_488 = arith.addi %parallel_loop3A_349, %parallel_loop3A_487 : i32
        %parallel_loop3A_489 = arith.constant 16 : i32
        %parallel_loop3A_490 = arith.muli %parallel_loop3A_488, %parallel_loop3A_489 : i32
        %parallel_loop3A_491 = arith.index_cast %parallel_loop3A_490 : i32 to index
        %parallel_loop3A_492 = tpu.vector_load %arg11[%parallel_loop3A_491] {strides = array<i32>} : memref<10000xf32, #tpu.memory_space<vmem>>, vector<16xf32>,
        %parallel_loop3A_493 = arith.addf %parallel_loop3A_483, %parallel_loop3A_492 : vector<16xf32>
        %parallel_loop3A_494 = arith.constant 64 : i32
        %parallel_loop3A_495 = vector.broadcast %parallel_loop3A_494 : i32 to vector<16xi32>
        %parallel_loop3A_496 = arith.addi %parallel_loop3A_365, %parallel_loop3A_495 : vector<16xi32>
        %parallel_loop3A_497 = arith.cmpf ogt, %parallel_loop3A_493, %parallel_loop3A_359 : vector<16xf32>
        %parallel_loop3A_498 = arith.addf %parallel_loop3A_354, %parallel_loop3A_484 : vector<16xf32>
        %parallel_loop3A_499 = arith.select %parallel_loop3A_497, %parallel_loop3A_493, %parallel_loop3A_359 : vector<16xi1>, vector<16xf32>
        %parallel_loop3A_500 = arith.select %parallel_loop3A_497, %parallel_loop3A_496, %parallel_loop3A_364 : vector<16xi1>, vector<16xi32>
        %parallel_loop3A_501 = arith.constant 80 : i32
        %parallel_loop3A_502 = vector.broadcast %parallel_loop3A_501 : i32 to vector<16xi32>
        %parallel_loop3A_503 = arith.addi %parallel_loop3A_365, %parallel_loop3A_502 : vector<16xi32>
        scf.yield %parallel_loop3A_390, %parallel_loop3A_417, %parallel_loop3A_444, %parallel_loop3A_471, %parallel_loop3A_498, %parallel_loop3A_391, %parallel_loop3A_418, %parallel_loop3A_445, %parallel_loop3A_472, %parallel_loop3A_499, %parallel_loop3A_392, %parallel_loop3A_419, %parallel_loop3A_446, %parallel_loop3A_473, %parallel_loop3A_500, %parallel_loop3A_503 : vector<16xf32>, vector<16xf32>, vector<16xf32>, vector<16xf32>, vector<16xf32>, vector<16xf32>, vector<16xf32>, vector<16xf32>, vector<16xf32>, vector<16xf32>, vector<16xi32>, vector<16xi32>, vector<16xi32>, vector<16xi32>, vector<16xi32>, vector<16xi32>
      } {sc.loop_unroll_factor = 1 : i64, sc.parallel_access}
      %dma_wait3A_243 = arith.constant 70000 : i32
      %dma_wait3A_244 = tpu.memref_slice %arg3[%add3A_28, %dma_wait3A_243] : memref<512x100000xf32, #tpu.memory_space<hbm>> -> memref<1x10000xf32, #tpu.memory_space<hbm>>
      %dma_wait3A_245 = tpu.memref_squeeze %dma_wait3A_244 : memref<1x10000xf32, #tpu.memory_space<hbm>> -> memref<10000xf32, #tpu.memory_space<hbm>>
      %dma_wait3A_246 = arith.constant 70000 : i32
      %dma_wait3A_247 = tpu.memref_slice %arg3[%add3A_28, %dma_wait3A_246] : memref<512x100000xf32, #tpu.memory_space<hbm>> -> memref<1x10000xf32, #tpu.memory_space<hbm>>
      %dma_wait3A_248 = tpu.memref_squeeze %dma_wait3A_247 : memref<1x10000xf32, #tpu.memory_space<hbm>> -> memref<10000xf32, #tpu.memory_space<hbm>>
      tpu.wait_dma2 semaphore(%arg20 : memref<!tpu.dma_semaphore, #tpu.memory_space<semaphore_mem>>) src(%dma_wait3A_248 : memref<10000xf32, #tpu.memory_space<hbm>>) dst(%arg12 : memref<10000xf32, #tpu.memory_space<vmem>>)
      %dma_start3A_249 = arith.constant 80000 : i32
      %dma_start3A_250 = tpu.memref_slice %arg3[%add3A_28, %dma_start3A_249] : memref<512x100000xf32, #tpu.memory_space<hbm>> -> memref<1x10000xf32, #tpu.memory_space<hbm>>
      %dma_start3A_251 = tpu.memref_squeeze %dma_start3A_250 : memref<1x10000xf32, #tpu.memory_space<hbm>> -> memref<10000xf32, #tpu.memory_space<hbm>>
      %dma_start3A_252 = arith.constant 80000 : i32
      %dma_start3A_253 = tpu.memref_slice %arg3[%add3A_28, %dma_start3A_252] : memref<512x100000xf32, #tpu.memory_space<hbm>> -> memref<1x10000xf32, #tpu.memory_space<hbm>>
      %dma_start3A_254 = tpu.memref_squeeze %dma_start3A_253 : memref<1x10000xf32, #tpu.memory_space<hbm>> -> memref<10000xf32, #tpu.memory_space<hbm>>
      tpu.enqueue_dma source(%dma_start3A_254 : memref<10000xf32, #tpu.memory_space<hbm>>) target(%arg11 : memref<10000xf32, #tpu.memory_space<vmem>>) target_semaphore(%arg19 : memref<!tpu.dma_semaphore, #tpu.memory_space<semaphore_mem>>)
      %parallel_loop3A_255 = arith.constant 0 : i32
      %parallel_loop3A_256 = arith.constant 625 : i32
      %parallel_loop3A_257 = arith.constant 5 : i32
      %parallel_loop3A_258:16 = scf.for %parallel_loop3A_349 = %parallel_loop3A_255 to %parallel_loop3A_256 step %parallel_loop3A_257 iter_args(%parallel_loop3A_350 = %parallel_loop3A_242#0, %parallel_loop3A_351 = %parallel_loop3A_242#1, %parallel_loop3A_352 = %parallel_loop3A_242#2, %parallel_loop3A_353 = %parallel_loop3A_242#3, %parallel_loop3A_354 = %parallel_loop3A_242#4, %parallel_loop3A_355 = %parallel_loop3A_242#5, %parallel_loop3A_356 = %parallel_loop3A_242#6, %parallel_loop3A_357 = %parallel_loop3A_242#7, %parallel_loop3A_358 = %parallel_loop3A_242#8, %parallel_loop3A_359 = %parallel_loop3A_242#9, %parallel_loop3A_360 = %parallel_loop3A_242#10, %parallel_loop3A_361 = %parallel_loop3A_242#11, %parallel_loop3A_362 = %parallel_loop3A_242#12, %parallel_loop3A_363 = %parallel_loop3A_242#13, %parallel_loop3A_364 = %parallel_loop3A_242#14, %parallel_loop3A_365 = %parallel_loop3A_242#15) -> (vector<16xf32>, vector<16xf32>, vector<16xf32>, vector<16xf32>, vector<16xf32>, vector<16xf32>, vector<16xf32>, vector<16xf32>, vector<16xf32>, vector<16xf32>, vector<16xi32>, vector<16xi32>, vector<16xi32>, vector<16xi32>, vector<16xi32>, vector<16xi32>)  : i32 {
        %parallel_loop3A_366 = arith.constant 0 : i32
        %parallel_loop3A_367 = arith.addi %parallel_loop3A_349, %parallel_loop3A_366 : i32
        %parallel_loop3A_368 = arith.constant 16 : i32
        %parallel_loop3A_369 = arith.muli %parallel_loop3A_367, %parallel_loop3A_368 : i32
        %parallel_loop3A_370 = arith.constant 70000 : i32
        %parallel_loop3A_371 = arith.addi %parallel_loop3A_370, %parallel_loop3A_369 : i32
        %parallel_loop3A_372 = arith.index_cast %parallel_loop3A_371 : i32 to index
        %parallel_loop3A_373 = tpu.vector_load %arg10[%parallel_loop3A_372] {strides = array<i32>} : memref<100000xf32, #tpu.memory_space<vmem>>, vector<16xf32>,
        %parallel_loop3A_374 = arith.subf %parallel_loop3A_373, %broadcast_in_dim3A_114 : vector<16xf32>
        %parallel_loop3A_375 = arith.mulf %parallel_loop3A_374, %div3A_5 : vector<16xf32>
        %parallel_loop3A_376 = math.exp %parallel_loop3A_375 : vector<16xf32>
        %parallel_loop3A_377 = arith.index_cast %parallel_loop3A_371 : i32 to index
        %parallel_loop3A_378 = tpu.vector_load %arg10[%parallel_loop3A_377] {strides = array<i32>} : memref<100000xf32, #tpu.memory_space<vmem>>, vector<16xf32>,
        tpu.vector_store %arg10[%parallel_loop3A_377], %parallel_loop3A_376 {strides = array<i32>} : memref<100000xf32, #tpu.memory_space<vmem>>, vector<16xf32>,
        %parallel_loop3A_379 = arith.constant 0 : i32
        %parallel_loop3A_380 = arith.addi %parallel_loop3A_349, %parallel_loop3A_379 : i32
        %parallel_loop3A_381 = arith.constant 16 : i32
        %parallel_loop3A_382 = arith.muli %parallel_loop3A_380, %parallel_loop3A_381 : i32
        %parallel_loop3A_383 = arith.index_cast %parallel_loop3A_382 : i32 to index
        %parallel_loop3A_384 = tpu.vector_load %arg12[%parallel_loop3A_383] {strides = array<i32>} : memref<10000xf32, #tpu.memory_space<vmem>>, vector<16xf32>,
        %parallel_loop3A_385 = arith.addf %parallel_loop3A_375, %parallel_loop3A_384 : vector<16xf32>
        %parallel_loop3A_386 = arith.constant 0 : i32
        %parallel_loop3A_387 = vector.broadcast %parallel_loop3A_386 : i32 to vector<16xi32>
        %parallel_loop3A_388 = arith.addi %parallel_loop3A_365, %parallel_loop3A_387 : vector<16xi32>
        %parallel_loop3A_389 = arith.cmpf ogt, %parallel_loop3A_385, %parallel_loop3A_355 : vector<16xf32>
        %parallel_loop3A_390 = arith.addf %parallel_loop3A_350, %parallel_loop3A_376 : vector<16xf32>
        %parallel_loop3A_391 = arith.select %parallel_loop3A_389, %parallel_loop3A_385, %parallel_loop3A_355 : vector<16xi1>, vector<16xf32>
        %parallel_loop3A_392 = arith.select %parallel_loop3A_389, %parallel_loop3A_388, %parallel_loop3A_360 : vector<16xi1>, vector<16xi32>
        %parallel_loop3A_393 = arith.constant 1 : i32
        %parallel_loop3A_394 = arith.addi %parallel_loop3A_349, %parallel_loop3A_393 : i32
        %parallel_loop3A_395 = arith.constant 16 : i32
        %parallel_loop3A_396 = arith.muli %parallel_loop3A_394, %parallel_loop3A_395 : i32
        %parallel_loop3A_397 = arith.constant 70000 : i32
        %parallel_loop3A_398 = arith.addi %parallel_loop3A_397, %parallel_loop3A_396 : i32
        %parallel_loop3A_399 = arith.index_cast %parallel_loop3A_398 : i32 to index
        %parallel_loop3A_400 = tpu.vector_load %arg10[%parallel_loop3A_399] {strides = array<i32>} : memref<100000xf32, #tpu.memory_space<vmem>>, vector<16xf32>,
        %parallel_loop3A_401 = arith.subf %parallel_loop3A_400, %broadcast_in_dim3A_114 : vector<16xf32>
        %parallel_loop3A_402 = arith.mulf %parallel_loop3A_401, %div3A_5 : vector<16xf32>
        %parallel_loop3A_403 = math.exp %parallel_loop3A_402 : vector<16xf32>
        %parallel_loop3A_404 = arith.index_cast %parallel_loop3A_398 : i32 to index
        %parallel_loop3A_405 = tpu.vector_load %arg10[%parallel_loop3A_404] {strides = array<i32>} : memref<100000xf32, #tpu.memory_space<vmem>>, vector<16xf32>,
        tpu.vector_store %arg10[%parallel_loop3A_404], %parallel_loop3A_403 {strides = array<i32>} : memref<100000xf32, #tpu.memory_space<vmem>>, vector<16xf32>,
        %parallel_loop3A_406 = arith.constant 1 : i32
        %parallel_loop3A_407 = arith.addi %parallel_loop3A_349, %parallel_loop3A_406 : i32
        %parallel_loop3A_408 = arith.constant 16 : i32
        %parallel_loop3A_409 = arith.muli %parallel_loop3A_407, %parallel_loop3A_408 : i32
        %parallel_loop3A_410 = arith.index_cast %parallel_loop3A_409 : i32 to index
        %parallel_loop3A_411 = tpu.vector_load %arg12[%parallel_loop3A_410] {strides = array<i32>} : memref<10000xf32, #tpu.memory_space<vmem>>, vector<16xf32>,
        %parallel_loop3A_412 = arith.addf %parallel_loop3A_402, %parallel_loop3A_411 : vector<16xf32>
        %parallel_loop3A_413 = arith.constant 16 : i32
        %parallel_loop3A_414 = vector.broadcast %parallel_loop3A_413 : i32 to vector<16xi32>
        %parallel_loop3A_415 = arith.addi %parallel_loop3A_365, %parallel_loop3A_414 : vector<16xi32>
        %parallel_loop3A_416 = arith.cmpf ogt, %parallel_loop3A_412, %parallel_loop3A_356 : vector<16xf32>
        %parallel_loop3A_417 = arith.addf %parallel_loop3A_351, %parallel_loop3A_403 : vector<16xf32>
        %parallel_loop3A_418 = arith.select %parallel_loop3A_416, %parallel_loop3A_412, %parallel_loop3A_356 : vector<16xi1>, vector<16xf32>
        %parallel_loop3A_419 = arith.select %parallel_loop3A_416, %parallel_loop3A_415, %parallel_loop3A_361 : vector<16xi1>, vector<16xi32>
        %parallel_loop3A_420 = arith.constant 2 : i32
        %parallel_loop3A_421 = arith.addi %parallel_loop3A_349, %parallel_loop3A_420 : i32
        %parallel_loop3A_422 = arith.constant 16 : i32
        %parallel_loop3A_423 = arith.muli %parallel_loop3A_421, %parallel_loop3A_422 : i32
        %parallel_loop3A_424 = arith.constant 70000 : i32
        %parallel_loop3A_425 = arith.addi %parallel_loop3A_424, %parallel_loop3A_423 : i32
        %parallel_loop3A_426 = arith.index_cast %parallel_loop3A_425 : i32 to index
        %parallel_loop3A_427 = tpu.vector_load %arg10[%parallel_loop3A_426] {strides = array<i32>} : memref<100000xf32, #tpu.memory_space<vmem>>, vector<16xf32>,
        %parallel_loop3A_428 = arith.subf %parallel_loop3A_427, %broadcast_in_dim3A_114 : vector<16xf32>
        %parallel_loop3A_429 = arith.mulf %parallel_loop3A_428, %div3A_5 : vector<16xf32>
        %parallel_loop3A_430 = math.exp %parallel_loop3A_429 : vector<16xf32>
        %parallel_loop3A_431 = arith.index_cast %parallel_loop3A_425 : i32 to index
        %parallel_loop3A_432 = tpu.vector_load %arg10[%parallel_loop3A_431] {strides = array<i32>} : memref<100000xf32, #tpu.memory_space<vmem>>, vector<16xf32>,
        tpu.vector_store %arg10[%parallel_loop3A_431], %parallel_loop3A_430 {strides = array<i32>} : memref<100000xf32, #tpu.memory_space<vmem>>, vector<16xf32>,
        %parallel_loop3A_433 = arith.constant 2 : i32
        %parallel_loop3A_434 = arith.addi %parallel_loop3A_349, %parallel_loop3A_433 : i32
        %parallel_loop3A_435 = arith.constant 16 : i32
        %parallel_loop3A_436 = arith.muli %parallel_loop3A_434, %parallel_loop3A_435 : i32
        %parallel_loop3A_437 = arith.index_cast %parallel_loop3A_436 : i32 to index
        %parallel_loop3A_438 = tpu.vector_load %arg12[%parallel_loop3A_437] {strides = array<i32>} : memref<10000xf32, #tpu.memory_space<vmem>>, vector<16xf32>,
        %parallel_loop3A_439 = arith.addf %parallel_loop3A_429, %parallel_loop3A_438 : vector<16xf32>
        %parallel_loop3A_440 = arith.constant 32 : i32
        %parallel_loop3A_441 = vector.broadcast %parallel_loop3A_440 : i32 to vector<16xi32>
        %parallel_loop3A_442 = arith.addi %parallel_loop3A_365, %parallel_loop3A_441 : vector<16xi32>
        %parallel_loop3A_443 = arith.cmpf ogt, %parallel_loop3A_439, %parallel_loop3A_357 : vector<16xf32>
        %parallel_loop3A_444 = arith.addf %parallel_loop3A_352, %parallel_loop3A_430 : vector<16xf32>
        %parallel_loop3A_445 = arith.select %parallel_loop3A_443, %parallel_loop3A_439, %parallel_loop3A_357 : vector<16xi1>, vector<16xf32>
        %parallel_loop3A_446 = arith.select %parallel_loop3A_443, %parallel_loop3A_442, %parallel_loop3A_362 : vector<16xi1>, vector<16xi32>
        %parallel_loop3A_447 = arith.constant 3 : i32
        %parallel_loop3A_448 = arith.addi %parallel_loop3A_349, %parallel_loop3A_447 : i32
        %parallel_loop3A_449 = arith.constant 16 : i32
        %parallel_loop3A_450 = arith.muli %parallel_loop3A_448, %parallel_loop3A_449 : i32
        %parallel_loop3A_451 = arith.constant 70000 : i32
        %parallel_loop3A_452 = arith.addi %parallel_loop3A_451, %parallel_loop3A_450 : i32
        %parallel_loop3A_453 = arith.index_cast %parallel_loop3A_452 : i32 to index
        %parallel_loop3A_454 = tpu.vector_load %arg10[%parallel_loop3A_453] {strides = array<i32>} : memref<100000xf32, #tpu.memory_space<vmem>>, vector<16xf32>,
        %parallel_loop3A_455 = arith.subf %parallel_loop3A_454, %broadcast_in_dim3A_114 : vector<16xf32>
        %parallel_loop3A_456 = arith.mulf %parallel_loop3A_455, %div3A_5 : vector<16xf32>
        %parallel_loop3A_457 = math.exp %parallel_loop3A_456 : vector<16xf32>
        %parallel_loop3A_458 = arith.index_cast %parallel_loop3A_452 : i32 to index
        %parallel_loop3A_459 = tpu.vector_load %arg10[%parallel_loop3A_458] {strides = array<i32>} : memref<100000xf32, #tpu.memory_space<vmem>>, vector<16xf32>,
        tpu.vector_store %arg10[%parallel_loop3A_458], %parallel_loop3A_457 {strides = array<i32>} : memref<100000xf32, #tpu.memory_space<vmem>>, vector<16xf32>,
        %parallel_loop3A_460 = arith.constant 3 : i32
        %parallel_loop3A_461 = arith.addi %parallel_loop3A_349, %parallel_loop3A_460 : i32
        %parallel_loop3A_462 = arith.constant 16 : i32
        %parallel_loop3A_463 = arith.muli %parallel_loop3A_461, %parallel_loop3A_462 : i32
        %parallel_loop3A_464 = arith.index_cast %parallel_loop3A_463 : i32 to index
        %parallel_loop3A_465 = tpu.vector_load %arg12[%parallel_loop3A_464] {strides = array<i32>} : memref<10000xf32, #tpu.memory_space<vmem>>, vector<16xf32>,
        %parallel_loop3A_466 = arith.addf %parallel_loop3A_456, %parallel_loop3A_465 : vector<16xf32>
        %parallel_loop3A_467 = arith.constant 48 : i32
        %parallel_loop3A_468 = vector.broadcast %parallel_loop3A_467 : i32 to vector<16xi32>
        %parallel_loop3A_469 = arith.addi %parallel_loop3A_365, %parallel_loop3A_468 : vector<16xi32>
        %parallel_loop3A_470 = arith.cmpf ogt, %parallel_loop3A_466, %parallel_loop3A_358 : vector<16xf32>
        %parallel_loop3A_471 = arith.addf %parallel_loop3A_353, %parallel_loop3A_457 : vector<16xf32>
        %parallel_loop3A_472 = arith.select %parallel_loop3A_470, %parallel_loop3A_466, %parallel_loop3A_358 : vector<16xi1>, vector<16xf32>
        %parallel_loop3A_473 = arith.select %parallel_loop3A_470, %parallel_loop3A_469, %parallel_loop3A_363 : vector<16xi1>, vector<16xi32>
        %parallel_loop3A_474 = arith.constant 4 : i32
        %parallel_loop3A_475 = arith.addi %parallel_loop3A_349, %parallel_loop3A_474 : i32
        %parallel_loop3A_476 = arith.constant 16 : i32
        %parallel_loop3A_477 = arith.muli %parallel_loop3A_475, %parallel_loop3A_476 : i32
        %parallel_loop3A_478 = arith.constant 70000 : i32
        %parallel_loop3A_479 = arith.addi %parallel_loop3A_478, %parallel_loop3A_477 : i32
        %parallel_loop3A_480 = arith.index_cast %parallel_loop3A_479 : i32 to index
        %parallel_loop3A_481 = tpu.vector_load %arg10[%parallel_loop3A_480] {strides = array<i32>} : memref<100000xf32, #tpu.memory_space<vmem>>, vector<16xf32>,
        %parallel_loop3A_482 = arith.subf %parallel_loop3A_481, %broadcast_in_dim3A_114 : vector<16xf32>
        %parallel_loop3A_483 = arith.mulf %parallel_loop3A_482, %div3A_5 : vector<16xf32>
        %parallel_loop3A_484 = math.exp %parallel_loop3A_483 : vector<16xf32>
        %parallel_loop3A_485 = arith.index_cast %parallel_loop3A_479 : i32 to index
        %parallel_loop3A_486 = tpu.vector_load %arg10[%parallel_loop3A_485] {strides = array<i32>} : memref<100000xf32, #tpu.memory_space<vmem>>, vector<16xf32>,
        tpu.vector_store %arg10[%parallel_loop3A_485], %parallel_loop3A_484 {strides = array<i32>} : memref<100000xf32, #tpu.memory_space<vmem>>, vector<16xf32>,
        %parallel_loop3A_487 = arith.constant 4 : i32
        %parallel_loop3A_488 = arith.addi %parallel_loop3A_349, %parallel_loop3A_487 : i32
        %parallel_loop3A_489 = arith.constant 16 : i32
        %parallel_loop3A_490 = arith.muli %parallel_loop3A_488, %parallel_loop3A_489 : i32
        %parallel_loop3A_491 = arith.index_cast %parallel_loop3A_490 : i32 to index
        %parallel_loop3A_492 = tpu.vector_load %arg12[%parallel_loop3A_491] {strides = array<i32>} : memref<10000xf32, #tpu.memory_space<vmem>>, vector<16xf32>,
        %parallel_loop3A_493 = arith.addf %parallel_loop3A_483, %parallel_loop3A_492 : vector<16xf32>
        %parallel_loop3A_494 = arith.constant 64 : i32
        %parallel_loop3A_495 = vector.broadcast %parallel_loop3A_494 : i32 to vector<16xi32>
        %parallel_loop3A_496 = arith.addi %parallel_loop3A_365, %parallel_loop3A_495 : vector<16xi32>
        %parallel_loop3A_497 = arith.cmpf ogt, %parallel_loop3A_493, %parallel_loop3A_359 : vector<16xf32>
        %parallel_loop3A_498 = arith.addf %parallel_loop3A_354, %parallel_loop3A_484 : vector<16xf32>
        %parallel_loop3A_499 = arith.select %parallel_loop3A_497, %parallel_loop3A_493, %parallel_loop3A_359 : vector<16xi1>, vector<16xf32>
        %parallel_loop3A_500 = arith.select %parallel_loop3A_497, %parallel_loop3A_496, %parallel_loop3A_364 : vector<16xi1>, vector<16xi32>
        %parallel_loop3A_501 = arith.constant 80 : i32
        %parallel_loop3A_502 = vector.broadcast %parallel_loop3A_501 : i32 to vector<16xi32>
        %parallel_loop3A_503 = arith.addi %parallel_loop3A_365, %parallel_loop3A_502 : vector<16xi32>
        scf.yield %parallel_loop3A_390, %parallel_loop3A_417, %parallel_loop3A_444, %parallel_loop3A_471, %parallel_loop3A_498, %parallel_loop3A_391, %parallel_loop3A_418, %parallel_loop3A_445, %parallel_loop3A_472, %parallel_loop3A_499, %parallel_loop3A_392, %parallel_loop3A_419, %parallel_loop3A_446, %parallel_loop3A_473, %parallel_loop3A_500, %parallel_loop3A_503 : vector<16xf32>, vector<16xf32>, vector<16xf32>, vector<16xf32>, vector<16xf32>, vector<16xf32>, vector<16xf32>, vector<16xf32>, vector<16xf32>, vector<16xf32>, vector<16xi32>, vector<16xi32>, vector<16xi32>, vector<16xi32>, vector<16xi32>, vector<16xi32>
      } {sc.loop_unroll_factor = 1 : i64, sc.parallel_access}
      %dma_wait3A_259 = arith.constant 80000 : i32
      %dma_wait3A_260 = tpu.memref_slice %arg3[%add3A_28, %dma_wait3A_259] : memref<512x100000xf32, #tpu.memory_space<hbm>> -> memref<1x10000xf32, #tpu.memory_space<hbm>>
      %dma_wait3A_261 = tpu.memref_squeeze %dma_wait3A_260 : memref<1x10000xf32, #tpu.memory_space<hbm>> -> memref<10000xf32, #tpu.memory_space<hbm>>
      %dma_wait3A_262 = arith.constant 80000 : i32
      %dma_wait3A_263 = tpu.memref_slice %arg3[%add3A_28, %dma_wait3A_262] : memref<512x100000xf32, #tpu.memory_space<hbm>> -> memref<1x10000xf32, #tpu.memory_space<hbm>>
      %dma_wait3A_264 = tpu.memref_squeeze %dma_wait3A_263 : memref<1x10000xf32, #tpu.memory_space<hbm>> -> memref<10000xf32, #tpu.memory_space<hbm>>
      tpu.wait_dma2 semaphore(%arg19 : memref<!tpu.dma_semaphore, #tpu.memory_space<semaphore_mem>>) src(%dma_wait3A_264 : memref<10000xf32, #tpu.memory_space<hbm>>) dst(%arg11 : memref<10000xf32, #tpu.memory_space<vmem>>)
      %dma_start3A_265 = arith.constant 90000 : i32
      %dma_start3A_266 = tpu.memref_slice %arg3[%add3A_28, %dma_start3A_265] : memref<512x100000xf32, #tpu.memory_space<hbm>> -> memref<1x10000xf32, #tpu.memory_space<hbm>>
      %dma_start3A_267 = tpu.memref_squeeze %dma_start3A_266 : memref<1x10000xf32, #tpu.memory_space<hbm>> -> memref<10000xf32, #tpu.memory_space<hbm>>
      %dma_start3A_268 = arith.constant 90000 : i32
      %dma_start3A_269 = tpu.memref_slice %arg3[%add3A_28, %dma_start3A_268] : memref<512x100000xf32, #tpu.memory_space<hbm>> -> memref<1x10000xf32, #tpu.memory_space<hbm>>
      %dma_start3A_270 = tpu.memref_squeeze %dma_start3A_269 : memref<1x10000xf32, #tpu.memory_space<hbm>> -> memref<10000xf32, #tpu.memory_space<hbm>>
      tpu.enqueue_dma source(%dma_start3A_270 : memref<10000xf32, #tpu.memory_space<hbm>>) target(%arg12 : memref<10000xf32, #tpu.memory_space<vmem>>) target_semaphore(%arg20 : memref<!tpu.dma_semaphore, #tpu.memory_space<semaphore_mem>>)
      %parallel_loop3A_271 = arith.constant 0 : i32
      %parallel_loop3A_272 = arith.constant 625 : i32
      %parallel_loop3A_273 = arith.constant 5 : i32
      %parallel_loop3A_274:16 = scf.for %parallel_loop3A_349 = %parallel_loop3A_271 to %parallel_loop3A_272 step %parallel_loop3A_273 iter_args(%parallel_loop3A_350 = %parallel_loop3A_258#0, %parallel_loop3A_351 = %parallel_loop3A_258#1, %parallel_loop3A_352 = %parallel_loop3A_258#2, %parallel_loop3A_353 = %parallel_loop3A_258#3, %parallel_loop3A_354 = %parallel_loop3A_258#4, %parallel_loop3A_355 = %parallel_loop3A_258#5, %parallel_loop3A_356 = %parallel_loop3A_258#6, %parallel_loop3A_357 = %parallel_loop3A_258#7, %parallel_loop3A_358 = %parallel_loop3A_258#8, %parallel_loop3A_359 = %parallel_loop3A_258#9, %parallel_loop3A_360 = %parallel_loop3A_258#10, %parallel_loop3A_361 = %parallel_loop3A_258#11, %parallel_loop3A_362 = %parallel_loop3A_258#12, %parallel_loop3A_363 = %parallel_loop3A_258#13, %parallel_loop3A_364 = %parallel_loop3A_258#14, %parallel_loop3A_365 = %parallel_loop3A_258#15) -> (vector<16xf32>, vector<16xf32>, vector<16xf32>, vector<16xf32>, vector<16xf32>, vector<16xf32>, vector<16xf32>, vector<16xf32>, vector<16xf32>, vector<16xf32>, vector<16xi32>, vector<16xi32>, vector<16xi32>, vector<16xi32>, vector<16xi32>, vector<16xi32>)  : i32 {
        %parallel_loop3A_366 = arith.constant 0 : i32
        %parallel_loop3A_367 = arith.addi %parallel_loop3A_349, %parallel_loop3A_366 : i32
        %parallel_loop3A_368 = arith.constant 16 : i32
        %parallel_loop3A_369 = arith.muli %parallel_loop3A_367, %parallel_loop3A_368 : i32
        %parallel_loop3A_370 = arith.constant 80000 : i32
        %parallel_loop3A_371 = arith.addi %parallel_loop3A_370, %parallel_loop3A_369 : i32
        %parallel_loop3A_372 = arith.index_cast %parallel_loop3A_371 : i32 to index
        %parallel_loop3A_373 = tpu.vector_load %arg10[%parallel_loop3A_372] {strides = array<i32>} : memref<100000xf32, #tpu.memory_space<vmem>>, vector<16xf32>,
        %parallel_loop3A_374 = arith.subf %parallel_loop3A_373, %broadcast_in_dim3A_114 : vector<16xf32>
        %parallel_loop3A_375 = arith.mulf %parallel_loop3A_374, %div3A_5 : vector<16xf32>
        %parallel_loop3A_376 = math.exp %parallel_loop3A_375 : vector<16xf32>
        %parallel_loop3A_377 = arith.index_cast %parallel_loop3A_371 : i32 to index
        %parallel_loop3A_378 = tpu.vector_load %arg10[%parallel_loop3A_377] {strides = array<i32>} : memref<100000xf32, #tpu.memory_space<vmem>>, vector<16xf32>,
        tpu.vector_store %arg10[%parallel_loop3A_377], %parallel_loop3A_376 {strides = array<i32>} : memref<100000xf32, #tpu.memory_space<vmem>>, vector<16xf32>,
        %parallel_loop3A_379 = arith.constant 0 : i32
        %parallel_loop3A_380 = arith.addi %parallel_loop3A_349, %parallel_loop3A_379 : i32
        %parallel_loop3A_381 = arith.constant 16 : i32
        %parallel_loop3A_382 = arith.muli %parallel_loop3A_380, %parallel_loop3A_381 : i32
        %parallel_loop3A_383 = arith.index_cast %parallel_loop3A_382 : i32 to index
        %parallel_loop3A_384 = tpu.vector_load %arg11[%parallel_loop3A_383] {strides = array<i32>} : memref<10000xf32, #tpu.memory_space<vmem>>, vector<16xf32>,
        %parallel_loop3A_385 = arith.addf %parallel_loop3A_375, %parallel_loop3A_384 : vector<16xf32>
        %parallel_loop3A_386 = arith.constant 0 : i32
        %parallel_loop3A_387 = vector.broadcast %parallel_loop3A_386 : i32 to vector<16xi32>
        %parallel_loop3A_388 = arith.addi %parallel_loop3A_365, %parallel_loop3A_387 : vector<16xi32>
        %parallel_loop3A_389 = arith.cmpf ogt, %parallel_loop3A_385, %parallel_loop3A_355 : vector<16xf32>
        %parallel_loop3A_390 = arith.addf %parallel_loop3A_350, %parallel_loop3A_376 : vector<16xf32>
        %parallel_loop3A_391 = arith.select %parallel_loop3A_389, %parallel_loop3A_385, %parallel_loop3A_355 : vector<16xi1>, vector<16xf32>
        %parallel_loop3A_392 = arith.select %parallel_loop3A_389, %parallel_loop3A_388, %parallel_loop3A_360 : vector<16xi1>, vector<16xi32>
        %parallel_loop3A_393 = arith.constant 1 : i32
        %parallel_loop3A_394 = arith.addi %parallel_loop3A_349, %parallel_loop3A_393 : i32
        %parallel_loop3A_395 = arith.constant 16 : i32
        %parallel_loop3A_396 = arith.muli %parallel_loop3A_394, %parallel_loop3A_395 : i32
        %parallel_loop3A_397 = arith.constant 80000 : i32
        %parallel_loop3A_398 = arith.addi %parallel_loop3A_397, %parallel_loop3A_396 : i32
        %parallel_loop3A_399 = arith.index_cast %parallel_loop3A_398 : i32 to index
        %parallel_loop3A_400 = tpu.vector_load %arg10[%parallel_loop3A_399] {strides = array<i32>} : memref<100000xf32, #tpu.memory_space<vmem>>, vector<16xf32>,
        %parallel_loop3A_401 = arith.subf %parallel_loop3A_400, %broadcast_in_dim3A_114 : vector<16xf32>
        %parallel_loop3A_402 = arith.mulf %parallel_loop3A_401, %div3A_5 : vector<16xf32>
        %parallel_loop3A_403 = math.exp %parallel_loop3A_402 : vector<16xf32>
        %parallel_loop3A_404 = arith.index_cast %parallel_loop3A_398 : i32 to index
        %parallel_loop3A_405 = tpu.vector_load %arg10[%parallel_loop3A_404] {strides = array<i32>} : memref<100000xf32, #tpu.memory_space<vmem>>, vector<16xf32>,
        tpu.vector_store %arg10[%parallel_loop3A_404], %parallel_loop3A_403 {strides = array<i32>} : memref<100000xf32, #tpu.memory_space<vmem>>, vector<16xf32>,
        %parallel_loop3A_406 = arith.constant 1 : i32
        %parallel_loop3A_407 = arith.addi %parallel_loop3A_349, %parallel_loop3A_406 : i32
        %parallel_loop3A_408 = arith.constant 16 : i32
        %parallel_loop3A_409 = arith.muli %parallel_loop3A_407, %parallel_loop3A_408 : i32
        %parallel_loop3A_410 = arith.index_cast %parallel_loop3A_409 : i32 to index
        %parallel_loop3A_411 = tpu.vector_load %arg11[%parallel_loop3A_410] {strides = array<i32>} : memref<10000xf32, #tpu.memory_space<vmem>>, vector<16xf32>,
        %parallel_loop3A_412 = arith.addf %parallel_loop3A_402, %parallel_loop3A_411 : vector<16xf32>
        %parallel_loop3A_413 = arith.constant 16 : i32
        %parallel_loop3A_414 = vector.broadcast %parallel_loop3A_413 : i32 to vector<16xi32>
        %parallel_loop3A_415 = arith.addi %parallel_loop3A_365, %parallel_loop3A_414 : vector<16xi32>
        %parallel_loop3A_416 = arith.cmpf ogt, %parallel_loop3A_412, %parallel_loop3A_356 : vector<16xf32>
        %parallel_loop3A_417 = arith.addf %parallel_loop3A_351, %parallel_loop3A_403 : vector<16xf32>
        %parallel_loop3A_418 = arith.select %parallel_loop3A_416, %parallel_loop3A_412, %parallel_loop3A_356 : vector<16xi1>, vector<16xf32>
        %parallel_loop3A_419 = arith.select %parallel_loop3A_416, %parallel_loop3A_415, %parallel_loop3A_361 : vector<16xi1>, vector<16xi32>
        %parallel_loop3A_420 = arith.constant 2 : i32
        %parallel_loop3A_421 = arith.addi %parallel_loop3A_349, %parallel_loop3A_420 : i32
        %parallel_loop3A_422 = arith.constant 16 : i32
        %parallel_loop3A_423 = arith.muli %parallel_loop3A_421, %parallel_loop3A_422 : i32
        %parallel_loop3A_424 = arith.constant 80000 : i32
        %parallel_loop3A_425 = arith.addi %parallel_loop3A_424, %parallel_loop3A_423 : i32
        %parallel_loop3A_426 = arith.index_cast %parallel_loop3A_425 : i32 to index
        %parallel_loop3A_427 = tpu.vector_load %arg10[%parallel_loop3A_426] {strides = array<i32>} : memref<100000xf32, #tpu.memory_space<vmem>>, vector<16xf32>,
        %parallel_loop3A_428 = arith.subf %parallel_loop3A_427, %broadcast_in_dim3A_114 : vector<16xf32>
        %parallel_loop3A_429 = arith.mulf %parallel_loop3A_428, %div3A_5 : vector<16xf32>
        %parallel_loop3A_430 = math.exp %parallel_loop3A_429 : vector<16xf32>
        %parallel_loop3A_431 = arith.index_cast %parallel_loop3A_425 : i32 to index
        %parallel_loop3A_432 = tpu.vector_load %arg10[%parallel_loop3A_431] {strides = array<i32>} : memref<100000xf32, #tpu.memory_space<vmem>>, vector<16xf32>,
        tpu.vector_store %arg10[%parallel_loop3A_431], %parallel_loop3A_430 {strides = array<i32>} : memref<100000xf32, #tpu.memory_space<vmem>>, vector<16xf32>,
        %parallel_loop3A_433 = arith.constant 2 : i32
        %parallel_loop3A_434 = arith.addi %parallel_loop3A_349, %parallel_loop3A_433 : i32
        %parallel_loop3A_435 = arith.constant 16 : i32
        %parallel_loop3A_436 = arith.muli %parallel_loop3A_434, %parallel_loop3A_435 : i32
        %parallel_loop3A_437 = arith.index_cast %parallel_loop3A_436 : i32 to index
        %parallel_loop3A_438 = tpu.vector_load %arg11[%parallel_loop3A_437] {strides = array<i32>} : memref<10000xf32, #tpu.memory_space<vmem>>, vector<16xf32>,
        %parallel_loop3A_439 = arith.addf %parallel_loop3A_429, %parallel_loop3A_438 : vector<16xf32>
        %parallel_loop3A_440 = arith.constant 32 : i32
        %parallel_loop3A_441 = vector.broadcast %parallel_loop3A_440 : i32 to vector<16xi32>
        %parallel_loop3A_442 = arith.addi %parallel_loop3A_365, %parallel_loop3A_441 : vector<16xi32>
        %parallel_loop3A_443 = arith.cmpf ogt, %parallel_loop3A_439, %parallel_loop3A_357 : vector<16xf32>
        %parallel_loop3A_444 = arith.addf %parallel_loop3A_352, %parallel_loop3A_430 : vector<16xf32>
        %parallel_loop3A_445 = arith.select %parallel_loop3A_443, %parallel_loop3A_439, %parallel_loop3A_357 : vector<16xi1>, vector<16xf32>
        %parallel_loop3A_446 = arith.select %parallel_loop3A_443, %parallel_loop3A_442, %parallel_loop3A_362 : vector<16xi1>, vector<16xi32>
        %parallel_loop3A_447 = arith.constant 3 : i32
        %parallel_loop3A_448 = arith.addi %parallel_loop3A_349, %parallel_loop3A_447 : i32
        %parallel_loop3A_449 = arith.constant 16 : i32
        %parallel_loop3A_450 = arith.muli %parallel_loop3A_448, %parallel_loop3A_449 : i32
        %parallel_loop3A_451 = arith.constant 80000 : i32
        %parallel_loop3A_452 = arith.addi %parallel_loop3A_451, %parallel_loop3A_450 : i32
        %parallel_loop3A_453 = arith.index_cast %parallel_loop3A_452 : i32 to index
        %parallel_loop3A_454 = tpu.vector_load %arg10[%parallel_loop3A_453] {strides = array<i32>} : memref<100000xf32, #tpu.memory_space<vmem>>, vector<16xf32>,
        %parallel_loop3A_455 = arith.subf %parallel_loop3A_454, %broadcast_in_dim3A_114 : vector<16xf32>
        %parallel_loop3A_456 = arith.mulf %parallel_loop3A_455, %div3A_5 : vector<16xf32>
        %parallel_loop3A_457 = math.exp %parallel_loop3A_456 : vector<16xf32>
        %parallel_loop3A_458 = arith.index_cast %parallel_loop3A_452 : i32 to index
        %parallel_loop3A_459 = tpu.vector_load %arg10[%parallel_loop3A_458] {strides = array<i32>} : memref<100000xf32, #tpu.memory_space<vmem>>, vector<16xf32>,
        tpu.vector_store %arg10[%parallel_loop3A_458], %parallel_loop3A_457 {strides = array<i32>} : memref<100000xf32, #tpu.memory_space<vmem>>, vector<16xf32>,
        %parallel_loop3A_460 = arith.constant 3 : i32
        %parallel_loop3A_461 = arith.addi %parallel_loop3A_349, %parallel_loop3A_460 : i32
        %parallel_loop3A_462 = arith.constant 16 : i32
        %parallel_loop3A_463 = arith.muli %parallel_loop3A_461, %parallel_loop3A_462 : i32
        %parallel_loop3A_464 = arith.index_cast %parallel_loop3A_463 : i32 to index
        %parallel_loop3A_465 = tpu.vector_load %arg11[%parallel_loop3A_464] {strides = array<i32>} : memref<10000xf32, #tpu.memory_space<vmem>>, vector<16xf32>,
        %parallel_loop3A_466 = arith.addf %parallel_loop3A_456, %parallel_loop3A_465 : vector<16xf32>
        %parallel_loop3A_467 = arith.constant 48 : i32
        %parallel_loop3A_468 = vector.broadcast %parallel_loop3A_467 : i32 to vector<16xi32>
        %parallel_loop3A_469 = arith.addi %parallel_loop3A_365, %parallel_loop3A_468 : vector<16xi32>
        %parallel_loop3A_470 = arith.cmpf ogt, %parallel_loop3A_466, %parallel_loop3A_358 : vector<16xf32>
        %parallel_loop3A_471 = arith.addf %parallel_loop3A_353, %parallel_loop3A_457 : vector<16xf32>
        %parallel_loop3A_472 = arith.select %parallel_loop3A_470, %parallel_loop3A_466, %parallel_loop3A_358 : vector<16xi1>, vector<16xf32>
        %parallel_loop3A_473 = arith.select %parallel_loop3A_470, %parallel_loop3A_469, %parallel_loop3A_363 : vector<16xi1>, vector<16xi32>
        %parallel_loop3A_474 = arith.constant 4 : i32
        %parallel_loop3A_475 = arith.addi %parallel_loop3A_349, %parallel_loop3A_474 : i32
        %parallel_loop3A_476 = arith.constant 16 : i32
        %parallel_loop3A_477 = arith.muli %parallel_loop3A_475, %parallel_loop3A_476 : i32
        %parallel_loop3A_478 = arith.constant 80000 : i32
        %parallel_loop3A_479 = arith.addi %parallel_loop3A_478, %parallel_loop3A_477 : i32
        %parallel_loop3A_480 = arith.index_cast %parallel_loop3A_479 : i32 to index
        %parallel_loop3A_481 = tpu.vector_load %arg10[%parallel_loop3A_480] {strides = array<i32>} : memref<100000xf32, #tpu.memory_space<vmem>>, vector<16xf32>,
        %parallel_loop3A_482 = arith.subf %parallel_loop3A_481, %broadcast_in_dim3A_114 : vector<16xf32>
        %parallel_loop3A_483 = arith.mulf %parallel_loop3A_482, %div3A_5 : vector<16xf32>
        %parallel_loop3A_484 = math.exp %parallel_loop3A_483 : vector<16xf32>
        %parallel_loop3A_485 = arith.index_cast %parallel_loop3A_479 : i32 to index
        %parallel_loop3A_486 = tpu.vector_load %arg10[%parallel_loop3A_485] {strides = array<i32>} : memref<100000xf32, #tpu.memory_space<vmem>>, vector<16xf32>,
        tpu.vector_store %arg10[%parallel_loop3A_485], %parallel_loop3A_484 {strides = array<i32>} : memref<100000xf32, #tpu.memory_space<vmem>>, vector<16xf32>,
        %parallel_loop3A_487 = arith.constant 4 : i32
        %parallel_loop3A_488 = arith.addi %parallel_loop3A_349, %parallel_loop3A_487 : i32
        %parallel_loop3A_489 = arith.constant 16 : i32
        %parallel_loop3A_490 = arith.muli %parallel_loop3A_488, %parallel_loop3A_489 : i32
        %parallel_loop3A_491 = arith.index_cast %parallel_loop3A_490 : i32 to index
        %parallel_loop3A_492 = tpu.vector_load %arg11[%parallel_loop3A_491] {strides = array<i32>} : memref<10000xf32, #tpu.memory_space<vmem>>, vector<16xf32>,
        %parallel_loop3A_493 = arith.addf %parallel_loop3A_483, %parallel_loop3A_492 : vector<16xf32>
        %parallel_loop3A_494 = arith.constant 64 : i32
        %parallel_loop3A_495 = vector.broadcast %parallel_loop3A_494 : i32 to vector<16xi32>
        %parallel_loop3A_496 = arith.addi %parallel_loop3A_365, %parallel_loop3A_495 : vector<16xi32>
        %parallel_loop3A_497 = arith.cmpf ogt, %parallel_loop3A_493, %parallel_loop3A_359 : vector<16xf32>
        %parallel_loop3A_498 = arith.addf %parallel_loop3A_354, %parallel_loop3A_484 : vector<16xf32>
        %parallel_loop3A_499 = arith.select %parallel_loop3A_497, %parallel_loop3A_493, %parallel_loop3A_359 : vector<16xi1>, vector<16xf32>
        %parallel_loop3A_500 = arith.select %parallel_loop3A_497, %parallel_loop3A_496, %parallel_loop3A_364 : vector<16xi1>, vector<16xi32>
        %parallel_loop3A_501 = arith.constant 80 : i32
        %parallel_loop3A_502 = vector.broadcast %parallel_loop3A_501 : i32 to vector<16xi32>
        %parallel_loop3A_503 = arith.addi %parallel_loop3A_365, %parallel_loop3A_502 : vector<16xi32>
        scf.yield %parallel_loop3A_390, %parallel_loop3A_417, %parallel_loop3A_444, %parallel_loop3A_471, %parallel_loop3A_498, %parallel_loop3A_391, %parallel_loop3A_418, %parallel_loop3A_445, %parallel_loop3A_472, %parallel_loop3A_499, %parallel_loop3A_392, %parallel_loop3A_419, %parallel_loop3A_446, %parallel_loop3A_473, %parallel_loop3A_500, %parallel_loop3A_503 : vector<16xf32>, vector<16xf32>, vector<16xf32>, vector<16xf32>, vector<16xf32>, vector<16xf32>, vector<16xf32>, vector<16xf32>, vector<16xf32>, vector<16xf32>, vector<16xi32>, vector<16xi32>, vector<16xi32>, vector<16xi32>, vector<16xi32>, vector<16xi32>
      } {sc.loop_unroll_factor = 1 : i64, sc.parallel_access}
      %dma_wait3A_275 = arith.constant 90000 : i32
      %dma_wait3A_276 = tpu.memref_slice %arg3[%add3A_28, %dma_wait3A_275] : memref<512x100000xf32, #tpu.memory_space<hbm>> -> memref<1x10000xf32, #tpu.memory_space<hbm>>
      %dma_wait3A_277 = tpu.memref_squeeze %dma_wait3A_276 : memref<1x10000xf32, #tpu.memory_space<hbm>> -> memref<10000xf32, #tpu.memory_space<hbm>>
      %dma_wait3A_278 = arith.constant 90000 : i32
      %dma_wait3A_279 = tpu.memref_slice %arg3[%add3A_28, %dma_wait3A_278] : memref<512x100000xf32, #tpu.memory_space<hbm>> -> memref<1x10000xf32, #tpu.memory_space<hbm>>
      %dma_wait3A_280 = tpu.memref_squeeze %dma_wait3A_279 : memref<1x10000xf32, #tpu.memory_space<hbm>> -> memref<10000xf32, #tpu.memory_space<hbm>>
      tpu.wait_dma2 semaphore(%arg20 : memref<!tpu.dma_semaphore, #tpu.memory_space<semaphore_mem>>) src(%dma_wait3A_280 : memref<10000xf32, #tpu.memory_space<hbm>>) dst(%arg12 : memref<10000xf32, #tpu.memory_space<vmem>>)
      %parallel_loop3A_281 = arith.constant 0 : i32
      %parallel_loop3A_282 = arith.constant 625 : i32
      %parallel_loop3A_283 = arith.constant 5 : i32
      %parallel_loop3A_284:16 = scf.for %parallel_loop3A_349 = %parallel_loop3A_281 to %parallel_loop3A_282 step %parallel_loop3A_283 iter_args(%parallel_loop3A_350 = %parallel_loop3A_274#0, %parallel_loop3A_351 = %parallel_loop3A_274#1, %parallel_loop3A_352 = %parallel_loop3A_274#2, %parallel_loop3A_353 = %parallel_loop3A_274#3, %parallel_loop3A_354 = %parallel_loop3A_274#4, %parallel_loop3A_355 = %parallel_loop3A_274#5, %parallel_loop3A_356 = %parallel_loop3A_274#6, %parallel_loop3A_357 = %parallel_loop3A_274#7, %parallel_loop3A_358 = %parallel_loop3A_274#8, %parallel_loop3A_359 = %parallel_loop3A_274#9, %parallel_loop3A_360 = %parallel_loop3A_274#10, %parallel_loop3A_361 = %parallel_loop3A_274#11, %parallel_loop3A_362 = %parallel_loop3A_274#12, %parallel_loop3A_363 = %parallel_loop3A_274#13, %parallel_loop3A_364 = %parallel_loop3A_274#14, %parallel_loop3A_365 = %parallel_loop3A_274#15) -> (vector<16xf32>, vector<16xf32>, vector<16xf32>, vector<16xf32>, vector<16xf32>, vector<16xf32>, vector<16xf32>, vector<16xf32>, vector<16xf32>, vector<16xf32>, vector<16xi32>, vector<16xi32>, vector<16xi32>, vector<16xi32>, vector<16xi32>, vector<16xi32>)  : i32 {
        %parallel_loop3A_366 = arith.constant 0 : i32
        %parallel_loop3A_367 = arith.addi %parallel_loop3A_349, %parallel_loop3A_366 : i32
        %parallel_loop3A_368 = arith.constant 16 : i32
        %parallel_loop3A_369 = arith.muli %parallel_loop3A_367, %parallel_loop3A_368 : i32
        %parallel_loop3A_370 = arith.constant 90000 : i32
        %parallel_loop3A_371 = arith.addi %parallel_loop3A_370, %parallel_loop3A_369 : i32
        %parallel_loop3A_372 = arith.index_cast %parallel_loop3A_371 : i32 to index
        %parallel_loop3A_373 = tpu.vector_load %arg10[%parallel_loop3A_372] {strides = array<i32>} : memref<100000xf32, #tpu.memory_space<vmem>>, vector<16xf32>,
        %parallel_loop3A_374 = arith.subf %parallel_loop3A_373, %broadcast_in_dim3A_114 : vector<16xf32>
        %parallel_loop3A_375 = arith.mulf %parallel_loop3A_374, %div3A_5 : vector<16xf32>
        %parallel_loop3A_376 = math.exp %parallel_loop3A_375 : vector<16xf32>
        %parallel_loop3A_377 = arith.index_cast %parallel_loop3A_371 : i32 to index
        %parallel_loop3A_378 = tpu.vector_load %arg10[%parallel_loop3A_377] {strides = array<i32>} : memref<100000xf32, #tpu.memory_space<vmem>>, vector<16xf32>,
        tpu.vector_store %arg10[%parallel_loop3A_377], %parallel_loop3A_376 {strides = array<i32>} : memref<100000xf32, #tpu.memory_space<vmem>>, vector<16xf32>,
        %parallel_loop3A_379 = arith.constant 0 : i32
        %parallel_loop3A_380 = arith.addi %parallel_loop3A_349, %parallel_loop3A_379 : i32
        %parallel_loop3A_381 = arith.constant 16 : i32
        %parallel_loop3A_382 = arith.muli %parallel_loop3A_380, %parallel_loop3A_381 : i32
        %parallel_loop3A_383 = arith.index_cast %parallel_loop3A_382 : i32 to index
        %parallel_loop3A_384 = tpu.vector_load %arg12[%parallel_loop3A_383] {strides = array<i32>} : memref<10000xf32, #tpu.memory_space<vmem>>, vector<16xf32>,
        %parallel_loop3A_385 = arith.addf %parallel_loop3A_375, %parallel_loop3A_384 : vector<16xf32>
        %parallel_loop3A_386 = arith.constant 0 : i32
        %parallel_loop3A_387 = vector.broadcast %parallel_loop3A_386 : i32 to vector<16xi32>
        %parallel_loop3A_388 = arith.addi %parallel_loop3A_365, %parallel_loop3A_387 : vector<16xi32>
        %parallel_loop3A_389 = arith.cmpf ogt, %parallel_loop3A_385, %parallel_loop3A_355 : vector<16xf32>
        %parallel_loop3A_390 = arith.addf %parallel_loop3A_350, %parallel_loop3A_376 : vector<16xf32>
        %parallel_loop3A_391 = arith.select %parallel_loop3A_389, %parallel_loop3A_385, %parallel_loop3A_355 : vector<16xi1>, vector<16xf32>
        %parallel_loop3A_392 = arith.select %parallel_loop3A_389, %parallel_loop3A_388, %parallel_loop3A_360 : vector<16xi1>, vector<16xi32>
        %parallel_loop3A_393 = arith.constant 1 : i32
        %parallel_loop3A_394 = arith.addi %parallel_loop3A_349, %parallel_loop3A_393 : i32
        %parallel_loop3A_395 = arith.constant 16 : i32
        %parallel_loop3A_396 = arith.muli %parallel_loop3A_394, %parallel_loop3A_395 : i32
        %parallel_loop3A_397 = arith.constant 90000 : i32
        %parallel_loop3A_398 = arith.addi %parallel_loop3A_397, %parallel_loop3A_396 : i32
        %parallel_loop3A_399 = arith.index_cast %parallel_loop3A_398 : i32 to index
        %parallel_loop3A_400 = tpu.vector_load %arg10[%parallel_loop3A_399] {strides = array<i32>} : memref<100000xf32, #tpu.memory_space<vmem>>, vector<16xf32>,
        %parallel_loop3A_401 = arith.subf %parallel_loop3A_400, %broadcast_in_dim3A_114 : vector<16xf32>
        %parallel_loop3A_402 = arith.mulf %parallel_loop3A_401, %div3A_5 : vector<16xf32>
        %parallel_loop3A_403 = math.exp %parallel_loop3A_402 : vector<16xf32>
        %parallel_loop3A_404 = arith.index_cast %parallel_loop3A_398 : i32 to index
        %parallel_loop3A_405 = tpu.vector_load %arg10[%parallel_loop3A_404] {strides = array<i32>} : memref<100000xf32, #tpu.memory_space<vmem>>, vector<16xf32>,
        tpu.vector_store %arg10[%parallel_loop3A_404], %parallel_loop3A_403 {strides = array<i32>} : memref<100000xf32, #tpu.memory_space<vmem>>, vector<16xf32>,
        %parallel_loop3A_406 = arith.constant 1 : i32
        %parallel_loop3A_407 = arith.addi %parallel_loop3A_349, %parallel_loop3A_406 : i32
        %parallel_loop3A_408 = arith.constant 16 : i32
        %parallel_loop3A_409 = arith.muli %parallel_loop3A_407, %parallel_loop3A_408 : i32
        %parallel_loop3A_410 = arith.index_cast %parallel_loop3A_409 : i32 to index
        %parallel_loop3A_411 = tpu.vector_load %arg12[%parallel_loop3A_410] {strides = array<i32>} : memref<10000xf32, #tpu.memory_space<vmem>>, vector<16xf32>,
        %parallel_loop3A_412 = arith.addf %parallel_loop3A_402, %parallel_loop3A_411 : vector<16xf32>
        %parallel_loop3A_413 = arith.constant 16 : i32
        %parallel_loop3A_414 = vector.broadcast %parallel_loop3A_413 : i32 to vector<16xi32>
        %parallel_loop3A_415 = arith.addi %parallel_loop3A_365, %parallel_loop3A_414 : vector<16xi32>
        %parallel_loop3A_416 = arith.cmpf ogt, %parallel_loop3A_412, %parallel_loop3A_356 : vector<16xf32>
        %parallel_loop3A_417 = arith.addf %parallel_loop3A_351, %parallel_loop3A_403 : vector<16xf32>
        %parallel_loop3A_418 = arith.select %parallel_loop3A_416, %parallel_loop3A_412, %parallel_loop3A_356 : vector<16xi1>, vector<16xf32>
        %parallel_loop3A_419 = arith.select %parallel_loop3A_416, %parallel_loop3A_415, %parallel_loop3A_361 : vector<16xi1>, vector<16xi32>
        %parallel_loop3A_420 = arith.constant 2 : i32
        %parallel_loop3A_421 = arith.addi %parallel_loop3A_349, %parallel_loop3A_420 : i32
        %parallel_loop3A_422 = arith.constant 16 : i32
        %parallel_loop3A_423 = arith.muli %parallel_loop3A_421, %parallel_loop3A_422 : i32
        %parallel_loop3A_424 = arith.constant 90000 : i32
        %parallel_loop3A_425 = arith.addi %parallel_loop3A_424, %parallel_loop3A_423 : i32
        %parallel_loop3A_426 = arith.index_cast %parallel_loop3A_425 : i32 to index
        %parallel_loop3A_427 = tpu.vector_load %arg10[%parallel_loop3A_426] {strides = array<i32>} : memref<100000xf32, #tpu.memory_space<vmem>>, vector<16xf32>,
        %parallel_loop3A_428 = arith.subf %parallel_loop3A_427, %broadcast_in_dim3A_114 : vector<16xf32>
        %parallel_loop3A_429 = arith.mulf %parallel_loop3A_428, %div3A_5 : vector<16xf32>
        %parallel_loop3A_430 = math.exp %parallel_loop3A_429 : vector<16xf32>
        %parallel_loop3A_431 = arith.index_cast %parallel_loop3A_425 : i32 to index
        %parallel_loop3A_432 = tpu.vector_load %arg10[%parallel_loop3A_431] {strides = array<i32>} : memref<100000xf32, #tpu.memory_space<vmem>>, vector<16xf32>,
        tpu.vector_store %arg10[%parallel_loop3A_431], %parallel_loop3A_430 {strides = array<i32>} : memref<100000xf32, #tpu.memory_space<vmem>>, vector<16xf32>,
        %parallel_loop3A_433 = arith.constant 2 : i32
        %parallel_loop3A_434 = arith.addi %parallel_loop3A_349, %parallel_loop3A_433 : i32
        %parallel_loop3A_435 = arith.constant 16 : i32
        %parallel_loop3A_436 = arith.muli %parallel_loop3A_434, %parallel_loop3A_435 : i32
        %parallel_loop3A_437 = arith.index_cast %parallel_loop3A_436 : i32 to index
        %parallel_loop3A_438 = tpu.vector_load %arg12[%parallel_loop3A_437] {strides = array<i32>} : memref<10000xf32, #tpu.memory_space<vmem>>, vector<16xf32>,
        %parallel_loop3A_439 = arith.addf %parallel_loop3A_429, %parallel_loop3A_438 : vector<16xf32>
        %parallel_loop3A_440 = arith.constant 32 : i32
        %parallel_loop3A_441 = vector.broadcast %parallel_loop3A_440 : i32 to vector<16xi32>
        %parallel_loop3A_442 = arith.addi %parallel_loop3A_365, %parallel_loop3A_441 : vector<16xi32>
        %parallel_loop3A_443 = arith.cmpf ogt, %parallel_loop3A_439, %parallel_loop3A_357 : vector<16xf32>
        %parallel_loop3A_444 = arith.addf %parallel_loop3A_352, %parallel_loop3A_430 : vector<16xf32>
        %parallel_loop3A_445 = arith.select %parallel_loop3A_443, %parallel_loop3A_439, %parallel_loop3A_357 : vector<16xi1>, vector<16xf32>
        %parallel_loop3A_446 = arith.select %parallel_loop3A_443, %parallel_loop3A_442, %parallel_loop3A_362 : vector<16xi1>, vector<16xi32>
        %parallel_loop3A_447 = arith.constant 3 : i32
        %parallel_loop3A_448 = arith.addi %parallel_loop3A_349, %parallel_loop3A_447 : i32
        %parallel_loop3A_449 = arith.constant 16 : i32
        %parallel_loop3A_450 = arith.muli %parallel_loop3A_448, %parallel_loop3A_449 : i32
        %parallel_loop3A_451 = arith.constant 90000 : i32
        %parallel_loop3A_452 = arith.addi %parallel_loop3A_451, %parallel_loop3A_450 : i32
        %parallel_loop3A_453 = arith.index_cast %parallel_loop3A_452 : i32 to index
        %parallel_loop3A_454 = tpu.vector_load %arg10[%parallel_loop3A_453] {strides = array<i32>} : memref<100000xf32, #tpu.memory_space<vmem>>, vector<16xf32>,
        %parallel_loop3A_455 = arith.subf %parallel_loop3A_454, %broadcast_in_dim3A_114 : vector<16xf32>
        %parallel_loop3A_456 = arith.mulf %parallel_loop3A_455, %div3A_5 : vector<16xf32>
        %parallel_loop3A_457 = math.exp %parallel_loop3A_456 : vector<16xf32>
        %parallel_loop3A_458 = arith.index_cast %parallel_loop3A_452 : i32 to index
        %parallel_loop3A_459 = tpu.vector_load %arg10[%parallel_loop3A_458] {strides = array<i32>} : memref<100000xf32, #tpu.memory_space<vmem>>, vector<16xf32>,
        tpu.vector_store %arg10[%parallel_loop3A_458], %parallel_loop3A_457 {strides = array<i32>} : memref<100000xf32, #tpu.memory_space<vmem>>, vector<16xf32>,
        %parallel_loop3A_460 = arith.constant 3 : i32
        %parallel_loop3A_461 = arith.addi %parallel_loop3A_349, %parallel_loop3A_460 : i32
        %parallel_loop3A_462 = arith.constant 16 : i32
        %parallel_loop3A_463 = arith.muli %parallel_loop3A_461, %parallel_loop3A_462 : i32
        %parallel_loop3A_464 = arith.index_cast %parallel_loop3A_463 : i32 to index
        %parallel_loop3A_465 = tpu.vector_load %arg12[%parallel_loop3A_464] {strides = array<i32>} : memref<10000xf32, #tpu.memory_space<vmem>>, vector<16xf32>,
        %parallel_loop3A_466 = arith.addf %parallel_loop3A_456, %parallel_loop3A_465 : vector<16xf32>
        %parallel_loop3A_467 = arith.constant 48 : i32
        %parallel_loop3A_468 = vector.broadcast %parallel_loop3A_467 : i32 to vector<16xi32>
        %parallel_loop3A_469 = arith.addi %parallel_loop3A_365, %parallel_loop3A_468 : vector<16xi32>
        %parallel_loop3A_470 = arith.cmpf ogt, %parallel_loop3A_466, %parallel_loop3A_358 : vector<16xf32>
        %parallel_loop3A_471 = arith.addf %parallel_loop3A_353, %parallel_loop3A_457 : vector<16xf32>
        %parallel_loop3A_472 = arith.select %parallel_loop3A_470, %parallel_loop3A_466, %parallel_loop3A_358 : vector<16xi1>, vector<16xf32>
        %parallel_loop3A_473 = arith.select %parallel_loop3A_470, %parallel_loop3A_469, %parallel_loop3A_363 : vector<16xi1>, vector<16xi32>
        %parallel_loop3A_474 = arith.constant 4 : i32
        %parallel_loop3A_475 = arith.addi %parallel_loop3A_349, %parallel_loop3A_474 : i32
        %parallel_loop3A_476 = arith.constant 16 : i32
        %parallel_loop3A_477 = arith.muli %parallel_loop3A_475, %parallel_loop3A_476 : i32
        %parallel_loop3A_478 = arith.constant 90000 : i32
        %parallel_loop3A_479 = arith.addi %parallel_loop3A_478, %parallel_loop3A_477 : i32
        %parallel_loop3A_480 = arith.index_cast %parallel_loop3A_479 : i32 to index
        %parallel_loop3A_481 = tpu.vector_load %arg10[%parallel_loop3A_480] {strides = array<i32>} : memref<100000xf32, #tpu.memory_space<vmem>>, vector<16xf32>,
        %parallel_loop3A_482 = arith.subf %parallel_loop3A_481, %broadcast_in_dim3A_114 : vector<16xf32>
        %parallel_loop3A_483 = arith.mulf %parallel_loop3A_482, %div3A_5 : vector<16xf32>
        %parallel_loop3A_484 = math.exp %parallel_loop3A_483 : vector<16xf32>
        %parallel_loop3A_485 = arith.index_cast %parallel_loop3A_479 : i32 to index
        %parallel_loop3A_486 = tpu.vector_load %arg10[%parallel_loop3A_485] {strides = array<i32>} : memref<100000xf32, #tpu.memory_space<vmem>>, vector<16xf32>,
        tpu.vector_store %arg10[%parallel_loop3A_485], %parallel_loop3A_484 {strides = array<i32>} : memref<100000xf32, #tpu.memory_space<vmem>>, vector<16xf32>,
        %parallel_loop3A_487 = arith.constant 4 : i32
        %parallel_loop3A_488 = arith.addi %parallel_loop3A_349, %parallel_loop3A_487 : i32
        %parallel_loop3A_489 = arith.constant 16 : i32
        %parallel_loop3A_490 = arith.muli %parallel_loop3A_488, %parallel_loop3A_489 : i32
        %parallel_loop3A_491 = arith.index_cast %parallel_loop3A_490 : i32 to index
        %parallel_loop3A_492 = tpu.vector_load %arg12[%parallel_loop3A_491] {strides = array<i32>} : memref<10000xf32, #tpu.memory_space<vmem>>, vector<16xf32>,
        %parallel_loop3A_493 = arith.addf %parallel_loop3A_483, %parallel_loop3A_492 : vector<16xf32>
        %parallel_loop3A_494 = arith.constant 64 : i32
        %parallel_loop3A_495 = vector.broadcast %parallel_loop3A_494 : i32 to vector<16xi32>
        %parallel_loop3A_496 = arith.addi %parallel_loop3A_365, %parallel_loop3A_495 : vector<16xi32>
        %parallel_loop3A_497 = arith.cmpf ogt, %parallel_loop3A_493, %parallel_loop3A_359 : vector<16xf32>
        %parallel_loop3A_498 = arith.addf %parallel_loop3A_354, %parallel_loop3A_484 : vector<16xf32>
        %parallel_loop3A_499 = arith.select %parallel_loop3A_497, %parallel_loop3A_493, %parallel_loop3A_359 : vector<16xi1>, vector<16xf32>
        %parallel_loop3A_500 = arith.select %parallel_loop3A_497, %parallel_loop3A_496, %parallel_loop3A_364 : vector<16xi1>, vector<16xi32>
        %parallel_loop3A_501 = arith.constant 80 : i32
        %parallel_loop3A_502 = vector.broadcast %parallel_loop3A_501 : i32 to vector<16xi32>
        %parallel_loop3A_503 = arith.addi %parallel_loop3A_365, %parallel_loop3A_502 : vector<16xi32>
        scf.yield %parallel_loop3A_390, %parallel_loop3A_417, %parallel_loop3A_444, %parallel_loop3A_471, %parallel_loop3A_498, %parallel_loop3A_391, %parallel_loop3A_418, %parallel_loop3A_445, %parallel_loop3A_472, %parallel_loop3A_499, %parallel_loop3A_392, %parallel_loop3A_419, %parallel_loop3A_446, %parallel_loop3A_473, %parallel_loop3A_500, %parallel_loop3A_503 : vector<16xf32>, vector<16xf32>, vector<16xf32>, vector<16xf32>, vector<16xf32>, vector<16xf32>, vector<16xf32>, vector<16xf32>, vector<16xf32>, vector<16xf32>, vector<16xi32>, vector<16xi32>, vector<16xi32>, vector<16xi32>, vector<16xi32>, vector<16xi32>
      } {sc.loop_unroll_factor = 1 : i64, sc.parallel_access}
      %gt3A_285 = arith.cmpf ogt, %parallel_loop3A_284#6, %parallel_loop3A_284#5 : vector<16xf32>
      %eq3A_286 = arith.cmpf oeq, %parallel_loop3A_284#6, %parallel_loop3A_284#5 : vector<16xf32>
      %lt3A_287 = arith.cmpi slt, %parallel_loop3A_284#11, %parallel_loop3A_284#10 : vector<16xi32>
      %and3A_288 = arith.andi %eq3A_286, %lt3A_287 : vector<16xi1>
      %or3A_289 = arith.ori %gt3A_285, %and3A_288 : vector<16xi1>
      %select_n3A_290 = arith.select %or3A_289, %parallel_loop3A_284#6, %parallel_loop3A_284#5 : vector<16xi1>, vector<16xf32>
      %select_n3A_291 = arith.select %or3A_289, %parallel_loop3A_284#11, %parallel_loop3A_284#10 : vector<16xi1>, vector<16xi32>
      %gt3A_292 = arith.cmpf ogt, %parallel_loop3A_284#7, %select_n3A_290 : vector<16xf32>
      %eq3A_293 = arith.cmpf oeq, %parallel_loop3A_284#7, %select_n3A_290 : vector<16xf32>
      %lt3A_294 = arith.cmpi slt, %parallel_loop3A_284#12, %select_n3A_291 : vector<16xi32>
      %and3A_295 = arith.andi %eq3A_293, %lt3A_294 : vector<16xi1>
      %or3A_296 = arith.ori %gt3A_292, %and3A_295 : vector<16xi1>
      %select_n3A_297 = arith.select %or3A_296, %parallel_loop3A_284#7, %select_n3A_290 : vector<16xi1>, vector<16xf32>
      %select_n3A_298 = arith.select %or3A_296, %parallel_loop3A_284#12, %select_n3A_291 : vector<16xi1>, vector<16xi32>
      %gt3A_299 = arith.cmpf ogt, %parallel_loop3A_284#8, %select_n3A_297 : vector<16xf32>
      %eq3A_300 = arith.cmpf oeq, %parallel_loop3A_284#8, %select_n3A_297 : vector<16xf32>
      %lt3A_301 = arith.cmpi slt, %parallel_loop3A_284#13, %select_n3A_298 : vector<16xi32>
      %and3A_302 = arith.andi %eq3A_300, %lt3A_301 : vector<16xi1>
      %or3A_303 = arith.ori %gt3A_299, %and3A_302 : vector<16xi1>
      %select_n3A_304 = arith.select %or3A_303, %parallel_loop3A_284#8, %select_n3A_297 : vector<16xi1>, vector<16xf32>
      %select_n3A_305 = arith.select %or3A_303, %parallel_loop3A_284#13, %select_n3A_298 : vector<16xi1>, vector<16xi32>
      %gt3A_306 = arith.cmpf ogt, %parallel_loop3A_284#9, %select_n3A_304 : vector<16xf32>
      %eq3A_307 = arith.cmpf oeq, %parallel_loop3A_284#9, %select_n3A_304 : vector<16xf32>
      %lt3A_308 = arith.cmpi slt, %parallel_loop3A_284#14, %select_n3A_305 : vector<16xi32>
      %and3A_309 = arith.andi %eq3A_307, %lt3A_308 : vector<16xi1>
      %or3A_310 = arith.ori %gt3A_306, %and3A_309 : vector<16xi1>
      %select_n3A_311 = arith.select %or3A_310, %parallel_loop3A_284#9, %select_n3A_304 : vector<16xi1>, vector<16xf32>
      %select_n3A_312 = arith.select %or3A_310, %parallel_loop3A_284#14, %select_n3A_305 : vector<16xi1>, vector<16xi32>
      %reduce_max3A_313 = arith.constant true
      %reduce_max3A_314 = vector.broadcast %reduce_max3A_313 : i1 to vector<16xi1>
      %reduce_max3A_315 = tpu.scan <max>, %select_n3A_311 masked %reduce_max3A_314 : vector<16xf32>, vector<16xi1> -> vector<16xf32>
      %reduce_max3A_316 = vector.extract %reduce_max3A_315[15] : f32 from vector<16xf32>
      %broadcast_in_dim3A_317 = vector.broadcast %reduce_max3A_316 : f32 to vector<16xf32>
      %eq3A_318 = arith.cmpf oeq, %select_n3A_311, %broadcast_in_dim3A_317 : vector<16xf32>
      %select_n3A_319 = arith.select %eq3A_318, %select_n3A_312, %broadcast_in_dim3A_6 : vector<16xi1>, vector<16xi32>
      %reduce_min3A_320 = arith.constant true
      %reduce_min3A_321 = vector.broadcast %reduce_min3A_320 : i1 to vector<16xi1>
      %reduce_min3A_322 = arith.constant -2147483648 : i32
      %reduce_min3A_323 = vector.broadcast %reduce_min3A_322 : i32 to vector<16xi32>
      %reduce_min3A_324 = arith.xori %select_n3A_319, %reduce_min3A_323 : vector<16xi32>
      %reduce_min3A_325 = tpu.scan <min>, %reduce_min3A_324 masked %reduce_min3A_321 : vector<16xi32>, vector<16xi1> -> vector<16xi32>
      %reduce_min3A_326 = arith.xori %reduce_min3A_325, %reduce_min3A_323 : vector<16xi32>
      %reduce_min3A_327 = vector.extract %reduce_min3A_326[15] : i32 from vector<16xi32>
      %broadcast_in_dim3A_328 = vector.broadcast %reduce_min3A_327 : i32 to vector<16xi32>
      %add3A_329 = arith.addf %parallel_loop3A_284#0, %parallel_loop3A_284#1 : vector<16xf32>
      %add3A_330 = arith.addf %add3A_329, %parallel_loop3A_284#2 : vector<16xf32>
      %add3A_331 = arith.addf %add3A_330, %parallel_loop3A_284#3 : vector<16xf32>
      %add3A_332 = arith.addf %add3A_331, %parallel_loop3A_284#4 : vector<16xf32>
      %reduce_sum3A = arith.constant true
      %reduce_sum3A_333 = vector.broadcast %reduce_sum3A : i1 to vector<16xi1>
      %reduce_sum3A_334 = tpu.scan <sum>, %add3A_332 masked %reduce_sum3A_333 : vector<16xf32>, vector<16xi1> -> vector<16xf32>
      %reduce_sum3A_335 = vector.extract %reduce_sum3A_334[15] : f32 from vector<16xf32>
      %broadcast_in_dim3A_336 = vector.broadcast %reduce_sum3A_335 : f32 to vector<16xf32>
      %div3A_337 = arith.constant 1.000000e+00 : f32
      %div3A_338 = vector.broadcast %div3A_337 : f32 to vector<16xf32>
      %div3A_339 = arith.divf %div3A_338, %broadcast_in_dim3A_336 : vector<16xf32>
      %parallel_loop3A_340 = arith.constant 0 : i32
      %parallel_loop3A_341 = arith.constant 6250 : i32
      %parallel_loop3A_342 = arith.constant 10 : i32
      %parallel_loop3A_343 = arith.constant 0 : i32
      %parallel_loop3A_344 = scf.for %parallel_loop3A_349 = %parallel_loop3A_340 to %parallel_loop3A_341 step %parallel_loop3A_342 iter_args(%parallel_loop3A_350 = %parallel_loop3A_343) -> (i32)  : i32 {
        %parallel_loop3A_351 = arith.constant 0 : i32
        %parallel_loop3A_352 = arith.addi %parallel_loop3A_349, %parallel_loop3A_351 : i32
        %parallel_loop3A_353 = arith.constant 16 : i32
        %parallel_loop3A_354 = arith.muli %parallel_loop3A_352, %parallel_loop3A_353 : i32
        %parallel_loop3A_355 = arith.index_cast %parallel_loop3A_354 : i32 to index
        %parallel_loop3A_356 = tpu.vector_load %arg10[%parallel_loop3A_355] {strides = array<i32>} : memref<100000xf32, #tpu.memory_space<vmem>>, vector<16xf32>,
        %parallel_loop3A_357 = arith.mulf %parallel_loop3A_356, %div3A_339 : vector<16xf32>
        %parallel_loop3A_358 = arith.index_cast %parallel_loop3A_354 : i32 to index
        %parallel_loop3A_359 = tpu.vector_load %arg10[%parallel_loop3A_358] {strides = array<i32>} : memref<100000xf32, #tpu.memory_space<vmem>>, vector<16xf32>,
        tpu.vector_store %arg10[%parallel_loop3A_358], %parallel_loop3A_357 {strides = array<i32>} : memref<100000xf32, #tpu.memory_space<vmem>>, vector<16xf32>,
        %parallel_loop3A_360 = arith.constant 1 : i32
        %parallel_loop3A_361 = arith.addi %parallel_loop3A_349, %parallel_loop3A_360 : i32
        %parallel_loop3A_362 = arith.constant 16 : i32
        %parallel_loop3A_363 = arith.muli %parallel_loop3A_361, %parallel_loop3A_362 : i32
        %parallel_loop3A_364 = arith.index_cast %parallel_loop3A_363 : i32 to index
        %parallel_loop3A_365 = tpu.vector_load %arg10[%parallel_loop3A_364] {strides = array<i32>} : memref<100000xf32, #tpu.memory_space<vmem>>, vector<16xf32>,
        %parallel_loop3A_366 = arith.mulf %parallel_loop3A_365, %div3A_339 : vector<16xf32>
        %parallel_loop3A_367 = arith.index_cast %parallel_loop3A_363 : i32 to index
        %parallel_loop3A_368 = tpu.vector_load %arg10[%parallel_loop3A_367] {strides = array<i32>} : memref<100000xf32, #tpu.memory_space<vmem>>, vector<16xf32>,
        tpu.vector_store %arg10[%parallel_loop3A_367], %parallel_loop3A_366 {strides = array<i32>} : memref<100000xf32, #tpu.memory_space<vmem>>, vector<16xf32>,
        %parallel_loop3A_369 = arith.constant 2 : i32
        %parallel_loop3A_370 = arith.addi %parallel_loop3A_349, %parallel_loop3A_369 : i32
        %parallel_loop3A_371 = arith.constant 16 : i32
        %parallel_loop3A_372 = arith.muli %parallel_loop3A_370, %parallel_loop3A_371 : i32
        %parallel_loop3A_373 = arith.index_cast %parallel_loop3A_372 : i32 to index
        %parallel_loop3A_374 = tpu.vector_load %arg10[%parallel_loop3A_373] {strides = array<i32>} : memref<100000xf32, #tpu.memory_space<vmem>>, vector<16xf32>,
        %parallel_loop3A_375 = arith.mulf %parallel_loop3A_374, %div3A_339 : vector<16xf32>
        %parallel_loop3A_376 = arith.index_cast %parallel_loop3A_372 : i32 to index
        %parallel_loop3A_377 = tpu.vector_load %arg10[%parallel_loop3A_376] {strides = array<i32>} : memref<100000xf32, #tpu.memory_space<vmem>>, vector<16xf32>,
        tpu.vector_store %arg10[%parallel_loop3A_376], %parallel_loop3A_375 {strides = array<i32>} : memref<100000xf32, #tpu.memory_space<vmem>>, vector<16xf32>,
        %parallel_loop3A_378 = arith.constant 3 : i32
        %parallel_loop3A_379 = arith.addi %parallel_loop3A_349, %parallel_loop3A_378 : i32
        %parallel_loop3A_380 = arith.constant 16 : i32
        %parallel_loop3A_381 = arith.muli %parallel_loop3A_379, %parallel_loop3A_380 : i32
        %parallel_loop3A_382 = arith.index_cast %parallel_loop3A_381 : i32 to index
        %parallel_loop3A_383 = tpu.vector_load %arg10[%parallel_loop3A_382] {strides = array<i32>} : memref<100000xf32, #tpu.memory_space<vmem>>, vector<16xf32>,
        %parallel_loop3A_384 = arith.mulf %parallel_loop3A_383, %div3A_339 : vector<16xf32>
        %parallel_loop3A_385 = arith.index_cast %parallel_loop3A_381 : i32 to index
        %parallel_loop3A_386 = tpu.vector_load %arg10[%parallel_loop3A_385] {strides = array<i32>} : memref<100000xf32, #tpu.memory_space<vmem>>, vector<16xf32>,
        tpu.vector_store %arg10[%parallel_loop3A_385], %parallel_loop3A_384 {strides = array<i32>} : memref<100000xf32, #tpu.memory_space<vmem>>, vector<16xf32>,
        %parallel_loop3A_387 = arith.constant 4 : i32
        %parallel_loop3A_388 = arith.addi %parallel_loop3A_349, %parallel_loop3A_387 : i32
        %parallel_loop3A_389 = arith.constant 16 : i32
        %parallel_loop3A_390 = arith.muli %parallel_loop3A_388, %parallel_loop3A_389 : i32
        %parallel_loop3A_391 = arith.index_cast %parallel_loop3A_390 : i32 to index
        %parallel_loop3A_392 = tpu.vector_load %arg10[%parallel_loop3A_391] {strides = array<i32>} : memref<100000xf32, #tpu.memory_space<vmem>>, vector<16xf32>,
        %parallel_loop3A_393 = arith.mulf %parallel_loop3A_392, %div3A_339 : vector<16xf32>
        %parallel_loop3A_394 = arith.index_cast %parallel_loop3A_390 : i32 to index
        %parallel_loop3A_395 = tpu.vector_load %arg10[%parallel_loop3A_394] {strides = array<i32>} : memref<100000xf32, #tpu.memory_space<vmem>>, vector<16xf32>,
        tpu.vector_store %arg10[%parallel_loop3A_394], %parallel_loop3A_393 {strides = array<i32>} : memref<100000xf32, #tpu.memory_space<vmem>>, vector<16xf32>,
        %parallel_loop3A_396 = arith.constant 5 : i32
        %parallel_loop3A_397 = arith.addi %parallel_loop3A_349, %parallel_loop3A_396 : i32
        %parallel_loop3A_398 = arith.constant 16 : i32
        %parallel_loop3A_399 = arith.muli %parallel_loop3A_397, %parallel_loop3A_398 : i32
        %parallel_loop3A_400 = arith.index_cast %parallel_loop3A_399 : i32 to index
        %parallel_loop3A_401 = tpu.vector_load %arg10[%parallel_loop3A_400] {strides = array<i32>} : memref<100000xf32, #tpu.memory_space<vmem>>, vector<16xf32>,
        %parallel_loop3A_402 = arith.mulf %parallel_loop3A_401, %div3A_339 : vector<16xf32>
        %parallel_loop3A_403 = arith.index_cast %parallel_loop3A_399 : i32 to index
        %parallel_loop3A_404 = tpu.vector_load %arg10[%parallel_loop3A_403] {strides = array<i32>} : memref<100000xf32, #tpu.memory_space<vmem>>, vector<16xf32>,
        tpu.vector_store %arg10[%parallel_loop3A_403], %parallel_loop3A_402 {strides = array<i32>} : memref<100000xf32, #tpu.memory_space<vmem>>, vector<16xf32>,
        %parallel_loop3A_405 = arith.constant 6 : i32
        %parallel_loop3A_406 = arith.addi %parallel_loop3A_349, %parallel_loop3A_405 : i32
        %parallel_loop3A_407 = arith.constant 16 : i32
        %parallel_loop3A_408 = arith.muli %parallel_loop3A_406, %parallel_loop3A_407 : i32
        %parallel_loop3A_409 = arith.index_cast %parallel_loop3A_408 : i32 to index
        %parallel_loop3A_410 = tpu.vector_load %arg10[%parallel_loop3A_409] {strides = array<i32>} : memref<100000xf32, #tpu.memory_space<vmem>>, vector<16xf32>,
        %parallel_loop3A_411 = arith.mulf %parallel_loop3A_410, %div3A_339 : vector<16xf32>
        %parallel_loop3A_412 = arith.index_cast %parallel_loop3A_408 : i32 to index
        %parallel_loop3A_413 = tpu.vector_load %arg10[%parallel_loop3A_412] {strides = array<i32>} : memref<100000xf32, #tpu.memory_space<vmem>>, vector<16xf32>,
        tpu.vector_store %arg10[%parallel_loop3A_412], %parallel_loop3A_411 {strides = array<i32>} : memref<100000xf32, #tpu.memory_space<vmem>>, vector<16xf32>,
        %parallel_loop3A_414 = arith.constant 7 : i32
        %parallel_loop3A_415 = arith.addi %parallel_loop3A_349, %parallel_loop3A_414 : i32
        %parallel_loop3A_416 = arith.constant 16 : i32
        %parallel_loop3A_417 = arith.muli %parallel_loop3A_415, %parallel_loop3A_416 : i32
        %parallel_loop3A_418 = arith.index_cast %parallel_loop3A_417 : i32 to index
        %parallel_loop3A_419 = tpu.vector_load %arg10[%parallel_loop3A_418] {strides = array<i32>} : memref<100000xf32, #tpu.memory_space<vmem>>, vector<16xf32>,
        %parallel_loop3A_420 = arith.mulf %parallel_loop3A_419, %div3A_339 : vector<16xf32>
        %parallel_loop3A_421 = arith.index_cast %parallel_loop3A_417 : i32 to index
        %parallel_loop3A_422 = tpu.vector_load %arg10[%parallel_loop3A_421] {strides = array<i32>} : memref<100000xf32, #tpu.memory_space<vmem>>, vector<16xf32>,
        tpu.vector_store %arg10[%parallel_loop3A_421], %parallel_loop3A_420 {strides = array<i32>} : memref<100000xf32, #tpu.memory_space<vmem>>, vector<16xf32>,
        %parallel_loop3A_423 = arith.constant 8 : i32
        %parallel_loop3A_424 = arith.addi %parallel_loop3A_349, %parallel_loop3A_423 : i32
        %parallel_loop3A_425 = arith.constant 16 : i32
        %parallel_loop3A_426 = arith.muli %parallel_loop3A_424, %parallel_loop3A_425 : i32
        %parallel_loop3A_427 = arith.index_cast %parallel_loop3A_426 : i32 to index
        %parallel_loop3A_428 = tpu.vector_load %arg10[%parallel_loop3A_427] {strides = array<i32>} : memref<100000xf32, #tpu.memory_space<vmem>>, vector<16xf32>,
        %parallel_loop3A_429 = arith.mulf %parallel_loop3A_428, %div3A_339 : vector<16xf32>
        %parallel_loop3A_430 = arith.index_cast %parallel_loop3A_426 : i32 to index
        %parallel_loop3A_431 = tpu.vector_load %arg10[%parallel_loop3A_430] {strides = array<i32>} : memref<100000xf32, #tpu.memory_space<vmem>>, vector<16xf32>,
        tpu.vector_store %arg10[%parallel_loop3A_430], %parallel_loop3A_429 {strides = array<i32>} : memref<100000xf32, #tpu.memory_space<vmem>>, vector<16xf32>,
        %parallel_loop3A_432 = arith.constant 9 : i32
        %parallel_loop3A_433 = arith.addi %parallel_loop3A_349, %parallel_loop3A_432 : i32
        %parallel_loop3A_434 = arith.constant 16 : i32
        %parallel_loop3A_435 = arith.muli %parallel_loop3A_433, %parallel_loop3A_434 : i32
        %parallel_loop3A_436 = arith.index_cast %parallel_loop3A_435 : i32 to index
        %parallel_loop3A_437 = tpu.vector_load %arg10[%parallel_loop3A_436] {strides = array<i32>} : memref<100000xf32, #tpu.memory_space<vmem>>, vector<16xf32>,
        %parallel_loop3A_438 = arith.mulf %parallel_loop3A_437, %div3A_339 : vector<16xf32>
        %parallel_loop3A_439 = arith.index_cast %parallel_loop3A_435 : i32 to index
        %parallel_loop3A_440 = tpu.vector_load %arg10[%parallel_loop3A_439] {strides = array<i32>} : memref<100000xf32, #tpu.memory_space<vmem>>, vector<16xf32>,
        tpu.vector_store %arg10[%parallel_loop3A_439], %parallel_loop3A_438 {strides = array<i32>} : memref<100000xf32, #tpu.memory_space<vmem>>, vector<16xf32>,
        scf.yield %parallel_loop3A_350 : i32
      } {sc.loop_unroll_factor = 1 : i64, sc.parallel_access}
      "tpu.region"() ({
        %run_scoped3A = tpu.sem_alloc : memref<!tpu.dma_semaphore, #tpu.memory_space<semaphore_mem>>
        %dma_start3A_349 = arith.constant 0 : i32
        %dma_start3A_350 = tpu.memref_slice %arg8[%add3A_28, %dma_start3A_349] : memref<512x100000xf32, #tpu.memory_space<hbm>> -> memref<1x100000xf32, #tpu.memory_space<hbm>>
        %dma_start3A_351 = tpu.memref_squeeze %dma_start3A_350 : memref<1x100000xf32, #tpu.memory_space<hbm>> -> memref<100000xf32, #tpu.memory_space<hbm>>
        %dma_start3A_352 = arith.constant 0 : i32
        %dma_start3A_353 = tpu.memref_slice %arg8[%add3A_28, %dma_start3A_352] : memref<512x100000xf32, #tpu.memory_space<hbm>> -> memref<1x100000xf32, #tpu.memory_space<hbm>>
        %dma_start3A_354 = tpu.memref_squeeze %dma_start3A_353 : memref<1x100000xf32, #tpu.memory_space<hbm>> -> memref<100000xf32, #tpu.memory_space<hbm>>
        tpu.enqueue_dma source(%arg10 : memref<100000xf32, #tpu.memory_space<vmem>>) target(%dma_start3A_354 : memref<100000xf32, #tpu.memory_space<hbm>>) target_semaphore(%run_scoped3A : memref<!tpu.dma_semaphore, #tpu.memory_space<semaphore_mem>>)
        %dma_wait3A_355 = arith.constant 0 : i32
        %dma_wait3A_356 = tpu.memref_slice %arg8[%add3A_28, %dma_wait3A_355] : memref<512x100000xf32, #tpu.memory_space<hbm>> -> memref<1x100000xf32, #tpu.memory_space<hbm>>
        %dma_wait3A_357 = tpu.memref_squeeze %dma_wait3A_356 : memref<1x100000xf32, #tpu.memory_space<hbm>> -> memref<100000xf32, #tpu.memory_space<hbm>>
        %dma_wait3A_358 = arith.constant 0 : i32
        %dma_wait3A_359 = tpu.memref_slice %arg8[%add3A_28, %dma_wait3A_358] : memref<512x100000xf32, #tpu.memory_space<hbm>> -> memref<1x100000xf32, #tpu.memory_space<hbm>>
        %dma_wait3A_360 = tpu.memref_squeeze %dma_wait3A_359 : memref<1x100000xf32, #tpu.memory_space<hbm>> -> memref<100000xf32, #tpu.memory_space<hbm>>
        tpu.wait_dma2 semaphore(%run_scoped3A : memref<!tpu.dma_semaphore, #tpu.memory_space<semaphore_mem>>) src(%arg10 : memref<100000xf32, #tpu.memory_space<vmem>>) dst(%dma_wait3A_360 : memref<100000xf32, #tpu.memory_space<hbm>>)
        tpu.yield
      }) : () -> ()
      %eq3A_345 = vector.broadcast %scan3A_25 : i32 to vector<16xi32>
      %eq3A_346 = arith.cmpi eq, %iota3A, %eq3A_345 : vector<16xi32>
      %select_n3A_347 = arith.select %eq3A_346, %broadcast_in_dim3A_124, %scan3A_26 : vector<16xi1>, vector<16xi32>
      %select_n3A_348 = arith.select %eq3A_346, %broadcast_in_dim3A_328, %scan3A_27 : vector<16xi1>, vector<16xi32>
      scf.yield %select_n3A_347, %select_n3A_348 : vector<16xi32>, vector<16xi32>
    }
    %scan3A_15 = arith.constant 16 : i32
    "tpu.region"() ({
      %run_scoped3A = tpu.sem_alloc : memref<!tpu.dma_semaphore, #tpu.memory_space<semaphore_mem>>
      %dma_start3A = tpu.memref_slice %arg4[%mul3A_2] : memref<512xi32, #tpu.memory_space<hbm>> -> memref<16xi32, #tpu.memory_space<hbm>>
      %dma_start3A_25 = tpu.memref_slice %arg4[%mul3A_2] : memref<512xi32, #tpu.memory_space<hbm>> -> memref<16xi32, #tpu.memory_space<hbm>>
      tpu.enqueue_dma source(%dma_start3A_25 : memref<16xi32, #tpu.memory_space<hbm>>) target(%arg13 : memref<16xi32, #tpu.memory_space<vmem>>) target_semaphore(%run_scoped3A : memref<!tpu.dma_semaphore, #tpu.memory_space<semaphore_mem>>)
      %dma_wait3A = tpu.memref_slice %arg4[%mul3A_2] : memref<512xi32, #tpu.memory_space<hbm>> -> memref<16xi32, #tpu.memory_space<hbm>>
      %dma_wait3A_26 = tpu.memref_slice %arg4[%mul3A_2] : memref<512xi32, #tpu.memory_space<hbm>> -> memref<16xi32, #tpu.memory_space<hbm>>
      tpu.wait_dma2 semaphore(%run_scoped3A : memref<!tpu.dma_semaphore, #tpu.memory_space<semaphore_mem>>) src(%dma_wait3A_26 : memref<16xi32, #tpu.memory_space<hbm>>) dst(%arg13 : memref<16xi32, #tpu.memory_space<vmem>>)
      tpu.yield
    }) : () -> ()
    "tpu.region"() ({
      %run_scoped3A = tpu.sem_alloc : memref<!tpu.dma_semaphore, #tpu.memory_space<semaphore_mem>>
      %dma_start3A = tpu.memref_slice %arg5[%mul3A_2] : memref<512xi32, #tpu.memory_space<hbm>> -> memref<16xi32, #tpu.memory_space<hbm>>
      %dma_start3A_25 = tpu.memref_slice %arg5[%mul3A_2] : memref<512xi32, #tpu.memory_space<hbm>> -> memref<16xi32, #tpu.memory_space<hbm>>
      tpu.enqueue_dma source(%dma_start3A_25 : memref<16xi32, #tpu.memory_space<hbm>>) target(%arg14 : memref<16xi32, #tpu.memory_space<vmem>>) target_semaphore(%run_scoped3A : memref<!tpu.dma_semaphore, #tpu.memory_space<semaphore_mem>>)
      %dma_wait3A = tpu.memref_slice %arg5[%mul3A_2] : memref<512xi32, #tpu.memory_space<hbm>> -> memref<16xi32, #tpu.memory_space<hbm>>
      %dma_wait3A_26 = tpu.memref_slice %arg5[%mul3A_2] : memref<512xi32, #tpu.memory_space<hbm>> -> memref<16xi32, #tpu.memory_space<hbm>>
      tpu.wait_dma2 semaphore(%run_scoped3A : memref<!tpu.dma_semaphore, #tpu.memory_space<semaphore_mem>>) src(%dma_wait3A_26 : memref<16xi32, #tpu.memory_space<hbm>>) dst(%arg14 : memref<16xi32, #tpu.memory_space<vmem>>)
      tpu.yield
    }) : () -> ()
    %get3A_16 = arith.constant 0 : index
    %get3A_17 = tpu.vector_load %arg13[%get3A_16] {strides = array<i32>} : memref<16xi32, #tpu.memory_space<vmem>>, vector<16xi32>,
    %gt3A = arith.constant 0 : i32
    %gt3A_18 = vector.broadcast %gt3A : i32 to vector<16xi32>
    %gt3A_19 = arith.cmpi sgt, %get3A_17, %gt3A_18 : vector<16xi32>
    %get3A_20 = arith.constant 0 : index
    %get3A_21 = tpu.vector_load %arg14[%get3A_20] {strides = array<i32>} : memref<16xi32, #tpu.memory_space<vmem>>, vector<16xi32>,
    %select_n3A = arith.select %gt3A_19, %scan3A_14#1, %get3A_21 : vector<16xi1>, vector<16xi32>
    %swap3A = arith.constant 0 : index
    %swap3A_22 = tpu.vector_load %arg15[%swap3A] {strides = array<i32>} : memref<16xi32, #tpu.memory_space<vmem>>, vector<16xi32>,
    tpu.vector_store %arg15[%swap3A], %select_n3A {strides = array<i32>} : memref<16xi32, #tpu.memory_space<vmem>>, vector<16xi32>,
    %swap3A_23 = arith.constant 0 : index
    %swap3A_24 = tpu.vector_load %arg16[%swap3A_23] {strides = array<i32>} : memref<16xi32, #tpu.memory_space<vmem>>, vector<16xi32>,
    tpu.vector_store %arg16[%swap3A_23], %scan3A_14#0 {strides = array<i32>} : memref<16xi32, #tpu.memory_space<vmem>>, vector<16xi32>,
    "tpu.region"() ({
      %run_scoped3A = tpu.sem_alloc : memref<!tpu.dma_semaphore, #tpu.memory_space<semaphore_mem>>
      %dma_start3A = tpu.memref_slice %arg7[%mul3A_2] : memref<512xi32, #tpu.memory_space<hbm>> -> memref<16xi32, #tpu.memory_space<hbm>>
      %dma_start3A_25 = tpu.memref_slice %arg7[%mul3A_2] : memref<512xi32, #tpu.memory_space<hbm>> -> memref<16xi32, #tpu.memory_space<hbm>>
      tpu.enqueue_dma source(%arg15 : memref<16xi32, #tpu.memory_space<vmem>>) target(%dma_start3A_25 : memref<16xi32, #tpu.memory_space<hbm>>) target_semaphore(%run_scoped3A : memref<!tpu.dma_semaphore, #tpu.memory_space<semaphore_mem>>)
      %dma_wait3A = tpu.memref_slice %arg7[%mul3A_2] : memref<512xi32, #tpu.memory_space<hbm>> -> memref<16xi32, #tpu.memory_space<hbm>>
      %dma_wait3A_26 = tpu.memref_slice %arg7[%mul3A_2] : memref<512xi32, #tpu.memory_space<hbm>> -> memref<16xi32, #tpu.memory_space<hbm>>
      tpu.wait_dma2 semaphore(%run_scoped3A : memref<!tpu.dma_semaphore, #tpu.memory_space<semaphore_mem>>) src(%arg15 : memref<16xi32, #tpu.memory_space<vmem>>) dst(%dma_wait3A_26 : memref<16xi32, #tpu.memory_space<hbm>>)
      tpu.yield
    }) : () -> ()
    "tpu.region"() ({
      %run_scoped3A = tpu.sem_alloc : memref<!tpu.dma_semaphore, #tpu.memory_space<semaphore_mem>>
      %dma_start3A = tpu.memref_slice %arg9[%mul3A_2] : memref<512xi32, #tpu.memory_space<hbm>> -> memref<16xi32, #tpu.memory_space<hbm>>
      %dma_start3A_25 = tpu.memref_slice %arg9[%mul3A_2] : memref<512xi32, #tpu.memory_space<hbm>> -> memref<16xi32, #tpu.memory_space<hbm>>
      tpu.enqueue_dma source(%arg16 : memref<16xi32, #tpu.memory_space<vmem>>) target(%dma_start3A_25 : memref<16xi32, #tpu.memory_space<hbm>>) target_semaphore(%run_scoped3A : memref<!tpu.dma_semaphore, #tpu.memory_space<semaphore_mem>>)
      %dma_wait3A = tpu.memref_slice %arg9[%mul3A_2] : memref<512xi32, #tpu.memory_space<hbm>> -> memref<16xi32, #tpu.memory_space<hbm>>
      %dma_wait3A_26 = tpu.memref_slice %arg9[%mul3A_2] : memref<512xi32, #tpu.memory_space<hbm>> -> memref<16xi32, #tpu.memory_space<hbm>>
      tpu.wait_dma2 semaphore(%run_scoped3A : memref<!tpu.dma_semaphore, #tpu.memory_space<semaphore_mem>>) src(%arg16 : memref<16xi32, #tpu.memory_space<vmem>>) dst(%dma_wait3A_26 : memref<16xi32, #tpu.memory_space<hbm>>)
      tpu.yield
    }) : () -> ()
    return
  }
}

</mosaic_0001>

<sc_bundles>
// kernel: kernel.3.cloned.1.call-start
scs
__scs_entry_jumppad:
0x0: {  	(pc) =	sbr.rel $0x88, $3  }
0x1: {  	(tag) =	ssettag $0x0;
	lr =	simm.s32 $0x1  }
0x2: {  	[smem:$0x3F9D] =	sst lr;
	_ =	strace $0xD0000000  }
0x3: {  	_ = 	snop  }
0x4: {  	_ = 	snop  }
0x5: {  	_ = 	snop  }
0x6: {  	_ = 	snop  }
0x7: {  	_ = 	snop  }
__scs_overlays_trampoline_lowered:
0x8: {  	[smem:$0x3FAC] =	sst s0  }
0x9: {  	[smem:$0x3FAD] =	sst s1  }
0xa: {  	[smem:$0x3FAE] =	sst s2  }
0xb: {  	[smem:$0x3FAF] =	sst s3  }
0xc: {  	[smem:$0x3FB0] =	sst s4  }
0xd: {  	[smem:$0x3FB1] =	sst s5  }
0xe: {  	[smem:$0x3FB2] =	sst s6  }
0xf: {  	[smem:$0x3FB3] =	sst s7  }
0x10: {  	[smem:$0x3FB4] =	sst s8  }
0x11: {  	[smem:$0x3FB5] =	sst s9;
	s0 =	simm.s32 @!p0 $0x0  }
0x12: {  	s1 =	sld [smem:$0x3F9B];
	s0 =	simm.s32 @p0 $0x1  }
0x13: {  	[smem:$0x3FB6] =	sst s0;
	s0 =	simm.s32 @!p1 $0x0  }
0x14: {  	s2 =	sld [smem:$0x3F9A];
	s0 =	simm.s32 @p1 $0x1  }
0x15: {  	[smem:$0x3FB7] =	sst s0;
	s0 =	simm.s32 @!p2 $0x0  }
0x16: {  	s3 =	sld [smem:$0x3FDB];
	s0 =	simm.s32 @p2 $0x1  }
0x17: {  	s4 =	simm.s32 $0x1BF5;
	[smem:$0x3FB9] =	sst s0  }
0x18: {  	s0 =	sld [smem:$0x3F9C];
	_ =	swait.ge [sflag:s4], $0x0  }
0x19: {  	s7 =	sld [smem:$0x3F9D]  }
0x1a: {  	s8 =	sadd.s32 $0xFFFFE003, lr  }
0x1b: {  	s9 =	sadd.s32 $0xFFFFFEF7, lr;
	s5 =	simm.s32 $0xFFFFFFFF;
	p2 =	slt.u32 s8, $0xFFFFF086  }
0x1c: {  	p1 =	slt.u32 s9, $0xF7A;
	s5 =	simm.s32 @!p2 $0x0  }
0x1d: {  	s5 =	simm.s32 @p1 $0x1;
	p0 =	seq.s32 s7, s2  }
0x1e: {  	s7 =	smul.u32 @!p0 $0xF7A, s2;
	p2 =	seq.s32 @!p0 s5, $0x0  }
0x1f: {  	s9 =	smul.u32 $0xF7A, s1;
	s8 =	simm.s32 @!p0 $0x1BF5;
	p2 =	por !p2, p0  }
0x20: {  	[sflag:s8] =	ssyncset.s32 @!p0 $0xFFFFF086;
	s6 =	sadd.s32 @!p0 s3, s7;
	s7 =	simm.s32 @!p0 $0x108  }
0x21: {  	s3 =	sadd.s32 s3, s9;
	s6 =	sadd.s32 @!p0 $0x88, s6;
	s7 =	simm.s32 @p2 $0x1082  }
0x22: {  	[simem:s7], [sflag:s8] =	dma.local @!p0 [hbm:s6], $0xF7A  }
0x23: {  	s9 =	sor.u32 $0xD0000000, s2;
	s6 =	simm.s32 $0x108;
	_ =	swait.ge @!p0 [sflag:s8], $0x0  }
0x24: {  	s3 =	sadd.s32 $0x88, s3;
	s6 =	simm.s32 @!p1 $0x1082;
	[sflag:s4] =	ssyncset.s32 $0xFFFFF086  }
0x25: {  	[simem:s6], [sflag:s4] =	dma.local [hbm:s3], $0xF7A  }
0x26: {  	[smem:$0x3F9D] =	sst s1;
	(tag) =	ssettag s2;
	_ =	strace s9  }
0x27: {  	s1 =	sld [smem:$0x3FAD]  }
0x28: {  	s2 =	sld [smem:$0x3FAE]  }
0x29: {  	s4 =	sld [smem:$0x3FB0]  }
0x2a: {  	p0 =	seq.s32 s5, $0x0;
	s5 =	sld [smem:$0x3FB1]  }
0x2b: {  	s6 =	sld [smem:$0x3FB2]  }
0x2c: {  	s7 =	sld [smem:$0x3FB3]  }
0x2d: {  	s3 =	simm.s32 $0x108;
	s8 =	sld [smem:$0x3FB4]  }
0x2e: {  	s3 =	simm.s32 @!p0 $0x1082;
	s9 =	sld [smem:$0x3FB5]  }
0x2f: {  	lr =	sadd.s32 s0, s3;
	s0 =	sld [smem:$0x3FAC]  }
0x30: {  	s3 =	sld [smem:$0x3FAF]  }
0x31: {  	[smem:$0x3FB8] =	sst s10  }
0x32: {  	s10 =	sld [smem:$0x3FB6];
	_ =	sdelay $0x3  }
0x33: {  	p0 =	seq.s32 s10, $0x1;
	s10 =	sld [smem:$0x3FB8];
	_ =	sdelay $0x3  }
0x34: {  	[smem:$0x3FB8] =	sst s10  }
0x35: {  	s10 =	sld [smem:$0x3FB7];
	_ =	sdelay $0x3  }
0x36: {  	p1 =	seq.s32 s10, $0x1;
	s10 =	sld [smem:$0x3FB8];
	_ =	sdelay $0x3  }
0x37: {  	[smem:$0x3FB8] =	sst s10  }
0x38: {  	s10 =	sld [smem:$0x3FB9]  }
0x39: {  	_ = 	snop;
	(pc) =	sbr.ind lr, $3  }
0x3a: {  	_ = 	snop  }
0x3b: {  	_ = 	snop  }
0x3c: {  	p2 =	seq.s32 s10, $0x1;
	s10 =	sld [smem:$0x3FB8]  }
0x3d: {  	_ =	shalt  }
0x3e: {  	_ =	shalt  }
0x3f: {  	_ =	shalt  }
0x40: {  	_ =	shalt  }
0x41: {  	_ =	shalt  }
0x42: {  	_ =	shalt  }
0x43: {  	_ =	shalt  }
0x44: {  	_ =	shalt  }
0x45: {  	_ =	shalt  }
0x46: {  	_ =	shalt  }
0x47: {  	_ =	shalt  }
0x48: {  	_ =	shalt  }
0x49: {  	_ =	shalt  }
0x4a: {  	_ =	shalt  }
0x4b: {  	_ =	shalt  }
0x4c: {  	_ =	shalt  }
0x4d: {  	_ =	shalt  }
0x4e: {  	_ =	shalt  }
0x4f: {  	_ =	shalt  }
0x50: {  	_ =	shalt  }
0x51: {  	_ =	shalt  }
0x52: {  	_ =	shalt  }
0x53: {  	_ =	shalt  }
0x54: {  	_ =	shalt  }
0x55: {  	_ =	shalt  }
0x56: {  	_ =	shalt  }
0x57: {  	_ =	shalt  }
0x58: {  	_ =	shalt  }
0x59: {  	_ =	shalt  }
0x5a: {  	_ =	shalt  }
0x5b: {  	_ =	shalt  }
0x5c: {  	_ =	shalt  }
0x5d: {  	_ =	shalt  }
0x5e: {  	_ =	shalt  }
0x5f: {  	_ =	shalt  }
0x60: {  	_ =	shalt  }
0x61: {  	_ =	shalt  }
0x62: {  	_ =	shalt  }
0x63: {  	_ =	shalt  }
0x64: {  	_ =	shalt  }
0x65: {  	_ =	shalt  }
0x66: {  	_ =	shalt  }
0x67: {  	_ =	shalt  }
0x68: {  	_ =	shalt  }
0x69: {  	_ =	shalt  }
0x6a: {  	_ =	shalt  }
0x6b: {  	_ =	shalt  }
0x6c: {  	_ =	shalt  }
0x6d: {  	_ =	shalt  }
0x6e: {  	_ =	shalt  }
0x6f: {  	_ =	shalt  }
0x70: {  	_ =	shalt  }
0x71: {  	_ =	shalt  }
0x72: {  	_ =	shalt  }
0x73: {  	_ =	shalt  }
0x74: {  	_ =	shalt  }
0x75: {  	_ =	shalt  }
0x76: {  	_ =	shalt  }
0x77: {  	_ =	shalt  }
0x78: {  	_ =	shalt  }
0x79: {  	_ =	shalt  }
0x7a: {  	_ =	shalt  }
0x7b: {  	_ =	shalt  }
0x7c: {  	_ =	shalt  }
0x7d: {  	_ =	shalt  }
0x7e: {  	_ =	shalt  }
0x7f: {  	_ =	shalt  }
0x80: {  	_ =	shalt  }
0x81: {  	_ =	shalt  }
0x82: {  	_ =	shalt  }
0x83: {  	_ =	shalt  }
0x84: {  	_ =	shalt  }
0x85: {  	_ =	shalt  }
0x86: {  	_ =	shalt  }
0x87: {  	_ =	shalt  }
.Lfunc_end0:
.L_simem_size_0:
called_computation.1_lowered:
.L_overlay_start_0:
0x88: {  	s2 =	sld [smem:$0x3FD9]  }
0x89: {  	s3 =	sld [smem:$0x3FFE];
	_ =	sdelay $0x1  }
0x8a: {  	s1 =	srdreg.scid  }
0x8b: {  	s0 =	sand.u32 $0x1, s1  }
0x8c: {  	s14 =	sshll.u32 s0, $0xA;
	s2 =	sadd.s32 s3, s2  }
0x8d: {  	s2 =	sadd.s32 s2, s14  }
0x8e: {  	[smem:$0x3FC4] =	sst s2  }
0x8f: {  	_ = 	snop  }
0x90: {  	s2 =	sld [smem:$0x3FD0];
	_ =	sdelay $0x1  }
0x91: {  	s15 =	sld [smem:$0x3FC8]  }
0x92: {  	s5 =	simm.s32 $0xA;
	s6 =	simm.s32 $0x10;
	s4 =	sld [smem:$0x3FC7]  }
0x93: {  	[smem:s6], [sflag:s5] =	dma.local [hbm:s2], $0x1  }
0x94: {  	_ =	swait.eq [sflag:s5], $0x1  }
0x95: {  	s16 =	sld [smem:$0x10];
	[sflag:s5] =	ssyncset.done $0x0  }
0x96: {  	s17 =	sld [smem:$0x11];
	[sflag:s5] =	ssyncadd.s32 $0xFFFFFFFF  }
0x97: {  	s18 =	sld [smem:$0x12];
	(tm) =	ssettm $0x1  }
0x98: {  	s7 =	sld [smem:$0x3FFB];
	_ =	sdelay $0x3  }
0x99: {  	_ =	strace s7  }
0x9a: {  	s7 =	sld [smem:$0x3FFC];
	_ =	sdelay $0x3  }
0x9b: {  	_ =	strace s7  }
0x9c: {  	s7 =	sld [smem:$0x3FFD];
	_ =	sdelay $0x3  }
0x9d: {  	_ =	strace s7  }
0x9e: {  	_ =	strace $0x8FFFFFFF  }
0x9f: {  	s19 =	sld [smem:$0x3FDB];
	_ =	sdelay $0x1  }
0xa0: {  	s8 =	simm.s32 $_scs_section_size  }
0xa1: {  	s9 =	simm.s32 $_size__tile_overlayer_lowered;
	s10 =	simm.s32 $_tile_overlayer_lowered  }
0xa2: {  	s22 =	simm.s32 $0x1BFF;
	s21 =	sshll.u32 s10, $0x1;
	s7 =	sadd.s32 s8, s19  }
0xa3: {  	s11 =	simm.s32 $0x0;
	s20 =	sshll.u32 s9, $0x1;
	s9 =	sadd.s32 s21, s7  }
0xa4: {  	[timem:s11], [sflag:s22] =	dma.local [hbm:s9], s20  }
0xa5: {  	_ =	swait.ge [sflag:s22], s20  }
0xa6: {  	s8 =	ssub.s32 $0x0, s20;
	[sflag:s22] =	ssyncset.done $0x0  }
0xa7: {  	[sflag:s22] =	ssyncadd.s32 s8;
	_ =	sdelay $0x1  }
0xa8: {  	s23 =	simm.s32 $0x1B8B  }
0xa9: {  	_ =	swait.ge [sflag:s23], $0x1  }
0xaa: {  	[sflag:s23] =	ssyncset.done $0x0  }
0xab: {  	s25 =	simm.s32 $0x1B8E;
	s24 =	sld [smem:$0x3FFE];
	[sflag:s23] =	ssyncadd.s32 $0xFFFFFFFF  }
0xac: {  	s26 =	simm.s32 $execute0_lowered;
	[smem:$0x3FD2] =	sst s25  }
0xad: {  	s9 =	sshll.u32 s26, $0x1;
	_ =	strace $0x80000046;
	[dreg:$0x1] =	wrdreg $0xFFFFFFFF  }
0xae: {  	s28 =	simm.s32 $_size_execute0_lowered;
	s7 =	sadd.s32 s7, s9;
	[dreg:$0x0] =	wrdreg $0x0  }
0xaf: {  	s9 =	sshll.u32 s28, $0x1;
	[dreg:$0x2] =	wrdreg s7  }
0xb0: {  	[dreg:$0x3] =	wrdreg s9  }
0xb1: {  	[dreg:$0x4] =	wrdreg $0xC0  }
0xb2: {  	_ =	task [dreg:s11], $0x5FFFF  }
0xb3: {  	[dreg:$0x1] =	wrdreg $0xFFFFFFFF  }
0xb4: {  	[dreg:$0x0] =	wrdreg $0x60  }
0xb5: {  	[dreg:$0x2] =	wrdreg s17  }
0xb6: {  	[dreg:$0x3] =	wrdreg s24  }
0xb7: {  	[dreg:$0x4] =	wrdreg s15  }
0xb8: {  	[dreg:$0x5] =	wrdreg s4  }
0xb9: {  	[dreg:$0x6] =	wrdreg s16  }
0xba: {  	[dreg:$0x7] =	wrdreg s18  }
0xbb: {  	[dreg:$0x8] =	wrdreg $0x9  }
0xbc: {  	_ =	task.clear_ibuf [dreg:s11], $0x9FFFF;
	_ =	strace $0x90000046  }
0xbd: {  	s29 =	simm.s32 $0x9;
	_ =	strace $0x80000048  }
0xbe: {  	_ =	swait.ge [sflag:s29], $0x1  }
0xbf: {  	[sflag:s29] =	ssyncadd.s32 $0xFFFFFFFF  }
0xc0: {  	_ =	strace $0x90000048  }
0xc1: {  	_ =	sfence  }
0xc2: {  	s30 =	sld [smem:$0x0];
	_ =	sdelay $0x2  }
0xc3: {  	s31 =	sshll.u32 s1, $0xD;
	s1 =	sshrl.u32 s1, $0x2  }
0xc4: {  	s3 =	sand.u32 $0x4000, s31;
	s1 =	sadd.s32 s1, s30  }
0xc5: {  	s0 =	sor.u32 s3, s0;
	s1 =	sshll.u32 s1, $0x11  }
0xc6: {  	s0 =	sor.u32 s1, s0  }
0xc7: {  	s0 =	sadd.s32 $0x8F2B, s0  }
0xc8: {  	[sflag:s0] =	ssyncadd.remote.s32 $0x1  }
0xc9: {  	_ =	sfence.sel $0xFFFF  }
0xca: {  	[dreg:$0x0] =	wrdreg $0xFFFFFFFF;
	(pc) =	sbr.abs _section_cstart, $3  }
0xcb: {  	[dreg:$0x1] =	wrdreg $0xFFFFFFFF  }
0xcc: {  	_ =	task.clear_ibuf [dreg:s11], $0x2FFFF;
	_ =	strace $0x9FFFFFFF  }
0xcd: {  	(tm) =	ssettm $0x7FFFFFFF  }
tec
execute0_lowered:
.L_overlay_start_1:
0x0: {  	(tag) =	ssettag $0x1  }
0x1: {  	s1 =	rddreg [dreg:$0x0]  }
0x2: {  	s0 =	rddreg [dreg:$0x1]  }
0x3: {  	s8 =	rddreg [dreg:$0x2]  }
0x4: {  	s9 =	rddreg [dreg:$0x3]  }
0x5: {  	s10 =	rddreg [dreg:$0x4]  }
0x6: {  	s11 =	rddreg [dreg:$0x5]  }
0x7: {  	s3 =	simm.s32 $0x0;
	s4 =	srdreg.scid;
	s2 =	stileid.u32  }
0x8: {  	s14 =	simm.s32 $0x4;
	s15 =	simm.s32 $0x186A0;
	s16 =	simm.s32 $0x1  }
0x9: {  	s17 =	simm.s32 $0x2;
	s18 =	simm.s32 $0x1ADB0;
	s19 =	simm.s32 $0x3  }
0xa: {  	s20 =	simm.s32 $0x1D4C0;
	s21 =	simm.s32 $0x1D4D0;
	s22 =	simm.s32 $0x1D4E0  }
0xb: {  	s23 =	simm.s32 $0x1D4F0;
	s24 =	simm.s32 $0x0;
	[smem:$0x7FF] =	sst s3  }
0xc: {  	s6 =	sand.u32 $0x1, s4;
	s4 =	sadd.s32 $0x61CE00, s0;
	s7 =	sshll.u32 s2, $0x5  }
0xd: {  	s5 =	sadd.s32 $0xE00, s0;
	s12 =	sshll.u32 s6, $0x4;
	s13 =	ssub.s32 $0x2, s6  }
0xe: {  	_ =	strace $0x80000047;
	s6 =	sor.u32 s12, s7;
	s31 =	sshrl.u32 s13, $0x1  }
0xf: {  	s7 =	sadd.s32 $0x1000, s0;
	s12 =	sshrl.u32 s6, $0x3;
	s0 =	ssub.s32 s13, s31  }
0x10: {  	s13 =	simm.s32 $0x1D500;
	s8 =	sadd.s32 s8, s12;
	s9 =	sadd.s32 s9, s12  }
0x11: {  	v0 =	vlaneseq.u32;
	s10 =	sadd.s32 s10, s12;
	s11 =	sadd.s32 s11, s12;
	s12 =	smax.u32 s0, $0x1  }
.LBB2_1:
0x12: {  	[tilespmem:s13], [sflag:$0x4] =	stream.linear.gather [hbm4b:s5+s3], $0x10, $0x38;
	[tilespmem:$0x1D510] =	vst v63  }
0x13: {  	_ =	swait.ge [sflag:s14], $0x10  }
0x14: {  	[sflag:s14] =	ssyncset.done $0x0  }
0x15: {  	[sflag:s14] =	ssyncadd.s32 $0xFFFFFFF0  }
0x16: {  	v1 =	vld [tilespmem:$0x1D500];
	_ =	sdelay $0x4  }
0x17: {  	(erf) = vrcp.f32 v1;
	_ =	sdelay $0x8  }
0x18: {  	v4 =	vimm.s32 $0x0;
	v2 =	vimm.s32 $0x0;
	s25 =	simm.s32 $0x0;
	v1 =	vimm.s32 $0x0;
	v3 =	vpop (erf)  }
.LBB2_2:
0x19: {  	s0 =	sor.u32 s6, s25  }
0x1a: {  	s0 =	smul.u32 $0x186A0, s0;
	_ =	sdelay $0x1  }
0x1b: {  	s26 =	sshrl.u32 s0, $0x3  }
0x1c: {  	s0 =	sadd.s32 s1, s26  }
0x1d: {  	[tilespmem:s3], [sflag:$0x1] =	stream.linear.gather [hbm4b:s0+s3], $0x186A0, $0x38;
	[tilespmem:$0x1D510] =	vst v63  }
0x1e: {  	s28 =	sadd.s32 s4, s26  }
0x1f: {  	[tilespmem:s15], [sflag:$0x2] =	stream.linear.gather [hbm4b:s28+s3], $0x2710, $0x38;
	[tilespmem:$0x1D510] =	vst v63  }
0x20: {  	_ =	swait.ge [sflag:s16], $0x186A0  }
0x21: {  	[sflag:s16] =	ssyncset.done $0x0  }
0x22: {  	s31 =	simm.s32 $0x50;
	[sflag:s16] =	ssyncadd.s32 $0xFFFE7960  }
0x23: {  	v6 =	vld [tilespmem:s31+$0xFFFFFFB0]  }
0x24: {  	v8 =	vld [tilespmem:s31+$0xFFFFFFC0]  }
0x25: {  	v21 =	vlaneseq.u32;
	v10 =	vld [tilespmem:s31+$0xFFFFFFD0]  }
0x26: {  	v5 =	vimm.f32 $-Inf;
	v37 =	vimm.s32 $0x0;
	v36 =	vimm.s32 $0x0;
	v11 =	vld [tilespmem:s31+$0xFFFFFFE0]  }
0x27: {  	v35 =	vimm.s32 $0x0;
	v31 =	vimm.s32 $0x0;
	v24 =	vimm.s32 $0x0;
	v13 =	vld [tilespmem:s31+$0xFFFFFFF0]  }
0x28: {  	v20 =	vimm.s32 $0x0;
	v34 =	vadd.s32 $0x10, v21;
	v33 =	vadd.s32 $0x20, v21;
	v14 =	vld [tilespmem:s31+$0x0]  }
0x29: {  	v27 =	vadd.s32 $0x30, v21;
	v22 =	vadd.s32 $0x40, v21;
	v17 =	vadd.s32 $0x50, v21  }
0x2a: {  	v15 =	vadd.s32 $0x60, v21;
	v12 =	vadd.s32 $0x70, v21;
	v9 =	vadd.s32 $0x80, v21;
	v16 =	vld [tilespmem:s31+$0x10]  }
0x2b: {  	v7 =	vadd.s32 $0x90, v21;
	v32 =	vld [tilespmem:s31+$0x20];
	vm0 =	vgt.f32 v6, v5;
	vm5 =	vgt.f32 v8, v5  }
0x2c: {  	v29 =	vld [tilespmem:s31+$0x30];
	vm4 =	vgt.f32 v10, v5;
	vm2 =	vgt.f32 v11, v5;
	vm3 =	vgt.f32 v13, v5  }
0x2d: {  	v28 =	vld [tilespmem:s31+$0x40];
	vm1 =	vgt.f32 v14, v5;
	v25 =	vsel vm0, v6, v5;
	v26 =	vsel vm0, v21, v4  }
0x2e: {  	v30 =	vsel vm5, v8, v5;
	v23 =	vsel vm4, v10, v5;
	v19 =	vsel vm2, v11, v5  }
0x2f: {  	vm0 =	vgt.f32 v16, v5;
	v18 =	vsel vm3, v13, v5;
	v14 =	vsel vm1, v14, v5  }
0x30: {  	v8 =	vimm.f32 $-Inf;
	v6 =	vimm.f32 $-Inf;
	v13 =	vimm.s32 $0x0  }
0x31: {  	s29 =	simm.s32 $0xF0;
	s0 =	simm.s32 $0x0;
	v10 =	vimm.s32 $0x0;
	v11 =	vsel vm0, v16, v5;
	v16 =	vimm.s32 $0x0  }
.LBB2_3:
0x32: {  	v38 =	vld [tilespmem:s29+$0xFFFFFFB0];
	vm6 =	vgt.f32 v32, v5;
	vm7 =	vgt.f32 v29, v8;
	vm8 =	vgt.f32 v28, v6  }
0x33: {  	v39 =	vld [tilespmem:s29+$0xFFFFFFC0];
	v5 =	vsel vm6, v32, v5;
	v8 =	vsel vm7, v29, v8;
	v6 =	vsel vm8, v28, v6  }
0x34: {  	v37 =	vsel vm5, v34, v37;
	v36 =	vsel vm4, v33, v36;
	v35 =	vsel vm2, v27, v35;
	v40 =	vld [tilespmem:s29+$0xFFFFFFD0]  }
0x35: {  	v31 =	vsel vm3, v22, v31;
	v24 =	vsel vm1, v17, v24;
	v20 =	vsel vm0, v15, v20;
	v41 =	vld [tilespmem:s29+$0xFFFFFFE0]  }
0x36: {  	v16 =	vsel vm6, v12, v16;
	v13 =	vsel vm7, v9, v13;
	v10 =	vsel vm8, v7, v10;
	v42 =	vld [tilespmem:s29+$0xFFFFFFF0]  }
0x37: {  	v21 =	vadd.s32 $0xA0, v21;
	v43 =	vld [tilespmem:s29+$0x0]  }
0x38: {  	v34 =	vadd.s32 $0x10, v21;
	v33 =	vadd.s32 $0x20, v21;
	v27 =	vadd.s32 $0x30, v21;
	v44 =	vld [tilespmem:s29+$0x10]  }
0x39: {  	s0 =	sadd.s32 $0xA, s0;
	v22 =	vadd.s32 $0x40, v21;
	v17 =	vadd.s32 $0x50, v21;
	v15 =	vadd.s32 $0x60, v21;
	v32 =	vld [tilespmem:s29+$0x20]  }
0x3a: {  	v12 =	vadd.s32 $0x70, v21;
	v9 =	vadd.s32 $0x80, v21;
	p0 =	slt.u32 s0, $0x1860;
	vm0 =	vgt.f32 v38, v25;
	v29 =	vld [tilespmem:s29+$0x30]  }
.Ltmp0:
0x3b: {  	v7 =	vadd.s32 $0x90, v21;
	v25 =	vsel vm0, v38, v25;
	v26 =	vsel vm0, v21, v26;
	v28 =	vld [tilespmem:s29+$0x40];
	(pc) =	sbr.rel @p0 .LBB2_3-.Ltmp0, $4  }
0x3c: {  	vm5 =	vgt.f32 v39, v30;
	vm4 =	vgt.f32 v40, v23;
	vm2 =	vgt.f32 v41, v19  }
0x3d: {  	v30 =	vsel vm5, v39, v30;
	v23 =	vsel vm4, v40, v23;
	v19 =	vsel vm2, v41, v19  }
0x3e: {  	vm3 =	vgt.f32 v42, v18;
	vm1 =	vgt.f32 v43, v14;
	vm0 =	vgt.f32 v44, v11  }
0x3f: {  	s29 =	sadd.s32 $0xA0, s29;
	v18 =	vsel vm3, v42, v18;
	v14 =	vsel vm1, v43, v14;
	v11 =	vsel vm0, v44, v11  }
0x40: {  	v21 =	vsel vm5, v34, v37  }
0x41: {  	vm11 =	veq.f32 v30, v25;
	vm6 =	vlt.s32 v21, v26  }
0x42: {  	vm7 =	vgt.f32 v30, v25;
	vm5 =	vmand vm11, vm6  }
0x43: {  	vm5 =	vmor vm7, vm5  }
0x44: {  	v33 =	vsel vm4, v33, v36;
	v25 =	vsel vm5, v30, v25;
	v21 =	vsel vm5, v21, v26  }
0x45: {  	vm12 =	veq.f32 v23, v25;
	vm5 =	vlt.s32 v33, v21  }
0x46: {  	vm13 =	vgt.f32 v23, v25;
	vm4 =	vmand vm12, vm5  }
0x47: {  	vm4 =	vmor vm13, vm4  }
0x48: {  	v26 =	vsel vm2, v27, v35;
	v23 =	vsel vm4, v23, v25;
	v21 =	vsel vm4, v33, v21  }
0x49: {  	vm2 =	veq.f32 v19, v23;
	vm4 =	vlt.s32 v26, v21  }
0x4a: {  	vm14 =	vgt.f32 v19, v23;
	vm2 =	vmand vm2, vm4  }
0x4b: {  	vm2 =	vmor vm14, vm2  }
0x4c: {  	v22 =	vsel vm3, v22, v31;
	v19 =	vsel vm2, v19, v23;
	v21 =	vsel vm2, v26, v21  }
0x4d: {  	vm2 =	veq.f32 v18, v19;
	vm3 =	vlt.s32 v22, v21  }
0x4e: {  	vm15 =	vgt.f32 v18, v19;
	vm2 =	vmand vm2, vm3  }
0x4f: {  	vm2 =	vmor vm15, vm2  }
0x50: {  	v17 =	vsel vm1, v17, v24;
	v18 =	vsel vm2, v18, v19;
	v19 =	vsel vm2, v22, v21  }
0x51: {  	vm1 =	veq.f32 v14, v18;
	vm2 =	vlt.s32 v17, v19  }
0x52: {  	vm3 =	vgt.f32 v14, v18;
	vm1 =	vmand vm1, vm2  }
0x53: {  	vm1 =	vmor vm3, vm1  }
0x54: {  	v15 =	vsel vm0, v15, v20;
	v14 =	vsel vm1, v14, v18;
	v17 =	vsel vm1, v17, v19  }
0x55: {  	vm0 =	veq.f32 v11, v14;
	vm1 =	vlt.s32 v15, v17  }
0x56: {  	vm2 =	vgt.f32 v32, v5;
	vm3 =	vgt.f32 v11, v14;
	vm0 =	vmand vm0, vm1  }
0x57: {  	v5 =	vsel vm2, v32, v5;
	vm0 =	vmor vm3, vm0  }
0x58: {  	v12 =	vsel vm2, v12, v16;
	v11 =	vsel vm0, v11, v14;
	v14 =	vsel vm0, v15, v17  }
0x59: {  	vm0 =	veq.f32 v5, v11;
	vm1 =	vlt.s32 v12, v14  }
0x5a: {  	vm2 =	vgt.f32 v29, v8;
	vm3 =	vgt.f32 v5, v11;
	vm0 =	vmand vm0, vm1  }
0x5b: {  	v8 =	vsel vm2, v29, v8;
	vm0 =	vmor vm3, vm0  }
0x5c: {  	v9 =	vsel vm2, v9, v13;
	v11 =	vsel vm0, v5, v11;
	v12 =	vsel vm0, v12, v14  }
0x5d: {  	vm0 =	veq.f32 v8, v11;
	vm1 =	vlt.s32 v9, v12  }
0x5e: {  	vm2 =	vgt.f32 v28, v6;
	vm3 =	vgt.f32 v8, v11;
	vm0 =	vmand vm0, vm1  }
0x5f: {  	v13 =	vsel vm2, v28, v6;
	vm0 =	vmor vm3, vm0  }
0x60: {  	v5 =	vsel vm2, v7, v10;
	v7 =	vsel vm0, v8, v11;
	v6 =	vsel vm0, v9, v12  }
0x61: {  	vm0 =	veq.f32 v13, v7;
	vm1 =	vlt.s32 v5, v6  }
0x62: {  	vm2 =	vgt.f32 v13, v7;
	vm0 =	vmand vm0, vm1  }
0x63: {  	vm0 =	vmor vm2, vm0  }
0x64: {  	v7 =	vsel vm0, v13, v7  }
0x65: {  	(xrf0) =	vmax.scan.msk.f32 $0xffff, v7;
	_ =	sdelay $0x5  }
0x66: {  	v8, _, _ =	vpop (xrf0)  }
0x67: {  	_ =	swait.ge [sflag:s17], $0x2710  }
0x68: {  	[sflag:s17] =	ssyncset.done $0x0  }
0x69: {  	s0 =	sadd.s32 $0x4E2, s28;
	[sflag:s17] =	ssyncadd.s32 $0xFFFFD8F0  }
0x6a: {  	[tilespmem:s18], [sflag:$0x3] =	stream.linear.gather [hbm4b:s0+s3], $0x2710, $0x38;
	[tilespmem:$0x1D510] =	vst v63  }
0x6b: {  	s0 =	simm.s32 $0x20  }
0x6c: {  	v9 =	vld [tilespmem:s0+$0x10];
	_ =	sdelay $0x1  }
0x6d: {  	v10 =	vld [tilespmem:s0+$0xFFFFFFE0]  }
0x6e: {  	v8 =	vbroadcast v8, $0xF;
	v11 =	vld [tilespmem:s0+$0xFFFFFFF0]  }
0x6f: {  	v12 =	vld [tilespmem:s0+$0x0]  }
0x70: {  	v9 =	vsub.f32 v9, v8;
	_ =	sdelay $0x1  }
0x71: {  	v10 =	vsub.f32 v10, v8;
	v25 =	vmul.f32 v9, v3  }
0x72: {  	v9 =	vsub.f32 v11, v8  }
0x73: {  	v27 =	vmul.f32 v10, v3;
	v10 =	vsub.f32 v12, v8;
	v12 =	vld [tilespmem:s0+$0x20];
	v11 =	vmul.f32 $1.442695020e+00, v25  }
0x74: {  	v28 =	vmul.f32 v9, v3  }
0x75: {  	v9 =	vmul.f32 $1.442695020e+00, v27;
	(erf) = vpow2.f32 v11  }
0x76: {  	v29 =	vmul.f32 v10, v3;
	v10 =	vmul.f32 $1.442695020e+00, v28  }
0x77: {  	(erf) = vpow2.f32 v9  }
0x78: {  	(erf) = vpow2.f32 v10;
	v10 =	vsub.f32 v12, v8  }
0x79: {  	s29 =	simm.s32 $0x70  }
0x7a: {  	v14 =	vld [tilespmem:s29+$0xFFFFFFE0];
	v9 =	vmul.f32 $1.442695020e+00, v29;
	v17 =	vmul.f32 v10, v3  }
0x7b: {  	v16 =	vld [tilespmem:s29+$0xFFFFFFF0]  }
0x7c: {  	v11 =	vld [tilespmem:s29+$0x10];
	(erf) = vpow2.f32 v9;
	v10 =	vmul.f32 $1.442695020e+00, v17  }
0x7d: {  	v12 =	vld [tilespmem:s29+$0x0]  }
0x7e: {  	v19 =	vpop (erf);
	(erf) = vpow2.f32 v10  }
0x7f: {  	v33 =	vimm.s32 $0x0;
	v21 =	vimm.f32 $0.0e+00;
	v9 =	vld [tilespmem:s29+$0x20]  }
0x80: {  	v22 =	vimm.s32 $0x0;
	v32 =	vimm.f32 $-Inf;
	v15 =	vimm.f32 $-Inf  }
0x81: {  	v13 =	vlaneseq.u32;
	v14 =	vsub.f32 v14, v8;
	v58 =	vsub.f32 v16, v8  }
0x82: {  	v18 =	vadd.s32 $0x10, v13;
	v11 =	vsub.f32 v11, v8;
	v55 =	vsub.f32 v12, v8  }
0x83: {  	v24 =	vadd.s32 $0x20, v13;
	v12 =	vmul.f32 v14, v3;
	v14 =	vmul.f32 v58, v3;
	v20 =	vpop (erf)  }
0x84: {  	s30 =	simm.s32 $0x186C0;
	v23 =	vsub.f32 v9, v8;
	v9 =	vmul.f32 v11, v3;
	v11 =	vmul.f32 v55, v3;
	[tilespmem:s0+$0xFFFFFFE0] =	vst v20;
	v30 =	vpop (erf)  }
0x85: {  	v26 =	vadd.s32 $0x30, v13;
	v61 =	vmul.f32 $1.442695020e+00, v12;
	v62 =	vmul.f32 $1.442695020e+00, v14;
	v31 =	vld [tilespmem:s30+$0xFFFFFFE0];
	[tilespmem:s0+$0xFFFFFFF0] =	vst v30;
	v56 =	vpop (erf)  }
0x86: {  	v34 =	vadd.s32 $0x40, v13;
	v23 =	vmul.f32 v23, v3;
	v60 =	vmul.f32 $1.442695020e+00, v9;
	v57 =	vld [tilespmem:s30+$0xFFFFFFF0];
	[tilespmem:s0+$0x0] =	vst v56  }
0x87: {  	v10 =	vadd.f32 v19, v21;
	v16 =	vadd.f32 v20, v21;
	v63 =	vmul.f32 $1.442695020e+00, v11;
	v59 =	vld [tilespmem:s30+$0x0];
	[tilespmem:s0+$0x10] =	vst v19;
	v40 =	vpop (erf)  }
0x88: {  	v39 =	vmul.f32 $1.442695020e+00, v23;
	(erf) = vpow2.f32 v60;
	v19 =	vadd.f32 v30, v21;
	v30 =	vld [tilespmem:s30+$0x10];
	[tilespmem:s0+$0x20] =	vst v40  }
0x89: {  	v20 =	vadd.f32 v56, v21;
	(erf) = vpow2.f32 v61;
	v21 =	vadd.f32 v40, v21;
	v40 =	vld [tilespmem:s30+$0x20]  }
0x8a: {  	(erf) = vpow2.f32 v62;
	v36 =	vadd.f32 v31, v27;
	v31 =	vimm.f32 $-Inf  }
0x8b: {  	v27 =	vimm.s32 $0x0;
	v35 =	vadd.f32 v57, v28;
	(erf) = vpow2.f32 v63  }
0x8c: {  	v28 =	vimm.s32 $0x0;
	v38 =	vadd.f32 v59, v29;
	v29 =	vimm.f32 $-Inf  }
0x8d: {  	s31 =	simm.s32 $0x5;
	s0 =	simm.s32 $0xC0;
	v37 =	vadd.f32 v30, v25;
	v25 =	vimm.f32 $-Inf;
	v30 =	vimm.s32 $0x0  }
.LBB2_5:
0x8e: {  	v41 =	vld [tilespmem:s0+$0x20];
	vm1 =	vgt.f32 v36, v15;
	vm2 =	vgt.f32 v35, v25;
	v40 =	vadd.f32 v40, v17;
	v17 =	vmovc v23  }
0x8f: {  	v23 =	vld [tilespmem:s0+$0x10];
	(erf) = vpow2.f32 v39;
	v15 =	vsel vm1, v36, v15;
	v25 =	vsel vm2, v35, v25  }
0x90: {  	vm3 =	vgt.f32 v38, v31;
	vm4 =	vgt.f32 v37, v32;
	v35 =	vld [tilespmem:s0+$0x0];
	vm5 =	vgt.f32 v40, v29  }
0x91: {  	s31 =	sadd.s32 $0x5, s31;
	v31 =	vsel vm3, v38, v31;
	v32 =	vsel vm4, v37, v32;
	v36 =	vld [tilespmem:s0+$0xFFFFFFE0];
	v29 =	vsel vm5, v40, v29  }
0x92: {  	p0 =	slt.u32 s31, $0x26C;
	v22 =	vsel vm3, v24, v22;
	v30 =	vsel vm4, v26, v30;
	v33 =	vsel vm5, v34, v33;
	v37 =	vld [tilespmem:s0+$0xFFFFFFF0]  }
0x93: {  	v28 =	vsel vm1, v13, v28;
	v27 =	vsel vm2, v18, v27;
	v13 =	vadd.s32 $0x50, v13;
	v34 =	vpop (erf)  }
0x94: {  	v18 =	vadd.s32 $0x10, v13;
	v10 =	vadd.f32 v34, v10;
	v38 =	vpop (erf)  }
0x95: {  	s30 =	sadd.s32 $0x50, s30;
	v24 =	vadd.s32 $0x20, v13;
	v39 =	vsub.f32 v41, v8;
	v23 =	vsub.f32 v23, v8;
	[tilespmem:s29+$0xFFFFFFE0] =	vst v38;
	v40 =	vpop (erf)  }
0x96: {  	v26 =	vadd.s32 $0x30, v13;
	v35 =	vsub.f32 v35, v8;
	v36 =	vsub.f32 v36, v8;
	v41 =	vld [tilespmem:s30+$0xFFFFFFE0];
	[tilespmem:s29+$0xFFFFFFF0] =	vst v40;
	v42 =	vpop (erf)  }
0x97: {  	v43 =	vmul.f32 v23, v3;
	v23 =	vmul.f32 v39, v3;
	v37 =	vsub.f32 v37, v8;
	v44 =	vld [tilespmem:s30+$0xFFFFFFF0];
	[tilespmem:s29+$0x0] =	vst v42  }
0x98: {  	v16 =	vadd.f32 v38, v16;
	v46 =	vmul.f32 v35, v3;
	v45 =	vmul.f32 v36, v3;
	v38 =	vld [tilespmem:s30+$0x0];
	[tilespmem:s29+$0x10] =	vst v34;
	v34 =	vpop (erf)  }
0x99: {  	v19 =	vadd.f32 v40, v19;
	v35 =	vmul.f32 $1.442695020e+00, v43;
	v37 =	vmul.f32 v37, v3;
	v47 =	vld [tilespmem:s30+$0x10];
	[tilespmem:s29+$0x20] =	vst v34;
	s29 =	smov.u32 s0  }
.Ltmp1:
0x9a: {  	v20 =	vadd.f32 v42, v20;
	v39 =	vmul.f32 $1.442695020e+00, v23;
	v36 =	vmul.f32 $1.442695020e+00, v45;
	v40 =	vld [tilespmem:s30+$0x20];
	(pc) =	sbr.rel @p0 .LBB2_5-.Ltmp1, $4  }
0x9b: {  	v21 =	vadd.f32 v34, v21;
	v42 =	vmul.f32 $1.442695020e+00, v37;
	(erf) = vpow2.f32 v35  }
0x9c: {  	v48 =	vmul.f32 $1.442695020e+00, v46;
	v34 =	vadd.s32 $0x40, v13;
	(erf) = vpow2.f32 v36  }
0x9d: {  	v36 =	vadd.f32 v41, v12;
	v35 =	vadd.f32 v44, v14;
	v12 =	vmovc v45;
	v14 =	vmovc v37;
	(erf) = vpow2.f32 v42  }
0x9e: {  	s0 =	sadd.s32 $0x50, s0;
	v38 =	vadd.f32 v38, v11;
	v11 =	vmovc v46;
	(erf) = vpow2.f32 v48;
	v37 =	vadd.f32 v47, v9;
	v9 =	vmovc v43  }
0x9f: {  	_ = 	snop  }
0xa0: {  	(erf) = vpow2.f32 v39;
	_ =	sdelay $0x3  }
0xa1: {  	v53 =	vpop (erf)  }
0xa2: {  	v41 =	vpop (erf)  }
0xa3: {  	s0 =	sadd.s32 $0x50, s30;
	[tilespmem:s29+$0xFFFFFFE0] =	vst v41;
	v42 =	vpop (erf)  }
0xa4: {  	v43 =	vld [tilespmem:s0+$0xFFFFFFE0];
	[tilespmem:s29+$0xFFFFFFF0] =	vst v42;
	v44 =	vpop (erf)  }
0xa5: {  	v45 =	vld [tilespmem:s0+$0xFFFFFFF0];
	[tilespmem:s29+$0x0] =	vst v44  }
0xa6: {  	v47 =	vpop (erf);
	v46 =	vld [tilespmem:s0+$0x0];
	[tilespmem:s29+$0x10] =	vst v53  }
0xa7: {  	v48 =	vld [tilespmem:s0+$0x10];
	[tilespmem:s29+$0x20] =	vst v47  }
0xa8: {  	v49 =	vld [tilespmem:s0+$0x20];
	_ =	swait.ge [sflag:s19], $0x2710  }
0xa9: {  	[sflag:s19] =	ssyncset.done $0x0  }
0xaa: {  	s31 =	simm.s32 $0x2750;
	s0 =	sadd.s32 $0x9C4, s28;
	[sflag:s19] =	ssyncadd.s32 $0xFFFFD8F0  }
0xab: {  	[tilespmem:s15], [sflag:$0x2] =	stream.linear.gather [hbm4b:s0+s3], $0x2710, $0x38;
	[tilespmem:$0x1D510] =	vst v63  }
0xac: {  	v50 =	vld [tilespmem:s31+$0xFFFFFFF0];
	_ =	sdelay $0x1  }
0xad: {  	v17 =	vadd.f32 v40, v17;
	vm1 =	vgt.f32 v38, v31;
	v54 =	vld [tilespmem:s31+$0xFFFFFFC0]  }
0xae: {  	vm2 =	vgt.f32 v37, v32;
	v31 =	vsel vm1, v38, v31;
	v55 =	vld [tilespmem:s31+$0xFFFFFFD0]  }
0xaf: {  	vm3 =	vgt.f32 v17, v29;
	v32 =	vsel vm2, v37, v32;
	v24 =	vsel vm1, v24, v22  }
0xb0: {  	v26 =	vsel vm2, v26, v30;
	vm1 =	vgt.f32 v36, v15;
	v30 =	vsub.f32 v50, v8  }
0xb1: {  	vm2 =	vgt.f32 v35, v25;
	v17 =	vsel vm3, v17, v29;
	v29 =	vsel vm3, v34, v33;
	v22 =	vld [tilespmem:s31+$0xFFFFFFE0]  }
0xb2: {  	v15 =	vsel vm1, v36, v15;
	v56 =	vsub.f32 v54, v8;
	v38 =	vmul.f32 v30, v3  }
0xb3: {  	v25 =	vsel vm2, v35, v25;
	v27 =	vsel vm2, v18, v27;
	v18 =	vsub.f32 v55, v8  }
0xb4: {  	v28 =	vsel vm1, v13, v28;
	v58 =	vld [tilespmem:s31+$0x0];
	v35 =	vmul.f32 v56, v3;
	v30 =	vmul.f32 $1.442695020e+00, v38  }
0xb5: {  	v59 =	vadd.f32 v53, v10;
	v60 =	vadd.f32 v41, v16;
	v37 =	vmul.f32 v18, v3  }
0xb6: {  	s29 =	simm.s32 $0x27A0;
	v22 =	vsub.f32 v22, v8;
	v18 =	vmul.f32 $1.442695020e+00, v35;
	(erf) = vpow2.f32 v30  }
0xb7: {  	v62 =	vadd.f32 v44, v20;
	v20 =	vadd.f32 v49, v23;
	v23 =	vld [tilespmem:s29+$0x0];
	v10 =	vmul.f32 $1.442695020e+00, v37  }
0xb8: {  	v61 =	vadd.f32 v42, v19;
	v39 =	vmul.f32 v22, v3;
	(erf) = vpow2.f32 v18  }
0xb9: {  	v14 =	vadd.f32 v45, v14;
	(erf) = vpow2.f32 v10;
	v10 =	vsub.f32 v58, v8  }
0xba: {  	v19 =	vadd.f32 v43, v12;
	v11 =	vadd.f32 v46, v11;
	v16 =	vmul.f32 $1.442695020e+00, v39  }
0xbb: {  	vm2 =	vgt.f32 v14, v25;
	vm5 =	vgt.f32 v20, v17;
	v12 =	vmul.f32 v10, v3  }
0xbc: {  	v20 =	vsel vm5, v20, v17;
	v17 =	vsub.f32 v23, v8;
	(erf) = vpow2.f32 v16  }
0xbd: {  	v16 =	vadd.f32 v48, v9;
	v9 =	vsel vm2, v14, v25;
	v14 =	vmul.f32 $1.442695020e+00, v12  }
0xbe: {  	v13 =	vadd.s32 $0x50, v13;
	vm1 =	vgt.f32 v19, v15;
	v52 =	vld [tilespmem:s29+$0xFFFFFFE0];
	vm3 =	vgt.f32 v11, v31  }
0xbf: {  	v22 =	vsel vm3, v11, v31;
	v11 =	vld [tilespmem:s29+$0xFFFFFFC0];
	v31 =	vmul.f32 v17, v3;
	v53 =	vpop (erf);
	(erf) = vpow2.f32 v14  }
0xc0: {  	v57 =	vadd.s32 $0x10, v13;
	v10 =	vsel vm1, v19, v15;
	v15 =	vld [tilespmem:s29+$0xFFFFFFF0]  }
0xc1: {  	v63 =	vadd.f32 v47, v21;
	v21 =	vadd.s32 $0x40, v13;
	v40 =	vmul.f32 $1.442695020e+00, v31  }
0xc2: {  	v30 =	vadd.s32 $0x20, v13;
	v18 =	vadd.s32 $0x30, v13;
	vm4 =	vgt.f32 v16, v32;
	v14 =	vld [tilespmem:s29+$0xFFFFFFD0];
	v54 =	vpop (erf)  }
0xc3: {  	s30 =	simm.s32 $0x1ADD0;
	v24 =	vsel vm3, v30, v24;
	v25 =	vsel vm4, v18, v26;
	v18 =	vsel vm1, v13, v28;
	[tilespmem:s31+$0xFFFFFFC0] =	vst v54;
	v28 =	vpop (erf)  }
0xc4: {  	v23 =	vsub.f32 v11, v8;
	v30 =	vsub.f32 v52, v8;
	v19 =	vsel vm4, v16, v32;
	v55 =	vld [tilespmem:s30+$0xFFFFFFE0];
	[tilespmem:s31+$0xFFFFFFD0] =	vst v28  }
0xc5: {  	v26 =	vsel vm5, v21, v29;
	v16 =	vadd.s32 $0x50, v13;
	v15 =	vsub.f32 v15, v8;
	v56 =	vld [tilespmem:s30+$0xFFFFFFF0]  }
0xc6: {  	v21 =	vsel vm2, v57, v27;
	v27 =	vadd.s32 $0x10, v16;
	v32 =	vadd.s32 $0x20, v16;
	v29 =	vpop (erf)  }
0xc7: {  	v13 =	vadd.f32 v53, v59;
	v11 =	vmul.f32 v15, v3;
	[tilespmem:s31+$0xFFFFFFE0] =	vst v29;
	v57 =	vsub.f32 v14, v8  }
0xc8: {  	v15 =	vmul.f32 v23, v3;
	v23 =	vadd.f32 v54, v60;
	v58 =	vld [tilespmem:s30+$0x0];
	v14 =	vmul.f32 v30, v3;
	[tilespmem:s31+$0xFFFFFFF0] =	vst v53;
	v60 =	vpop (erf)  }
0xc9: {  	v28 =	vadd.f32 v28, v61;
	v30 =	vmul.f32 $1.442695020e+00, v11;
	v59 =	vld [tilespmem:s30+$0x10];
	v17 =	vmul.f32 v57, v3;
	[tilespmem:s31+$0x0] =	vst v60  }
0xca: {  	v61 =	vmul.f32 $1.442695020e+00, v15;
	v36 =	vadd.f32 v55, v35;
	v35 =	vadd.f32 v56, v37;
	v37 =	vld [tilespmem:s30+$0x20]  }
0xcb: {  	v29 =	vadd.f32 v29, v62;
	(erf) = vpow2.f32 v30;
	v62 =	vmul.f32 $1.442695020e+00, v17  }
0xcc: {  	(erf) = vpow2.f32 v61;
	v30 =	vadd.f32 v60, v63;
	v63 =	vmul.f32 $1.442695020e+00, v14  }
0xcd: {  	v33 =	vadd.s32 $0x30, v16;
	v34 =	vadd.s32 $0x40, v16;
	(erf) = vpow2.f32 v62  }
0xce: {  	s0 =	simm.s32 $0x27F0;
	s31 =	simm.s32 $0x5;
	v39 =	vadd.f32 v58, v39;
	v38 =	vadd.f32 v59, v38;
	(erf) = vpow2.f32 v63  }
.LBB2_7:
0xcf: {  	v41 =	vld [tilespmem:s0+$0x0];
	vm1 =	vgt.f32 v36, v10;
	vm2 =	vgt.f32 v35, v9;
	v37 =	vadd.f32 v37, v12;
	v12 =	vmovc v31  }
0xd0: {  	v31 =	vld [tilespmem:s0+$0xFFFFFFF0];
	(erf) = vpow2.f32 v40;
	v10 =	vsel vm1, v36, v10;
	v9 =	vsel vm2, v35, v9  }
0xd1: {  	vm3 =	vgt.f32 v39, v22;
	vm4 =	vgt.f32 v38, v19;
	v35 =	vld [tilespmem:s0+$0xFFFFFFE0];
	vm5 =	vgt.f32 v37, v20  }
0xd2: {  	s31 =	sadd.s32 $0x5, s31;
	v22 =	vsel vm3, v39, v22;
	v19 =	vsel vm4, v38, v19;
	v36 =	vld [tilespmem:s0+$0xFFFFFFC0];
	v20 =	vsel vm5, v37, v20  }
0xd3: {  	p0 =	slt.u32 s31, $0x26C;
	v24 =	vsel vm3, v32, v24;
	v25 =	vsel vm4, v33, v25;
	v26 =	vsel vm5, v34, v26;
	v37 =	vld [tilespmem:s0+$0xFFFFFFD0]  }
0xd4: {  	v18 =	vsel vm1, v16, v18;
	v21 =	vsel vm2, v27, v21;
	v16 =	vadd.s32 $0x50, v16;
	v34 =	vpop (erf)  }
0xd5: {  	v27 =	vadd.s32 $0x10, v16;
	v13 =	vadd.f32 v34, v13;
	v38 =	vpop (erf)  }
0xd6: {  	s30 =	sadd.s32 $0x50, s30;
	v32 =	vadd.s32 $0x20, v16;
	v39 =	vsub.f32 v41, v8;
	v31 =	vsub.f32 v31, v8;
	[tilespmem:s29+$0xFFFFFFC0] =	vst v38;
	v40 =	vpop (erf)  }
0xd7: {  	v33 =	vadd.s32 $0x30, v16;
	v35 =	vsub.f32 v35, v8;
	v36 =	vsub.f32 v36, v8;
	v41 =	vld [tilespmem:s30+$0xFFFFFFE0];
	[tilespmem:s29+$0xFFFFFFD0] =	vst v40;
	v42 =	vpop (erf)  }
0xd8: {  	v43 =	vmul.f32 v31, v3;
	v31 =	vmul.f32 v39, v3;
	v37 =	vsub.f32 v37, v8;
	v39 =	vld [tilespmem:s30+$0xFFFFFFF0];
	[tilespmem:s29+$0xFFFFFFE0] =	vst v42  }
0xd9: {  	v23 =	vadd.f32 v38, v23;
	v45 =	vmul.f32 v35, v3;
	v44 =	vmul.f32 v36, v3;
	v38 =	vld [tilespmem:s30+$0x0];
	[tilespmem:s29+$0xFFFFFFF0] =	vst v34;
	v34 =	vpop (erf)  }
0xda: {  	v28 =	vadd.f32 v40, v28;
	v35 =	vmul.f32 $1.442695020e+00, v43;
	v46 =	vmul.f32 v37, v3;
	v47 =	vld [tilespmem:s30+$0x10];
	[tilespmem:s29+$0x0] =	vst v34;
	s29 =	smov.u32 s0  }
.Ltmp2:
0xdb: {  	v29 =	vadd.f32 v42, v29;
	v40 =	vmul.f32 $1.442695020e+00, v31;
	v36 =	vmul.f32 $1.442695020e+00, v44;
	v37 =	vld [tilespmem:s30+$0x20];
	(pc) =	sbr.rel @p0 .LBB2_7-.Ltmp2, $4  }
0xdc: {  	v30 =	vadd.f32 v34, v30;
	v42 =	vmul.f32 $1.442695020e+00, v46;
	(erf) = vpow2.f32 v35  }
0xdd: {  	v48 =	vmul.f32 $1.442695020e+00, v45;
	v34 =	vadd.s32 $0x40, v16;
	(erf) = vpow2.f32 v36  }
0xde: {  	v36 =	vadd.f32 v41, v15;
	v35 =	vadd.f32 v39, v17;
	v15 =	vmovc v44;
	v17 =	vmovc v46;
	(erf) = vpow2.f32 v42  }
0xdf: {  	s0 =	sadd.s32 $0x50, s0;
	v39 =	vadd.f32 v38, v14;
	v14 =	vmovc v45;
	(erf) = vpow2.f32 v48;
	v38 =	vadd.f32 v47, v11;
	v11 =	vmovc v43  }
0xe0: {  	_ = 	snop  }
0xe1: {  	(erf) = vpow2.f32 v40;
	_ =	sdelay $0x3  }
0xe2: {  	v56 =	vpop (erf)  }
0xe3: {  	v41 =	vpop (erf)  }
0xe4: {  	s0 =	sadd.s32 $0x50, s30;
	[tilespmem:s29+$0xFFFFFFC0] =	vst v41;
	v42 =	vpop (erf)  }
0xe5: {  	v43 =	vld [tilespmem:s0+$0xFFFFFFE0];
	[tilespmem:s29+$0xFFFFFFD0] =	vst v42;
	v44 =	vpop (erf)  }
0xe6: {  	v45 =	vld [tilespmem:s0+$0xFFFFFFF0];
	[tilespmem:s29+$0xFFFFFFE0] =	vst v44  }
0xe7: {  	v47 =	vpop (erf);
	v46 =	vld [tilespmem:s0+$0x0];
	[tilespmem:s29+$0xFFFFFFF0] =	vst v56  }
0xe8: {  	v48 =	vld [tilespmem:s0+$0x10];
	[tilespmem:s29+$0x0] =	vst v47  }
0xe9: {  	v49 =	vld [tilespmem:s0+$0x20];
	_ =	swait.ge [sflag:s17], $0x2710  }
0xea: {  	[sflag:s17] =	ssyncset.done $0x0  }
0xeb: {  	s31 =	simm.s32 $0x4E20;
	s0 =	sadd.s32 $0xEA6, s28;
	[sflag:s17] =	ssyncadd.s32 $0xFFFFD8F0  }
0xec: {  	[tilespmem:s18], [sflag:$0x3] =	stream.linear.gather [hbm4b:s0+s3], $0x2710, $0x38;
	[tilespmem:$0x1D510] =	vst v63  }
0xed: {  	v50 =	vld [tilespmem:s31+$0x30];
	_ =	sdelay $0x1  }
0xee: {  	v12 =	vadd.f32 v37, v12;
	v57 =	vld [tilespmem:s31+$0x0]  }
0xef: {  	vm1 =	vgt.f32 v39, v22;
	vm2 =	vgt.f32 v38, v19;
	v58 =	vld [tilespmem:s31+$0x10]  }
0xf0: {  	v22 =	vsel vm1, v39, v22;
	vm3 =	vgt.f32 v12, v20;
	v19 =	vsel vm2, v38, v19  }
0xf1: {  	v24 =	vsel vm1, v32, v24;
	v20 =	vsel vm3, v12, v20;
	v12 =	vld [tilespmem:s31+$0x20];
	v59 =	vsub.f32 v50, v8  }
0xf2: {  	v25 =	vsel vm2, v33, v25;
	vm1 =	vgt.f32 v36, v10;
	vm2 =	vgt.f32 v35, v9  }
0xf3: {  	v26 =	vsel vm3, v34, v26;
	v60 =	vsub.f32 v57, v8;
	v50 =	vmul.f32 v59, v3  }
0xf4: {  	v10 =	vsel vm1, v36, v10;
	v21 =	vsel vm2, v27, v21;
	v27 =	vsub.f32 v58, v8  }
0xf5: {  	v9 =	vsel vm2, v35, v9;
	v62 =	vld [tilespmem:s31+$0x40];
	v35 =	vmul.f32 v60, v3;
	v32 =	vmul.f32 $1.442695020e+00, v50  }
0xf6: {  	v18 =	vsel vm1, v16, v18;
	v12 =	vsub.f32 v12, v8;
	v37 =	vmul.f32 v27, v3  }
0xf7: {  	v16 =	vadd.s32 $0x50, v16;
	v27 =	vmul.f32 $1.442695020e+00, v35;
	(erf) = vpow2.f32 v32  }
0xf8: {  	v61 =	vadd.s32 $0x10, v16;
	v38 =	vmul.f32 v12, v3;
	v12 =	vmul.f32 $1.442695020e+00, v37  }
0xf9: {  	v63 =	vadd.s32 $0x20, v16;
	v15 =	vadd.f32 v43, v15;
	(erf) = vpow2.f32 v27  }
0xfa: {  	v29 =	vadd.f32 v44, v29;
	(erf) = vpow2.f32 v12;
	v12 =	vsub.f32 v62, v8  }
0xfb: {  	s29 =	simm.s32 $0x4E70;
	v17 =	vadd.f32 v45, v17;
	v14 =	vadd.f32 v46, v14;
	vm1 =	vgt.f32 v15, v10  }
0xfc: {  	v31 =	vadd.f32 v49, v31;
	v49 =	vld [tilespmem:s29+$0x20];
	v44 =	vmul.f32 $1.442695020e+00, v38;
	v12 =	vmul.f32 v12, v3  }
0xfd: {  	v11 =	vadd.f32 v48, v11;
	v10 =	vsel vm1, v15, v10;
	vm3 =	vgt.f32 v14, v22  }
0xfe: {  	v22 =	vsel vm3, v14, v22;
	v14 =	vld [tilespmem:s29+$0x10];
	(erf) = vpow2.f32 v44;
	v15 =	vmul.f32 $1.442695020e+00, v12  }
0xff: {  	v13 =	vadd.f32 v56, v13;
	v23 =	vadd.f32 v41, v23;
	vm4 =	vgt.f32 v11, v19  }
0x100: {  	vm2 =	vgt.f32 v17, v9;
	v19 =	vsel vm4, v11, v19;
	v11 =	vld [tilespmem:s29+$0x0];
	v51 =	vpop (erf);
	(erf) = vpow2.f32 v15  }
0x101: {  	v28 =	vadd.f32 v42, v28;
	v9 =	vsel vm2, v17, v9;
	v17 =	vld [tilespmem:s29+$0x30];
	v36 =	vsub.f32 v49, v8  }
0x102: {  	v30 =	vadd.f32 v47, v30;
	v47 =	vadd.s32 $0x40, v16;
	v48 =	vld [tilespmem:s29+$0x40];
	v18 =	vsel vm1, v16, v18  }
0x103: {  	vm5 =	vgt.f32 v31, v20;
	v58 =	vsub.f32 v14, v8;
	v14 =	vmul.f32 v36, v3;
	v52 =	vpop (erf)  }
0x104: {  	s30 =	simm.s32 $0x186C0;
	v21 =	vsel vm2, v61, v21;
	v24 =	vsel vm3, v63, v24;
	v20 =	vsel vm5, v31, v20;
	[tilespmem:s31+$0x0] =	vst v52;
	v53 =	vpop (erf)  }
0x105: {  	v26 =	vsel vm5, v47, v26;
	v57 =	vsub.f32 v11, v8;
	v63 =	vmul.f32 $1.442695020e+00, v14;
	v54 =	vld [tilespmem:s30+$0xFFFFFFE0];
	[tilespmem:s31+$0x10] =	vst v53  }
0x106: {  	v27 =	vadd.s32 $0x30, v16;
	v16 =	vadd.s32 $0x50, v16;
	v15 =	vsub.f32 v17, v8;
	v56 =	vld [tilespmem:s30+$0xFFFFFFF0]  }
0x107: {  	v25 =	vsel vm4, v27, v25;
	v27 =	vadd.s32 $0x10, v16;
	v17 =	vsub.f32 v48, v8;
	v55 =	vpop (erf)  }
0x108: {  	v32 =	vadd.s32 $0x20, v16;
	v33 =	vadd.s32 $0x30, v16;
	v11 =	vmul.f32 v15, v3;
	[tilespmem:s31+$0x20] =	vst v55  }
0x109: {  	v34 =	vadd.s32 $0x40, v16;
	v31 =	vmul.f32 v17, v3;
	v15 =	vmul.f32 v57, v3;
	v59 =	vld [tilespmem:s30+$0x0];
	[tilespmem:s31+$0x30] =	vst v51;
	v62 =	vpop (erf)  }
0x10a: {  	v13 =	vadd.f32 v51, v13;
	v17 =	vmul.f32 v58, v3;
	v60 =	vmul.f32 $1.442695020e+00, v11;
	v61 =	vld [tilespmem:s30+$0x10];
	[tilespmem:s31+$0x40] =	vst v62  }
0x10b: {  	v44 =	vmul.f32 $1.442695020e+00, v15;
	v36 =	vadd.f32 v54, v35;
	v35 =	vadd.f32 v56, v37;
	v37 =	vld [tilespmem:s30+$0x20]  }
0x10c: {  	v23 =	vadd.f32 v52, v23;
	v45 =	vmul.f32 $1.442695020e+00, v17;
	(erf) = vpow2.f32 v60  }
0x10d: {  	v28 =	vadd.f32 v53, v28;
	v40 =	vmul.f32 $1.442695020e+00, v31;
	(erf) = vpow2.f32 v44  }
0x10e: {  	v29 =	vadd.f32 v55, v29;
	(erf) = vpow2.f32 v45;
	v30 =	vadd.f32 v62, v30  }
0x10f: {  	s0 =	simm.s32 $0x4EC0;
	s31 =	simm.s32 $0x5;
	(erf) = vpow2.f32 v63;
	v39 =	vadd.f32 v59, v38;
	v38 =	vadd.f32 v61, v50  }
.LBB2_9:
0x110: {  	v41 =	vld [tilespmem:s0+$0x40];
	vm1 =	vgt.f32 v36, v10;
	vm2 =	vgt.f32 v35, v9;
	v37 =	vadd.f32 v37, v12;
	v12 =	vmovc v31  }
0x111: {  	v31 =	vld [tilespmem:s0+$0x30];
	(erf) = vpow2.f32 v40;
	v10 =	vsel vm1, v36, v10;
	v9 =	vsel vm2, v35, v9  }
0x112: {  	vm3 =	vgt.f32 v39, v22;
	vm4 =	vgt.f32 v38, v19;
	v35 =	vld [tilespmem:s0+$0x20];
	vm5 =	vgt.f32 v37, v20  }
0x113: {  	s31 =	sadd.s32 $0x5, s31;
	v22 =	vsel vm3, v39, v22;
	v19 =	vsel vm4, v38, v19;
	v36 =	vld [tilespmem:s0+$0x0];
	v20 =	vsel vm5, v37, v20  }
0x114: {  	p0 =	slt.u32 s31, $0x26C;
	v24 =	vsel vm3, v32, v24;
	v25 =	vsel vm4, v33, v25;
	v26 =	vsel vm5, v34, v26;
	v37 =	vld [tilespmem:s0+$0x10]  }
0x115: {  	v18 =	vsel vm1, v16, v18;
	v21 =	vsel vm2, v27, v21;
	v16 =	vadd.s32 $0x50, v16;
	v34 =	vpop (erf)  }
0x116: {  	v27 =	vadd.s32 $0x10, v16;
	v13 =	vadd.f32 v34, v13;
	v38 =	vpop (erf)  }
0x117: {  	s30 =	sadd.s32 $0x50, s30;
	v32 =	vadd.s32 $0x20, v16;
	v39 =	vsub.f32 v41, v8;
	v31 =	vsub.f32 v31, v8;
	[tilespmem:s29+$0x0] =	vst v38;
	v40 =	vpop (erf)  }
0x118: {  	v33 =	vadd.s32 $0x30, v16;
	v35 =	vsub.f32 v35, v8;
	v36 =	vsub.f32 v36, v8;
	v41 =	vld [tilespmem:s30+$0xFFFFFFE0];
	[tilespmem:s29+$0x10] =	vst v40;
	v42 =	vpop (erf)  }
0x119: {  	v43 =	vmul.f32 v31, v3;
	v31 =	vmul.f32 v39, v3;
	v37 =	vsub.f32 v37, v8;
	v39 =	vld [tilespmem:s30+$0xFFFFFFF0];
	[tilespmem:s29+$0x20] =	vst v42  }
0x11a: {  	v23 =	vadd.f32 v38, v23;
	v45 =	vmul.f32 v35, v3;
	v44 =	vmul.f32 v36, v3;
	v38 =	vld [tilespmem:s30+$0x0];
	[tilespmem:s29+$0x30] =	vst v34;
	v34 =	vpop (erf)  }
0x11b: {  	v28 =	vadd.f32 v40, v28;
	v35 =	vmul.f32 $1.442695020e+00, v43;
	v46 =	vmul.f32 v37, v3;
	v47 =	vld [tilespmem:s30+$0x10];
	[tilespmem:s29+$0x40] =	vst v34;
	s29 =	smov.u32 s0  }
.Ltmp3:
0x11c: {  	v29 =	vadd.f32 v42, v29;
	v40 =	vmul.f32 $1.442695020e+00, v31;
	v36 =	vmul.f32 $1.442695020e+00, v44;
	v37 =	vld [tilespmem:s30+$0x20];
	(pc) =	sbr.rel @p0 .LBB2_9-.Ltmp3, $4  }
0x11d: {  	v30 =	vadd.f32 v34, v30;
	v42 =	vmul.f32 $1.442695020e+00, v46;
	(erf) = vpow2.f32 v35  }
0x11e: {  	v48 =	vmul.f32 $1.442695020e+00, v45;
	v34 =	vadd.s32 $0x40, v16;
	(erf) = vpow2.f32 v36  }
0x11f: {  	v36 =	vadd.f32 v41, v15;
	v35 =	vadd.f32 v39, v17;
	v15 =	vmovc v44;
	v17 =	vmovc v46;
	(erf) = vpow2.f32 v42  }
0x120: {  	s0 =	sadd.s32 $0x50, s0;
	v39 =	vadd.f32 v38, v14;
	v14 =	vmovc v45;
	(erf) = vpow2.f32 v48;
	v38 =	vadd.f32 v47, v11;
	v11 =	vmovc v43  }
0x121: {  	_ = 	snop  }
0x122: {  	(erf) = vpow2.f32 v40;
	_ =	sdelay $0x3  }
0x123: {  	v56 =	vpop (erf)  }
0x124: {  	v41 =	vpop (erf)  }
0x125: {  	s0 =	sadd.s32 $0x50, s30;
	[tilespmem:s29+$0x0] =	vst v41;
	v42 =	vpop (erf)  }
0x126: {  	v43 =	vld [tilespmem:s0+$0xFFFFFFE0];
	[tilespmem:s29+$0x10] =	vst v42;
	v44 =	vpop (erf)  }
0x127: {  	v45 =	vld [tilespmem:s0+$0xFFFFFFF0];
	[tilespmem:s29+$0x20] =	vst v44  }
0x128: {  	v47 =	vpop (erf);
	v46 =	vld [tilespmem:s0+$0x0];
	[tilespmem:s29+$0x30] =	vst v56  }
0x129: {  	v48 =	vld [tilespmem:s0+$0x10];
	[tilespmem:s29+$0x40] =	vst v47  }
0x12a: {  	v49 =	vld [tilespmem:s0+$0x20];
	_ =	swait.ge [sflag:s19], $0x2710  }
0x12b: {  	[sflag:s19] =	ssyncset.done $0x0  }
0x12c: {  	s31 =	simm.s32 $0x7530;
	s0 =	sadd.s32 $0x1388, s28;
	[sflag:s19] =	ssyncadd.s32 $0xFFFFD8F0  }
0x12d: {  	[tilespmem:s15], [sflag:$0x2] =	stream.linear.gather [hbm4b:s0+s3], $0x2710, $0x38;
	[tilespmem:$0x1D510] =	vst v63  }
0x12e: {  	v50 =	vld [tilespmem:s31+$0x30];
	_ =	sdelay $0x1  }
0x12f: {  	v12 =	vadd.f32 v37, v12;
	v57 =	vld [tilespmem:s31+$0x0]  }
0x130: {  	vm1 =	vgt.f32 v39, v22;
	vm2 =	vgt.f32 v38, v19;
	v58 =	vld [tilespmem:s31+$0x10]  }
0x131: {  	v22 =	vsel vm1, v39, v22;
	vm3 =	vgt.f32 v12, v20;
	v19 =	vsel vm2, v38, v19  }
0x132: {  	v24 =	vsel vm1, v32, v24;
	v20 =	vsel vm3, v12, v20;
	v12 =	vld [tilespmem:s31+$0x20];
	v59 =	vsub.f32 v50, v8  }
0x133: {  	v25 =	vsel vm2, v33, v25;
	vm1 =	vgt.f32 v36, v10;
	vm2 =	vgt.f32 v35, v9  }
0x134: {  	v26 =	vsel vm3, v34, v26;
	v60 =	vsub.f32 v57, v8;
	v50 =	vmul.f32 v59, v3  }
0x135: {  	v10 =	vsel vm1, v36, v10;
	v21 =	vsel vm2, v27, v21;
	v27 =	vsub.f32 v58, v8  }
0x136: {  	v9 =	vsel vm2, v35, v9;
	v62 =	vld [tilespmem:s31+$0x40];
	v35 =	vmul.f32 v60, v3;
	v32 =	vmul.f32 $1.442695020e+00, v50  }
0x137: {  	v18 =	vsel vm1, v16, v18;
	v12 =	vsub.f32 v12, v8;
	v37 =	vmul.f32 v27, v3  }
0x138: {  	v16 =	vadd.s32 $0x50, v16;
	v27 =	vmul.f32 $1.442695020e+00, v35;
	(erf) = vpow2.f32 v32  }
0x139: {  	v61 =	vadd.s32 $0x10, v16;
	v38 =	vmul.f32 v12, v3;
	v12 =	vmul.f32 $1.442695020e+00, v37  }
0x13a: {  	v63 =	vadd.s32 $0x20, v16;
	v15 =	vadd.f32 v43, v15;
	(erf) = vpow2.f32 v27  }
0x13b: {  	v29 =	vadd.f32 v44, v29;
	(erf) = vpow2.f32 v12;
	v12 =	vsub.f32 v62, v8  }
0x13c: {  	s29 =	simm.s32 $0x7580;
	v17 =	vadd.f32 v45, v17;
	v14 =	vadd.f32 v46, v14;
	vm1 =	vgt.f32 v15, v10  }
0x13d: {  	v31 =	vadd.f32 v49, v31;
	v49 =	vld [tilespmem:s29+$0x20];
	v44 =	vmul.f32 $1.442695020e+00, v38;
	v12 =	vmul.f32 v12, v3  }
0x13e: {  	v11 =	vadd.f32 v48, v11;
	v10 =	vsel vm1, v15, v10;
	vm3 =	vgt.f32 v14, v22  }
0x13f: {  	v22 =	vsel vm3, v14, v22;
	v14 =	vld [tilespmem:s29+$0x10];
	(erf) = vpow2.f32 v44;
	v15 =	vmul.f32 $1.442695020e+00, v12  }
0x140: {  	v13 =	vadd.f32 v56, v13;
	v23 =	vadd.f32 v41, v23;
	vm4 =	vgt.f32 v11, v19  }
0x141: {  	vm2 =	vgt.f32 v17, v9;
	v19 =	vsel vm4, v11, v19;
	v11 =	vld [tilespmem:s29+$0x0];
	v51 =	vpop (erf);
	(erf) = vpow2.f32 v15  }
0x142: {  	v28 =	vadd.f32 v42, v28;
	v9 =	vsel vm2, v17, v9;
	v17 =	vld [tilespmem:s29+$0x30];
	v36 =	vsub.f32 v49, v8  }
0x143: {  	v30 =	vadd.f32 v47, v30;
	v47 =	vadd.s32 $0x40, v16;
	v48 =	vld [tilespmem:s29+$0x40];
	v18 =	vsel vm1, v16, v18  }
0x144: {  	vm5 =	vgt.f32 v31, v20;
	v58 =	vsub.f32 v14, v8;
	v14 =	vmul.f32 v36, v3;
	v52 =	vpop (erf)  }
0x145: {  	s30 =	simm.s32 $0x1ADD0;
	v21 =	vsel vm2, v61, v21;
	v24 =	vsel vm3, v63, v24;
	v20 =	vsel vm5, v31, v20;
	[tilespmem:s31+$0x0] =	vst v52;
	v53 =	vpop (erf)  }
0x146: {  	v26 =	vsel vm5, v47, v26;
	v57 =	vsub.f32 v11, v8;
	v63 =	vmul.f32 $1.442695020e+00, v14;
	v54 =	vld [tilespmem:s30+$0xFFFFFFE0];
	[tilespmem:s31+$0x10] =	vst v53  }
0x147: {  	v27 =	vadd.s32 $0x30, v16;
	v16 =	vadd.s32 $0x50, v16;
	v15 =	vsub.f32 v17, v8;
	v56 =	vld [tilespmem:s30+$0xFFFFFFF0]  }
0x148: {  	v25 =	vsel vm4, v27, v25;
	v27 =	vadd.s32 $0x10, v16;
	v17 =	vsub.f32 v48, v8;
	v55 =	vpop (erf)  }
0x149: {  	v32 =	vadd.s32 $0x20, v16;
	v33 =	vadd.s32 $0x30, v16;
	v11 =	vmul.f32 v15, v3;
	[tilespmem:s31+$0x20] =	vst v55  }
0x14a: {  	v34 =	vadd.s32 $0x40, v16;
	v31 =	vmul.f32 v17, v3;
	v15 =	vmul.f32 v57, v3;
	v59 =	vld [tilespmem:s30+$0x0];
	[tilespmem:s31+$0x30] =	vst v51;
	v62 =	vpop (erf)  }
0x14b: {  	v13 =	vadd.f32 v51, v13;
	v17 =	vmul.f32 v58, v3;
	v60 =	vmul.f32 $1.442695020e+00, v11;
	v61 =	vld [tilespmem:s30+$0x10];
	[tilespmem:s31+$0x40] =	vst v62  }
0x14c: {  	v44 =	vmul.f32 $1.442695020e+00, v15;
	v36 =	vadd.f32 v54, v35;
	v35 =	vadd.f32 v56, v37;
	v37 =	vld [tilespmem:s30+$0x20]  }
0x14d: {  	v23 =	vadd.f32 v52, v23;
	v45 =	vmul.f32 $1.442695020e+00, v17;
	(erf) = vpow2.f32 v60  }
0x14e: {  	v28 =	vadd.f32 v53, v28;
	v40 =	vmul.f32 $1.442695020e+00, v31;
	(erf) = vpow2.f32 v44  }
0x14f: {  	v29 =	vadd.f32 v55, v29;
	(erf) = vpow2.f32 v45;
	v30 =	vadd.f32 v62, v30  }
0x150: {  	s0 =	simm.s32 $0x75D0;
	s31 =	simm.s32 $0x5;
	(erf) = vpow2.f32 v63;
	v39 =	vadd.f32 v59, v38;
	v38 =	vadd.f32 v61, v50  }
.LBB2_11:
0x151: {  	v41 =	vld [tilespmem:s0+$0x40];
	vm1 =	vgt.f32 v36, v10;
	vm2 =	vgt.f32 v35, v9;
	v37 =	vadd.f32 v37, v12;
	v12 =	vmovc v31  }
0x152: {  	v31 =	vld [tilespmem:s0+$0x30];
	(erf) = vpow2.f32 v40;
	v10 =	vsel vm1, v36, v10;
	v9 =	vsel vm2, v35, v9  }
0x153: {  	vm3 =	vgt.f32 v39, v22;
	vm4 =	vgt.f32 v38, v19;
	v35 =	vld [tilespmem:s0+$0x20];
	vm5 =	vgt.f32 v37, v20  }
0x154: {  	s31 =	sadd.s32 $0x5, s31;
	v22 =	vsel vm3, v39, v22;
	v19 =	vsel vm4, v38, v19;
	v36 =	vld [tilespmem:s0+$0x0];
	v20 =	vsel vm5, v37, v20  }
0x155: {  	p0 =	slt.u32 s31, $0x26C;
	v24 =	vsel vm3, v32, v24;
	v25 =	vsel vm4, v33, v25;
	v26 =	vsel vm5, v34, v26;
	v37 =	vld [tilespmem:s0+$0x10]  }
0x156: {  	v18 =	vsel vm1, v16, v18;
	v21 =	vsel vm2, v27, v21;
	v16 =	vadd.s32 $0x50, v16;
	v34 =	vpop (erf)  }
0x157: {  	v27 =	vadd.s32 $0x10, v16;
	v13 =	vadd.f32 v34, v13;
	v38 =	vpop (erf)  }
0x158: {  	s30 =	sadd.s32 $0x50, s30;
	v32 =	vadd.s32 $0x20, v16;
	v39 =	vsub.f32 v41, v8;
	v31 =	vsub.f32 v31, v8;
	[tilespmem:s29+$0x0] =	vst v38;
	v40 =	vpop (erf)  }
0x159: {  	v33 =	vadd.s32 $0x30, v16;
	v35 =	vsub.f32 v35, v8;
	v36 =	vsub.f32 v36, v8;
	v41 =	vld [tilespmem:s30+$0xFFFFFFE0];
	[tilespmem:s29+$0x10] =	vst v40;
	v42 =	vpop (erf)  }
0x15a: {  	v43 =	vmul.f32 v31, v3;
	v31 =	vmul.f32 v39, v3;
	v37 =	vsub.f32 v37, v8;
	v39 =	vld [tilespmem:s30+$0xFFFFFFF0];
	[tilespmem:s29+$0x20] =	vst v42  }
0x15b: {  	v23 =	vadd.f32 v38, v23;
	v45 =	vmul.f32 v35, v3;
	v44 =	vmul.f32 v36, v3;
	v38 =	vld [tilespmem:s30+$0x0];
	[tilespmem:s29+$0x30] =	vst v34;
	v34 =	vpop (erf)  }
0x15c: {  	v28 =	vadd.f32 v40, v28;
	v35 =	vmul.f32 $1.442695020e+00, v43;
	v46 =	vmul.f32 v37, v3;
	v47 =	vld [tilespmem:s30+$0x10];
	[tilespmem:s29+$0x40] =	vst v34;
	s29 =	smov.u32 s0  }
.Ltmp4:
0x15d: {  	v29 =	vadd.f32 v42, v29;
	v40 =	vmul.f32 $1.442695020e+00, v31;
	v36 =	vmul.f32 $1.442695020e+00, v44;
	v37 =	vld [tilespmem:s30+$0x20];
	(pc) =	sbr.rel @p0 .LBB2_11-.Ltmp4, $4  }
0x15e: {  	v30 =	vadd.f32 v34, v30;
	v42 =	vmul.f32 $1.442695020e+00, v46;
	(erf) = vpow2.f32 v35  }
0x15f: {  	v48 =	vmul.f32 $1.442695020e+00, v45;
	v34 =	vadd.s32 $0x40, v16;
	(erf) = vpow2.f32 v36  }
0x160: {  	v36 =	vadd.f32 v41, v15;
	v35 =	vadd.f32 v39, v17;
	v15 =	vmovc v44;
	v17 =	vmovc v46;
	(erf) = vpow2.f32 v42  }
0x161: {  	s0 =	sadd.s32 $0x50, s0;
	v39 =	vadd.f32 v38, v14;
	v14 =	vmovc v45;
	(erf) = vpow2.f32 v48;
	v38 =	vadd.f32 v47, v11;
	v11 =	vmovc v43  }
0x162: {  	_ = 	snop  }
0x163: {  	(erf) = vpow2.f32 v40;
	_ =	sdelay $0x3  }
0x164: {  	v56 =	vpop (erf)  }
0x165: {  	v41 =	vpop (erf)  }
0x166: {  	s0 =	sadd.s32 $0x50, s30;
	[tilespmem:s29+$0x0] =	vst v41;
	v42 =	vpop (erf)  }
0x167: {  	v43 =	vld [tilespmem:s0+$0xFFFFFFE0];
	[tilespmem:s29+$0x10] =	vst v42;
	v44 =	vpop (erf)  }
0x168: {  	v45 =	vld [tilespmem:s0+$0xFFFFFFF0];
	[tilespmem:s29+$0x20] =	vst v44  }
0x169: {  	v47 =	vpop (erf);
	v46 =	vld [tilespmem:s0+$0x0];
	[tilespmem:s29+$0x30] =	vst v56  }
0x16a: {  	v48 =	vld [tilespmem:s0+$0x10];
	[tilespmem:s29+$0x40] =	vst v47  }
0x16b: {  	v49 =	vld [tilespmem:s0+$0x20];
	_ =	swait.ge [sflag:s17], $0x2710  }
0x16c: {  	[sflag:s17] =	ssyncset.done $0x0  }
0x16d: {  	s31 =	simm.s32 $0x9C40;
	s0 =	sadd.s32 $0x186A, s28;
	[sflag:s17] =	ssyncadd.s32 $0xFFFFD8F0  }
0x16e: {  	[tilespmem:s18], [sflag:$0x3] =	stream.linear.gather [hbm4b:s0+s3], $0x2710, $0x38;
	[tilespmem:$0x1D510] =	vst v63  }
0x16f: {  	v50 =	vld [tilespmem:s31+$0x30];
	_ =	sdelay $0x1  }
0x170: {  	v12 =	vadd.f32 v37, v12;
	v57 =	vld [tilespmem:s31+$0x0]  }
0x171: {  	vm1 =	vgt.f32 v39, v22;
	vm2 =	vgt.f32 v38, v19;
	v58 =	vld [tilespmem:s31+$0x10]  }
0x172: {  	v22 =	vsel vm1, v39, v22;
	vm3 =	vgt.f32 v12, v20;
	v19 =	vsel vm2, v38, v19  }
0x173: {  	v24 =	vsel vm1, v32, v24;
	v20 =	vsel vm3, v12, v20;
	v12 =	vld [tilespmem:s31+$0x20];
	v59 =	vsub.f32 v50, v8  }
0x174: {  	v25 =	vsel vm2, v33, v25;
	vm1 =	vgt.f32 v36, v10;
	vm2 =	vgt.f32 v35, v9  }
0x175: {  	v26 =	vsel vm3, v34, v26;
	v60 =	vsub.f32 v57, v8;
	v50 =	vmul.f32 v59, v3  }
0x176: {  	v10 =	vsel vm1, v36, v10;
	v21 =	vsel vm2, v27, v21;
	v27 =	vsub.f32 v58, v8  }
0x177: {  	v9 =	vsel vm2, v35, v9;
	v62 =	vld [tilespmem:s31+$0x40];
	v35 =	vmul.f32 v60, v3;
	v32 =	vmul.f32 $1.442695020e+00, v50  }
0x178: {  	v18 =	vsel vm1, v16, v18;
	v12 =	vsub.f32 v12, v8;
	v37 =	vmul.f32 v27, v3  }
0x179: {  	v16 =	vadd.s32 $0x50, v16;
	v27 =	vmul.f32 $1.442695020e+00, v35;
	(erf) = vpow2.f32 v32  }
0x17a: {  	v61 =	vadd.s32 $0x10, v16;
	v38 =	vmul.f32 v12, v3;
	v12 =	vmul.f32 $1.442695020e+00, v37  }
0x17b: {  	v63 =	vadd.s32 $0x20, v16;
	v15 =	vadd.f32 v43, v15;
	(erf) = vpow2.f32 v27  }
0x17c: {  	v29 =	vadd.f32 v44, v29;
	(erf) = vpow2.f32 v12;
	v12 =	vsub.f32 v62, v8  }
0x17d: {  	s29 =	simm.s32 $0x9C90;
	v17 =	vadd.f32 v45, v17;
	v14 =	vadd.f32 v46, v14;
	vm1 =	vgt.f32 v15, v10  }
0x17e: {  	v31 =	vadd.f32 v49, v31;
	v49 =	vld [tilespmem:s29+$0x20];
	v44 =	vmul.f32 $1.442695020e+00, v38;
	v12 =	vmul.f32 v12, v3  }
0x17f: {  	v11 =	vadd.f32 v48, v11;
	v10 =	vsel vm1, v15, v10;
	vm3 =	vgt.f32 v14, v22  }
0x180: {  	v22 =	vsel vm3, v14, v22;
	v14 =	vld [tilespmem:s29+$0x10];
	(erf) = vpow2.f32 v44;
	v15 =	vmul.f32 $1.442695020e+00, v12  }
0x181: {  	v13 =	vadd.f32 v56, v13;
	v23 =	vadd.f32 v41, v23;
	vm4 =	vgt.f32 v11, v19  }
0x182: {  	vm2 =	vgt.f32 v17, v9;
	v19 =	vsel vm4, v11, v19;
	v11 =	vld [tilespmem:s29+$0x0];
	v51 =	vpop (erf);
	(erf) = vpow2.f32 v15  }
0x183: {  	v28 =	vadd.f32 v42, v28;
	v9 =	vsel vm2, v17, v9;
	v17 =	vld [tilespmem:s29+$0x30];
	v36 =	vsub.f32 v49, v8  }
0x184: {  	v30 =	vadd.f32 v47, v30;
	v47 =	vadd.s32 $0x40, v16;
	v48 =	vld [tilespmem:s29+$0x40];
	v18 =	vsel vm1, v16, v18  }
0x185: {  	vm5 =	vgt.f32 v31, v20;
	v58 =	vsub.f32 v14, v8;
	v14 =	vmul.f32 v36, v3;
	v52 =	vpop (erf)  }
0x186: {  	s30 =	simm.s32 $0x186C0;
	v21 =	vsel vm2, v61, v21;
	v24 =	vsel vm3, v63, v24;
	v20 =	vsel vm5, v31, v20;
	[tilespmem:s31+$0x0] =	vst v52;
	v53 =	vpop (erf)  }
0x187: {  	v26 =	vsel vm5, v47, v26;
	v57 =	vsub.f32 v11, v8;
	v63 =	vmul.f32 $1.442695020e+00, v14;
	v54 =	vld [tilespmem:s30+$0xFFFFFFE0];
	[tilespmem:s31+$0x10] =	vst v53  }
0x188: {  	v27 =	vadd.s32 $0x30, v16;
	v16 =	vadd.s32 $0x50, v16;
	v15 =	vsub.f32 v17, v8;
	v56 =	vld [tilespmem:s30+$0xFFFFFFF0]  }
0x189: {  	v25 =	vsel vm4, v27, v25;
	v27 =	vadd.s32 $0x10, v16;
	v17 =	vsub.f32 v48, v8;
	v55 =	vpop (erf)  }
0x18a: {  	v32 =	vadd.s32 $0x20, v16;
	v33 =	vadd.s32 $0x30, v16;
	v11 =	vmul.f32 v15, v3;
	[tilespmem:s31+$0x20] =	vst v55  }
0x18b: {  	v34 =	vadd.s32 $0x40, v16;
	v31 =	vmul.f32 v17, v3;
	v15 =	vmul.f32 v57, v3;
	v59 =	vld [tilespmem:s30+$0x0];
	[tilespmem:s31+$0x30] =	vst v51;
	v62 =	vpop (erf)  }
0x18c: {  	v13 =	vadd.f32 v51, v13;
	v17 =	vmul.f32 v58, v3;
	v60 =	vmul.f32 $1.442695020e+00, v11;
	v61 =	vld [tilespmem:s30+$0x10];
	[tilespmem:s31+$0x40] =	vst v62  }
0x18d: {  	v44 =	vmul.f32 $1.442695020e+00, v15;
	v36 =	vadd.f32 v54, v35;
	v35 =	vadd.f32 v56, v37;
	v37 =	vld [tilespmem:s30+$0x20]  }
0x18e: {  	v23 =	vadd.f32 v52, v23;
	v45 =	vmul.f32 $1.442695020e+00, v17;
	(erf) = vpow2.f32 v60  }
0x18f: {  	v28 =	vadd.f32 v53, v28;
	v40 =	vmul.f32 $1.442695020e+00, v31;
	(erf) = vpow2.f32 v44  }
0x190: {  	v29 =	vadd.f32 v55, v29;
	(erf) = vpow2.f32 v45;
	v30 =	vadd.f32 v62, v30  }
0x191: {  	s0 =	simm.s32 $0x9CE0;
	s31 =	simm.s32 $0x5;
	(erf) = vpow2.f32 v63;
	v39 =	vadd.f32 v59, v38;
	v38 =	vadd.f32 v61, v50  }
.LBB2_13:
0x192: {  	v41 =	vld [tilespmem:s0+$0x40];
	vm1 =	vgt.f32 v36, v10;
	vm2 =	vgt.f32 v35, v9;
	v37 =	vadd.f32 v37, v12;
	v12 =	vmovc v31  }
0x193: {  	v31 =	vld [tilespmem:s0+$0x30];
	(erf) = vpow2.f32 v40;
	v10 =	vsel vm1, v36, v10;
	v9 =	vsel vm2, v35, v9  }
0x194: {  	vm3 =	vgt.f32 v39, v22;
	vm4 =	vgt.f32 v38, v19;
	v35 =	vld [tilespmem:s0+$0x20];
	vm5 =	vgt.f32 v37, v20  }
0x195: {  	s31 =	sadd.s32 $0x5, s31;
	v22 =	vsel vm3, v39, v22;
	v19 =	vsel vm4, v38, v19;
	v36 =	vld [tilespmem:s0+$0x0];
	v20 =	vsel vm5, v37, v20  }
0x196: {  	p0 =	slt.u32 s31, $0x26C;
	v24 =	vsel vm3, v32, v24;
	v25 =	vsel vm4, v33, v25;
	v26 =	vsel vm5, v34, v26;
	v37 =	vld [tilespmem:s0+$0x10]  }
0x197: {  	v18 =	vsel vm1, v16, v18;
	v21 =	vsel vm2, v27, v21;
	v16 =	vadd.s32 $0x50, v16;
	v34 =	vpop (erf)  }
0x198: {  	v27 =	vadd.s32 $0x10, v16;
	v13 =	vadd.f32 v34, v13;
	v38 =	vpop (erf)  }
0x199: {  	s30 =	sadd.s32 $0x50, s30;
	v32 =	vadd.s32 $0x20, v16;
	v39 =	vsub.f32 v41, v8;
	v31 =	vsub.f32 v31, v8;
	[tilespmem:s29+$0x0] =	vst v38;
	v40 =	vpop (erf)  }
0x19a: {  	v33 =	vadd.s32 $0x30, v16;
	v35 =	vsub.f32 v35, v8;
	v36 =	vsub.f32 v36, v8;
	v41 =	vld [tilespmem:s30+$0xFFFFFFE0];
	[tilespmem:s29+$0x10] =	vst v40;
	v42 =	vpop (erf)  }
0x19b: {  	v43 =	vmul.f32 v31, v3;
	v31 =	vmul.f32 v39, v3;
	v37 =	vsub.f32 v37, v8;
	v39 =	vld [tilespmem:s30+$0xFFFFFFF0];
	[tilespmem:s29+$0x20] =	vst v42  }
0x19c: {  	v23 =	vadd.f32 v38, v23;
	v45 =	vmul.f32 v35, v3;
	v44 =	vmul.f32 v36, v3;
	v38 =	vld [tilespmem:s30+$0x0];
	[tilespmem:s29+$0x30] =	vst v34;
	v34 =	vpop (erf)  }
0x19d: {  	v28 =	vadd.f32 v40, v28;
	v35 =	vmul.f32 $1.442695020e+00, v43;
	v46 =	vmul.f32 v37, v3;
	v47 =	vld [tilespmem:s30+$0x10];
	[tilespmem:s29+$0x40] =	vst v34;
	s29 =	smov.u32 s0  }
.Ltmp5:
0x19e: {  	v29 =	vadd.f32 v42, v29;
	v40 =	vmul.f32 $1.442695020e+00, v31;
	v36 =	vmul.f32 $1.442695020e+00, v44;
	v37 =	vld [tilespmem:s30+$0x20];
	(pc) =	sbr.rel @p0 .LBB2_13-.Ltmp5, $4  }
0x19f: {  	v30 =	vadd.f32 v34, v30;
	v42 =	vmul.f32 $1.442695020e+00, v46;
	(erf) = vpow2.f32 v35  }
0x1a0: {  	v48 =	vmul.f32 $1.442695020e+00, v45;
	v34 =	vadd.s32 $0x40, v16;
	(erf) = vpow2.f32 v36  }
0x1a1: {  	v36 =	vadd.f32 v41, v15;
	v35 =	vadd.f32 v39, v17;
	v15 =	vmovc v44;
	v17 =	vmovc v46;
	(erf) = vpow2.f32 v42  }
0x1a2: {  	s0 =	sadd.s32 $0x50, s0;
	v39 =	vadd.f32 v38, v14;
	v14 =	vmovc v45;
	(erf) = vpow2.f32 v48;
	v38 =	vadd.f32 v47, v11;
	v11 =	vmovc v43  }
0x1a3: {  	_ = 	snop  }
0x1a4: {  	(erf) = vpow2.f32 v40;
	_ =	sdelay $0x3  }
0x1a5: {  	v56 =	vpop (erf)  }
0x1a6: {  	v41 =	vpop (erf)  }
0x1a7: {  	s0 =	sadd.s32 $0x50, s30;
	[tilespmem:s29+$0x0] =	vst v41;
	v42 =	vpop (erf)  }
0x1a8: {  	v43 =	vld [tilespmem:s0+$0xFFFFFFE0];
	[tilespmem:s29+$0x10] =	vst v42;
	v44 =	vpop (erf)  }
0x1a9: {  	v45 =	vld [tilespmem:s0+$0xFFFFFFF0];
	[tilespmem:s29+$0x20] =	vst v44  }
0x1aa: {  	v47 =	vpop (erf);
	v46 =	vld [tilespmem:s0+$0x0];
	[tilespmem:s29+$0x30] =	vst v56  }
0x1ab: {  	v48 =	vld [tilespmem:s0+$0x10];
	[tilespmem:s29+$0x40] =	vst v47  }
0x1ac: {  	v49 =	vld [tilespmem:s0+$0x20];
	_ =	swait.ge [sflag:s19], $0x2710  }
0x1ad: {  	[sflag:s19] =	ssyncset.done $0x0  }
0x1ae: {  	s31 =	simm.s32 $0xC350;
	s0 =	sadd.s32 $0x1D4C, s28;
	[sflag:s19] =	ssyncadd.s32 $0xFFFFD8F0  }
0x1af: {  	[tilespmem:s15], [sflag:$0x2] =	stream.linear.gather [hbm4b:s0+s3], $0x2710, $0x38;
	[tilespmem:$0x1D510] =	vst v63  }
0x1b0: {  	v50 =	vld [tilespmem:s31+$0x30];
	_ =	sdelay $0x1  }
0x1b1: {  	v12 =	vadd.f32 v37, v12;
	v57 =	vld [tilespmem:s31+$0x0]  }
0x1b2: {  	vm1 =	vgt.f32 v39, v22;
	vm2 =	vgt.f32 v38, v19;
	v58 =	vld [tilespmem:s31+$0x10]  }
0x1b3: {  	v22 =	vsel vm1, v39, v22;
	vm3 =	vgt.f32 v12, v20;
	v19 =	vsel vm2, v38, v19  }
0x1b4: {  	v24 =	vsel vm1, v32, v24;
	v20 =	vsel vm3, v12, v20;
	v12 =	vld [tilespmem:s31+$0x20];
	v59 =	vsub.f32 v50, v8  }
0x1b5: {  	v25 =	vsel vm2, v33, v25;
	vm1 =	vgt.f32 v36, v10;
	vm2 =	vgt.f32 v35, v9  }
0x1b6: {  	v26 =	vsel vm3, v34, v26;
	v60 =	vsub.f32 v57, v8;
	v50 =	vmul.f32 v59, v3  }
0x1b7: {  	v10 =	vsel vm1, v36, v10;
	v21 =	vsel vm2, v27, v21;
	v27 =	vsub.f32 v58, v8  }
0x1b8: {  	v9 =	vsel vm2, v35, v9;
	v62 =	vld [tilespmem:s31+$0x40];
	v35 =	vmul.f32 v60, v3;
	v32 =	vmul.f32 $1.442695020e+00, v50  }
0x1b9: {  	v18 =	vsel vm1, v16, v18;
	v12 =	vsub.f32 v12, v8;
	v37 =	vmul.f32 v27, v3  }
0x1ba: {  	v16 =	vadd.s32 $0x50, v16;
	v27 =	vmul.f32 $1.442695020e+00, v35;
	(erf) = vpow2.f32 v32  }
0x1bb: {  	v61 =	vadd.s32 $0x10, v16;
	v38 =	vmul.f32 v12, v3;
	v12 =	vmul.f32 $1.442695020e+00, v37  }
0x1bc: {  	v63 =	vadd.s32 $0x20, v16;
	v15 =	vadd.f32 v43, v15;
	(erf) = vpow2.f32 v27  }
0x1bd: {  	v29 =	vadd.f32 v44, v29;
	(erf) = vpow2.f32 v12;
	v12 =	vsub.f32 v62, v8  }
0x1be: {  	s29 =	simm.s32 $0xC3A0;
	v17 =	vadd.f32 v45, v17;
	v14 =	vadd.f32 v46, v14;
	vm1 =	vgt.f32 v15, v10  }
0x1bf: {  	v31 =	vadd.f32 v49, v31;
	v49 =	vld [tilespmem:s29+$0x20];
	v44 =	vmul.f32 $1.442695020e+00, v38;
	v12 =	vmul.f32 v12, v3  }
0x1c0: {  	v11 =	vadd.f32 v48, v11;
	v10 =	vsel vm1, v15, v10;
	vm3 =	vgt.f32 v14, v22  }
0x1c1: {  	v22 =	vsel vm3, v14, v22;
	v14 =	vld [tilespmem:s29+$0x10];
	(erf) = vpow2.f32 v44;
	v15 =	vmul.f32 $1.442695020e+00, v12  }
0x1c2: {  	v13 =	vadd.f32 v56, v13;
	v23 =	vadd.f32 v41, v23;
	vm4 =	vgt.f32 v11, v19  }
0x1c3: {  	vm2 =	vgt.f32 v17, v9;
	v19 =	vsel vm4, v11, v19;
	v11 =	vld [tilespmem:s29+$0x0];
	v51 =	vpop (erf);
	(erf) = vpow2.f32 v15  }
0x1c4: {  	v28 =	vadd.f32 v42, v28;
	v9 =	vsel vm2, v17, v9;
	v17 =	vld [tilespmem:s29+$0x30];
	v36 =	vsub.f32 v49, v8  }
0x1c5: {  	v30 =	vadd.f32 v47, v30;
	v47 =	vadd.s32 $0x40, v16;
	v48 =	vld [tilespmem:s29+$0x40];
	v18 =	vsel vm1, v16, v18  }
0x1c6: {  	vm5 =	vgt.f32 v31, v20;
	v58 =	vsub.f32 v14, v8;
	v14 =	vmul.f32 v36, v3;
	v52 =	vpop (erf)  }
0x1c7: {  	s30 =	simm.s32 $0x1ADD0;
	v21 =	vsel vm2, v61, v21;
	v24 =	vsel vm3, v63, v24;
	v20 =	vsel vm5, v31, v20;
	[tilespmem:s31+$0x0] =	vst v52;
	v53 =	vpop (erf)  }
0x1c8: {  	v26 =	vsel vm5, v47, v26;
	v57 =	vsub.f32 v11, v8;
	v63 =	vmul.f32 $1.442695020e+00, v14;
	v54 =	vld [tilespmem:s30+$0xFFFFFFE0];
	[tilespmem:s31+$0x10] =	vst v53  }
0x1c9: {  	v27 =	vadd.s32 $0x30, v16;
	v16 =	vadd.s32 $0x50, v16;
	v15 =	vsub.f32 v17, v8;
	v56 =	vld [tilespmem:s30+$0xFFFFFFF0]  }
0x1ca: {  	v25 =	vsel vm4, v27, v25;
	v27 =	vadd.s32 $0x10, v16;
	v17 =	vsub.f32 v48, v8;
	v55 =	vpop (erf)  }
0x1cb: {  	v32 =	vadd.s32 $0x20, v16;
	v33 =	vadd.s32 $0x30, v16;
	v11 =	vmul.f32 v15, v3;
	[tilespmem:s31+$0x20] =	vst v55  }
0x1cc: {  	v34 =	vadd.s32 $0x40, v16;
	v31 =	vmul.f32 v17, v3;
	v15 =	vmul.f32 v57, v3;
	v59 =	vld [tilespmem:s30+$0x0];
	[tilespmem:s31+$0x30] =	vst v51;
	v62 =	vpop (erf)  }
0x1cd: {  	v13 =	vadd.f32 v51, v13;
	v17 =	vmul.f32 v58, v3;
	v60 =	vmul.f32 $1.442695020e+00, v11;
	v61 =	vld [tilespmem:s30+$0x10];
	[tilespmem:s31+$0x40] =	vst v62  }
0x1ce: {  	v44 =	vmul.f32 $1.442695020e+00, v15;
	v36 =	vadd.f32 v54, v35;
	v35 =	vadd.f32 v56, v37;
	v37 =	vld [tilespmem:s30+$0x20]  }
0x1cf: {  	v23 =	vadd.f32 v52, v23;
	v45 =	vmul.f32 $1.442695020e+00, v17;
	(erf) = vpow2.f32 v60  }
0x1d0: {  	v28 =	vadd.f32 v53, v28;
	v40 =	vmul.f32 $1.442695020e+00, v31;
	(erf) = vpow2.f32 v44  }
0x1d1: {  	v29 =	vadd.f32 v55, v29;
	(erf) = vpow2.f32 v45;
	v30 =	vadd.f32 v62, v30  }
0x1d2: {  	s0 =	simm.s32 $0xC3F0;
	s31 =	simm.s32 $0x5;
	(erf) = vpow2.f32 v63;
	v39 =	vadd.f32 v59, v38;
	v38 =	vadd.f32 v61, v50  }
.LBB2_15:
0x1d3: {  	v41 =	vld [tilespmem:s0+$0x40];
	vm1 =	vgt.f32 v36, v10;
	vm2 =	vgt.f32 v35, v9;
	v37 =	vadd.f32 v37, v12;
	v12 =	vmovc v31  }
0x1d4: {  	v31 =	vld [tilespmem:s0+$0x30];
	(erf) = vpow2.f32 v40;
	v10 =	vsel vm1, v36, v10;
	v9 =	vsel vm2, v35, v9  }
0x1d5: {  	vm3 =	vgt.f32 v39, v22;
	vm4 =	vgt.f32 v38, v19;
	v35 =	vld [tilespmem:s0+$0x20];
	vm5 =	vgt.f32 v37, v20  }
0x1d6: {  	s31 =	sadd.s32 $0x5, s31;
	v22 =	vsel vm3, v39, v22;
	v19 =	vsel vm4, v38, v19;
	v36 =	vld [tilespmem:s0+$0x0];
	v20 =	vsel vm5, v37, v20  }
0x1d7: {  	p0 =	slt.u32 s31, $0x26C;
	v24 =	vsel vm3, v32, v24;
	v25 =	vsel vm4, v33, v25;
	v26 =	vsel vm5, v34, v26;
	v37 =	vld [tilespmem:s0+$0x10]  }
0x1d8: {  	v18 =	vsel vm1, v16, v18;
	v21 =	vsel vm2, v27, v21;
	v16 =	vadd.s32 $0x50, v16;
	v34 =	vpop (erf)  }
0x1d9: {  	v27 =	vadd.s32 $0x10, v16;
	v13 =	vadd.f32 v34, v13;
	v38 =	vpop (erf)  }
0x1da: {  	s30 =	sadd.s32 $0x50, s30;
	v32 =	vadd.s32 $0x20, v16;
	v39 =	vsub.f32 v41, v8;
	v31 =	vsub.f32 v31, v8;
	[tilespmem:s29+$0x0] =	vst v38;
	v40 =	vpop (erf)  }
0x1db: {  	v33 =	vadd.s32 $0x30, v16;
	v35 =	vsub.f32 v35, v8;
	v36 =	vsub.f32 v36, v8;
	v41 =	vld [tilespmem:s30+$0xFFFFFFE0];
	[tilespmem:s29+$0x10] =	vst v40;
	v42 =	vpop (erf)  }
0x1dc: {  	v43 =	vmul.f32 v31, v3;
	v31 =	vmul.f32 v39, v3;
	v37 =	vsub.f32 v37, v8;
	v39 =	vld [tilespmem:s30+$0xFFFFFFF0];
	[tilespmem:s29+$0x20] =	vst v42  }
0x1dd: {  	v23 =	vadd.f32 v38, v23;
	v45 =	vmul.f32 v35, v3;
	v44 =	vmul.f32 v36, v3;
	v38 =	vld [tilespmem:s30+$0x0];
	[tilespmem:s29+$0x30] =	vst v34;
	v34 =	vpop (erf)  }
0x1de: {  	v28 =	vadd.f32 v40, v28;
	v35 =	vmul.f32 $1.442695020e+00, v43;
	v46 =	vmul.f32 v37, v3;
	v47 =	vld [tilespmem:s30+$0x10];
	[tilespmem:s29+$0x40] =	vst v34;
	s29 =	smov.u32 s0  }
.Ltmp6:
0x1df: {  	v29 =	vadd.f32 v42, v29;
	v40 =	vmul.f32 $1.442695020e+00, v31;
	v36 =	vmul.f32 $1.442695020e+00, v44;
	v37 =	vld [tilespmem:s30+$0x20];
	(pc) =	sbr.rel @p0 .LBB2_15-.Ltmp6, $4  }
0x1e0: {  	v30 =	vadd.f32 v34, v30;
	v42 =	vmul.f32 $1.442695020e+00, v46;
	(erf) = vpow2.f32 v35  }
0x1e1: {  	v48 =	vmul.f32 $1.442695020e+00, v45;
	v34 =	vadd.s32 $0x40, v16;
	(erf) = vpow2.f32 v36  }
0x1e2: {  	v36 =	vadd.f32 v41, v15;
	v35 =	vadd.f32 v39, v17;
	v15 =	vmovc v44;
	v17 =	vmovc v46;
	(erf) = vpow2.f32 v42  }
0x1e3: {  	s0 =	sadd.s32 $0x50, s0;
	v39 =	vadd.f32 v38, v14;
	v14 =	vmovc v45;
	(erf) = vpow2.f32 v48;
	v38 =	vadd.f32 v47, v11;
	v11 =	vmovc v43  }
0x1e4: {  	_ = 	snop  }
0x1e5: {  	(erf) = vpow2.f32 v40;
	_ =	sdelay $0x3  }
0x1e6: {  	v56 =	vpop (erf)  }
0x1e7: {  	v41 =	vpop (erf)  }
0x1e8: {  	s0 =	sadd.s32 $0x50, s30;
	[tilespmem:s29+$0x0] =	vst v41;
	v42 =	vpop (erf)  }
0x1e9: {  	v43 =	vld [tilespmem:s0+$0xFFFFFFE0];
	[tilespmem:s29+$0x10] =	vst v42;
	v44 =	vpop (erf)  }
0x1ea: {  	v45 =	vld [tilespmem:s0+$0xFFFFFFF0];
	[tilespmem:s29+$0x20] =	vst v44  }
0x1eb: {  	v47 =	vpop (erf);
	v46 =	vld [tilespmem:s0+$0x0];
	[tilespmem:s29+$0x30] =	vst v56  }
0x1ec: {  	v48 =	vld [tilespmem:s0+$0x10];
	[tilespmem:s29+$0x40] =	vst v47  }
0x1ed: {  	v49 =	vld [tilespmem:s0+$0x20];
	_ =	swait.ge [sflag:s17], $0x2710  }
0x1ee: {  	[sflag:s17] =	ssyncset.done $0x0  }
0x1ef: {  	s31 =	simm.s32 $0xEA60;
	s0 =	sadd.s32 $0x222E, s28;
	[sflag:s17] =	ssyncadd.s32 $0xFFFFD8F0  }
0x1f0: {  	[tilespmem:s18], [sflag:$0x3] =	stream.linear.gather [hbm4b:s0+s3], $0x2710, $0x38;
	[tilespmem:$0x1D510] =	vst v63  }
0x1f1: {  	v50 =	vld [tilespmem:s31+$0x30];
	_ =	sdelay $0x1  }
0x1f2: {  	v12 =	vadd.f32 v37, v12;
	v57 =	vld [tilespmem:s31+$0x0]  }
0x1f3: {  	vm1 =	vgt.f32 v39, v22;
	vm2 =	vgt.f32 v38, v19;
	v58 =	vld [tilespmem:s31+$0x10]  }
0x1f4: {  	v22 =	vsel vm1, v39, v22;
	vm3 =	vgt.f32 v12, v20;
	v19 =	vsel vm2, v38, v19  }
0x1f5: {  	v24 =	vsel vm1, v32, v24;
	v20 =	vsel vm3, v12, v20;
	v12 =	vld [tilespmem:s31+$0x20];
	v59 =	vsub.f32 v50, v8  }
0x1f6: {  	v25 =	vsel vm2, v33, v25;
	vm1 =	vgt.f32 v36, v10;
	vm2 =	vgt.f32 v35, v9  }
0x1f7: {  	v26 =	vsel vm3, v34, v26;
	v60 =	vsub.f32 v57, v8;
	v50 =	vmul.f32 v59, v3  }
0x1f8: {  	v10 =	vsel vm1, v36, v10;
	v21 =	vsel vm2, v27, v21;
	v27 =	vsub.f32 v58, v8  }
0x1f9: {  	v9 =	vsel vm2, v35, v9;
	v62 =	vld [tilespmem:s31+$0x40];
	v35 =	vmul.f32 v60, v3;
	v32 =	vmul.f32 $1.442695020e+00, v50  }
0x1fa: {  	v18 =	vsel vm1, v16, v18;
	v12 =	vsub.f32 v12, v8;
	v37 =	vmul.f32 v27, v3  }
0x1fb: {  	v16 =	vadd.s32 $0x50, v16;
	v27 =	vmul.f32 $1.442695020e+00, v35;
	(erf) = vpow2.f32 v32  }
0x1fc: {  	v61 =	vadd.s32 $0x10, v16;
	v38 =	vmul.f32 v12, v3;
	v12 =	vmul.f32 $1.442695020e+00, v37  }
0x1fd: {  	v63 =	vadd.s32 $0x20, v16;
	v15 =	vadd.f32 v43, v15;
	(erf) = vpow2.f32 v27  }
0x1fe: {  	v29 =	vadd.f32 v44, v29;
	(erf) = vpow2.f32 v12;
	v12 =	vsub.f32 v62, v8  }
0x1ff: {  	s29 =	simm.s32 $0xEAB0;
	v17 =	vadd.f32 v45, v17;
	v14 =	vadd.f32 v46, v14;
	vm1 =	vgt.f32 v15, v10  }
0x200: {  	v31 =	vadd.f32 v49, v31;
	v49 =	vld [tilespmem:s29+$0x20];
	v44 =	vmul.f32 $1.442695020e+00, v38;
	v12 =	vmul.f32 v12, v3  }
0x201: {  	v11 =	vadd.f32 v48, v11;
	v10 =	vsel vm1, v15, v10;
	vm3 =	vgt.f32 v14, v22  }
0x202: {  	v22 =	vsel vm3, v14, v22;
	v14 =	vld [tilespmem:s29+$0x10];
	(erf) = vpow2.f32 v44;
	v15 =	vmul.f32 $1.442695020e+00, v12  }
0x203: {  	v13 =	vadd.f32 v56, v13;
	v23 =	vadd.f32 v41, v23;
	vm4 =	vgt.f32 v11, v19  }
0x204: {  	vm2 =	vgt.f32 v17, v9;
	v19 =	vsel vm4, v11, v19;
	v11 =	vld [tilespmem:s29+$0x0];
	v51 =	vpop (erf);
	(erf) = vpow2.f32 v15  }
0x205: {  	v28 =	vadd.f32 v42, v28;
	v9 =	vsel vm2, v17, v9;
	v17 =	vld [tilespmem:s29+$0x30];
	v36 =	vsub.f32 v49, v8  }
0x206: {  	v30 =	vadd.f32 v47, v30;
	v47 =	vadd.s32 $0x40, v16;
	v48 =	vld [tilespmem:s29+$0x40];
	v18 =	vsel vm1, v16, v18  }
0x207: {  	vm5 =	vgt.f32 v31, v20;
	v58 =	vsub.f32 v14, v8;
	v14 =	vmul.f32 v36, v3;
	v52 =	vpop (erf)  }
0x208: {  	s30 =	simm.s32 $0x186C0;
	v21 =	vsel vm2, v61, v21;
	v24 =	vsel vm3, v63, v24;
	v20 =	vsel vm5, v31, v20;
	[tilespmem:s31+$0x0] =	vst v52;
	v53 =	vpop (erf)  }
0x209: {  	v26 =	vsel vm5, v47, v26;
	v57 =	vsub.f32 v11, v8;
	v63 =	vmul.f32 $1.442695020e+00, v14;
	v54 =	vld [tilespmem:s30+$0xFFFFFFE0];
	[tilespmem:s31+$0x10] =	vst v53  }
0x20a: {  	v27 =	vadd.s32 $0x30, v16;
	v16 =	vadd.s32 $0x50, v16;
	v15 =	vsub.f32 v17, v8;
	v56 =	vld [tilespmem:s30+$0xFFFFFFF0]  }
0x20b: {  	v25 =	vsel vm4, v27, v25;
	v27 =	vadd.s32 $0x10, v16;
	v17 =	vsub.f32 v48, v8;
	v55 =	vpop (erf)  }
0x20c: {  	v32 =	vadd.s32 $0x20, v16;
	v33 =	vadd.s32 $0x30, v16;
	v11 =	vmul.f32 v15, v3;
	[tilespmem:s31+$0x20] =	vst v55  }
0x20d: {  	v34 =	vadd.s32 $0x40, v16;
	v31 =	vmul.f32 v17, v3;
	v15 =	vmul.f32 v57, v3;
	v59 =	vld [tilespmem:s30+$0x0];
	[tilespmem:s31+$0x30] =	vst v51;
	v62 =	vpop (erf)  }
0x20e: {  	v13 =	vadd.f32 v51, v13;
	v17 =	vmul.f32 v58, v3;
	v60 =	vmul.f32 $1.442695020e+00, v11;
	v61 =	vld [tilespmem:s30+$0x10];
	[tilespmem:s31+$0x40] =	vst v62  }
0x20f: {  	v44 =	vmul.f32 $1.442695020e+00, v15;
	v36 =	vadd.f32 v54, v35;
	v35 =	vadd.f32 v56, v37;
	v37 =	vld [tilespmem:s30+$0x20]  }
0x210: {  	v23 =	vadd.f32 v52, v23;
	v45 =	vmul.f32 $1.442695020e+00, v17;
	(erf) = vpow2.f32 v60  }
0x211: {  	v28 =	vadd.f32 v53, v28;
	v40 =	vmul.f32 $1.442695020e+00, v31;
	(erf) = vpow2.f32 v44  }
0x212: {  	v29 =	vadd.f32 v55, v29;
	(erf) = vpow2.f32 v45;
	v30 =	vadd.f32 v62, v30  }
0x213: {  	s0 =	simm.s32 $0xEB00;
	s31 =	simm.s32 $0x5;
	(erf) = vpow2.f32 v63;
	v39 =	vadd.f32 v59, v38;
	v38 =	vadd.f32 v61, v50  }
.LBB2_17:
0x214: {  	v41 =	vld [tilespmem:s0+$0x40];
	vm1 =	vgt.f32 v36, v10;
	vm2 =	vgt.f32 v35, v9;
	v37 =	vadd.f32 v37, v12;
	v12 =	vmovc v31  }
0x215: {  	v31 =	vld [tilespmem:s0+$0x30];
	(erf) = vpow2.f32 v40;
	v10 =	vsel vm1, v36, v10;
	v9 =	vsel vm2, v35, v9  }
0x216: {  	vm3 =	vgt.f32 v39, v22;
	vm4 =	vgt.f32 v38, v19;
	v35 =	vld [tilespmem:s0+$0x20];
	vm5 =	vgt.f32 v37, v20  }
0x217: {  	s31 =	sadd.s32 $0x5, s31;
	v22 =	vsel vm3, v39, v22;
	v19 =	vsel vm4, v38, v19;
	v36 =	vld [tilespmem:s0+$0x0];
	v20 =	vsel vm5, v37, v20  }
0x218: {  	p0 =	slt.u32 s31, $0x26C;
	v24 =	vsel vm3, v32, v24;
	v25 =	vsel vm4, v33, v25;
	v26 =	vsel vm5, v34, v26;
	v37 =	vld [tilespmem:s0+$0x10]  }
0x219: {  	v18 =	vsel vm1, v16, v18;
	v21 =	vsel vm2, v27, v21;
	v16 =	vadd.s32 $0x50, v16;
	v34 =	vpop (erf)  }
0x21a: {  	v27 =	vadd.s32 $0x10, v16;
	v13 =	vadd.f32 v34, v13;
	v38 =	vpop (erf)  }
0x21b: {  	s30 =	sadd.s32 $0x50, s30;
	v32 =	vadd.s32 $0x20, v16;
	v39 =	vsub.f32 v41, v8;
	v31 =	vsub.f32 v31, v8;
	[tilespmem:s29+$0x0] =	vst v38;
	v40 =	vpop (erf)  }
0x21c: {  	v33 =	vadd.s32 $0x30, v16;
	v35 =	vsub.f32 v35, v8;
	v36 =	vsub.f32 v36, v8;
	v41 =	vld [tilespmem:s30+$0xFFFFFFE0];
	[tilespmem:s29+$0x10] =	vst v40;
	v42 =	vpop (erf)  }
0x21d: {  	v43 =	vmul.f32 v31, v3;
	v31 =	vmul.f32 v39, v3;
	v37 =	vsub.f32 v37, v8;
	v39 =	vld [tilespmem:s30+$0xFFFFFFF0];
	[tilespmem:s29+$0x20] =	vst v42  }
0x21e: {  	v23 =	vadd.f32 v38, v23;
	v45 =	vmul.f32 v35, v3;
	v44 =	vmul.f32 v36, v3;
	v38 =	vld [tilespmem:s30+$0x0];
	[tilespmem:s29+$0x30] =	vst v34;
	v34 =	vpop (erf)  }
0x21f: {  	v28 =	vadd.f32 v40, v28;
	v35 =	vmul.f32 $1.442695020e+00, v43;
	v46 =	vmul.f32 v37, v3;
	v47 =	vld [tilespmem:s30+$0x10];
	[tilespmem:s29+$0x40] =	vst v34;
	s29 =	smov.u32 s0  }
.Ltmp7:
0x220: {  	v29 =	vadd.f32 v42, v29;
	v40 =	vmul.f32 $1.442695020e+00, v31;
	v36 =	vmul.f32 $1.442695020e+00, v44;
	v37 =	vld [tilespmem:s30+$0x20];
	(pc) =	sbr.rel @p0 .LBB2_17-.Ltmp7, $4  }
0x221: {  	v30 =	vadd.f32 v34, v30;
	v42 =	vmul.f32 $1.442695020e+00, v46;
	(erf) = vpow2.f32 v35  }
0x222: {  	v48 =	vmul.f32 $1.442695020e+00, v45;
	v34 =	vadd.s32 $0x40, v16;
	(erf) = vpow2.f32 v36  }
0x223: {  	v36 =	vadd.f32 v41, v15;
	v35 =	vadd.f32 v39, v17;
	v15 =	vmovc v44;
	v17 =	vmovc v46;
	(erf) = vpow2.f32 v42  }
0x224: {  	s0 =	sadd.s32 $0x50, s0;
	v39 =	vadd.f32 v38, v14;
	v14 =	vmovc v45;
	(erf) = vpow2.f32 v48;
	v38 =	vadd.f32 v47, v11;
	v11 =	vmovc v43  }
0x225: {  	_ = 	snop  }
0x226: {  	(erf) = vpow2.f32 v40;
	_ =	sdelay $0x3  }
0x227: {  	v56 =	vpop (erf)  }
0x228: {  	v41 =	vpop (erf)  }
0x229: {  	s0 =	sadd.s32 $0x50, s30;
	[tilespmem:s29+$0x0] =	vst v41;
	v42 =	vpop (erf)  }
0x22a: {  	v43 =	vld [tilespmem:s0+$0xFFFFFFE0];
	[tilespmem:s29+$0x10] =	vst v42;
	v44 =	vpop (erf)  }
0x22b: {  	v45 =	vld [tilespmem:s0+$0xFFFFFFF0];
	[tilespmem:s29+$0x20] =	vst v44  }
0x22c: {  	v47 =	vpop (erf);
	v46 =	vld [tilespmem:s0+$0x0];
	[tilespmem:s29+$0x30] =	vst v56  }
0x22d: {  	v48 =	vld [tilespmem:s0+$0x10];
	[tilespmem:s29+$0x40] =	vst v47  }
0x22e: {  	v49 =	vld [tilespmem:s0+$0x20];
	_ =	swait.ge [sflag:s19], $0x2710  }
0x22f: {  	[sflag:s19] =	ssyncset.done $0x0  }
0x230: {  	s31 =	simm.s32 $0x11170;
	s0 =	sadd.s32 $0x2710, s28;
	[sflag:s19] =	ssyncadd.s32 $0xFFFFD8F0  }
0x231: {  	[tilespmem:s15], [sflag:$0x2] =	stream.linear.gather [hbm4b:s0+s3], $0x2710, $0x38;
	[tilespmem:$0x1D510] =	vst v63  }
0x232: {  	v50 =	vld [tilespmem:s31+$0x30];
	_ =	sdelay $0x1  }
0x233: {  	v12 =	vadd.f32 v37, v12;
	v57 =	vld [tilespmem:s31+$0x0]  }
0x234: {  	vm1 =	vgt.f32 v39, v22;
	vm2 =	vgt.f32 v38, v19;
	v58 =	vld [tilespmem:s31+$0x10]  }
0x235: {  	v22 =	vsel vm1, v39, v22;
	vm3 =	vgt.f32 v12, v20;
	v19 =	vsel vm2, v38, v19  }
0x236: {  	v24 =	vsel vm1, v32, v24;
	v20 =	vsel vm3, v12, v20;
	v12 =	vld [tilespmem:s31+$0x20];
	v59 =	vsub.f32 v50, v8  }
0x237: {  	v25 =	vsel vm2, v33, v25;
	vm1 =	vgt.f32 v36, v10;
	vm2 =	vgt.f32 v35, v9  }
0x238: {  	v26 =	vsel vm3, v34, v26;
	v60 =	vsub.f32 v57, v8;
	v50 =	vmul.f32 v59, v3  }
0x239: {  	v10 =	vsel vm1, v36, v10;
	v21 =	vsel vm2, v27, v21;
	v27 =	vsub.f32 v58, v8  }
0x23a: {  	v9 =	vsel vm2, v35, v9;
	v62 =	vld [tilespmem:s31+$0x40];
	v35 =	vmul.f32 v60, v3;
	v32 =	vmul.f32 $1.442695020e+00, v50  }
0x23b: {  	v18 =	vsel vm1, v16, v18;
	v12 =	vsub.f32 v12, v8;
	v37 =	vmul.f32 v27, v3  }
0x23c: {  	v16 =	vadd.s32 $0x50, v16;
	v27 =	vmul.f32 $1.442695020e+00, v35;
	(erf) = vpow2.f32 v32  }
0x23d: {  	v61 =	vadd.s32 $0x10, v16;
	v38 =	vmul.f32 v12, v3;
	v12 =	vmul.f32 $1.442695020e+00, v37  }
0x23e: {  	v63 =	vadd.s32 $0x20, v16;
	v15 =	vadd.f32 v43, v15;
	(erf) = vpow2.f32 v27  }
0x23f: {  	v29 =	vadd.f32 v44, v29;
	(erf) = vpow2.f32 v12;
	v12 =	vsub.f32 v62, v8  }
0x240: {  	s29 =	simm.s32 $0x111C0;
	v17 =	vadd.f32 v45, v17;
	v14 =	vadd.f32 v46, v14;
	vm1 =	vgt.f32 v15, v10  }
0x241: {  	v31 =	vadd.f32 v49, v31;
	v49 =	vld [tilespmem:s29+$0x20];
	v44 =	vmul.f32 $1.442695020e+00, v38;
	v12 =	vmul.f32 v12, v3  }
0x242: {  	v11 =	vadd.f32 v48, v11;
	v10 =	vsel vm1, v15, v10;
	vm3 =	vgt.f32 v14, v22  }
0x243: {  	v22 =	vsel vm3, v14, v22;
	v14 =	vld [tilespmem:s29+$0x10];
	(erf) = vpow2.f32 v44;
	v15 =	vmul.f32 $1.442695020e+00, v12  }
0x244: {  	v13 =	vadd.f32 v56, v13;
	v23 =	vadd.f32 v41, v23;
	vm4 =	vgt.f32 v11, v19  }
0x245: {  	vm2 =	vgt.f32 v17, v9;
	v19 =	vsel vm4, v11, v19;
	v11 =	vld [tilespmem:s29+$0x0];
	v51 =	vpop (erf);
	(erf) = vpow2.f32 v15  }
0x246: {  	v28 =	vadd.f32 v42, v28;
	v9 =	vsel vm2, v17, v9;
	v17 =	vld [tilespmem:s29+$0x30];
	v36 =	vsub.f32 v49, v8  }
0x247: {  	v30 =	vadd.f32 v47, v30;
	v47 =	vadd.s32 $0x40, v16;
	v48 =	vld [tilespmem:s29+$0x40];
	v18 =	vsel vm1, v16, v18  }
0x248: {  	vm5 =	vgt.f32 v31, v20;
	v58 =	vsub.f32 v14, v8;
	v14 =	vmul.f32 v36, v3;
	v52 =	vpop (erf)  }
0x249: {  	s30 =	simm.s32 $0x1ADD0;
	v21 =	vsel vm2, v61, v21;
	v24 =	vsel vm3, v63, v24;
	v20 =	vsel vm5, v31, v20;
	[tilespmem:s31+$0x0] =	vst v52;
	v53 =	vpop (erf)  }
0x24a: {  	v26 =	vsel vm5, v47, v26;
	v57 =	vsub.f32 v11, v8;
	v63 =	vmul.f32 $1.442695020e+00, v14;
	v54 =	vld [tilespmem:s30+$0xFFFFFFE0];
	[tilespmem:s31+$0x10] =	vst v53  }
0x24b: {  	v27 =	vadd.s32 $0x30, v16;
	v16 =	vadd.s32 $0x50, v16;
	v15 =	vsub.f32 v17, v8;
	v56 =	vld [tilespmem:s30+$0xFFFFFFF0]  }
0x24c: {  	v25 =	vsel vm4, v27, v25;
	v27 =	vadd.s32 $0x10, v16;
	v17 =	vsub.f32 v48, v8;
	v55 =	vpop (erf)  }
0x24d: {  	v32 =	vadd.s32 $0x20, v16;
	v33 =	vadd.s32 $0x30, v16;
	v11 =	vmul.f32 v15, v3;
	[tilespmem:s31+$0x20] =	vst v55  }
0x24e: {  	v34 =	vadd.s32 $0x40, v16;
	v31 =	vmul.f32 v17, v3;
	v15 =	vmul.f32 v57, v3;
	v59 =	vld [tilespmem:s30+$0x0];
	[tilespmem:s31+$0x30] =	vst v51;
	v62 =	vpop (erf)  }
0x24f: {  	v13 =	vadd.f32 v51, v13;
	v17 =	vmul.f32 v58, v3;
	v60 =	vmul.f32 $1.442695020e+00, v11;
	v61 =	vld [tilespmem:s30+$0x10];
	[tilespmem:s31+$0x40] =	vst v62  }
0x250: {  	v44 =	vmul.f32 $1.442695020e+00, v15;
	v36 =	vadd.f32 v54, v35;
	v35 =	vadd.f32 v56, v37;
	v37 =	vld [tilespmem:s30+$0x20]  }
0x251: {  	v23 =	vadd.f32 v52, v23;
	v45 =	vmul.f32 $1.442695020e+00, v17;
	(erf) = vpow2.f32 v60  }
0x252: {  	v28 =	vadd.f32 v53, v28;
	v40 =	vmul.f32 $1.442695020e+00, v31;
	(erf) = vpow2.f32 v44  }
0x253: {  	v29 =	vadd.f32 v55, v29;
	(erf) = vpow2.f32 v45;
	v30 =	vadd.f32 v62, v30  }
0x254: {  	s0 =	simm.s32 $0x11210;
	s31 =	simm.s32 $0x5;
	(erf) = vpow2.f32 v63;
	v39 =	vadd.f32 v59, v38;
	v38 =	vadd.f32 v61, v50  }
.LBB2_19:
0x255: {  	v41 =	vld [tilespmem:s0+$0x40];
	vm1 =	vgt.f32 v36, v10;
	vm2 =	vgt.f32 v35, v9;
	v37 =	vadd.f32 v37, v12;
	v12 =	vmovc v31  }
0x256: {  	v31 =	vld [tilespmem:s0+$0x30];
	(erf) = vpow2.f32 v40;
	v10 =	vsel vm1, v36, v10;
	v9 =	vsel vm2, v35, v9  }
0x257: {  	vm3 =	vgt.f32 v39, v22;
	vm4 =	vgt.f32 v38, v19;
	v35 =	vld [tilespmem:s0+$0x20];
	vm5 =	vgt.f32 v37, v20  }
0x258: {  	s31 =	sadd.s32 $0x5, s31;
	v22 =	vsel vm3, v39, v22;
	v19 =	vsel vm4, v38, v19;
	v36 =	vld [tilespmem:s0+$0x0];
	v20 =	vsel vm5, v37, v20  }
0x259: {  	p0 =	slt.u32 s31, $0x26C;
	v24 =	vsel vm3, v32, v24;
	v25 =	vsel vm4, v33, v25;
	v26 =	vsel vm5, v34, v26;
	v37 =	vld [tilespmem:s0+$0x10]  }
0x25a: {  	v18 =	vsel vm1, v16, v18;
	v21 =	vsel vm2, v27, v21;
	v16 =	vadd.s32 $0x50, v16;
	v34 =	vpop (erf)  }
0x25b: {  	v27 =	vadd.s32 $0x10, v16;
	v13 =	vadd.f32 v34, v13;
	v38 =	vpop (erf)  }
0x25c: {  	s30 =	sadd.s32 $0x50, s30;
	v32 =	vadd.s32 $0x20, v16;
	v39 =	vsub.f32 v41, v8;
	v31 =	vsub.f32 v31, v8;
	[tilespmem:s29+$0x0] =	vst v38;
	v40 =	vpop (erf)  }
0x25d: {  	v33 =	vadd.s32 $0x30, v16;
	v35 =	vsub.f32 v35, v8;
	v36 =	vsub.f32 v36, v8;
	v41 =	vld [tilespmem:s30+$0xFFFFFFE0];
	[tilespmem:s29+$0x10] =	vst v40;
	v42 =	vpop (erf)  }
0x25e: {  	v43 =	vmul.f32 v31, v3;
	v31 =	vmul.f32 v39, v3;
	v37 =	vsub.f32 v37, v8;
	v39 =	vld [tilespmem:s30+$0xFFFFFFF0];
	[tilespmem:s29+$0x20] =	vst v42  }
0x25f: {  	v23 =	vadd.f32 v38, v23;
	v45 =	vmul.f32 v35, v3;
	v44 =	vmul.f32 v36, v3;
	v38 =	vld [tilespmem:s30+$0x0];
	[tilespmem:s29+$0x30] =	vst v34;
	v34 =	vpop (erf)  }
0x260: {  	v28 =	vadd.f32 v40, v28;
	v35 =	vmul.f32 $1.442695020e+00, v43;
	v46 =	vmul.f32 v37, v3;
	v47 =	vld [tilespmem:s30+$0x10];
	[tilespmem:s29+$0x40] =	vst v34;
	s29 =	smov.u32 s0  }
.Ltmp8:
0x261: {  	v29 =	vadd.f32 v42, v29;
	v40 =	vmul.f32 $1.442695020e+00, v31;
	v36 =	vmul.f32 $1.442695020e+00, v44;
	v37 =	vld [tilespmem:s30+$0x20];
	(pc) =	sbr.rel @p0 .LBB2_19-.Ltmp8, $4  }
0x262: {  	v30 =	vadd.f32 v34, v30;
	v42 =	vmul.f32 $1.442695020e+00, v46;
	(erf) = vpow2.f32 v35  }
0x263: {  	v48 =	vmul.f32 $1.442695020e+00, v45;
	v34 =	vadd.s32 $0x40, v16;
	(erf) = vpow2.f32 v36  }
0x264: {  	v36 =	vadd.f32 v41, v15;
	v35 =	vadd.f32 v39, v17;
	v15 =	vmovc v44;
	v17 =	vmovc v46;
	(erf) = vpow2.f32 v42  }
0x265: {  	s0 =	sadd.s32 $0x50, s0;
	v39 =	vadd.f32 v38, v14;
	v14 =	vmovc v45;
	(erf) = vpow2.f32 v48;
	v38 =	vadd.f32 v47, v11;
	v11 =	vmovc v43  }
0x266: {  	_ = 	snop  }
0x267: {  	(erf) = vpow2.f32 v40;
	_ =	sdelay $0x3  }
0x268: {  	v56 =	vpop (erf)  }
0x269: {  	v41 =	vpop (erf)  }
0x26a: {  	s0 =	sadd.s32 $0x50, s30;
	[tilespmem:s29+$0x0] =	vst v41;
	v42 =	vpop (erf)  }
0x26b: {  	v43 =	vld [tilespmem:s0+$0xFFFFFFE0];
	[tilespmem:s29+$0x10] =	vst v42;
	v44 =	vpop (erf)  }
0x26c: {  	v45 =	vld [tilespmem:s0+$0xFFFFFFF0];
	[tilespmem:s29+$0x20] =	vst v44  }
0x26d: {  	v47 =	vpop (erf);
	v46 =	vld [tilespmem:s0+$0x0];
	[tilespmem:s29+$0x30] =	vst v56  }
0x26e: {  	v48 =	vld [tilespmem:s0+$0x10];
	[tilespmem:s29+$0x40] =	vst v47  }
0x26f: {  	v49 =	vld [tilespmem:s0+$0x20];
	_ =	swait.ge [sflag:s17], $0x2710  }
0x270: {  	[sflag:s17] =	ssyncset.done $0x0  }
0x271: {  	s31 =	sadd.s32 $0x2BF2, s28;
	s30 =	simm.s32 $0x13880;
	[sflag:s17] =	ssyncadd.s32 $0xFFFFD8F0  }
0x272: {  	[tilespmem:s18], [sflag:$0x3] =	stream.linear.gather [hbm4b:s31+s3], $0x2710, $0x38;
	[tilespmem:$0x1D510] =	vst v63  }
0x273: {  	v50 =	vld [tilespmem:s30+$0x30];
	_ =	sdelay $0x1  }
0x274: {  	v12 =	vadd.f32 v37, v12;
	v57 =	vld [tilespmem:s30+$0x0]  }
0x275: {  	vm1 =	vgt.f32 v39, v22;
	vm2 =	vgt.f32 v38, v19;
	v58 =	vld [tilespmem:s30+$0x10]  }
0x276: {  	v22 =	vsel vm1, v39, v22;
	vm3 =	vgt.f32 v12, v20;
	v19 =	vsel vm2, v38, v19  }
0x277: {  	v24 =	vsel vm1, v32, v24;
	v20 =	vsel vm3, v12, v20;
	v12 =	vld [tilespmem:s30+$0x20];
	v59 =	vsub.f32 v50, v8  }
0x278: {  	v25 =	vsel vm2, v33, v25;
	vm1 =	vgt.f32 v36, v10;
	vm2 =	vgt.f32 v35, v9  }
0x279: {  	v26 =	vsel vm3, v34, v26;
	v60 =	vsub.f32 v57, v8;
	v50 =	vmul.f32 v59, v3  }
0x27a: {  	v10 =	vsel vm1, v36, v10;
	v21 =	vsel vm2, v27, v21;
	v27 =	vsub.f32 v58, v8  }
0x27b: {  	v9 =	vsel vm2, v35, v9;
	v62 =	vld [tilespmem:s30+$0x40];
	v35 =	vmul.f32 v60, v3;
	v32 =	vmul.f32 $1.442695020e+00, v50  }
0x27c: {  	v18 =	vsel vm1, v16, v18;
	v12 =	vsub.f32 v12, v8;
	v37 =	vmul.f32 v27, v3  }
0x27d: {  	v16 =	vadd.s32 $0x50, v16;
	v27 =	vmul.f32 $1.442695020e+00, v35;
	(erf) = vpow2.f32 v32  }
0x27e: {  	v61 =	vadd.s32 $0x10, v16;
	v38 =	vmul.f32 v12, v3;
	v12 =	vmul.f32 $1.442695020e+00, v37  }
0x27f: {  	v63 =	vadd.s32 $0x20, v16;
	v15 =	vadd.f32 v43, v15;
	(erf) = vpow2.f32 v27  }
0x280: {  	v29 =	vadd.f32 v44, v29;
	(erf) = vpow2.f32 v12;
	v12 =	vsub.f32 v62, v8  }
0x281: {  	s28 =	simm.s32 $0x138D0;
	v17 =	vadd.f32 v45, v17;
	v14 =	vadd.f32 v46, v14;
	vm1 =	vgt.f32 v15, v10  }
0x282: {  	v31 =	vadd.f32 v49, v31;
	v49 =	vld [tilespmem:s28+$0x20];
	v44 =	vmul.f32 $1.442695020e+00, v38;
	v12 =	vmul.f32 v12, v3  }
0x283: {  	v11 =	vadd.f32 v48, v11;
	v10 =	vsel vm1, v15, v10;
	vm3 =	vgt.f32 v14, v22  }
0x284: {  	v22 =	vsel vm3, v14, v22;
	v14 =	vld [tilespmem:s28+$0x10];
	(erf) = vpow2.f32 v44;
	v15 =	vmul.f32 $1.442695020e+00, v12  }
0x285: {  	v13 =	vadd.f32 v56, v13;
	v23 =	vadd.f32 v41, v23;
	vm4 =	vgt.f32 v11, v19  }
0x286: {  	vm2 =	vgt.f32 v17, v9;
	v19 =	vsel vm4, v11, v19;
	v11 =	vld [tilespmem:s28+$0x0];
	v51 =	vpop (erf);
	(erf) = vpow2.f32 v15  }
0x287: {  	v28 =	vadd.f32 v42, v28;
	v9 =	vsel vm2, v17, v9;
	v17 =	vld [tilespmem:s28+$0x30];
	v36 =	vsub.f32 v49, v8  }
0x288: {  	v30 =	vadd.f32 v47, v30;
	v47 =	vadd.s32 $0x40, v16;
	v48 =	vld [tilespmem:s28+$0x40];
	v18 =	vsel vm1, v16, v18  }
0x289: {  	vm5 =	vgt.f32 v31, v20;
	v58 =	vsub.f32 v14, v8;
	v14 =	vmul.f32 v36, v3;
	v52 =	vpop (erf)  }
0x28a: {  	s29 =	simm.s32 $0x186C0;
	v21 =	vsel vm2, v61, v21;
	v24 =	vsel vm3, v63, v24;
	v20 =	vsel vm5, v31, v20;
	[tilespmem:s30+$0x0] =	vst v52;
	v53 =	vpop (erf)  }
0x28b: {  	v26 =	vsel vm5, v47, v26;
	v57 =	vsub.f32 v11, v8;
	v63 =	vmul.f32 $1.442695020e+00, v14;
	v54 =	vld [tilespmem:s29+$0xFFFFFFE0];
	[tilespmem:s30+$0x10] =	vst v53  }
0x28c: {  	v27 =	vadd.s32 $0x30, v16;
	v16 =	vadd.s32 $0x50, v16;
	v15 =	vsub.f32 v17, v8;
	v56 =	vld [tilespmem:s29+$0xFFFFFFF0]  }
0x28d: {  	v25 =	vsel vm4, v27, v25;
	v27 =	vadd.s32 $0x10, v16;
	v17 =	vsub.f32 v48, v8;
	v55 =	vpop (erf)  }
0x28e: {  	v32 =	vadd.s32 $0x20, v16;
	v33 =	vadd.s32 $0x30, v16;
	v11 =	vmul.f32 v15, v3;
	[tilespmem:s30+$0x20] =	vst v55  }
0x28f: {  	v34 =	vadd.s32 $0x40, v16;
	v31 =	vmul.f32 v17, v3;
	v15 =	vmul.f32 v57, v3;
	v59 =	vld [tilespmem:s29+$0x0];
	[tilespmem:s30+$0x30] =	vst v51;
	v62 =	vpop (erf)  }
0x290: {  	v13 =	vadd.f32 v51, v13;
	v17 =	vmul.f32 v58, v3;
	v60 =	vmul.f32 $1.442695020e+00, v11;
	v61 =	vld [tilespmem:s29+$0x10];
	[tilespmem:s30+$0x40] =	vst v62  }
0x291: {  	v44 =	vmul.f32 $1.442695020e+00, v15;
	v36 =	vadd.f32 v54, v35;
	v35 =	vadd.f32 v56, v37;
	v37 =	vld [tilespmem:s29+$0x20]  }
0x292: {  	v23 =	vadd.f32 v52, v23;
	v45 =	vmul.f32 $1.442695020e+00, v17;
	(erf) = vpow2.f32 v60  }
0x293: {  	v28 =	vadd.f32 v53, v28;
	v40 =	vmul.f32 $1.442695020e+00, v31;
	(erf) = vpow2.f32 v44  }
0x294: {  	v29 =	vadd.f32 v55, v29;
	(erf) = vpow2.f32 v45;
	v30 =	vadd.f32 v62, v30  }
0x295: {  	s0 =	simm.s32 $0x13920;
	s30 =	simm.s32 $0x5;
	(erf) = vpow2.f32 v63;
	v39 =	vadd.f32 v59, v38;
	v38 =	vadd.f32 v61, v50  }
.LBB2_21:
0x296: {  	v41 =	vld [tilespmem:s0+$0x40];
	vm1 =	vgt.f32 v36, v10;
	vm2 =	vgt.f32 v35, v9;
	v37 =	vadd.f32 v37, v12;
	v12 =	vmovc v31  }
0x297: {  	v31 =	vld [tilespmem:s0+$0x30];
	(erf) = vpow2.f32 v40;
	v10 =	vsel vm1, v36, v10;
	v9 =	vsel vm2, v35, v9  }
0x298: {  	vm3 =	vgt.f32 v39, v22;
	vm4 =	vgt.f32 v38, v19;
	v35 =	vld [tilespmem:s0+$0x20];
	vm5 =	vgt.f32 v37, v20  }
0x299: {  	s30 =	sadd.s32 $0x5, s30;
	v22 =	vsel vm3, v39, v22;
	v19 =	vsel vm4, v38, v19;
	v36 =	vld [tilespmem:s0+$0x0];
	v20 =	vsel vm5, v37, v20  }
0x29a: {  	p0 =	slt.u32 s30, $0x26C;
	v24 =	vsel vm3, v32, v24;
	v25 =	vsel vm4, v33, v25;
	v26 =	vsel vm5, v34, v26;
	v37 =	vld [tilespmem:s0+$0x10]  }
0x29b: {  	v18 =	vsel vm1, v16, v18;
	v21 =	vsel vm2, v27, v21;
	v16 =	vadd.s32 $0x50, v16;
	v34 =	vpop (erf)  }
0x29c: {  	v27 =	vadd.s32 $0x10, v16;
	v13 =	vadd.f32 v34, v13;
	v38 =	vpop (erf)  }
0x29d: {  	s29 =	sadd.s32 $0x50, s29;
	v32 =	vadd.s32 $0x20, v16;
	v39 =	vsub.f32 v41, v8;
	v31 =	vsub.f32 v31, v8;
	[tilespmem:s28+$0x0] =	vst v38;
	v40 =	vpop (erf)  }
0x29e: {  	v33 =	vadd.s32 $0x30, v16;
	v35 =	vsub.f32 v35, v8;
	v36 =	vsub.f32 v36, v8;
	v41 =	vld [tilespmem:s29+$0xFFFFFFE0];
	[tilespmem:s28+$0x10] =	vst v40;
	v42 =	vpop (erf)  }
0x29f: {  	v43 =	vmul.f32 v31, v3;
	v31 =	vmul.f32 v39, v3;
	v37 =	vsub.f32 v37, v8;
	v39 =	vld [tilespmem:s29+$0xFFFFFFF0];
	[tilespmem:s28+$0x20] =	vst v42  }
0x2a0: {  	v23 =	vadd.f32 v38, v23;
	v45 =	vmul.f32 v35, v3;
	v44 =	vmul.f32 v36, v3;
	v38 =	vld [tilespmem:s29+$0x0];
	[tilespmem:s28+$0x30] =	vst v34;
	v34 =	vpop (erf)  }
0x2a1: {  	v28 =	vadd.f32 v40, v28;
	v35 =	vmul.f32 $1.442695020e+00, v43;
	v46 =	vmul.f32 v37, v3;
	v47 =	vld [tilespmem:s29+$0x10];
	[tilespmem:s28+$0x40] =	vst v34;
	s28 =	smov.u32 s0  }
.Ltmp9:
0x2a2: {  	v29 =	vadd.f32 v42, v29;
	v40 =	vmul.f32 $1.442695020e+00, v31;
	v36 =	vmul.f32 $1.442695020e+00, v44;
	v37 =	vld [tilespmem:s29+$0x20];
	(pc) =	sbr.rel @p0 .LBB2_21-.Ltmp9, $4  }
0x2a3: {  	v30 =	vadd.f32 v34, v30;
	v42 =	vmul.f32 $1.442695020e+00, v46;
	(erf) = vpow2.f32 v35  }
0x2a4: {  	v48 =	vmul.f32 $1.442695020e+00, v45;
	v34 =	vadd.s32 $0x40, v16;
	(erf) = vpow2.f32 v36  }
0x2a5: {  	v36 =	vadd.f32 v41, v15;
	v35 =	vadd.f32 v39, v17;
	v15 =	vmovc v44;
	v17 =	vmovc v46;
	(erf) = vpow2.f32 v42  }
0x2a6: {  	s0 =	sadd.s32 $0x50, s0;
	v39 =	vadd.f32 v38, v14;
	v14 =	vmovc v45;
	(erf) = vpow2.f32 v48;
	v38 =	vadd.f32 v47, v11;
	v11 =	vmovc v43  }
0x2a7: {  	_ = 	snop  }
0x2a8: {  	(erf) = vpow2.f32 v40;
	_ =	sdelay $0x3  }
0x2a9: {  	v63 =	vpop (erf)  }
0x2aa: {  	v41 =	vpop (erf)  }
0x2ab: {  	s0 =	sadd.s32 $0x50, s29;
	[tilespmem:s28+$0x0] =	vst v41;
	v42 =	vpop (erf)  }
0x2ac: {  	v43 =	vld [tilespmem:s0+$0xFFFFFFE0];
	[tilespmem:s28+$0x10] =	vst v42;
	v44 =	vpop (erf)  }
0x2ad: {  	v45 =	vld [tilespmem:s0+$0xFFFFFFF0];
	[tilespmem:s28+$0x20] =	vst v44  }
0x2ae: {  	v47 =	vpop (erf);
	v46 =	vld [tilespmem:s0+$0x0];
	[tilespmem:s28+$0x30] =	vst v63  }
0x2af: {  	v48 =	vld [tilespmem:s0+$0x10];
	[tilespmem:s28+$0x40] =	vst v47  }
0x2b0: {  	v49 =	vld [tilespmem:s0+$0x20];
	_ =	swait.ge [sflag:s19], $0x2710  }
0x2b1: {  	[sflag:s19] =	ssyncset.done $0x0  }
0x2b2: {  	s30 =	simm.s32 $0x15F90;
	[sflag:s19] =	ssyncadd.s32 $0xFFFFD8F0  }
0x2b3: {  	v50 =	vld [tilespmem:s30+$0x30];
	_ =	sdelay $0x1  }
0x2b4: {  	v12 =	vadd.f32 v37, v12;
	vm1 =	vgt.f32 v39, v22;
	v51 =	vld [tilespmem:s30+$0x0]  }
0x2b5: {  	vm2 =	vgt.f32 v38, v19;
	v22 =	vsel vm1, v39, v22;
	v52 =	vld [tilespmem:s30+$0x10]  }
0x2b6: {  	vm3 =	vgt.f32 v12, v20;
	v19 =	vsel vm2, v38, v19;
	v24 =	vsel vm1, v32, v24  }
0x2b7: {  	vm1 =	vgt.f32 v36, v10;
	v20 =	vsel vm3, v12, v20;
	v12 =	vld [tilespmem:s30+$0x20];
	v53 =	vsub.f32 v50, v8  }
0x2b8: {  	v25 =	vsel vm2, v33, v25;
	vm2 =	vgt.f32 v35, v9;
	v10 =	vsel vm1, v36, v10  }
0x2b9: {  	v55 =	vsel vm2, v35, v9;
	v54 =	vsub.f32 v51, v8;
	v36 =	vmul.f32 v53, v3  }
0x2ba: {  	v18 =	vsel vm1, v16, v18;
	v21 =	vsel vm2, v27, v21;
	v9 =	vsub.f32 v52, v8  }
0x2bb: {  	v27 =	vadd.s32 $0x50, v16;
	v57 =	vld [tilespmem:s30+$0x40];
	v35 =	vmul.f32 v54, v3;
	v16 =	vmul.f32 $1.442695020e+00, v36  }
0x2bc: {  	v12 =	vsub.f32 v12, v8;
	v37 =	vmul.f32 v9, v3  }
0x2bd: {  	v26 =	vsel vm3, v34, v26;
	v9 =	vmul.f32 $1.442695020e+00, v35;
	(erf) = vpow2.f32 v16  }
0x2be: {  	v58 =	vadd.f32 v63, v13;
	v50 =	vmul.f32 v12, v3;
	v12 =	vmul.f32 $1.442695020e+00, v37  }
0x2bf: {  	v60 =	vadd.f32 v41, v23;
	v61 =	vadd.f32 v42, v28;
	(erf) = vpow2.f32 v9  }
0x2c0: {  	v9 =	vmul.f32 $1.442695020e+00, v50;
	(erf) = vpow2.f32 v12;
	v12 =	vsub.f32 v57, v8  }
0x2c1: {  	v56 =	vadd.s32 $0x10, v27;
	v13 =	vadd.f32 v43, v15;
	v15 =	vadd.f32 v45, v17  }
0x2c2: {  	v63 =	vadd.f32 v47, v30;
	(erf) = vpow2.f32 v9;
	v9 =	vmul.f32 v12, v3  }
0x2c3: {  	vm1 =	vgt.f32 v13, v10;
	v17 =	vadd.f32 v48, v11;
	vm2 =	vgt.f32 v15, v55  }
0x2c4: {  	s28 =	simm.s32 $0x15FE0;
	v11 =	vsel vm1, v13, v10;
	v10 =	vsel vm2, v15, v55;
	v15 =	vmul.f32 $1.442695020e+00, v9  }
0x2c5: {  	v59 =	vadd.s32 $0x30, v27;
	v14 =	vadd.f32 v46, v14;
	v30 =	vld [tilespmem:s28+$0x30];
	v28 =	vadd.f32 v49, v31  }
0x2c6: {  	v23 =	vadd.s32 $0x40, v27;
	v62 =	vadd.f32 v44, v29;
	v31 =	vld [tilespmem:s28+$0x20];
	v49 =	vpop (erf);
	(erf) = vpow2.f32 v15  }
0x2c7: {  	v29 =	vld [tilespmem:s28+$0x40];
	vm3 =	vgt.f32 v14, v22;
	vm4 =	vgt.f32 v17, v19;
	vm5 =	vgt.f32 v28, v20  }
0x2c8: {  	v13 =	vsel vm4, v17, v19;
	v16 =	vadd.s32 $0x20, v27;
	v12 =	vsel vm3, v14, v22;
	v22 =	vld [tilespmem:s28+$0x0]  }
0x2c9: {  	v19 =	vsel vm1, v27, v18;
	v18 =	vadd.s32 $0x50, v27;
	v15 =	vsel vm3, v16, v24;
	v24 =	vld [tilespmem:s28+$0x10];
	v51 =	vpop (erf)  }
0x2ca: {  	s29 =	simm.s32 $0x1ADD0;
	v17 =	vsel vm5, v23, v26;
	v23 =	vsub.f32 v30, v8;
	v26 =	vadd.s32 $0x20, v18;
	[tilespmem:s30+$0x0] =	vst v51;
	v52 =	vpop (erf)  }
0x2cb: {  	v34 =	vadd.s32 $0x40, v18;
	v31 =	vsub.f32 v31, v8;
	v27 =	vadd.s32 $0x30, v18;
	v53 =	vld [tilespmem:s29+$0xFFFFFFE0];
	[tilespmem:s30+$0x10] =	vst v52  }
0x2cc: {  	v14 =	vsel vm5, v28, v20;
	v20 =	vsel vm2, v56, v21;
	v21 =	vadd.s32 $0x10, v18;
	v55 =	vld [tilespmem:s29+$0xFFFFFFF0]  }
0x2cd: {  	v16 =	vsel vm4, v59, v25;
	v25 =	vsub.f32 v29, v8;
	v30 =	vsub.f32 v22, v8;
	v54 =	vpop (erf)  }
0x2ce: {  	v22 =	vmul.f32 v23, v3;
	v23 =	vmul.f32 v31, v3;
	[tilespmem:s30+$0x20] =	vst v54;
	v56 =	vsub.f32 v24, v8  }
0x2cf: {  	v29 =	vmul.f32 v25, v3;
	v57 =	vld [tilespmem:s29+$0x0];
	v24 =	vmul.f32 v30, v3;
	v30 =	vadd.f32 v51, v60;
	[tilespmem:s30+$0x30] =	vst v49;
	v60 =	vpop (erf)  }
0x2d0: {  	v28 =	vadd.f32 v49, v58;
	v58 =	vmul.f32 $1.442695020e+00, v22;
	v59 =	vld [tilespmem:s29+$0x10];
	v25 =	vmul.f32 v56, v3;
	[tilespmem:s30+$0x40] =	vst v60  }
0x2d1: {  	v31 =	vadd.f32 v52, v61;
	v61 =	vmul.f32 $1.442695020e+00, v24;
	v38 =	vadd.f32 v55, v37;
	v37 =	vld [tilespmem:s29+$0x20]  }
0x2d2: {  	v33 =	vadd.f32 v54, v62;
	(erf) = vpow2.f32 v58;
	v62 =	vmul.f32 $1.442695020e+00, v25  }
0x2d3: {  	(erf) = vpow2.f32 v61;
	v32 =	vadd.f32 v60, v63;
	v63 =	vmul.f32 $1.442695020e+00, v23  }
0x2d4: {  	v40 =	vmul.f32 $1.442695020e+00, v29;
	v39 =	vadd.f32 v53, v35;
	(erf) = vpow2.f32 v62  }
0x2d5: {  	s0 =	simm.s32 $0x16030;
	s30 =	simm.s32 $0x5;
	v35 =	vadd.f32 v57, v50;
	v36 =	vadd.f32 v59, v36;
	(erf) = vpow2.f32 v63  }
.LBB2_23:
0x2d6: {  	v41 =	vld [tilespmem:s0+$0x40];
	vm1 =	vgt.f32 v39, v11;
	vm2 =	vgt.f32 v38, v10;
	v37 =	vadd.f32 v37, v9;
	v9 =	vmovc v29  }
0x2d7: {  	v29 =	vld [tilespmem:s0+$0x30];
	(erf) = vpow2.f32 v40;
	v11 =	vsel vm1, v39, v11;
	v10 =	vsel vm2, v38, v10  }
0x2d8: {  	vm3 =	vgt.f32 v35, v12;
	vm4 =	vgt.f32 v36, v13;
	v38 =	vld [tilespmem:s0+$0x20];
	vm5 =	vgt.f32 v37, v14  }
0x2d9: {  	s30 =	sadd.s32 $0x5, s30;
	v12 =	vsel vm3, v35, v12;
	v13 =	vsel vm4, v36, v13;
	v39 =	vld [tilespmem:s0+$0x0];
	v14 =	vsel vm5, v37, v14  }
0x2da: {  	p0 =	slt.u32 s30, $0x26C;
	v15 =	vsel vm3, v26, v15;
	v16 =	vsel vm4, v27, v16;
	v17 =	vsel vm5, v34, v17;
	v35 =	vld [tilespmem:s0+$0x10]  }
0x2db: {  	v19 =	vsel vm1, v18, v19;
	v20 =	vsel vm2, v21, v20;
	v18 =	vadd.s32 $0x50, v18;
	v34 =	vpop (erf)  }
0x2dc: {  	v21 =	vadd.s32 $0x10, v18;
	v28 =	vadd.f32 v34, v28;
	v36 =	vpop (erf)  }
0x2dd: {  	s29 =	sadd.s32 $0x50, s29;
	v26 =	vadd.s32 $0x20, v18;
	v37 =	vsub.f32 v41, v8;
	v29 =	vsub.f32 v29, v8;
	[tilespmem:s28+$0x0] =	vst v36;
	v40 =	vpop (erf)  }
0x2de: {  	v27 =	vadd.s32 $0x30, v18;
	v38 =	vsub.f32 v38, v8;
	v39 =	vsub.f32 v39, v8;
	v41 =	vld [tilespmem:s29+$0xFFFFFFE0];
	[tilespmem:s28+$0x10] =	vst v40;
	v42 =	vpop (erf)  }
0x2df: {  	v43 =	vmul.f32 v29, v3;
	v29 =	vmul.f32 v37, v3;
	v35 =	vsub.f32 v35, v8;
	v44 =	vld [tilespmem:s29+$0xFFFFFFF0];
	[tilespmem:s28+$0x20] =	vst v42  }
0x2e0: {  	v30 =	vadd.f32 v36, v30;
	v46 =	vmul.f32 v38, v3;
	v45 =	vmul.f32 v39, v3;
	v36 =	vld [tilespmem:s29+$0x0];
	[tilespmem:s28+$0x30] =	vst v34;
	v34 =	vpop (erf)  }
0x2e1: {  	v31 =	vadd.f32 v40, v31;
	v38 =	vmul.f32 $1.442695020e+00, v43;
	v35 =	vmul.f32 v35, v3;
	v47 =	vld [tilespmem:s29+$0x10];
	[tilespmem:s28+$0x40] =	vst v34;
	s28 =	smov.u32 s0  }
.Ltmp10:
0x2e2: {  	v33 =	vadd.f32 v42, v33;
	v40 =	vmul.f32 $1.442695020e+00, v29;
	v39 =	vmul.f32 $1.442695020e+00, v45;
	v37 =	vld [tilespmem:s29+$0x20];
	(pc) =	sbr.rel @p0 .LBB2_23-.Ltmp10, $4  }
0x2e3: {  	v32 =	vadd.f32 v34, v32;
	v42 =	vmul.f32 $1.442695020e+00, v35;
	(erf) = vpow2.f32 v38  }
0x2e4: {  	v48 =	vmul.f32 $1.442695020e+00, v46;
	v34 =	vadd.s32 $0x40, v18;
	(erf) = vpow2.f32 v39  }
0x2e5: {  	v39 =	vadd.f32 v41, v24;
	v38 =	vadd.f32 v44, v25;
	v24 =	vmovc v45;
	v25 =	vmovc v35;
	(erf) = vpow2.f32 v42  }
0x2e6: {  	s0 =	sadd.s32 $0x50, s0;
	v35 =	vadd.f32 v36, v23;
	v23 =	vmovc v46;
	(erf) = vpow2.f32 v48;
	v36 =	vadd.f32 v47, v22;
	v22 =	vmovc v43  }
0x2e7: {  	_ =	sdelay $0x3  }
0x2e8: {  	(erf) = vpow2.f32 v40  }
0x2e9: {  	v63 =	vpop (erf)  }
0x2ea: {  	v41 =	vpop (erf)  }
0x2eb: {  	v42 =	vpop (erf)  }
0x2ec: {  	v30 =	vadd.f32 v41, v30;
	v31 =	vadd.f32 v42, v31  }
0x2ed: {  	v43 =	vpop (erf)  }
0x2ee: {  	v45 =	vadd.f32 v43, v33;
	v30 =	vadd.f32 v31, v30;
	_ =	sdelay $0x1  }
0x2ef: {  	v28 =	vadd.f32 v63, v28;
	v30 =	vadd.f32 v45, v30  }
0x2f0: {  	v46 =	vpop (erf)  }
0x2f1: {  	v47 =	vadd.f32 v46, v32;
	v28 =	vadd.f32 v28, v30;
	_ =	sdelay $0x1  }
0x2f2: {  	v28 =	vadd.f32 v47, v28;
	_ =	sdelay $0x1  }
0x2f3: {  	(xrf2) =	vadd.scan.msk.f32 $0xffff, v28;
	_ =	sdelay $0x9  }
0x2f4: {  	v50, _, _ =	vpop (xrf2)  }
0x2f5: {  	v32 =	vbroadcast v50, $0xF  }
0x2f6: {  	s0 =	sadd.s32 $0x50, s29;
	vm1 =	vgt.f32 v39, v11;
	vm2 =	vgt.f32 v38, v10;
	[tilespmem:s28+$0x0] =	vst v41  }
0x2f7: {  	v9 =	vadd.f32 v37, v9;
	v56 =	vadd.s32 $0x50, v18;
	v48 =	vld [tilespmem:s0+$0xFFFFFFE0];
	[tilespmem:s28+$0x10] =	vst v42;
	(erf) = vrcp.f32 v32  }
0x2f8: {  	v53 =	vsel vm1, v39, v11;
	v54 =	vsel vm2, v38, v10;
	vm3 =	vgt.f32 v35, v12;
	v49 =	vld [tilespmem:s0+$0xFFFFFFF0];
	[tilespmem:s28+$0x20] =	vst v43  }
0x2f9: {  	vm4 =	vgt.f32 v36, v13;
	v57 =	vsel vm2, v21, v20;
	v58 =	vadd.s32 $0x10, v56;
	v51 =	vld [tilespmem:s0+$0x0];
	[tilespmem:s28+$0x30] =	vst v63  }
0x2fa: {  	v59 =	vadd.s32 $0x20, v56;
	v60 =	vadd.s32 $0x30, v56;
	vm5 =	vgt.f32 v9, v14;
	v52 =	vld [tilespmem:s0+$0x10];
	[tilespmem:s28+$0x40] =	vst v46  }
0x2fb: {  	v35 =	vsel vm3, v35, v12;
	v13 =	vsel vm4, v36, v13;
	v15 =	vsel vm3, v26, v15;
	s28 =	simm.s32 $0x50;
	v55 =	vld [tilespmem:s0+$0x20]  }
0x2fc: {  	v16 =	vsel vm4, v27, v16;
	v26 =	vsel vm5, v34, v17;
	v11 =	vld [tilespmem:s28+$0x40];
	v17 =	vadd.f32 v48, v24  }
0x2fd: {  	v27 =	vsel vm1, v18, v19;
	v14 =	vsel vm5, v9, v14;
	v12 =	vld [tilespmem:s28+$0xFFFFFFC0];
	v20 =	vadd.f32 v49, v25  }
0x2fe: {  	v18 =	vld [tilespmem:s28+$0xFFFFFFD0];
	v24 =	vadd.s32 $0x40, v56;
	v23 =	vadd.f32 v51, v23;
	vm1 =	vgt.f32 v17, v53  }
0x2ff: {  	v41 =	vld [tilespmem:s28+$0xFFFFFFE0];
	v22 =	vadd.f32 v52, v22;
	vm2 =	vgt.f32 v20, v54;
	v19 =	vsel vm1, v17, v53  }
0x300: {  	v25 =	vld [tilespmem:s28+$0xFFFFFFF0];
	v29 =	vadd.f32 v55, v29;
	v21 =	vsel vm2, v20, v54;
	vm3 =	vgt.f32 v23, v35;
	v9 =	vpop (erf)  }
0x301: {  	v10 =	vld [tilespmem:s28+$0x0];
	vm14 =	vgt.f32 v22, v13;
	v20 =	vsel vm3, v23, v35;
	v61 =	vmul.f32 v11, v9  }
0x302: {  	v23 =	vsel vm1, v56, v27;
	vm15 =	vgt.f32 v29, v14;
	v11 =	vld [tilespmem:s28+$0x10];
	v62 =	vmul.f32 v12, v9  }
0x303: {  	v17 =	vsel vm14, v22, v13;
	v22 =	vsel vm3, v59, v15;
	v12 =	vld [tilespmem:s28+$0x20];
	v63 =	vmul.f32 v18, v9;
	[tilespmem:s28+$0x40] =	vst v61  }
0x304: {  	v15 =	vld [tilespmem:s28+$0x30];
	v13 =	vsel vm15, v29, v14;
	v14 =	vsel vm15, v24, v26;
	v24 =	vmul.f32 v41, v9;
	[tilespmem:s28+$0xFFFFFFC0] =	vst v62  }
0x305: {  	s29 =	simm.s32 $0xF0;
	s0 =	simm.s32 $0x0;
	v26 =	vsel vm2, v58, v57;
	v18 =	vsel vm14, v60, v16;
	v16 =	vld [tilespmem:s28+$0xFFFFFFB0];
	v25 =	vmul.f32 v25, v9;
	[tilespmem:s28+$0xFFFFFFD0] =	vst v63  }
.LBB2_25:
0x306: {  	v27 =	vld [tilespmem:s29+$0x40];
	s0 =	sadd.s32 $0xA, s0;
	[tilespmem:s28+$0xFFFFFFE0] =	vst v24;
	v10 =	vmul.f32 v10, v9  }
0x307: {  	v24 =	vld [tilespmem:s29+$0xFFFFFFC0];
	p0 =	slt.u32 s0, $0x1860;
	[tilespmem:s28+$0xFFFFFFF0] =	vst v25;
	v11 =	vmul.f32 v11, v9  }
0x308: {  	v25 =	vld [tilespmem:s29+$0xFFFFFFD0];
	[tilespmem:s28+$0x0] =	vst v10;
	v10 =	vmul.f32 v12, v9  }
0x309: {  	v28 =	vld [tilespmem:s29+$0xFFFFFFE0];
	[tilespmem:s28+$0x10] =	vst v11;
	v11 =	vmul.f32 v15, v9  }
0x30a: {  	v29 =	vld [tilespmem:s29+$0xFFFFFFF0];
	v12 =	vmul.f32 v16, v9;
	[tilespmem:s28+$0x20] =	vst v10  }
.Ltmp11:
0x30b: {  	v10 =	vld [tilespmem:s29+$0x0];
	v15 =	vmul.f32 v27, v9;
	[tilespmem:s28+$0x30] =	vst v11;
	(pc) =	sbr.rel @p0 .LBB2_25-.Ltmp11, $4  }
0x30c: {  	v16 =	vmul.f32 v24, v9;
	v11 =	vld [tilespmem:s29+$0x10];
	[tilespmem:s28+$0xFFFFFFB0] =	vst v12;
	s28 =	smov.u32 s29  }
0x30d: {  	v25 =	vmul.f32 v25, v9;
	v12 =	vld [tilespmem:s29+$0x20];
	[tilespmem:s29+$0x40] =	vst v15  }
0x30e: {  	[tilespmem:s29+$0xFFFFFFC0] =	vst v16;
	v24 =	vmul.f32 v28, v9;
	v15 =	vld [tilespmem:s29+$0x30]  }
0x30f: {  	s29 =	sadd.s32 $0xA0, s29;
	v16 =	vld [tilespmem:s28+$0xFFFFFFB0];
	[tilespmem:s28+$0xFFFFFFD0] =	vst v25;
	v25 =	vmul.f32 v29, v9  }
0x310: {  	vm1 =	veq.f32 v21, v19;
	vm2 =	vlt.s32 v26, v23  }
0x311: {  	vm14 =	vgt.f32 v21, v19;
	vm1 =	vmand vm1, vm2  }
0x312: {  	vm1 =	vmor vm14, vm1  }
0x313: {  	v59 =	vsel vm1, v21, v19;
	v60 =	vsel vm1, v26, v23  }
0x314: {  	vm15 =	veq.f32 v20, v59;
	vm4 =	vlt.s32 v22, v60  }
0x315: {  	vm5 =	vgt.f32 v20, v59;
	vm1 =	vmand vm15, vm4  }
0x316: {  	vm1 =	vmor vm5, vm1  }
0x317: {  	v19 =	vsel vm1, v20, v59;
	v61 =	vsel vm1, v22, v60  }
0x318: {  	vm6 =	veq.f32 v17, v19;
	vm7 =	vlt.s32 v18, v61  }
0x319: {  	vm8 =	vgt.f32 v17, v19;
	vm1 =	vmand vm6, vm7  }
0x31a: {  	vm1 =	vmor vm8, vm1  }
0x31b: {  	v5 =	vsel vm0, v5, v6;
	v6 =	vsel vm1, v17, v19;
	v62 =	vsel vm1, v18, v61  }
0x31c: {  	vm9 =	veq.f32 v7, v8;
	vm10 =	veq.f32 v13, v6;
	vm11 =	vlt.s32 v14, v62  }
0x31d: {  	v5 =	vxor.u32 $0x80000000, v5;
	vm12 =	vgt.f32 v13, v6;
	vm1 =	vmand vm10, vm11  }
0x31e: {  	v5 =	vnsel vm9, $0x800186A0, v5;
	vm13 =	vmor vm12, vm1  }
0x31f: {  	(xrf0) =	vmin.scan.msk.u32 $0xffff, v5;
	v5 =	vsel vm13, v13, v6  }
0x320: {  	(xrf0) =	vmax.scan.msk.f32 $0xffff, v5;
	_ =	sdelay $0x4  }
0x321: {  	v6, _, _ =	vpop (xrf0)  }
0x322: {  	v7, _, _ =	vpop (xrf0)  }
0x323: {  	v7 =	vbroadcast v7, $0xF  }
0x324: {  	v63 =	vsel vm13, v14, v62  }
0x325: {  	vm14 =	veq.f32 v5, v7;
	v5 =	vxor.u32 $0x80000000, v63  }
0x326: {  	v5 =	vnsel vm14, $0x800186A0, v5  }
0x327: {  	(xrf0) =	vmin.scan.msk.u32 $0xffff, v5;
	_ =	sdelay $0x5  }
0x328: {  	(v2sf) =	vpush v6, $0xF;
	v5, _, _ =	vpop (xrf0)  }
0x329: {  	(v2sf) =	vpush v5, $0xF;
	_ =	sdelay $0x3  }
0x32a: {  	v6 =	vmul.f32 v11, v9  }
0x32b: {  	[tilespmem:s28+$0xFFFFFFE0] =	vst v24  }
0x32c: {  	[tilespmem:s28+$0x10] =	vst v6;
	v6 =	vmul.f32 v15, v9  }
0x32d: {  	[tilespmem:s28+$0xFFFFFFF0] =	vst v25;
	v5 =	vmul.f32 v10, v9  }
0x32e: {  	[tilespmem:s28+$0x30] =	vst v6;
	v7 =	vmul.f32 v16, v9  }
0x32f: {  	[tilespmem:s28+$0x0] =	vst v5;
	v5 =	vmul.f32 v12, v9  }
0x330: {  	[tilespmem:s28+$0xFFFFFFB0] =	vst v7  }
0x331: {  	s26 =	sadd.s32 s7, s26;
	[tilespmem:s28+$0x20] =	vst v5;
	v5 =	vmov s25;
	s25 =	sadd.s32 $0x1, s25  }
0x332: {  	[hbm4b:s26+s3] =	stream.linear.scatter [tilespmem:s3], [sflag:$0x4], $0x186A0, $0x38;
	[tilespmem:$0x1D510] =	vst v63  }
0x333: {  	p0 =	sne.s32 s25, $0x10  }
.Ltmp12:
0x334: {  	s0 =	spop (v2sf);
	(pc) =	sbr.rel @p0 .LBB2_2-.Ltmp12, $4  }
0x335: {  	s30 =	spop (v2sf)  }
0x336: {  	_ =	swait.ge [sflag:s14], $0x186A0  }
0x337: {  	s0 =	sxor.u32 $0x80000000, s0;
	vm15 =	veq.s32 v5, v0;
	s31 =	sxor.u32 $0x80000000, s30;
	[sflag:s14] =	ssyncset.done $0x0  }
0x338: {  	v1 =	vsel vm15, s0, v1;
	v2 =	vsel vm15, s31, v2;
	[sflag:s14] =	ssyncadd.s32 $0xFFFE7960  }
0x339: {  	[tilespmem:s20], [sflag:$0x4] =	stream.linear.gather [hbm4b:s8+s3], $0x10, $0x38;
	[tilespmem:$0x1D510] =	vst v63  }
0x33a: {  	_ =	swait.ge [sflag:s14], $0x10  }
0x33b: {  	[sflag:s14] =	ssyncset.done $0x0  }
0x33c: {  	[sflag:s14] =	ssyncadd.s32 $0xFFFFFFF0  }
0x33d: {  	[tilespmem:s21], [sflag:$0x4] =	stream.linear.gather [hbm4b:s9+s3], $0x10, $0x38;
	[tilespmem:$0x1D510] =	vst v63  }
0x33e: {  	_ =	swait.ge [sflag:s14], $0x10  }
0x33f: {  	[sflag:s14] =	ssyncset.done $0x0  }
0x340: {  	[sflag:s14] =	ssyncadd.s32 $0xFFFFFFF0  }
0x341: {  	v3 =	vld [tilespmem:$0x1D4C0]  }
0x342: {  	v4 =	vld [tilespmem:$0x1D4D0];
	_ =	sdelay $0x3  }
0x343: {  	vm0 =	vgt.s32 v3, $0x0  }
0x344: {  	[tilespmem:$0x1D4F0] =	vst v1;
	v2 =	vsel vm0, v2, v4  }
0x345: {  	[tilespmem:$0x1D4E0] =	vst v2  }
0x346: {  	[hbm4b:s10+s3] =	stream.linear.scatter [tilespmem:s22], [sflag:$0x4], $0x10, $0x38;
	[tilespmem:$0x1D510] =	vst v63  }
0x347: {  	s24 =	sadd.s32 $0x1, s24;
	_ =	swait.ge [sflag:s14], $0x10  }
0x348: {  	p0 =	sne.s32 s24, s12;
	[sflag:s14] =	ssyncset.done $0x0  }
.Ltmp13:
0x349: {  	[sflag:s14] =	ssyncadd.s32 $0xFFFFFFF0;
	(pc) =	sbr.rel @p0 .LBB2_1-.Ltmp13, $4  }
0x34a: {  	[hbm4b:s11+s3] =	stream.linear.scatter [tilespmem:s23], [sflag:$0x4], $0x10, $0x38;
	[tilespmem:$0x1D510] =	vst v63  }
0x34b: {  	_ =	swait.ge [sflag:s14], $0x10  }
0x34c: {  	[sflag:s14] =	ssyncset.done $0x0  }
0x34d: {  	[sflag:s14] =	ssyncadd.s32 $0xFFFFFFF0  }
0x34e: {  	_ =	sfence.sel $0x180000  }
0x34f: {  	[bflag:$0x0] =	sbarrier.arrive $0xFFFF  }
0x350: {  	_ =	strace $0x90000047  }
0x351: {  	[bflag:$0x2] =	sbarrier.arrive $0xFFFF  }
0x352: {  	p0 =	sne.s32 s2, $0x0;
	s0 =	rddreg [dreg:$0x6]  }
0x353: {  	s0 =	sadd.s32 @!p0 $0x100000, s0  }
0x354: {  	[sflag:s0] =	ssyncadd.tile.s32 @!p0 $0x1;
	_ =	shalt  }
.Lfunc_end2:
_tile_overlayer_lowered:
.L_overlay_start_2:
0x355: {  	(tag) =	ssettag $0x2  }
0x356: {  	s0 =	rddreg [dreg:$0x0];
	s2 =	stileid.u32  }
0x357: {  	s1 =	rddreg [dreg:$0x1];
	p0 =	sne.s32 s2, $0x0  }
0x358: {  	s3 =	rddreg [dreg:$0x2];
	[bflag:$0x3] =	sbarrier.arrive $0xFFFF;
	s2 =	simm.s32 @!p0 $0x1C04  }
0x359: {  	[timem:s3], [sflag:s2] =	dma.local @!p0 [hbm:s0], s1  }
0x35a: {  	s0 =	simm.s32 @!p0 $0x4  }
0x35b: {  	_ =	swait.ge @!p0 [sflag:s0], s1  }
0x35c: {  	s1 =	ssub.s32 @!p0 $0x0, s1;
	[sflag:s0] =	ssyncset.done @!p0 $0x0  }
0x35d: {  	[sflag:s0] =	ssyncadd.s32 @!p0 s1  }
0x35e: {  	[bflag:$0x3] =	sbarrier.arrive $0xFFFF  }
0x35f: {  	_ =	shalt  }

// kernel: sparse-core-data-format-call.cloned.1.call-start
scs
called_computation_lowered:
.L_overlay_start_0:
0x0: {  	s2 =	sld [smem:$0x3FD9]  }
0x1: {  	s3 =	sld [smem:$0x3FFE];
	_ =	sdelay $0x1  }
0x2: {  	s1 =	srdreg.scid  }
0x3: {  	s0 =	sand.u32 $0x1, s1  }
0x4: {  	s15 =	sshll.u32 s0, $0xA;
	s2 =	sadd.s32 s3, s2  }
0x5: {  	s2 =	sadd.s32 s2, s15  }
0x6: {  	[smem:$0x3FC4] =	sst s2  }
0x7: {  	_ = 	snop  }
0x8: {  	s2 =	sld [smem:$0x3FD0];
	_ =	sdelay $0x2  }
0x9: {  	s16 =	simm.s32 $0xA;
	s4 =	simm.s32 $0x10  }
0xa: {  	[smem:s4], [sflag:s16] =	dma.local [hbm:s2], $0x1  }
0xb: {  	_ =	swait.eq [sflag:s16], $0x1  }
0xc: {  	[sflag:s16] =	ssyncset.done $0x0  }
0xd: {  	[sflag:s16] =	ssyncadd.s32 $0xFFFFFFFF  }
0xe: {  	s17 =	sld [smem:$0x11];
	(tm) =	ssettm $0x1  }
0xf: {  	s18 =	sld [smem:$0x3FFB];
	_ =	sdelay $0x3  }
0x10: {  	_ =	strace s18  }
0x11: {  	s3 =	sld [smem:$0x3FFC];
	_ =	sdelay $0x3  }
0x12: {  	_ =	strace s3  }
0x13: {  	s3 =	sld [smem:$0x3FFD];
	_ =	sdelay $0x3  }
0x14: {  	_ =	strace s3  }
0x15: {  	_ =	strace $0x8FFFFFFF  }
0x16: {  	s19 =	sld [smem:$0x3FDB];
	_ =	sdelay $0x1  }
0x17: {  	s20 =	simm.s32 $_scs_section_size  }
0x18: {  	s5 =	simm.s32 $_size__tile_overlayer_lowered;
	s6 =	simm.s32 $_tile_overlayer_lowered  }
0x19: {  	s23 =	simm.s32 $0x1BFF;
	s22 =	sshll.u32 s6, $0x1;
	s3 =	sadd.s32 s20, s19  }
0x1a: {  	s7 =	simm.s32 $0x0;
	s21 =	sshll.u32 s5, $0x1;
	s5 =	sadd.s32 s22, s3  }
0x1b: {  	[timem:s7], [sflag:s23] =	dma.local [hbm:s5], s21  }
0x1c: {  	_ =	swait.ge [sflag:s23], s21  }
0x1d: {  	s4 =	ssub.s32 $0x0, s21;
	[sflag:s23] =	ssyncset.done $0x0  }
0x1e: {  	[sflag:s23] =	ssyncadd.s32 s4;
	_ =	sdelay $0x1  }
0x1f: {  	s24 =	simm.s32 $0x1B8B  }
0x20: {  	_ =	swait.ge [sflag:s24], $0x1  }
0x21: {  	[sflag:s24] =	ssyncset.done $0x0  }
0x22: {  	s26 =	simm.s32 $0x1B8E;
	s25 =	sld [smem:$0x3FFE];
	[sflag:s24] =	ssyncadd.s32 $0xFFFFFFFF  }
0x23: {  	s27 =	simm.s32 $execute0_lowered;
	[smem:$0x3FD2] =	sst s26  }
0x24: {  	s5 =	sshll.u32 s27, $0x1;
	_ =	strace $0x80000049;
	[dreg:$0x1] =	wrdreg $0xFFFFFFFF  }
0x25: {  	s28 =	simm.s32 $_size_execute0_lowered;
	s3 =	sadd.s32 s3, s5;
	[dreg:$0x0] =	wrdreg $0x0  }
0x26: {  	s5 =	sshll.u32 s28, $0x1;
	[dreg:$0x2] =	wrdreg s3  }
0x27: {  	[dreg:$0x3] =	wrdreg s5  }
0x28: {  	[dreg:$0x4] =	wrdreg $0xC0  }
0x29: {  	_ =	task [dreg:s7], $0x5FFFF  }
0x2a: {  	[dreg:$0x1] =	wrdreg $0xFFFFFFFF  }
0x2b: {  	[dreg:$0x0] =	wrdreg $0x60  }
0x2c: {  	[dreg:$0x2] =	wrdreg s25  }
0x2d: {  	[dreg:$0x3] =	wrdreg s17  }
0x2e: {  	[dreg:$0x4] =	wrdreg $0x9  }
0x2f: {  	_ =	task.clear_ibuf [dreg:s7], $0x5FFFF;
	_ =	strace $0x90000049  }
0x30: {  	s29 =	simm.s32 $0x9;
	_ =	strace $0x8000004B  }
0x31: {  	_ =	swait.ge [sflag:s29], $0x1  }
0x32: {  	[sflag:s29] =	ssyncadd.s32 $0xFFFFFFFF  }
0x33: {  	_ =	strace $0x9000004B  }
0x34: {  	_ =	sfence  }
0x35: {  	s30 =	sld [smem:$0x0];
	_ =	sdelay $0x2  }
0x36: {  	s31 =	sshll.u32 s1, $0xD;
	s1 =	sshrl.u32 s1, $0x2  }
0x37: {  	s3 =	sand.u32 $0x4000, s31;
	s1 =	sadd.s32 s1, s30  }
0x38: {  	s0 =	sor.u32 s3, s0;
	s1 =	sshll.u32 s1, $0x11  }
0x39: {  	s0 =	sor.u32 s1, s0  }
0x3a: {  	s0 =	sadd.s32 $0x8F2B, s0  }
0x3b: {  	[sflag:s0] =	ssyncadd.remote.s32 $0x1  }
0x3c: {  	_ =	sfence.sel $0xFFFF  }
0x3d: {  	[dreg:$0x0] =	wrdreg $0xFFFFFFFF;
	(pc) =	sbr.abs _section_cstart, $3  }
0x3e: {  	[dreg:$0x1] =	wrdreg $0xFFFFFFFF  }
0x3f: {  	_ =	task.clear_ibuf [dreg:s7], $0x2FFFF;
	_ =	strace $0x9FFFFFFF  }
0x40: {  	(tm) =	ssettm $0x7FFFFFFF  }
0x41: {  	_ =	shalt  }
tec
execute0_lowered:
.L_overlay_start_1:
0x0: {  	(tag) =	ssettag $0x1  }
0x1: {  	s0 =	stileid.u32  }
0x2: {  	s2 =	srdreg.scid;
	s7 =	rddreg [dreg:$0x0]  }
0x3: {  	s6 =	simm.s32 $0x1;
	s31 =	simm.s32 $0x2;
	s16 =	simm.s32 $0x0  }
0x4: {  	s9 =	simm.s32 $0x1000;
	s15 =	simm.s32 $0x0;
	s10 =	simm.s32 $0x0  }
0x5: {  	s11 =	simm.s32 $0x0;
	s14 =	simm.s32 $0x0;
	s1 =	sshll.u32 s0, $0x7  }
0x6: {  	s3 =	sshll.u32 s0, $0x5;
	s2 =	sshll.u32 s2, $0x9;
	s1 =	sand.u32 $0x180, s1  }
0x7: {  	s7 =	sadd.s32 $0x61B800, s7;
	s2 =	sor.u32 s3, s2;
	s5 =	ssub.s32 $0x200, s1  }
0x8: {  	s3 =	rddreg [dreg:$0x1];
	s4 =	sand.u32 $0x380, s2;
	s29 =	sand.u32 $0x180, s5  }
0x9: {  	s30 =	ssub.s32 $0x18680, s4;
	s5 =	sshrl.u32 s5, $0x9;
	p0 =	sne.s32 s29, $0x0  }
.Ltmp0:
0xa: {  	s8 =	sshrl.u32 s30, $0xA;
	s6 =	simm.s32 @!p0 $0x0;
	(pc) =	sbr.rel .LBB1_1-.Ltmp0, $4  }
0xb: {  	s2 =	rddreg [dreg:$0x2];
	s8 =	sadd.s32 $0x1, s8;
	s6 =	sadd.s32 s6, s5  }
0xc: {  	_ =	strace $0x8000004A;
	s5 =	simm.s32 $0x1;
	s6 =	smul.u32 s6, s8  }
0xd: {  	s13 =	smov.u32 s1;
	s12 =	smov.u32 s4;
	[sflag:s5] =	ssyncpa.u1 $0x0  }
0xe: {  	p0 =	por $0x0, $0x0;
	[sflag:s31] =	ssyncpa.u1 $0x0;
	s8 =	sadd.s32 $0x1, s6  }
.LBB1_4:
0xf: {  	s21 =	sshra.s32 s21, $0x2;
	s22 =	sshll.u32 s10, $0x9  }
0x10: {  	s23 =	sshll.u32 s11, $0x3;
	s24 =	sshll.u32 s10, $0x7;
	s27 =	sand.u32 $0x78, s11  }
0x11: {  	p1 =	sgt.s32 s10, $0x18620;
	s22 =	sand.u32 $0xFFFFF000, s22;
	s23 =	sand.u32 $0xFFFFFC00, s23  }
0x12: {  	s20 =	sadd.s32 s21, s20;
	s26 =	sand.u32 $0x200, s24;
	s28 =	sand.u32 $0x180, s24  }
0x13: {  	v5 =	vld [tilespmem:s18+$0xFFFFFFD0];
	[tilespmem:s19+$0x2040 ss:$0x81] =	vst.msk $0xffff, v4;
	s25 =	sadd.s32 s23, s22;
	s22 =	sor.u32 s27, s28;
	s23 =	smov.u32 s10  }
0x14: {  	v58 =	vld [tilespmem:s18+$0xFFFFFFE0];
	[tilespmem:s19+$0x2850 ss:$0x81] =	vst.msk $0xffff, v3;
	s21 =	sor.u32 s26, s25;
	s23 =	simm.s32 @!p1 $0x18620;
	s25 =	sshra.s32 s10, $0x1F  }
0x15: {  	v59 =	vld [tilespmem:s18+$0xFFFFFFF0];
	[tilespmem:s19+$0x3060 ss:$0x81] =	vst.msk $0xffff, v2;
	p1 =	sgt.s32 s11, $0x180;
	s26 =	sshra.s32 s11, $0x1F;
	s21 =	sshrl.u32 s21, $0x9  }
0x16: {  	v60 =	vld [tilespmem:s18+$0x0];
	[tilespmem:s19+$0x0 ss:$0x81] =	vst.msk $0xffff, v1;
	s30 =	sand.u32 s25, s10;
	s25 =	smov.u32 s11;
	s31 =	sand.u32 s26, s11  }
0x17: {  	v61 =	vld [tilespmem:s18+$0x10];
	[tilespmem:s20+$0x3870 ss:$0x81] =	vst.msk $0xffff, v0;
	s29 =	smulhi.u32 $0xA7C5AD, s21;
	s19 =	ssub.s32 s23, s30;
	s25 =	simm.s32 @!p1 $0x180  }
0x18: {  	v62 =	vld [tilespmem:s18+$0x20];
	[tilespmem:s20+$0x810 ss:$0x81] =	vst.msk $0xffff, v5;
	s23 =	ssub.s32 s25, s31;
	s26 =	sadd.s32 $0xFFFE79E0, s19;
	s19 =	ssub.s32 $0x186A0, s19  }
0x19: {  	v63 =	vld [tilespmem:s18+$0xFFFFFFC0];
	[tilespmem:s20+$0x1020 ss:$0x81] =	vst.msk $0xffff, v58;
	s24 =	sshrl.u32 s29, $0x8;
	p1 =	sgt.s32 s26, $0x7F;
	s28 =	sadd.s32 $0xFFFFFE80, s23  }
0x1a: {  	[tilespmem:s20+$0x1830 ss:$0x81] =	vst.msk $0xffff, v59;
	s23 =	ssub.s32 $0x200, s23;
	s27 =	smul.u32 $0x186A0, s24;
	p2 =	sgt.s32 s28, $0x7F  }
0x1b: {  	[tilespmem:s20+$0x2040 ss:$0x81] =	vst.msk $0xffff, v60;
	s30 =	sand.u32 $0x7, s11;
	s19 =	simm.s32 @p1 $0x0;
	s23 =	simm.s32 @p2 $0x0  }
0x1c: {  	[tilespmem:s20+$0x2850 ss:$0x81] =	vst.msk $0xffff, v61;
	s29 =	sshrl.u32 s22, $0x3;
	s18 =	ssub.s32 s21, s27;
	s19 =	smul.u32 s23, s19  }
0x1d: {  	[tilespmem:s20+$0x3060 ss:$0x81] =	vst.msk $0xffff, v62;
	s22 =	sshll.u32 s30, $0x12;
	s21 =	sadd.s32 s3, s29;
	s18 =	sshll.u32 s18, $0x6  }
0x1e: {  	[tilespmem:s20+$0x0 ss:$0x81] =	vst.msk $0xffff, v63;
	s31 =	sor.u32 $0x400, s22;
	s19 =	sand.u32 $0x3FFFFFFF, s19;
	s18 =	sadd.s32 s18, s21  }
0x1f: {  	[hbm4b:s18+s31] =	stream.strided.scatter [tilespmem:s17], [sflag:$0x2], s19, s9, s31, $0x20;
	[tilespmem:$0x10100] =	vst v63  }
.LBB1_5:
0x20: {  	p1 =	slt.u32 s14, $0x2  }
0x21: {  	s18 =	smov.u32 s16;
	p2 =	sgt.s32 @!p1 s16, $0x18620;
	s17 =	sshra.s32 @!p1 s16, $0x1F  }
0x22: {  	p3 =	sgt.s32 @!p1 s15, $0x180;
	s19 =	sshra.s32 @!p1 s15, $0x1F;
	p2 =	por !p2, p1  }
0x23: {  	s16 =	sand.u32 @!p1 s17, s16;
	p3 =	por !p3, p1;
	s17 =	smov.u32 s15  }
0x24: {  	s15 =	sand.u32 @!p1 s19, s15;
	s18 =	simm.s32 @p2 $0x18620;
	s17 =	simm.s32 @p3 $0x180  }
0x25: {  	s16 =	ssub.s32 @!p1 s18, s16;
	s15 =	ssub.s32 @!p1 s17, s15  }
0x26: {  	s19 =	smov.u32 s13;
	s17 =	sadd.s32 @!p1 $0xFFFE79E0, s16;
	s18 =	sadd.s32 @!p1 $0xFFFFFE80, s15  }
0x27: {  	s16 =	ssub.s32 @!p1 $0x186A0, s16;
	p2 =	sgt.s32 @!p1 s17, $0x7F;
	p3 =	sgt.s32 @!p1 s18, $0x7F  }
0x28: {  	s15 =	ssub.s32 @!p1 $0x200, s15;
	p2 =	por !p2, p1;
	p3 =	por !p3, p1  }
0x29: {  	s17 =	sadd.s32 $0x400, s12;
	s16 =	simm.s32 @!p2 $0x0;
	s15 =	simm.s32 @!p3 $0x0  }
0x2a: {  	p2 =	sgt.s32 s17, $0x1869F;
	s15 =	smul.u32 @!p1 s15, s16;
	s16 =	sadd.s32 $0x200, s13  }
0x2b: {  	s19 =	smov.u32 @p2 s16  }
0x2c: {  	s17 =	smov.u32 @p2 s4;
	p2 =	sgt.s32 s19, $0x1FF  }
0x2d: {  	s19 =	smov.u32 @p2 s1;
	p2 =	sne.s32 s14, s8  }
.Ltmp1:
0x2e: {  	p0 =	por !p0, !p0;
	s18 =	simm.s32 @!p1 $0x2;
	(pc) =	sbr.rel @!p2 .LBB1_6-.Ltmp1, $4  }
0x2f: {  	s16 =	smov.u32 s10;
	s10 =	smov.u32 s12;
	s15 =	sand.u32 @!p1 $0x3FFFFFFF, s15  }
0x30: {  	s12 =	smov.u32 s17;
	_ =	swait.ge @!p1 [sflag:s18], s15;
	s20 =	ssub.s32 @!p1 $0x0, s15  }
0x31: {  	s15 =	smov.u32 s11;
	s14 =	sadd.s32 $0x1, s14;
	[sflag:s18] =	ssyncset.done @!p1 $0x0  }
0x32: {  	s11 =	smov.u32 s13;
	s13 =	smov.u32 s19;
	[sflag:s18] =	ssyncadd.s32 @!p1 s20  }
.LBB1_1:
0x33: {  	p1 =	sge.u32 s14, s6  }
0x34: {  	s17 =	sshrl.u32 @!p1 s13, $0x3  }
0x35: {  	s18 =	sshll.u32 @!p1 s12, $0x3;
	s17 =	smul.u32 @!p1 $0xC3800, s17  }
0x36: {  	s19 =	sshll.u32 @!p1 s13, $0x7;
	s18 =	sand.u32 @!p1 $0xFFFFFC00, s18  }
0x37: {  	s17 =	sadd.s32 @!p1 s17, s18;
	s18 =	sand.u32 @!p1 $0x380, s19  }
0x38: {  	s19 =	sand.u32 @!p1 $0x7F, s12;
	s17 =	sor.u32 @!p1 s18, s17  }
0x39: {  	s18 =	sor.u32 @!p1 s19, s17  }
0x3a: {  	s19 =	smulhi.u32 @!p1 $0xA79C7B17, s18;
	_ =	sdelay $0x1  }
0x3b: {  	s17 =	smulhi.u32 @!p1 $0xA79C7B17, s17;
	s19 =	sshrl.u32 @!p1 s19, $0x10  }
0x3c: {  	s19 =	smul.u32 @!p1 $0x18700, s19  }
0x3d: {  	s31 =	sadd.s32 $0xFFFFFFFF, s14;
	s20 =	sxor.u32 @!p1 $0xFFFFFFFF, s14;
	s17 =	sshrl.u32 @!p1 s17, $0x10  }
0x3e: {  	s20 =	sshll.u32 @!p1 s20, $0xE;
	s17 =	sand.u32 @!p1 $0x1FF, s17;
	s18 =	ssub.s32 @!p1 s18, s19  }
0x3f: {  	s17 =	smul.u32 @!p1 $0x30E0, s17;
	s19 =	sshrl.u32 @!p1 s18, $0x3;
	s18 =	sand.u32 @!p1 $0x7, s18  }
0x40: {  	s20 =	sand.u32 @!p1 $0x4000, s20;
	s19 =	sadd.s32 @!p1 s7, s19;
	s18 =	sshll.u32 @!p1 s18, $0x12  }
0x41: {  	s17 =	sadd.s32 @!p1 s17, s19;
	s18 =	sor.u32 @!p1 $0x400, s18;
	s19 =	simm.s32 @!p1 $0xC3800  }
0x42: {  	[tilespmem:s20], [sflag:$0x1] =	stream.strided.gather @!p1 [hbm4b:s17+s18], $0x4000, s19, s18, $0x38;
	[tilespmem:$0x10100] =	vst v63  }
0x43: {  	p1 =	sge.u32 s31, s6  }
.Ltmp2:
0x44: {  	_ = 	snop;
	(pc) =	sbr.rel @p1 .LBB1_5-.Ltmp2, $1  }
0x45: {  	_ =	sdelay $0x3  }
0x46: {  	s17 =	simm.s32 $0x1  }
0x47: {  	_ =	swait.ge [sflag:s5], $0x4000;
	s17 =	simm.s32 @!p0 $0x0  }
0x48: {  	[sflag:s5] =	ssyncset.done $0x0;
	s18 =	sshll.u32 s17, $0xE  }
0x49: {  	[sflag:s5] =	ssyncadd.s32 $0xFFFFC000;
	s18 =	sor.u32 $0x40, s18  }
0x4a: {  	s17 =	smul.u32 $0x10200, s17;
	v0 =	vld [tilespmem:s18+$0x30]  }
0x4b: {  	v1 =	vld [tilespmem:s18+$0xFFFFFFD0]  }
0x4c: {  	s17 =	sshrl.u32 s17, $0x2;
	v5 =	vld [tilespmem:s18+$0xFFFFFFE0]  }
0x4d: {  	v6 =	vld [tilespmem:s18+$0xFFFFFFF0];
	s20 =	sor.u32 $0x8000, s17  }
0x4e: {  	s31 =	sand.u32 $0x1, s14;
	v4 =	vld [tilespmem:s18+$0x0];
	s19 =	sadd.s32 $0x0, s20  }
0x4f: {  	v3 =	vld [tilespmem:s18+$0x10];
	s17 =	smul.u32 $0x10200, s31;
	[tilespmem:s19+$0x3870 ss:$0x81] =	vst.msk $0xffff, v0  }
0x50: {  	v2 =	vld [tilespmem:s18+$0x20];
	[tilespmem:s19+$0x810 ss:$0x81] =	vst.msk $0xffff, v1  }
0x51: {  	s17 =	sshrl.u32 s17, $0x2;
	v1 =	vld [tilespmem:s18+$0xFFFFFFC0];
	[tilespmem:s19+$0x1020 ss:$0x81] =	vst.msk $0xffff, v5;
	s18 =	sadd.s32 $0x80, s18  }
0x52: {  	s21 =	simm.s32 $0x4;
	s22 =	simm.s32 $0x8;
	s17 =	sor.u32 $0x8000, s17;
	[tilespmem:s19+$0x1830 ss:$0x81] =	vst.msk $0xffff, v6;
	v0 =	vld [tilespmem:s18+$0x30]  }
.LBB1_3:
0x53: {  	p1 =	sne.s32 s22, $0x1FC;
	v5 =	vld [tilespmem:s18+$0xFFFFFFD0];
	[tilespmem:s19+$0x2040 ss:$0x81] =	vst.msk $0xffff, v4  }
0x54: {  	v6 =	vld [tilespmem:s18+$0xFFFFFFE0];
	[tilespmem:s19+$0x2850 ss:$0x81] =	vst.msk $0xffff, v3  }
0x55: {  	s23 =	sshra.s32 s21, $0x2;
	s21 =	smov.u32 s22;
	v7 =	vld [tilespmem:s18+$0xFFFFFFF0];
	[tilespmem:s19+$0x3060 ss:$0x81] =	vst.msk $0xffff, v2  }
.Ltmp3:
0x56: {  	v4 =	vld [tilespmem:s18+$0x0];
	[tilespmem:s19+$0x0 ss:$0x81] =	vst.msk $0xffff, v1;
	s19 =	sadd.s32 s23, s20;
	(pc) =	sbr.rel @p1 .LBB1_3-.Ltmp3, $4  }
0x57: {  	v3 =	vld [tilespmem:s18+$0x10];
	[tilespmem:s19+$0x3870 ss:$0x81] =	vst.msk $0xffff, v0  }
0x58: {  	[tilespmem:s19+$0x810 ss:$0x81] =	vst.msk $0xffff, v5;
	v2 =	vld [tilespmem:s18+$0x20]  }
0x59: {  	v1 =	vld [tilespmem:s18+$0xFFFFFFC0];
	[tilespmem:s19+$0x1020 ss:$0x81] =	vst.msk $0xffff, v6;
	s18 =	sadd.s32 $0x80, s18  }
0x5a: {  	s22 =	sadd.s32 $0x4, s22;
	v0 =	vld [tilespmem:s18+$0x30];
	[tilespmem:s19+$0x1830 ss:$0x81] =	vst.msk $0xffff, v7  }
.Ltmp4:
0x5b: {  	_ = 	snop;
	(pc) =	sbr.rel .LBB1_4-.Ltmp4, $1  }
0x5c: {  	_ =	sdelay $0x3  }
.LBB1_6:
0x5d: {  	_ =	sfence.sel $0x180000  }
0x5e: {  	s1 =	simm.s32 $0x1;
	[bflag:$0x0] =	sbarrier.arrive $0xFFFF  }
0x5f: {  	s31 =	simm.s32 $0x2;
	[sflag:s1] =	ssyncpa.u1 $0x1  }
0x60: {  	[sflag:s31] =	ssyncpa.u1 $0x1  }
0x61: {  	p0 =	sne.s32 s0, $0x0;
	_ =	strace $0x9000004A  }
0x62: {  	s0 =	sadd.s32 @!p0 $0x100000, s2;
	[bflag:$0x2] =	sbarrier.arrive $0xFFFF  }
0x63: {  	[sflag:s0] =	ssyncadd.tile.s32 @!p0 $0x1;
	_ =	shalt  }
.Lfunc_end1:
_tile_overlayer_lowered:
.L_overlay_start_2:
0x64: {  	(tag) =	ssettag $0x2  }
0x65: {  	s0 =	rddreg [dreg:$0x0];
	s2 =	stileid.u32  }
0x66: {  	s1 =	rddreg [dreg:$0x1];
	p0 =	sne.s32 s2, $0x0  }
0x67: {  	s3 =	rddreg [dreg:$0x2];
	[bflag:$0x3] =	sbarrier.arrive $0xFFFF;
	s2 =	simm.s32 @!p0 $0x1C01  }
0x68: {  	[timem:s3], [sflag:s2] =	dma.local @!p0 [hbm:s0], s1  }
0x69: {  	s0 =	simm.s32 @!p0 $0x1  }
0x6a: {  	_ =	swait.ge @!p0 [sflag:s0], s1  }
0x6b: {  	s1 =	ssub.s32 @!p0 $0x0, s1;
	[sflag:s0] =	ssyncset.done @!p0 $0x0  }
0x6c: {  	[sflag:s0] =	ssyncadd.s32 @!p0 s1  }
0x6d: {  	[bflag:$0x3] =	sbarrier.arrive $0xFFFF  }
0x6e: {  	_ =	shalt  }

</sc_bundles>
